<compile_context>
chip_gen: v7x
topology: tpu7x:2x2x1
jax: 0.10.2.dev20260603
libtpu: 0.0.44.dev20260713+nightly
codegen_flags: <defaults>
</compile_context>

<pallas_src>
import functools

import jax
import jax.numpy as jnp
from jax import lax
from jax.experimental import pallas as pl
from jax.experimental.pallas import tpu as pltpu
from jax.experimental.pallas import tpu_sc as plsc

N = 10000
NPAD = 10240
D = 128
NC = 2
NS = 16
NW = NC * NS
CHUNK = 128
RPW = NPAD // NS
RB = 640
PADROW = N + 8

_MESH = plsc.VectorSubcoreMesh(core_axis_name="c", subcore_axis_name="s")
_F32 = jnp.float32

A0 = 144
A1 = 16
G0 = 88
G1 = 72
AW = 48
KT = A0 + A1
assert A0 % AW == 0 and A1 <= AW
assert G0 + G1 == KT


def _sc_degree(dst2, z128, ones):

    @functools.partial(
        pl.kernel,
        out_type=jax.ShapeDtypeStruct((NC, NPAD, D), _F32),
        mesh=_MESH,
        scratch_types=[
            pltpu.VMEM((max(G0, G1), CHUNK), jnp.int32),
            pltpu.VMEM((CHUNK, D), _F32),
            pltpu.VMEM_SHARED((NPAD, D), _F32),
        ],
    )
    def k(dst_hbm, z_hbm, ones_hbm, out_hbm, di_v, ones_v, deg_sh):
        c = lax.axis_index("c")
        s = lax.axis_index("s")
        pltpu.sync_copy(z_hbm.at[pl.ds(s * RPW, RPW)],
                        deg_sh.at[pl.ds(s * RPW, RPW)])
        pltpu.sync_copy(ones_hbm, ones_v)

        def work(nk, base):
            pltpu.sync_copy(dst_hbm.at[pl.ds(base, nk)], di_v.at[pl.ds(0, nk)])
            plsc.subcore_barrier()

            @pl.loop(0, nk)
            def _(i):
                pltpu.sync_copy(ones_v, deg_sh.at[di_v.at[i]], add=True)

        @pl.when(c == 0)
        def _():
            work(G0, s * G0)

        @pl.when(c == 1)
        def _():
            work(G1, NS * G0 + s * G1)

        plsc.subcore_barrier()
        pltpu.sync_copy(deg_sh.at[pl.ds(s * RPW, RPW)],
                        out_hbm.at[c].at[pl.ds(s * RPW, RPW)])

    return k(dst2, z128, ones)


def _sc_aggregate(y, src2, dst2, z128):

    @functools.partial(
        pl.kernel,
        out_type=jax.ShapeDtypeStruct((NC, NPAD, D), _F32),
        mesh=_MESH,
        scratch_types=[
            pltpu.VMEM((AW, CHUNK), jnp.int32),
            pltpu.VMEM((AW, CHUNK), jnp.int32),
            pltpu.VMEM((CHUNK, D), _F32),
            pltpu.VMEM((CHUNK, D), _F32),
            pltpu.VMEM_SHARED((NPAD, D), _F32),
            pltpu.SemaphoreType.DMA,
            pltpu.SemaphoreType.DMA,
        ],
    )
    def k(y_hbm, src_hbm, dst_hbm, z_hbm, out_hbm,
          si_v, di_v, buf_a, buf_b, acc_sh, sem_a, sem_b):
        c = lax.axis_index("c")
        s = lax.axis_index("s")
        pltpu.sync_copy(z_hbm.at[pl.ds(s * RPW, RPW)],
                        acc_sh.at[pl.ds(s * RPW, RPW)])

        def window(win, wbase, first):
            pltpu.sync_copy(src_hbm.at[pl.ds(wbase, win)], si_v.at[pl.ds(0, win)])
            pltpu.sync_copy(dst_hbm.at[pl.ds(wbase, win)], di_v.at[pl.ds(0, win)])
            if first:
                plsc.subcore_barrier()
            pltpu.async_copy(y_hbm.at[si_v.at[0]], buf_a, sem_a)

            @pl.loop(0, win // 2 - 1)
            def _(j):
                i = 2 * j
                pltpu.make_async_copy(y_hbm.at[si_v.at[i]], buf_a, sem_a).wait()
                pltpu.async_copy(y_hbm.at[si_v.at[i + 1]], buf_b, sem_b)
                pltpu.sync_copy(buf_a, acc_sh.at[di_v.at[i]], add=True)
                pltpu.make_async_copy(y_hbm.at[si_v.at[i + 1]], buf_b, sem_b).wait()
                pltpu.async_copy(y_hbm.at[si_v.at[i + 2]], buf_a, sem_a)
                pltpu.sync_copy(buf_b, acc_sh.at[di_v.at[i + 1]], add=True)

            i = win - 2
            pltpu.make_async_copy(y_hbm.at[si_v.at[i]], buf_a, sem_a).wait()
            pltpu.async_copy(y_hbm.at[si_v.at[i + 1]], buf_b, sem_b)
            pltpu.sync_copy(buf_a, acc_sh.at[di_v.at[i]], add=True)
            pltpu.make_async_copy(y_hbm.at[si_v.at[i + 1]], buf_b, sem_b).wait()
            pltpu.sync_copy(buf_b, acc_sh.at[di_v.at[i + 1]], add=True)

        def work(nk, win, base):
            for wi in range(nk // win):
                window(win, base + wi * win, wi == 0)

        @pl.when(c == 0)
        def _():
            work(A0, AW, s * A0)

        @pl.when(c == 1)
        def _():
            work(A1, A1, NS * A0 + s * A1)

        plsc.subcore_barrier()
        pltpu.sync_copy(acc_sh.at[pl.ds(s * RPW, RPW)],
                        out_hbm.at[c].at[pl.ds(s * RPW, RPW)])

    return k(y, src2, dst2, z128)


def _dinv_block(d_ref):
    return lax.rsqrt(d_ref[0, :, 0:1] + d_ref[1, :, 0:1] + 1.0)


_DEG_SPEC = pl.BlockSpec((NC, RB, D), lambda i: (0, i, 0))


def _tc_y1(x32, W1, degp):

    def body(x_ref, w_ref, d_ref, o_ref):
        xw = jnp.dot(x_ref[...], w_ref[...],
                     preferred_element_type=_F32,
                     precision=lax.Precision.HIGHEST)
        o_ref[...] = xw * _dinv_block(d_ref)

    return pl.pallas_call(
        body,
        grid=(NPAD // RB,),
        in_specs=[
            pl.BlockSpec((RB, D), lambda i: (i, 0)),
            pl.BlockSpec((D, D), lambda i: (0, 0)),
            _DEG_SPEC,
        ],
        out_specs=pl.BlockSpec((RB, D), lambda i: (i, 0)),
        out_shape=jax.ShapeDtypeStruct((NPAD, D), _F32),
    )(x32, W1, degp)


def _tc_mid(p, y1, degp, b1, W2):

    def body(p_ref, y_ref, d_ref, b_ref, w_ref, o_ref):
        dinv = _dinv_block(d_ref)
        h = (p_ref[0] + p_ref[1] + y_ref[...]) * dinv + b_ref[...]
        h = jnp.maximum(h, 0.0)
        o_ref[...] = jnp.dot(h, w_ref[...],
                             preferred_element_type=_F32,
                             precision=lax.Precision.HIGHEST) * dinv

    return pl.pallas_call(
        body,
        grid=(NPAD // RB,),
        in_specs=[
            pl.BlockSpec((NC, RB, D), lambda i: (0, i, 0)),
            pl.BlockSpec((RB, D), lambda i: (i, 0)),
            _DEG_SPEC,
            pl.BlockSpec((1, D), lambda i: (0, 0)),
            pl.BlockSpec((D, D), lambda i: (0, 0)),
        ],
        out_specs=pl.BlockSpec((RB, D), lambda i: (i, 0)),
        out_shape=jax.ShapeDtypeStruct((NPAD, D), _F32),
    )(p, y1, degp, b1, W2)


def _tc_fin(q, y2, degp, b2):

    def body(q_ref, y_ref, d_ref, b_ref, o_ref):
        o_ref[...] = ((q_ref[0] + q_ref[1] + y_ref[...]) * _dinv_block(d_ref)
                      + b_ref[...])

    return pl.pallas_call(
        body,
        grid=(NPAD // RB,),
        in_specs=[
            pl.BlockSpec((NC, RB, D), lambda i: (0, i, 0)),
            pl.BlockSpec((RB, D), lambda i: (i, 0)),
            _DEG_SPEC,
            pl.BlockSpec((1, D), lambda i: (0, 0)),
        ],
        out_specs=pl.BlockSpec((RB, D), lambda i: (i, 0)),
        out_shape=jax.ShapeDtypeStruct((NPAD, D), _F32),
    )(q, y2, degp, b2)


def kernel(x, edge_index, W1, b1, W2, b2):
    e = edge_index.shape[1]
    epad = NS * KT * CHUNK
    assert e <= epad

    src = edge_index[0].astype(jnp.int32)
    dst = edge_index[1].astype(jnp.int32)
    padv = jnp.full((epad - e,), PADROW, jnp.int32)
    src2 = jnp.concatenate([src, padv]).reshape(NS * KT, CHUNK)
    dst2 = jnp.concatenate([dst, padv]).reshape(NS * KT, CHUNK)

    x32 = jnp.zeros((NPAD, D), _F32).at[:N].set(x.astype(_F32))
    z128 = jnp.zeros((NPAD, D), _F32)
    ones = jnp.ones((CHUNK, D), _F32)

    degp = _sc_degree(dst2, z128, ones)
    y1 = _tc_y1(x32, W1, degp)
    p = _sc_aggregate(y1, src2, dst2, z128)
    y2 = _tc_mid(p, y1, degp, b1.reshape(1, D), W2)
    q = _sc_aggregate(y2, src2, dst2, z128)
    out = _tc_fin(q, y2, degp, b2.reshape(1, D))
    return out[:N]

# --- scband reference (transcript-rebuilt; emitter-appended) ---
"""Pipeline reference for scband-gcn-84456236908760 (READ-ONLY COPY).

The authoritative reference and input builder live on the scoring server;
editing this copy changes nothing except your own understanding.
"""

import jax, jax.numpy as jnp
import numpy as np

N_NODES = 10000
D_IN = 128
D_OUT = 128
N_EDGES = 320000


def setup_inputs(seed: int = 0) -> dict:
    key = jax.random.key(seed)
    k1, k2, k3, k4, k5, k6 = jax.random.split(key, 6)
    x = jax.random.normal(k1, (N_NODES, D_IN), dtype=jnp.float32)
    edge_index = jax.random.randint(k2, (2, N_EDGES), 0, N_NODES, dtype=jnp.int64)
    # glorot-style init for GCNConv weights
    s1 = float(np.sqrt(6.0 / (D_IN + D_OUT)))
    s2 = float(np.sqrt(6.0 / (D_OUT + D_OUT)))
    W1 = jax.random.uniform(k3, (D_IN, D_OUT), minval=-s1, maxval=s1, dtype=jnp.float32)
    b1 = jnp.zeros((D_OUT,), dtype=jnp.float32)
    W2 = jax.random.uniform(k4, (D_OUT, D_OUT), minval=-s2, maxval=s2, dtype=jnp.float32)
    b2 = jnp.zeros((D_OUT,), dtype=jnp.float32)
    return {"x": x, "edge_index": edge_index, "W1": W1, "b1": b1, "W2": W2, "b2": b2}


def _gcn_conv(x, src, dst, W, b, n):
    # PyG GCNConv: x' = D^{-1/2} (A + I) D^{-1/2} X W + b
    xw = x @ W
    deg = jnp.zeros((n,), dtype=xw.dtype).at[dst].add(1.0)
    dinv = jnp.where(deg > 0, deg ** -0.5, 0.0)
    norm = dinv[src] * dinv[dst]
    msg = xw[src] * norm[:, None]
    out = jnp.zeros((n, xw.shape[1]), dtype=xw.dtype).at[dst].add(msg)
    return out + b


def reference(x, edge_index, W1, b1, W2, b2):
    n = x.shape[0]
    loop = jnp.arange(n, dtype=edge_index.dtype)
    src = jnp.concatenate([edge_index[0], loop])
    dst = jnp.concatenate([edge_index[1], loop])
    h = _gcn_conv(x, src, dst, W1, b1, n)
    h = jax.nn.relu(h)
    # F.dropout in eval mode is identity (module assumed in eval for reference)
    h = _gcn_conv(h, src, dst, W2, b2, n)
    return h

if __name__ == "__main__":
    import jax
    _d = setup_inputs()
    print(jax.jit(kernel)(*tuple(_d.values())))

</pallas_src>

<mosaic_0001>
#map = affine_map<(d0, d1) -> (0, 0)>
#map1 = affine_map<(d0, d1) -> (0, 0, 0)>
module attributes {stable_mosaic.version = 14 : i64} {
  func.func @k(%arg0: i32, %arg1: i32, %arg2: memref<10240x128xf32, #tpu.memory_space<hbm>>, %arg3: memref<2560x128xi32, #tpu.memory_space<hbm>>, %arg4: memref<2560x128xi32, #tpu.memory_space<hbm>>, %arg5: memref<10240x128xf32, #tpu.memory_space<hbm>>, %arg6: memref<2x10240x128xf32, #tpu.memory_space<hbm>>, %arg7: memref<48x128xi32, #tpu.memory_space<vmem>>, %arg8: memref<48x128xi32, #tpu.memory_space<vmem>>, %arg9: memref<128x128xf32, #tpu.memory_space<vmem>>, %arg10: memref<128x128xf32, #tpu.memory_space<vmem>>, %arg11: memref<10240x128xf32, #tpu.memory_space<vmem_shared>>, %arg12: memref<!tpu.dma_semaphore, #tpu.memory_space<semaphore_mem>>, %arg13: memref<!tpu.dma_semaphore, #tpu.memory_space<semaphore_mem>>) attributes {dimension_semantics = [#tpu.dimension_semantics<core_parallel>, #tpu.dimension_semantics<subcore_parallel>], iteration_bounds = array<i64: 2, 16>, scalar_prefetch = 0 : i64, scratch_operands = 7 : i64, tpu.core_type = #tpu.core_type<sc_vector_subcore>, window_params = [{transform_indices = #map}, {transform_indices = #map}, {transform_indices = #map}, {transform_indices = #map}, {transform_indices = #map1}]} {
    %mul3A = arith.constant 640 : i32
    %mul3A_0 = arith.muli %arg1, %mul3A : i32
    %mul3A_1 = arith.constant 640 : i32
    %mul3A_2 = arith.muli %arg1, %mul3A_1 : i32
    "tpu.region"() ({
      %run_scoped3A = tpu.sem_alloc : memref<!tpu.dma_semaphore, #tpu.memory_space<semaphore_mem>>
      %dma_start3A = arith.constant 0 : i32
      %dma_start3A_14 = tpu.memref_slice %arg11[%mul3A_2, %dma_start3A] : memref<10240x128xf32, #tpu.memory_space<vmem_shared>> -> memref<640x128xf32, #tpu.memory_space<vmem_shared>>
      %dma_start3A_15 = arith.constant 0 : i32
      %dma_start3A_16 = tpu.memref_slice %arg5[%mul3A_0, %dma_start3A_15] : memref<10240x128xf32, #tpu.memory_space<hbm>> -> memref<640x128xf32, #tpu.memory_space<hbm>>
      tpu.enqueue_dma source(%dma_start3A_16 : memref<640x128xf32, #tpu.memory_space<hbm>>) target(%dma_start3A_14 : memref<640x128xf32, #tpu.memory_space<vmem_shared>>) target_semaphore(%run_scoped3A : memref<!tpu.dma_semaphore, #tpu.memory_space<semaphore_mem>>)
      %dma_wait3A = arith.constant 0 : i32
      %dma_wait3A_17 = tpu.memref_slice %arg11[%mul3A_2, %dma_wait3A] : memref<10240x128xf32, #tpu.memory_space<vmem_shared>> -> memref<640x128xf32, #tpu.memory_space<vmem_shared>>
      %dma_wait3A_18 = arith.constant 0 : i32
      %dma_wait3A_19 = tpu.memref_slice %arg5[%mul3A_0, %dma_wait3A_18] : memref<10240x128xf32, #tpu.memory_space<hbm>> -> memref<640x128xf32, #tpu.memory_space<hbm>>
      tpu.wait_dma2 semaphore(%run_scoped3A : memref<!tpu.dma_semaphore, #tpu.memory_space<semaphore_mem>>) src(%dma_wait3A_19 : memref<640x128xf32, #tpu.memory_space<hbm>>) dst(%dma_wait3A_17 : memref<640x128xf32, #tpu.memory_space<vmem_shared>>)
      tpu.yield
    }) : () -> ()
    %eq3A = arith.constant 0 : i32
    %eq3A_3 = arith.cmpi eq, %arg0, %eq3A : i32
    %convert_element_type3A = arith.extui %eq3A_3 : i1 to i32
    %cond3A = arith.constant 0 : i32
    %cond3A_4 = arith.cmpi ne, %convert_element_type3A, %cond3A : i32
    scf.if %cond3A_4 {
      %mul3A_14 = arith.constant 144 : i32
      %mul3A_15 = arith.muli %arg1, %mul3A_14 : i32
      %add3A = arith.constant 0 : i32
      %add3A_16 = arith.addi %mul3A_15, %add3A : i32
      "tpu.region"() ({
        %run_scoped3A_123 = tpu.sem_alloc : memref<!tpu.dma_semaphore, #tpu.memory_space<semaphore_mem>>
        %dma_start3A_124 = arith.constant 0 : i32
        %dma_start3A_125 = arith.constant 0 : i32
        %dma_start3A_126 = tpu.memref_slice %arg7[%dma_start3A_124, %dma_start3A_125] : memref<48x128xi32, #tpu.memory_space<vmem>> -> memref<48x128xi32, #tpu.memory_space<vmem>>
        %dma_start3A_127 = arith.constant 0 : i32
        %dma_start3A_128 = tpu.memref_slice %arg3[%add3A_16, %dma_start3A_127] : memref<2560x128xi32, #tpu.memory_space<hbm>> -> memref<48x128xi32, #tpu.memory_space<hbm>>
        %dma_start3A_129 = arith.constant 0 : i32
        %dma_start3A_130 = arith.constant 0 : i32
        %dma_start3A_131 = tpu.memref_slice %arg7[%dma_start3A_129, %dma_start3A_130] : memref<48x128xi32, #tpu.memory_space<vmem>> -> memref<48x128xi32, #tpu.memory_space<vmem>>
        %dma_start3A_132 = arith.constant 0 : i32
        %dma_start3A_133 = tpu.memref_slice %arg3[%add3A_16, %dma_start3A_132] : memref<2560x128xi32, #tpu.memory_space<hbm>> -> memref<48x128xi32, #tpu.memory_space<hbm>>
        tpu.enqueue_dma source(%dma_start3A_133 : memref<48x128xi32, #tpu.memory_space<hbm>>) target(%dma_start3A_131 : memref<48x128xi32, #tpu.memory_space<vmem>>) target_semaphore(%run_scoped3A_123 : memref<!tpu.dma_semaphore, #tpu.memory_space<semaphore_mem>>)
        %dma_wait3A_134 = arith.constant 0 : i32
        %dma_wait3A_135 = arith.constant 0 : i32
        %dma_wait3A_136 = tpu.memref_slice %arg7[%dma_wait3A_134, %dma_wait3A_135] : memref<48x128xi32, #tpu.memory_space<vmem>> -> memref<48x128xi32, #tpu.memory_space<vmem>>
        %dma_wait3A_137 = arith.constant 0 : i32
        %dma_wait3A_138 = tpu.memref_slice %arg3[%add3A_16, %dma_wait3A_137] : memref<2560x128xi32, #tpu.memory_space<hbm>> -> memref<48x128xi32, #tpu.memory_space<hbm>>
        %dma_wait3A_139 = arith.constant 0 : i32
        %dma_wait3A_140 = arith.constant 0 : i32
        %dma_wait3A_141 = tpu.memref_slice %arg7[%dma_wait3A_139, %dma_wait3A_140] : memref<48x128xi32, #tpu.memory_space<vmem>> -> memref<48x128xi32, #tpu.memory_space<vmem>>
        %dma_wait3A_142 = arith.constant 0 : i32
        %dma_wait3A_143 = tpu.memref_slice %arg3[%add3A_16, %dma_wait3A_142] : memref<2560x128xi32, #tpu.memory_space<hbm>> -> memref<48x128xi32, #tpu.memory_space<hbm>>
        tpu.wait_dma2 semaphore(%run_scoped3A_123 : memref<!tpu.dma_semaphore, #tpu.memory_space<semaphore_mem>>) src(%dma_wait3A_143 : memref<48x128xi32, #tpu.memory_space<hbm>>) dst(%dma_wait3A_141 : memref<48x128xi32, #tpu.memory_space<vmem>>)
        tpu.yield
      }) : () -> ()
      "tpu.region"() ({
        %run_scoped3A_123 = tpu.sem_alloc : memref<!tpu.dma_semaphore, #tpu.memory_space<semaphore_mem>>
        %dma_start3A_124 = arith.constant 0 : i32
        %dma_start3A_125 = arith.constant 0 : i32
        %dma_start3A_126 = tpu.memref_slice %arg8[%dma_start3A_124, %dma_start3A_125] : memref<48x128xi32, #tpu.memory_space<vmem>> -> memref<48x128xi32, #tpu.memory_space<vmem>>
        %dma_start3A_127 = arith.constant 0 : i32
        %dma_start3A_128 = tpu.memref_slice %arg4[%add3A_16, %dma_start3A_127] : memref<2560x128xi32, #tpu.memory_space<hbm>> -> memref<48x128xi32, #tpu.memory_space<hbm>>
        %dma_start3A_129 = arith.constant 0 : i32
        %dma_start3A_130 = arith.constant 0 : i32
        %dma_start3A_131 = tpu.memref_slice %arg8[%dma_start3A_129, %dma_start3A_130] : memref<48x128xi32, #tpu.memory_space<vmem>> -> memref<48x128xi32, #tpu.memory_space<vmem>>
        %dma_start3A_132 = arith.constant 0 : i32
        %dma_start3A_133 = tpu.memref_slice %arg4[%add3A_16, %dma_start3A_132] : memref<2560x128xi32, #tpu.memory_space<hbm>> -> memref<48x128xi32, #tpu.memory_space<hbm>>
        tpu.enqueue_dma source(%dma_start3A_133 : memref<48x128xi32, #tpu.memory_space<hbm>>) target(%dma_start3A_131 : memref<48x128xi32, #tpu.memory_space<vmem>>) target_semaphore(%run_scoped3A_123 : memref<!tpu.dma_semaphore, #tpu.memory_space<semaphore_mem>>)
        %dma_wait3A_134 = arith.constant 0 : i32
        %dma_wait3A_135 = arith.constant 0 : i32
        %dma_wait3A_136 = tpu.memref_slice %arg8[%dma_wait3A_134, %dma_wait3A_135] : memref<48x128xi32, #tpu.memory_space<vmem>> -> memref<48x128xi32, #tpu.memory_space<vmem>>
        %dma_wait3A_137 = arith.constant 0 : i32
        %dma_wait3A_138 = tpu.memref_slice %arg4[%add3A_16, %dma_wait3A_137] : memref<2560x128xi32, #tpu.memory_space<hbm>> -> memref<48x128xi32, #tpu.memory_space<hbm>>
        %dma_wait3A_139 = arith.constant 0 : i32
        %dma_wait3A_140 = arith.constant 0 : i32
        %dma_wait3A_141 = tpu.memref_slice %arg8[%dma_wait3A_139, %dma_wait3A_140] : memref<48x128xi32, #tpu.memory_space<vmem>> -> memref<48x128xi32, #tpu.memory_space<vmem>>
        %dma_wait3A_142 = arith.constant 0 : i32
        %dma_wait3A_143 = tpu.memref_slice %arg4[%add3A_16, %dma_wait3A_142] : memref<2560x128xi32, #tpu.memory_space<hbm>> -> memref<48x128xi32, #tpu.memory_space<hbm>>
        tpu.wait_dma2 semaphore(%run_scoped3A_123 : memref<!tpu.dma_semaphore, #tpu.memory_space<semaphore_mem>>) src(%dma_wait3A_143 : memref<48x128xi32, #tpu.memory_space<hbm>>) dst(%dma_wait3A_141 : memref<48x128xi32, #tpu.memory_space<vmem>>)
        tpu.yield
      }) : () -> ()
      %barrier3A_17 = arith.constant 0 : index
      tpu.barrier barrier_id(%barrier3A_17)
      %dma_start3A = arith.constant 0 : i32
      %dma_start3A_18 = arith.constant 0 : i32
      %dma_start3A_19 = tpu.memref_slice %arg7[%dma_start3A, %dma_start3A_18] : memref<48x128xi32, #tpu.memory_space<vmem>> -> memref<1x128xi32, #tpu.memory_space<vmem>>
      %dma_start3A_20 = tpu.memref_squeeze %dma_start3A_19 : memref<1x128xi32, #tpu.memory_space<vmem>> -> memref<128xi32, #tpu.memory_space<vmem>>
      %dma_start3A_21 = arith.constant 0 : i32
      %dma_start3A_22 = arith.constant 0 : i32
      %dma_start3A_23 = tpu.memref_slice %arg2[%dma_start3A_21, %dma_start3A_22] : memref<10240x128xf32, #tpu.memory_space<hbm>> -> memref<10240x128xf32, #tpu.memory_space<hbm>>
      tpu.enqueue_indirect_dma source(%dma_start3A_23 : memref<10240x128xf32, #tpu.memory_space<hbm>>) target(%arg9 : memref<128x128xf32, #tpu.memory_space<vmem>>) offsets(%dma_start3A_20 : memref<128xi32, #tpu.memory_space<vmem>>) semaphore(%arg12 : memref<!tpu.dma_semaphore, #tpu.memory_space<semaphore_mem>>)
      %scan3A = arith.constant 0 : i32
      %scan3A_24 = arith.constant 23 : i32
      %scan3A_25 = arith.addi %scan3A, %scan3A_24 : i32
      %scan3A_26 = arith.constant 1 : i32
      scf.for %scan3A_123 = %scan3A to %scan3A_25 step %scan3A_26  : i32 {
        %mul3A_124 = arith.constant 1 : i32
        %mul3A_125 = arith.muli %scan3A_123, %mul3A_124 : i32
        %add3A_126 = arith.constant 0 : i32
        %add3A_127 = arith.addi %add3A_126, %mul3A_125 : i32
        %mul3A_128 = arith.constant 2 : i32
        %mul3A_129 = arith.muli %mul3A_128, %add3A_127 : i32
        %dma_wait3A_130 = arith.constant 0 : i32
        %dma_wait3A_131 = tpu.memref_slice %arg7[%mul3A_129, %dma_wait3A_130] : memref<48x128xi32, #tpu.memory_space<vmem>> -> memref<1x128xi32, #tpu.memory_space<vmem>>
        %dma_wait3A_132 = tpu.memref_squeeze %dma_wait3A_131 : memref<1x128xi32, #tpu.memory_space<vmem>> -> memref<128xi32, #tpu.memory_space<vmem>>
        %dma_wait3A_133 = arith.constant 0 : i32
        %dma_wait3A_134 = arith.constant 0 : i32
        %dma_wait3A_135 = tpu.memref_slice %arg2[%dma_wait3A_133, %dma_wait3A_134] : memref<10240x128xf32, #tpu.memory_space<hbm>> -> memref<10240x128xf32, #tpu.memory_space<hbm>>
        tpu.wait_indirect_dma semaphore(%arg12 : memref<!tpu.dma_semaphore, #tpu.memory_space<semaphore_mem>>) src(%dma_wait3A_135 : memref<10240x128xf32, #tpu.memory_space<hbm>>) dst(%arg9 : memref<128x128xf32, #tpu.memory_space<vmem>>)
        %add3A_136 = arith.constant 1 : i32
        %add3A_137 = arith.addi %mul3A_129, %add3A_136 : i32
        %dma_start3A_138 = arith.constant 0 : i32
        %dma_start3A_139 = tpu.memref_slice %arg7[%add3A_137, %dma_start3A_138] : memref<48x128xi32, #tpu.memory_space<vmem>> -> memref<1x128xi32, #tpu.memory_space<vmem>>
        %dma_start3A_140 = tpu.memref_squeeze %dma_start3A_139 : memref<1x128xi32, #tpu.memory_space<vmem>> -> memref<128xi32, #tpu.memory_space<vmem>>
        %dma_start3A_141 = arith.constant 0 : i32
        %dma_start3A_142 = arith.constant 0 : i32
        %dma_start3A_143 = tpu.memref_slice %arg2[%dma_start3A_141, %dma_start3A_142] : memref<10240x128xf32, #tpu.memory_space<hbm>> -> memref<10240x128xf32, #tpu.memory_space<hbm>>
        tpu.enqueue_indirect_dma source(%dma_start3A_143 : memref<10240x128xf32, #tpu.memory_space<hbm>>) target(%arg10 : memref<128x128xf32, #tpu.memory_space<vmem>>) offsets(%dma_start3A_140 : memref<128xi32, #tpu.memory_space<vmem>>) semaphore(%arg13 : memref<!tpu.dma_semaphore, #tpu.memory_space<semaphore_mem>>)
        "tpu.region"() ({
          %run_scoped3A_162 = tpu.sem_alloc : memref<!tpu.dma_semaphore, #tpu.memory_space<semaphore_mem>>
          %dma_start3A_163 = arith.constant 0 : i32
          %dma_start3A_164 = tpu.memref_slice %arg8[%mul3A_129, %dma_start3A_163] : memref<48x128xi32, #tpu.memory_space<vmem>> -> memref<1x128xi32, #tpu.memory_space<vmem>>
          %dma_start3A_165 = tpu.memref_squeeze %dma_start3A_164 : memref<1x128xi32, #tpu.memory_space<vmem>> -> memref<128xi32, #tpu.memory_space<vmem>>
          %dma_start3A_166 = arith.constant 0 : i32
          %dma_start3A_167 = arith.constant 0 : i32
          %dma_start3A_168 = tpu.memref_slice %arg11[%dma_start3A_166, %dma_start3A_167] : memref<10240x128xf32, #tpu.memory_space<vmem_shared>> -> memref<10240x128xf32, #tpu.memory_space<vmem_shared>>
          tpu.enqueue_indirect_dma source(%arg9 : memref<128x128xf32, #tpu.memory_space<vmem>>) target(%dma_start3A_168 : memref<10240x128xf32, #tpu.memory_space<vmem_shared>>) offsets(%dma_start3A_165 : memref<128xi32, #tpu.memory_space<vmem>>) semaphore(%run_scoped3A_162 : memref<!tpu.dma_semaphore, #tpu.memory_space<semaphore_mem>>) {add = true}
          %dma_wait3A_169 = arith.constant 0 : i32
          %dma_wait3A_170 = tpu.memref_slice %arg8[%mul3A_129, %dma_wait3A_169] : memref<48x128xi32, #tpu.memory_space<vmem>> -> memref<1x128xi32, #tpu.memory_space<vmem>>
          %dma_wait3A_171 = tpu.memref_squeeze %dma_wait3A_170 : memref<1x128xi32, #tpu.memory_space<vmem>> -> memref<128xi32, #tpu.memory_space<vmem>>
          %dma_wait3A_172 = arith.constant 0 : i32
          %dma_wait3A_173 = arith.constant 0 : i32
          %dma_wait3A_174 = tpu.memref_slice %arg11[%dma_wait3A_172, %dma_wait3A_173] : memref<10240x128xf32, #tpu.memory_space<vmem_shared>> -> memref<10240x128xf32, #tpu.memory_space<vmem_shared>>
          tpu.wait_indirect_dma semaphore(%run_scoped3A_162 : memref<!tpu.dma_semaphore, #tpu.memory_space<semaphore_mem>>) src(%arg9 : memref<128x128xf32, #tpu.memory_space<vmem>>) dst(%dma_wait3A_174 : memref<10240x128xf32, #tpu.memory_space<vmem_shared>>)
          tpu.yield
        }) : () -> ()
        %add3A_144 = arith.constant 1 : i32
        %add3A_145 = arith.addi %mul3A_129, %add3A_144 : i32
        %dma_wait3A_146 = arith.constant 0 : i32
        %dma_wait3A_147 = tpu.memref_slice %arg7[%add3A_145, %dma_wait3A_146] : memref<48x128xi32, #tpu.memory_space<vmem>> -> memref<1x128xi32, #tpu.memory_space<vmem>>
        %dma_wait3A_148 = tpu.memref_squeeze %dma_wait3A_147 : memref<1x128xi32, #tpu.memory_space<vmem>> -> memref<128xi32, #tpu.memory_space<vmem>>
        %dma_wait3A_149 = arith.constant 0 : i32
        %dma_wait3A_150 = arith.constant 0 : i32
        %dma_wait3A_151 = tpu.memref_slice %arg2[%dma_wait3A_149, %dma_wait3A_150] : memref<10240x128xf32, #tpu.memory_space<hbm>> -> memref<10240x128xf32, #tpu.memory_space<hbm>>
        tpu.wait_indirect_dma semaphore(%arg13 : memref<!tpu.dma_semaphore, #tpu.memory_space<semaphore_mem>>) src(%dma_wait3A_151 : memref<10240x128xf32, #tpu.memory_space<hbm>>) dst(%arg10 : memref<128x128xf32, #tpu.memory_space<vmem>>)
        %add3A_152 = arith.constant 2 : i32
        %add3A_153 = arith.addi %mul3A_129, %add3A_152 : i32
        %dma_start3A_154 = arith.constant 0 : i32
        %dma_start3A_155 = tpu.memref_slice %arg7[%add3A_153, %dma_start3A_154] : memref<48x128xi32, #tpu.memory_space<vmem>> -> memref<1x128xi32, #tpu.memory_space<vmem>>
        %dma_start3A_156 = tpu.memref_squeeze %dma_start3A_155 : memref<1x128xi32, #tpu.memory_space<vmem>> -> memref<128xi32, #tpu.memory_space<vmem>>
        %dma_start3A_157 = arith.constant 0 : i32
        %dma_start3A_158 = arith.constant 0 : i32
        %dma_start3A_159 = tpu.memref_slice %arg2[%dma_start3A_157, %dma_start3A_158] : memref<10240x128xf32, #tpu.memory_space<hbm>> -> memref<10240x128xf32, #tpu.memory_space<hbm>>
        tpu.enqueue_indirect_dma source(%dma_start3A_159 : memref<10240x128xf32, #tpu.memory_space<hbm>>) target(%arg9 : memref<128x128xf32, #tpu.memory_space<vmem>>) offsets(%dma_start3A_156 : memref<128xi32, #tpu.memory_space<vmem>>) semaphore(%arg12 : memref<!tpu.dma_semaphore, #tpu.memory_space<semaphore_mem>>)
        %add3A_160 = arith.constant 1 : i32
        %add3A_161 = arith.addi %mul3A_129, %add3A_160 : i32
        "tpu.region"() ({
          %run_scoped3A_162 = tpu.sem_alloc : memref<!tpu.dma_semaphore, #tpu.memory_space<semaphore_mem>>
          %dma_start3A_163 = arith.constant 0 : i32
          %dma_start3A_164 = tpu.memref_slice %arg8[%add3A_161, %dma_start3A_163] : memref<48x128xi32, #tpu.memory_space<vmem>> -> memref<1x128xi32, #tpu.memory_space<vmem>>
          %dma_start3A_165 = tpu.memref_squeeze %dma_start3A_164 : memref<1x128xi32, #tpu.memory_space<vmem>> -> memref<128xi32, #tpu.memory_space<vmem>>
          %dma_start3A_166 = arith.constant 0 : i32
          %dma_start3A_167 = arith.constant 0 : i32
          %dma_start3A_168 = tpu.memref_slice %arg11[%dma_start3A_166, %dma_start3A_167] : memref<10240x128xf32, #tpu.memory_space<vmem_shared>> -> memref<10240x128xf32, #tpu.memory_space<vmem_shared>>
          tpu.enqueue_indirect_dma source(%arg10 : memref<128x128xf32, #tpu.memory_space<vmem>>) target(%dma_start3A_168 : memref<10240x128xf32, #tpu.memory_space<vmem_shared>>) offsets(%dma_start3A_165 : memref<128xi32, #tpu.memory_space<vmem>>) semaphore(%run_scoped3A_162 : memref<!tpu.dma_semaphore, #tpu.memory_space<semaphore_mem>>) {add = true}
          %dma_wait3A_169 = arith.constant 0 : i32
          %dma_wait3A_170 = tpu.memref_slice %arg8[%add3A_161, %dma_wait3A_169] : memref<48x128xi32, #tpu.memory_space<vmem>> -> memref<1x128xi32, #tpu.memory_space<vmem>>
          %dma_wait3A_171 = tpu.memref_squeeze %dma_wait3A_170 : memref<1x128xi32, #tpu.memory_space<vmem>> -> memref<128xi32, #tpu.memory_space<vmem>>
          %dma_wait3A_172 = arith.constant 0 : i32
          %dma_wait3A_173 = arith.constant 0 : i32
          %dma_wait3A_174 = tpu.memref_slice %arg11[%dma_wait3A_172, %dma_wait3A_173] : memref<10240x128xf32, #tpu.memory_space<vmem_shared>> -> memref<10240x128xf32, #tpu.memory_space<vmem_shared>>
          tpu.wait_indirect_dma semaphore(%run_scoped3A_162 : memref<!tpu.dma_semaphore, #tpu.memory_space<semaphore_mem>>) src(%arg10 : memref<128x128xf32, #tpu.memory_space<vmem>>) dst(%dma_wait3A_174 : memref<10240x128xf32, #tpu.memory_space<vmem_shared>>)
          tpu.yield
        }) : () -> ()
      }
      %scan3A_27 = arith.constant 23 : i32
      %dma_wait3A = arith.constant 46 : i32
      %dma_wait3A_28 = arith.constant 0 : i32
      %dma_wait3A_29 = tpu.memref_slice %arg7[%dma_wait3A, %dma_wait3A_28] : memref<48x128xi32, #tpu.memory_space<vmem>> -> memref<1x128xi32, #tpu.memory_space<vmem>>
      %dma_wait3A_30 = tpu.memref_squeeze %dma_wait3A_29 : memref<1x128xi32, #tpu.memory_space<vmem>> -> memref<128xi32, #tpu.memory_space<vmem>>
      %dma_wait3A_31 = arith.constant 0 : i32
      %dma_wait3A_32 = arith.constant 0 : i32
      %dma_wait3A_33 = tpu.memref_slice %arg2[%dma_wait3A_31, %dma_wait3A_32] : memref<10240x128xf32, #tpu.memory_space<hbm>> -> memref<10240x128xf32, #tpu.memory_space<hbm>>
      tpu.wait_indirect_dma semaphore(%arg12 : memref<!tpu.dma_semaphore, #tpu.memory_space<semaphore_mem>>) src(%dma_wait3A_33 : memref<10240x128xf32, #tpu.memory_space<hbm>>) dst(%arg9 : memref<128x128xf32, #tpu.memory_space<vmem>>)
      %dma_start3A_34 = arith.constant 47 : i32
      %dma_start3A_35 = arith.constant 0 : i32
      %dma_start3A_36 = tpu.memref_slice %arg7[%dma_start3A_34, %dma_start3A_35] : memref<48x128xi32, #tpu.memory_space<vmem>> -> memref<1x128xi32, #tpu.memory_space<vmem>>
      %dma_start3A_37 = tpu.memref_squeeze %dma_start3A_36 : memref<1x128xi32, #tpu.memory_space<vmem>> -> memref<128xi32, #tpu.memory_space<vmem>>
      %dma_start3A_38 = arith.constant 0 : i32
      %dma_start3A_39 = arith.constant 0 : i32
      %dma_start3A_40 = tpu.memref_slice %arg2[%dma_start3A_38, %dma_start3A_39] : memref<10240x128xf32, #tpu.memory_space<hbm>> -> memref<10240x128xf32, #tpu.memory_space<hbm>>
      tpu.enqueue_indirect_dma source(%dma_start3A_40 : memref<10240x128xf32, #tpu.memory_space<hbm>>) target(%arg10 : memref<128x128xf32, #tpu.memory_space<vmem>>) offsets(%dma_start3A_37 : memref<128xi32, #tpu.memory_space<vmem>>) semaphore(%arg13 : memref<!tpu.dma_semaphore, #tpu.memory_space<semaphore_mem>>)
      %run_scoped3A = arith.constant 46 : i32
      "tpu.region"() ({
        %run_scoped3A_123 = tpu.sem_alloc : memref<!tpu.dma_semaphore, #tpu.memory_space<semaphore_mem>>
        %dma_start3A_124 = arith.constant 0 : i32
        %dma_start3A_125 = tpu.memref_slice %arg8[%run_scoped3A, %dma_start3A_124] : memref<48x128xi32, #tpu.memory_space<vmem>> -> memref<1x128xi32, #tpu.memory_space<vmem>>
        %dma_start3A_126 = tpu.memref_squeeze %dma_start3A_125 : memref<1x128xi32, #tpu.memory_space<vmem>> -> memref<128xi32, #tpu.memory_space<vmem>>
        %dma_start3A_127 = arith.constant 0 : i32
        %dma_start3A_128 = arith.constant 0 : i32
        %dma_start3A_129 = tpu.memref_slice %arg11[%dma_start3A_127, %dma_start3A_128] : memref<10240x128xf32, #tpu.memory_space<vmem_shared>> -> memref<10240x128xf32, #tpu.memory_space<vmem_shared>>
        tpu.enqueue_indirect_dma source(%arg9 : memref<128x128xf32, #tpu.memory_space<vmem>>) target(%dma_start3A_129 : memref<10240x128xf32, #tpu.memory_space<vmem_shared>>) offsets(%dma_start3A_126 : memref<128xi32, #tpu.memory_space<vmem>>) semaphore(%run_scoped3A_123 : memref<!tpu.dma_semaphore, #tpu.memory_space<semaphore_mem>>) {add = true}
        %dma_wait3A_130 = arith.constant 0 : i32
        %dma_wait3A_131 = tpu.memref_slice %arg8[%run_scoped3A, %dma_wait3A_130] : memref<48x128xi32, #tpu.memory_space<vmem>> -> memref<1x128xi32, #tpu.memory_space<vmem>>
        %dma_wait3A_132 = tpu.memref_squeeze %dma_wait3A_131 : memref<1x128xi32, #tpu.memory_space<vmem>> -> memref<128xi32, #tpu.memory_space<vmem>>
        %dma_wait3A_133 = arith.constant 0 : i32
        %dma_wait3A_134 = arith.constant 0 : i32
        %dma_wait3A_135 = tpu.memref_slice %arg11[%dma_wait3A_133, %dma_wait3A_134] : memref<10240x128xf32, #tpu.memory_space<vmem_shared>> -> memref<10240x128xf32, #tpu.memory_space<vmem_shared>>
        tpu.wait_indirect_dma semaphore(%run_scoped3A_123 : memref<!tpu.dma_semaphore, #tpu.memory_space<semaphore_mem>>) src(%arg9 : memref<128x128xf32, #tpu.memory_space<vmem>>) dst(%dma_wait3A_135 : memref<10240x128xf32, #tpu.memory_space<vmem_shared>>)
        tpu.yield
      }) : () -> ()
      %dma_wait3A_41 = arith.constant 47 : i32
      %dma_wait3A_42 = arith.constant 0 : i32
      %dma_wait3A_43 = tpu.memref_slice %arg7[%dma_wait3A_41, %dma_wait3A_42] : memref<48x128xi32, #tpu.memory_space<vmem>> -> memref<1x128xi32, #tpu.memory_space<vmem>>
      %dma_wait3A_44 = tpu.memref_squeeze %dma_wait3A_43 : memref<1x128xi32, #tpu.memory_space<vmem>> -> memref<128xi32, #tpu.memory_space<vmem>>
      %dma_wait3A_45 = arith.constant 0 : i32
      %dma_wait3A_46 = arith.constant 0 : i32
      %dma_wait3A_47 = tpu.memref_slice %arg2[%dma_wait3A_45, %dma_wait3A_46] : memref<10240x128xf32, #tpu.memory_space<hbm>> -> memref<10240x128xf32, #tpu.memory_space<hbm>>
      tpu.wait_indirect_dma semaphore(%arg13 : memref<!tpu.dma_semaphore, #tpu.memory_space<semaphore_mem>>) src(%dma_wait3A_47 : memref<10240x128xf32, #tpu.memory_space<hbm>>) dst(%arg10 : memref<128x128xf32, #tpu.memory_space<vmem>>)
      %run_scoped3A_48 = arith.constant 47 : i32
      "tpu.region"() ({
        %run_scoped3A_123 = tpu.sem_alloc : memref<!tpu.dma_semaphore, #tpu.memory_space<semaphore_mem>>
        %dma_start3A_124 = arith.constant 0 : i32
        %dma_start3A_125 = tpu.memref_slice %arg8[%run_scoped3A_48, %dma_start3A_124] : memref<48x128xi32, #tpu.memory_space<vmem>> -> memref<1x128xi32, #tpu.memory_space<vmem>>
        %dma_start3A_126 = tpu.memref_squeeze %dma_start3A_125 : memref<1x128xi32, #tpu.memory_space<vmem>> -> memref<128xi32, #tpu.memory_space<vmem>>
        %dma_start3A_127 = arith.constant 0 : i32
        %dma_start3A_128 = arith.constant 0 : i32
        %dma_start3A_129 = tpu.memref_slice %arg11[%dma_start3A_127, %dma_start3A_128] : memref<10240x128xf32, #tpu.memory_space<vmem_shared>> -> memref<10240x128xf32, #tpu.memory_space<vmem_shared>>
        tpu.enqueue_indirect_dma source(%arg10 : memref<128x128xf32, #tpu.memory_space<vmem>>) target(%dma_start3A_129 : memref<10240x128xf32, #tpu.memory_space<vmem_shared>>) offsets(%dma_start3A_126 : memref<128xi32, #tpu.memory_space<vmem>>) semaphore(%run_scoped3A_123 : memref<!tpu.dma_semaphore, #tpu.memory_space<semaphore_mem>>) {add = true}
        %dma_wait3A_130 = arith.constant 0 : i32
        %dma_wait3A_131 = tpu.memref_slice %arg8[%run_scoped3A_48, %dma_wait3A_130] : memref<48x128xi32, #tpu.memory_space<vmem>> -> memref<1x128xi32, #tpu.memory_space<vmem>>
        %dma_wait3A_132 = tpu.memref_squeeze %dma_wait3A_131 : memref<1x128xi32, #tpu.memory_space<vmem>> -> memref<128xi32, #tpu.memory_space<vmem>>
        %dma_wait3A_133 = arith.constant 0 : i32
        %dma_wait3A_134 = arith.constant 0 : i32
        %dma_wait3A_135 = tpu.memref_slice %arg11[%dma_wait3A_133, %dma_wait3A_134] : memref<10240x128xf32, #tpu.memory_space<vmem_shared>> -> memref<10240x128xf32, #tpu.memory_space<vmem_shared>>
        tpu.wait_indirect_dma semaphore(%run_scoped3A_123 : memref<!tpu.dma_semaphore, #tpu.memory_space<semaphore_mem>>) src(%arg10 : memref<128x128xf32, #tpu.memory_space<vmem>>) dst(%dma_wait3A_135 : memref<10240x128xf32, #tpu.memory_space<vmem_shared>>)
        tpu.yield
      }) : () -> ()
      %add3A_49 = arith.constant 48 : i32
      %add3A_50 = arith.addi %mul3A_15, %add3A_49 : i32
      "tpu.region"() ({
        %run_scoped3A_123 = tpu.sem_alloc : memref<!tpu.dma_semaphore, #tpu.memory_space<semaphore_mem>>
        %dma_start3A_124 = arith.constant 0 : i32
        %dma_start3A_125 = arith.constant 0 : i32
        %dma_start3A_126 = tpu.memref_slice %arg7[%dma_start3A_124, %dma_start3A_125] : memref<48x128xi32, #tpu.memory_space<vmem>> -> memref<48x128xi32, #tpu.memory_space<vmem>>
        %dma_start3A_127 = arith.constant 0 : i32
        %dma_start3A_128 = tpu.memref_slice %arg3[%add3A_50, %dma_start3A_127] : memref<2560x128xi32, #tpu.memory_space<hbm>> -> memref<48x128xi32, #tpu.memory_space<hbm>>
        %dma_start3A_129 = arith.constant 0 : i32
        %dma_start3A_130 = arith.constant 0 : i32
        %dma_start3A_131 = tpu.memref_slice %arg7[%dma_start3A_129, %dma_start3A_130] : memref<48x128xi32, #tpu.memory_space<vmem>> -> memref<48x128xi32, #tpu.memory_space<vmem>>
        %dma_start3A_132 = arith.constant 0 : i32
        %dma_start3A_133 = tpu.memref_slice %arg3[%add3A_50, %dma_start3A_132] : memref<2560x128xi32, #tpu.memory_space<hbm>> -> memref<48x128xi32, #tpu.memory_space<hbm>>
        tpu.enqueue_dma source(%dma_start3A_133 : memref<48x128xi32, #tpu.memory_space<hbm>>) target(%dma_start3A_131 : memref<48x128xi32, #tpu.memory_space<vmem>>) target_semaphore(%run_scoped3A_123 : memref<!tpu.dma_semaphore, #tpu.memory_space<semaphore_mem>>)
        %dma_wait3A_134 = arith.constant 0 : i32
        %dma_wait3A_135 = arith.constant 0 : i32
        %dma_wait3A_136 = tpu.memref_slice %arg7[%dma_wait3A_134, %dma_wait3A_135] : memref<48x128xi32, #tpu.memory_space<vmem>> -> memref<48x128xi32, #tpu.memory_space<vmem>>
        %dma_wait3A_137 = arith.constant 0 : i32
        %dma_wait3A_138 = tpu.memref_slice %arg3[%add3A_50, %dma_wait3A_137] : memref<2560x128xi32, #tpu.memory_space<hbm>> -> memref<48x128xi32, #tpu.memory_space<hbm>>
        %dma_wait3A_139 = arith.constant 0 : i32
        %dma_wait3A_140 = arith.constant 0 : i32
        %dma_wait3A_141 = tpu.memref_slice %arg7[%dma_wait3A_139, %dma_wait3A_140] : memref<48x128xi32, #tpu.memory_space<vmem>> -> memref<48x128xi32, #tpu.memory_space<vmem>>
        %dma_wait3A_142 = arith.constant 0 : i32
        %dma_wait3A_143 = tpu.memref_slice %arg3[%add3A_50, %dma_wait3A_142] : memref<2560x128xi32, #tpu.memory_space<hbm>> -> memref<48x128xi32, #tpu.memory_space<hbm>>
        tpu.wait_dma2 semaphore(%run_scoped3A_123 : memref<!tpu.dma_semaphore, #tpu.memory_space<semaphore_mem>>) src(%dma_wait3A_143 : memref<48x128xi32, #tpu.memory_space<hbm>>) dst(%dma_wait3A_141 : memref<48x128xi32, #tpu.memory_space<vmem>>)
        tpu.yield
      }) : () -> ()
      "tpu.region"() ({
        %run_scoped3A_123 = tpu.sem_alloc : memref<!tpu.dma_semaphore, #tpu.memory_space<semaphore_mem>>
        %dma_start3A_124 = arith.constant 0 : i32
        %dma_start3A_125 = arith.constant 0 : i32
        %dma_start3A_126 = tpu.memref_slice %arg8[%dma_start3A_124, %dma_start3A_125] : memref<48x128xi32, #tpu.memory_space<vmem>> -> memref<48x128xi32, #tpu.memory_space<vmem>>
        %dma_start3A_127 = arith.constant 0 : i32
        %dma_start3A_128 = tpu.memref_slice %arg4[%add3A_50, %dma_start3A_127] : memref<2560x128xi32, #tpu.memory_space<hbm>> -> memref<48x128xi32, #tpu.memory_space<hbm>>
        %dma_start3A_129 = arith.constant 0 : i32
        %dma_start3A_130 = arith.constant 0 : i32
        %dma_start3A_131 = tpu.memref_slice %arg8[%dma_start3A_129, %dma_start3A_130] : memref<48x128xi32, #tpu.memory_space<vmem>> -> memref<48x128xi32, #tpu.memory_space<vmem>>
        %dma_start3A_132 = arith.constant 0 : i32
        %dma_start3A_133 = tpu.memref_slice %arg4[%add3A_50, %dma_start3A_132] : memref<2560x128xi32, #tpu.memory_space<hbm>> -> memref<48x128xi32, #tpu.memory_space<hbm>>
        tpu.enqueue_dma source(%dma_start3A_133 : memref<48x128xi32, #tpu.memory_space<hbm>>) target(%dma_start3A_131 : memref<48x128xi32, #tpu.memory_space<vmem>>) target_semaphore(%run_scoped3A_123 : memref<!tpu.dma_semaphore, #tpu.memory_space<semaphore_mem>>)
        %dma_wait3A_134 = arith.constant 0 : i32
        %dma_wait3A_135 = arith.constant 0 : i32
        %dma_wait3A_136 = tpu.memref_slice %arg8[%dma_wait3A_134, %dma_wait3A_135] : memref<48x128xi32, #tpu.memory_space<vmem>> -> memref<48x128xi32, #tpu.memory_space<vmem>>
        %dma_wait3A_137 = arith.constant 0 : i32
        %dma_wait3A_138 = tpu.memref_slice %arg4[%add3A_50, %dma_wait3A_137] : memref<2560x128xi32, #tpu.memory_space<hbm>> -> memref<48x128xi32, #tpu.memory_space<hbm>>
        %dma_wait3A_139 = arith.constant 0 : i32
        %dma_wait3A_140 = arith.constant 0 : i32
        %dma_wait3A_141 = tpu.memref_slice %arg8[%dma_wait3A_139, %dma_wait3A_140] : memref<48x128xi32, #tpu.memory_space<vmem>> -> memref<48x128xi32, #tpu.memory_space<vmem>>
        %dma_wait3A_142 = arith.constant 0 : i32
        %dma_wait3A_143 = tpu.memref_slice %arg4[%add3A_50, %dma_wait3A_142] : memref<2560x128xi32, #tpu.memory_space<hbm>> -> memref<48x128xi32, #tpu.memory_space<hbm>>
        tpu.wait_dma2 semaphore(%run_scoped3A_123 : memref<!tpu.dma_semaphore, #tpu.memory_space<semaphore_mem>>) src(%dma_wait3A_143 : memref<48x128xi32, #tpu.memory_space<hbm>>) dst(%dma_wait3A_141 : memref<48x128xi32, #tpu.memory_space<vmem>>)
        tpu.yield
      }) : () -> ()
      %dma_start3A_51 = arith.constant 0 : i32
      %dma_start3A_52 = arith.constant 0 : i32
      %dma_start3A_53 = tpu.memref_slice %arg7[%dma_start3A_51, %dma_start3A_52] : memref<48x128xi32, #tpu.memory_space<vmem>> -> memref<1x128xi32, #tpu.memory_space<vmem>>
      %dma_start3A_54 = tpu.memref_squeeze %dma_start3A_53 : memref<1x128xi32, #tpu.memory_space<vmem>> -> memref<128xi32, #tpu.memory_space<vmem>>
      %dma_start3A_55 = arith.constant 0 : i32
      %dma_start3A_56 = arith.constant 0 : i32
      %dma_start3A_57 = tpu.memref_slice %arg2[%dma_start3A_55, %dma_start3A_56] : memref<10240x128xf32, #tpu.memory_space<hbm>> -> memref<10240x128xf32, #tpu.memory_space<hbm>>
      tpu.enqueue_indirect_dma source(%dma_start3A_57 : memref<10240x128xf32, #tpu.memory_space<hbm>>) target(%arg9 : memref<128x128xf32, #tpu.memory_space<vmem>>) offsets(%dma_start3A_54 : memref<128xi32, #tpu.memory_space<vmem>>) semaphore(%arg12 : memref<!tpu.dma_semaphore, #tpu.memory_space<semaphore_mem>>)
      %scan3A_58 = arith.constant 0 : i32
      %scan3A_59 = arith.constant 23 : i32
      %scan3A_60 = arith.addi %scan3A_58, %scan3A_59 : i32
      %scan3A_61 = arith.constant 1 : i32
      scf.for %scan3A_123 = %scan3A_58 to %scan3A_60 step %scan3A_61  : i32 {
        %mul3A_124 = arith.constant 1 : i32
        %mul3A_125 = arith.muli %scan3A_123, %mul3A_124 : i32
        %add3A_126 = arith.constant 0 : i32
        %add3A_127 = arith.addi %add3A_126, %mul3A_125 : i32
        %mul3A_128 = arith.constant 2 : i32
        %mul3A_129 = arith.muli %mul3A_128, %add3A_127 : i32
        %dma_wait3A_130 = arith.constant 0 : i32
        %dma_wait3A_131 = tpu.memref_slice %arg7[%mul3A_129, %dma_wait3A_130] : memref<48x128xi32, #tpu.memory_space<vmem>> -> memref<1x128xi32, #tpu.memory_space<vmem>>
        %dma_wait3A_132 = tpu.memref_squeeze %dma_wait3A_131 : memref<1x128xi32, #tpu.memory_space<vmem>> -> memref<128xi32, #tpu.memory_space<vmem>>
        %dma_wait3A_133 = arith.constant 0 : i32
        %dma_wait3A_134 = arith.constant 0 : i32
        %dma_wait3A_135 = tpu.memref_slice %arg2[%dma_wait3A_133, %dma_wait3A_134] : memref<10240x128xf32, #tpu.memory_space<hbm>> -> memref<10240x128xf32, #tpu.memory_space<hbm>>
        tpu.wait_indirect_dma semaphore(%arg12 : memref<!tpu.dma_semaphore, #tpu.memory_space<semaphore_mem>>) src(%dma_wait3A_135 : memref<10240x128xf32, #tpu.memory_space<hbm>>) dst(%arg9 : memref<128x128xf32, #tpu.memory_space<vmem>>)
        %add3A_136 = arith.constant 1 : i32
        %add3A_137 = arith.addi %mul3A_129, %add3A_136 : i32
        %dma_start3A_138 = arith.constant 0 : i32
        %dma_start3A_139 = tpu.memref_slice %arg7[%add3A_137, %dma_start3A_138] : memref<48x128xi32, #tpu.memory_space<vmem>> -> memref<1x128xi32, #tpu.memory_space<vmem>>
        %dma_start3A_140 = tpu.memref_squeeze %dma_start3A_139 : memref<1x128xi32, #tpu.memory_space<vmem>> -> memref<128xi32, #tpu.memory_space<vmem>>
        %dma_start3A_141 = arith.constant 0 : i32
        %dma_start3A_142 = arith.constant 0 : i32
        %dma_start3A_143 = tpu.memref_slice %arg2[%dma_start3A_141, %dma_start3A_142] : memref<10240x128xf32, #tpu.memory_space<hbm>> -> memref<10240x128xf32, #tpu.memory_space<hbm>>
        tpu.enqueue_indirect_dma source(%dma_start3A_143 : memref<10240x128xf32, #tpu.memory_space<hbm>>) target(%arg10 : memref<128x128xf32, #tpu.memory_space<vmem>>) offsets(%dma_start3A_140 : memref<128xi32, #tpu.memory_space<vmem>>) semaphore(%arg13 : memref<!tpu.dma_semaphore, #tpu.memory_space<semaphore_mem>>)
        "tpu.region"() ({
          %run_scoped3A_162 = tpu.sem_alloc : memref<!tpu.dma_semaphore, #tpu.memory_space<semaphore_mem>>
          %dma_start3A_163 = arith.constant 0 : i32
          %dma_start3A_164 = tpu.memref_slice %arg8[%mul3A_129, %dma_start3A_163] : memref<48x128xi32, #tpu.memory_space<vmem>> -> memref<1x128xi32, #tpu.memory_space<vmem>>
          %dma_start3A_165 = tpu.memref_squeeze %dma_start3A_164 : memref<1x128xi32, #tpu.memory_space<vmem>> -> memref<128xi32, #tpu.memory_space<vmem>>
          %dma_start3A_166 = arith.constant 0 : i32
          %dma_start3A_167 = arith.constant 0 : i32
          %dma_start3A_168 = tpu.memref_slice %arg11[%dma_start3A_166, %dma_start3A_167] : memref<10240x128xf32, #tpu.memory_space<vmem_shared>> -> memref<10240x128xf32, #tpu.memory_space<vmem_shared>>
          tpu.enqueue_indirect_dma source(%arg9 : memref<128x128xf32, #tpu.memory_space<vmem>>) target(%dma_start3A_168 : memref<10240x128xf32, #tpu.memory_space<vmem_shared>>) offsets(%dma_start3A_165 : memref<128xi32, #tpu.memory_space<vmem>>) semaphore(%run_scoped3A_162 : memref<!tpu.dma_semaphore, #tpu.memory_space<semaphore_mem>>) {add = true}
          %dma_wait3A_169 = arith.constant 0 : i32
          %dma_wait3A_170 = tpu.memref_slice %arg8[%mul3A_129, %dma_wait3A_169] : memref<48x128xi32, #tpu.memory_space<vmem>> -> memref<1x128xi32, #tpu.memory_space<vmem>>
          %dma_wait3A_171 = tpu.memref_squeeze %dma_wait3A_170 : memref<1x128xi32, #tpu.memory_space<vmem>> -> memref<128xi32, #tpu.memory_space<vmem>>
          %dma_wait3A_172 = arith.constant 0 : i32
          %dma_wait3A_173 = arith.constant 0 : i32
          %dma_wait3A_174 = tpu.memref_slice %arg11[%dma_wait3A_172, %dma_wait3A_173] : memref<10240x128xf32, #tpu.memory_space<vmem_shared>> -> memref<10240x128xf32, #tpu.memory_space<vmem_shared>>
          tpu.wait_indirect_dma semaphore(%run_scoped3A_162 : memref<!tpu.dma_semaphore, #tpu.memory_space<semaphore_mem>>) src(%arg9 : memref<128x128xf32, #tpu.memory_space<vmem>>) dst(%dma_wait3A_174 : memref<10240x128xf32, #tpu.memory_space<vmem_shared>>)
          tpu.yield
        }) : () -> ()
        %add3A_144 = arith.constant 1 : i32
        %add3A_145 = arith.addi %mul3A_129, %add3A_144 : i32
        %dma_wait3A_146 = arith.constant 0 : i32
        %dma_wait3A_147 = tpu.memref_slice %arg7[%add3A_145, %dma_wait3A_146] : memref<48x128xi32, #tpu.memory_space<vmem>> -> memref<1x128xi32, #tpu.memory_space<vmem>>
        %dma_wait3A_148 = tpu.memref_squeeze %dma_wait3A_147 : memref<1x128xi32, #tpu.memory_space<vmem>> -> memref<128xi32, #tpu.memory_space<vmem>>
        %dma_wait3A_149 = arith.constant 0 : i32
        %dma_wait3A_150 = arith.constant 0 : i32
        %dma_wait3A_151 = tpu.memref_slice %arg2[%dma_wait3A_149, %dma_wait3A_150] : memref<10240x128xf32, #tpu.memory_space<hbm>> -> memref<10240x128xf32, #tpu.memory_space<hbm>>
        tpu.wait_indirect_dma semaphore(%arg13 : memref<!tpu.dma_semaphore, #tpu.memory_space<semaphore_mem>>) src(%dma_wait3A_151 : memref<10240x128xf32, #tpu.memory_space<hbm>>) dst(%arg10 : memref<128x128xf32, #tpu.memory_space<vmem>>)
        %add3A_152 = arith.constant 2 : i32
        %add3A_153 = arith.addi %mul3A_129, %add3A_152 : i32
        %dma_start3A_154 = arith.constant 0 : i32
        %dma_start3A_155 = tpu.memref_slice %arg7[%add3A_153, %dma_start3A_154] : memref<48x128xi32, #tpu.memory_space<vmem>> -> memref<1x128xi32, #tpu.memory_space<vmem>>
        %dma_start3A_156 = tpu.memref_squeeze %dma_start3A_155 : memref<1x128xi32, #tpu.memory_space<vmem>> -> memref<128xi32, #tpu.memory_space<vmem>>
        %dma_start3A_157 = arith.constant 0 : i32
        %dma_start3A_158 = arith.constant 0 : i32
        %dma_start3A_159 = tpu.memref_slice %arg2[%dma_start3A_157, %dma_start3A_158] : memref<10240x128xf32, #tpu.memory_space<hbm>> -> memref<10240x128xf32, #tpu.memory_space<hbm>>
        tpu.enqueue_indirect_dma source(%dma_start3A_159 : memref<10240x128xf32, #tpu.memory_space<hbm>>) target(%arg9 : memref<128x128xf32, #tpu.memory_space<vmem>>) offsets(%dma_start3A_156 : memref<128xi32, #tpu.memory_space<vmem>>) semaphore(%arg12 : memref<!tpu.dma_semaphore, #tpu.memory_space<semaphore_mem>>)
        %add3A_160 = arith.constant 1 : i32
        %add3A_161 = arith.addi %mul3A_129, %add3A_160 : i32
        "tpu.region"() ({
          %run_scoped3A_162 = tpu.sem_alloc : memref<!tpu.dma_semaphore, #tpu.memory_space<semaphore_mem>>
          %dma_start3A_163 = arith.constant 0 : i32
          %dma_start3A_164 = tpu.memref_slice %arg8[%add3A_161, %dma_start3A_163] : memref<48x128xi32, #tpu.memory_space<vmem>> -> memref<1x128xi32, #tpu.memory_space<vmem>>
          %dma_start3A_165 = tpu.memref_squeeze %dma_start3A_164 : memref<1x128xi32, #tpu.memory_space<vmem>> -> memref<128xi32, #tpu.memory_space<vmem>>
          %dma_start3A_166 = arith.constant 0 : i32
          %dma_start3A_167 = arith.constant 0 : i32
          %dma_start3A_168 = tpu.memref_slice %arg11[%dma_start3A_166, %dma_start3A_167] : memref<10240x128xf32, #tpu.memory_space<vmem_shared>> -> memref<10240x128xf32, #tpu.memory_space<vmem_shared>>
          tpu.enqueue_indirect_dma source(%arg10 : memref<128x128xf32, #tpu.memory_space<vmem>>) target(%dma_start3A_168 : memref<10240x128xf32, #tpu.memory_space<vmem_shared>>) offsets(%dma_start3A_165 : memref<128xi32, #tpu.memory_space<vmem>>) semaphore(%run_scoped3A_162 : memref<!tpu.dma_semaphore, #tpu.memory_space<semaphore_mem>>) {add = true}
          %dma_wait3A_169 = arith.constant 0 : i32
          %dma_wait3A_170 = tpu.memref_slice %arg8[%add3A_161, %dma_wait3A_169] : memref<48x128xi32, #tpu.memory_space<vmem>> -> memref<1x128xi32, #tpu.memory_space<vmem>>
          %dma_wait3A_171 = tpu.memref_squeeze %dma_wait3A_170 : memref<1x128xi32, #tpu.memory_space<vmem>> -> memref<128xi32, #tpu.memory_space<vmem>>
          %dma_wait3A_172 = arith.constant 0 : i32
          %dma_wait3A_173 = arith.constant 0 : i32
          %dma_wait3A_174 = tpu.memref_slice %arg11[%dma_wait3A_172, %dma_wait3A_173] : memref<10240x128xf32, #tpu.memory_space<vmem_shared>> -> memref<10240x128xf32, #tpu.memory_space<vmem_shared>>
          tpu.wait_indirect_dma semaphore(%run_scoped3A_162 : memref<!tpu.dma_semaphore, #tpu.memory_space<semaphore_mem>>) src(%arg10 : memref<128x128xf32, #tpu.memory_space<vmem>>) dst(%dma_wait3A_174 : memref<10240x128xf32, #tpu.memory_space<vmem_shared>>)
          tpu.yield
        }) : () -> ()
      }
      %scan3A_62 = arith.constant 23 : i32
      %dma_wait3A_63 = arith.constant 46 : i32
      %dma_wait3A_64 = arith.constant 0 : i32
      %dma_wait3A_65 = tpu.memref_slice %arg7[%dma_wait3A_63, %dma_wait3A_64] : memref<48x128xi32, #tpu.memory_space<vmem>> -> memref<1x128xi32, #tpu.memory_space<vmem>>
      %dma_wait3A_66 = tpu.memref_squeeze %dma_wait3A_65 : memref<1x128xi32, #tpu.memory_space<vmem>> -> memref<128xi32, #tpu.memory_space<vmem>>
      %dma_wait3A_67 = arith.constant 0 : i32
      %dma_wait3A_68 = arith.constant 0 : i32
      %dma_wait3A_69 = tpu.memref_slice %arg2[%dma_wait3A_67, %dma_wait3A_68] : memref<10240x128xf32, #tpu.memory_space<hbm>> -> memref<10240x128xf32, #tpu.memory_space<hbm>>
      tpu.wait_indirect_dma semaphore(%arg12 : memref<!tpu.dma_semaphore, #tpu.memory_space<semaphore_mem>>) src(%dma_wait3A_69 : memref<10240x128xf32, #tpu.memory_space<hbm>>) dst(%arg9 : memref<128x128xf32, #tpu.memory_space<vmem>>)
      %dma_start3A_70 = arith.constant 47 : i32
      %dma_start3A_71 = arith.constant 0 : i32
      %dma_start3A_72 = tpu.memref_slice %arg7[%dma_start3A_70, %dma_start3A_71] : memref<48x128xi32, #tpu.memory_space<vmem>> -> memref<1x128xi32, #tpu.memory_space<vmem>>
      %dma_start3A_73 = tpu.memref_squeeze %dma_start3A_72 : memref<1x128xi32, #tpu.memory_space<vmem>> -> memref<128xi32, #tpu.memory_space<vmem>>
      %dma_start3A_74 = arith.constant 0 : i32
      %dma_start3A_75 = arith.constant 0 : i32
      %dma_start3A_76 = tpu.memref_slice %arg2[%dma_start3A_74, %dma_start3A_75] : memref<10240x128xf32, #tpu.memory_space<hbm>> -> memref<10240x128xf32, #tpu.memory_space<hbm>>
      tpu.enqueue_indirect_dma source(%dma_start3A_76 : memref<10240x128xf32, #tpu.memory_space<hbm>>) target(%arg10 : memref<128x128xf32, #tpu.memory_space<vmem>>) offsets(%dma_start3A_73 : memref<128xi32, #tpu.memory_space<vmem>>) semaphore(%arg13 : memref<!tpu.dma_semaphore, #tpu.memory_space<semaphore_mem>>)
      %run_scoped3A_77 = arith.constant 46 : i32
      "tpu.region"() ({
        %run_scoped3A_123 = tpu.sem_alloc : memref<!tpu.dma_semaphore, #tpu.memory_space<semaphore_mem>>
        %dma_start3A_124 = arith.constant 0 : i32
        %dma_start3A_125 = tpu.memref_slice %arg8[%run_scoped3A_77, %dma_start3A_124] : memref<48x128xi32, #tpu.memory_space<vmem>> -> memref<1x128xi32, #tpu.memory_space<vmem>>
        %dma_start3A_126 = tpu.memref_squeeze %dma_start3A_125 : memref<1x128xi32, #tpu.memory_space<vmem>> -> memref<128xi32, #tpu.memory_space<vmem>>
        %dma_start3A_127 = arith.constant 0 : i32
        %dma_start3A_128 = arith.constant 0 : i32
        %dma_start3A_129 = tpu.memref_slice %arg11[%dma_start3A_127, %dma_start3A_128] : memref<10240x128xf32, #tpu.memory_space<vmem_shared>> -> memref<10240x128xf32, #tpu.memory_space<vmem_shared>>
        tpu.enqueue_indirect_dma source(%arg9 : memref<128x128xf32, #tpu.memory_space<vmem>>) target(%dma_start3A_129 : memref<10240x128xf32, #tpu.memory_space<vmem_shared>>) offsets(%dma_start3A_126 : memref<128xi32, #tpu.memory_space<vmem>>) semaphore(%run_scoped3A_123 : memref<!tpu.dma_semaphore, #tpu.memory_space<semaphore_mem>>) {add = true}
        %dma_wait3A_130 = arith.constant 0 : i32
        %dma_wait3A_131 = tpu.memref_slice %arg8[%run_scoped3A_77, %dma_wait3A_130] : memref<48x128xi32, #tpu.memory_space<vmem>> -> memref<1x128xi32, #tpu.memory_space<vmem>>
        %dma_wait3A_132 = tpu.memref_squeeze %dma_wait3A_131 : memref<1x128xi32, #tpu.memory_space<vmem>> -> memref<128xi32, #tpu.memory_space<vmem>>
        %dma_wait3A_133 = arith.constant 0 : i32
        %dma_wait3A_134 = arith.constant 0 : i32
        %dma_wait3A_135 = tpu.memref_slice %arg11[%dma_wait3A_133, %dma_wait3A_134] : memref<10240x128xf32, #tpu.memory_space<vmem_shared>> -> memref<10240x128xf32, #tpu.memory_space<vmem_shared>>
        tpu.wait_indirect_dma semaphore(%run_scoped3A_123 : memref<!tpu.dma_semaphore, #tpu.memory_space<semaphore_mem>>) src(%arg9 : memref<128x128xf32, #tpu.memory_space<vmem>>) dst(%dma_wait3A_135 : memref<10240x128xf32, #tpu.memory_space<vmem_shared>>)
        tpu.yield
      }) : () -> ()
      %dma_wait3A_78 = arith.constant 47 : i32
      %dma_wait3A_79 = arith.constant 0 : i32
      %dma_wait3A_80 = tpu.memref_slice %arg7[%dma_wait3A_78, %dma_wait3A_79] : memref<48x128xi32, #tpu.memory_space<vmem>> -> memref<1x128xi32, #tpu.memory_space<vmem>>
      %dma_wait3A_81 = tpu.memref_squeeze %dma_wait3A_80 : memref<1x128xi32, #tpu.memory_space<vmem>> -> memref<128xi32, #tpu.memory_space<vmem>>
      %dma_wait3A_82 = arith.constant 0 : i32
      %dma_wait3A_83 = arith.constant 0 : i32
      %dma_wait3A_84 = tpu.memref_slice %arg2[%dma_wait3A_82, %dma_wait3A_83] : memref<10240x128xf32, #tpu.memory_space<hbm>> -> memref<10240x128xf32, #tpu.memory_space<hbm>>
      tpu.wait_indirect_dma semaphore(%arg13 : memref<!tpu.dma_semaphore, #tpu.memory_space<semaphore_mem>>) src(%dma_wait3A_84 : memref<10240x128xf32, #tpu.memory_space<hbm>>) dst(%arg10 : memref<128x128xf32, #tpu.memory_space<vmem>>)
      %run_scoped3A_85 = arith.constant 47 : i32
      "tpu.region"() ({
        %run_scoped3A_123 = tpu.sem_alloc : memref<!tpu.dma_semaphore, #tpu.memory_space<semaphore_mem>>
        %dma_start3A_124 = arith.constant 0 : i32
        %dma_start3A_125 = tpu.memref_slice %arg8[%run_scoped3A_85, %dma_start3A_124] : memref<48x128xi32, #tpu.memory_space<vmem>> -> memref<1x128xi32, #tpu.memory_space<vmem>>
        %dma_start3A_126 = tpu.memref_squeeze %dma_start3A_125 : memref<1x128xi32, #tpu.memory_space<vmem>> -> memref<128xi32, #tpu.memory_space<vmem>>
        %dma_start3A_127 = arith.constant 0 : i32
        %dma_start3A_128 = arith.constant 0 : i32
        %dma_start3A_129 = tpu.memref_slice %arg11[%dma_start3A_127, %dma_start3A_128] : memref<10240x128xf32, #tpu.memory_space<vmem_shared>> -> memref<10240x128xf32, #tpu.memory_space<vmem_shared>>
        tpu.enqueue_indirect_dma source(%arg10 : memref<128x128xf32, #tpu.memory_space<vmem>>) target(%dma_start3A_129 : memref<10240x128xf32, #tpu.memory_space<vmem_shared>>) offsets(%dma_start3A_126 : memref<128xi32, #tpu.memory_space<vmem>>) semaphore(%run_scoped3A_123 : memref<!tpu.dma_semaphore, #tpu.memory_space<semaphore_mem>>) {add = true}
        %dma_wait3A_130 = arith.constant 0 : i32
        %dma_wait3A_131 = tpu.memref_slice %arg8[%run_scoped3A_85, %dma_wait3A_130] : memref<48x128xi32, #tpu.memory_space<vmem>> -> memref<1x128xi32, #tpu.memory_space<vmem>>
        %dma_wait3A_132 = tpu.memref_squeeze %dma_wait3A_131 : memref<1x128xi32, #tpu.memory_space<vmem>> -> memref<128xi32, #tpu.memory_space<vmem>>
        %dma_wait3A_133 = arith.constant 0 : i32
        %dma_wait3A_134 = arith.constant 0 : i32
        %dma_wait3A_135 = tpu.memref_slice %arg11[%dma_wait3A_133, %dma_wait3A_134] : memref<10240x128xf32, #tpu.memory_space<vmem_shared>> -> memref<10240x128xf32, #tpu.memory_space<vmem_shared>>
        tpu.wait_indirect_dma semaphore(%run_scoped3A_123 : memref<!tpu.dma_semaphore, #tpu.memory_space<semaphore_mem>>) src(%arg10 : memref<128x128xf32, #tpu.memory_space<vmem>>) dst(%dma_wait3A_135 : memref<10240x128xf32, #tpu.memory_space<vmem_shared>>)
        tpu.yield
      }) : () -> ()
      %add3A_86 = arith.constant 96 : i32
      %add3A_87 = arith.addi %mul3A_15, %add3A_86 : i32
      "tpu.region"() ({
        %run_scoped3A_123 = tpu.sem_alloc : memref<!tpu.dma_semaphore, #tpu.memory_space<semaphore_mem>>
        %dma_start3A_124 = arith.constant 0 : i32
        %dma_start3A_125 = arith.constant 0 : i32
        %dma_start3A_126 = tpu.memref_slice %arg7[%dma_start3A_124, %dma_start3A_125] : memref<48x128xi32, #tpu.memory_space<vmem>> -> memref<48x128xi32, #tpu.memory_space<vmem>>
        %dma_start3A_127 = arith.constant 0 : i32
        %dma_start3A_128 = tpu.memref_slice %arg3[%add3A_87, %dma_start3A_127] : memref<2560x128xi32, #tpu.memory_space<hbm>> -> memref<48x128xi32, #tpu.memory_space<hbm>>
        %dma_start3A_129 = arith.constant 0 : i32
        %dma_start3A_130 = arith.constant 0 : i32
        %dma_start3A_131 = tpu.memref_slice %arg7[%dma_start3A_129, %dma_start3A_130] : memref<48x128xi32, #tpu.memory_space<vmem>> -> memref<48x128xi32, #tpu.memory_space<vmem>>
        %dma_start3A_132 = arith.constant 0 : i32
        %dma_start3A_133 = tpu.memref_slice %arg3[%add3A_87, %dma_start3A_132] : memref<2560x128xi32, #tpu.memory_space<hbm>> -> memref<48x128xi32, #tpu.memory_space<hbm>>
        tpu.enqueue_dma source(%dma_start3A_133 : memref<48x128xi32, #tpu.memory_space<hbm>>) target(%dma_start3A_131 : memref<48x128xi32, #tpu.memory_space<vmem>>) target_semaphore(%run_scoped3A_123 : memref<!tpu.dma_semaphore, #tpu.memory_space<semaphore_mem>>)
        %dma_wait3A_134 = arith.constant 0 : i32
        %dma_wait3A_135 = arith.constant 0 : i32
        %dma_wait3A_136 = tpu.memref_slice %arg7[%dma_wait3A_134, %dma_wait3A_135] : memref<48x128xi32, #tpu.memory_space<vmem>> -> memref<48x128xi32, #tpu.memory_space<vmem>>
        %dma_wait3A_137 = arith.constant 0 : i32
        %dma_wait3A_138 = tpu.memref_slice %arg3[%add3A_87, %dma_wait3A_137] : memref<2560x128xi32, #tpu.memory_space<hbm>> -> memref<48x128xi32, #tpu.memory_space<hbm>>
        %dma_wait3A_139 = arith.constant 0 : i32
        %dma_wait3A_140 = arith.constant 0 : i32
        %dma_wait3A_141 = tpu.memref_slice %arg7[%dma_wait3A_139, %dma_wait3A_140] : memref<48x128xi32, #tpu.memory_space<vmem>> -> memref<48x128xi32, #tpu.memory_space<vmem>>
        %dma_wait3A_142 = arith.constant 0 : i32
        %dma_wait3A_143 = tpu.memref_slice %arg3[%add3A_87, %dma_wait3A_142] : memref<2560x128xi32, #tpu.memory_space<hbm>> -> memref<48x128xi32, #tpu.memory_space<hbm>>
        tpu.wait_dma2 semaphore(%run_scoped3A_123 : memref<!tpu.dma_semaphore, #tpu.memory_space<semaphore_mem>>) src(%dma_wait3A_143 : memref<48x128xi32, #tpu.memory_space<hbm>>) dst(%dma_wait3A_141 : memref<48x128xi32, #tpu.memory_space<vmem>>)
        tpu.yield
      }) : () -> ()
      "tpu.region"() ({
        %run_scoped3A_123 = tpu.sem_alloc : memref<!tpu.dma_semaphore, #tpu.memory_space<semaphore_mem>>
        %dma_start3A_124 = arith.constant 0 : i32
        %dma_start3A_125 = arith.constant 0 : i32
        %dma_start3A_126 = tpu.memref_slice %arg8[%dma_start3A_124, %dma_start3A_125] : memref<48x128xi32, #tpu.memory_space<vmem>> -> memref<48x128xi32, #tpu.memory_space<vmem>>
        %dma_start3A_127 = arith.constant 0 : i32
        %dma_start3A_128 = tpu.memref_slice %arg4[%add3A_87, %dma_start3A_127] : memref<2560x128xi32, #tpu.memory_space<hbm>> -> memref<48x128xi32, #tpu.memory_space<hbm>>
        %dma_start3A_129 = arith.constant 0 : i32
        %dma_start3A_130 = arith.constant 0 : i32
        %dma_start3A_131 = tpu.memref_slice %arg8[%dma_start3A_129, %dma_start3A_130] : memref<48x128xi32, #tpu.memory_space<vmem>> -> memref<48x128xi32, #tpu.memory_space<vmem>>
        %dma_start3A_132 = arith.constant 0 : i32
        %dma_start3A_133 = tpu.memref_slice %arg4[%add3A_87, %dma_start3A_132] : memref<2560x128xi32, #tpu.memory_space<hbm>> -> memref<48x128xi32, #tpu.memory_space<hbm>>
        tpu.enqueue_dma source(%dma_start3A_133 : memref<48x128xi32, #tpu.memory_space<hbm>>) target(%dma_start3A_131 : memref<48x128xi32, #tpu.memory_space<vmem>>) target_semaphore(%run_scoped3A_123 : memref<!tpu.dma_semaphore, #tpu.memory_space<semaphore_mem>>)
        %dma_wait3A_134 = arith.constant 0 : i32
        %dma_wait3A_135 = arith.constant 0 : i32
        %dma_wait3A_136 = tpu.memref_slice %arg8[%dma_wait3A_134, %dma_wait3A_135] : memref<48x128xi32, #tpu.memory_space<vmem>> -> memref<48x128xi32, #tpu.memory_space<vmem>>
        %dma_wait3A_137 = arith.constant 0 : i32
        %dma_wait3A_138 = tpu.memref_slice %arg4[%add3A_87, %dma_wait3A_137] : memref<2560x128xi32, #tpu.memory_space<hbm>> -> memref<48x128xi32, #tpu.memory_space<hbm>>
        %dma_wait3A_139 = arith.constant 0 : i32
        %dma_wait3A_140 = arith.constant 0 : i32
        %dma_wait3A_141 = tpu.memref_slice %arg8[%dma_wait3A_139, %dma_wait3A_140] : memref<48x128xi32, #tpu.memory_space<vmem>> -> memref<48x128xi32, #tpu.memory_space<vmem>>
        %dma_wait3A_142 = arith.constant 0 : i32
        %dma_wait3A_143 = tpu.memref_slice %arg4[%add3A_87, %dma_wait3A_142] : memref<2560x128xi32, #tpu.memory_space<hbm>> -> memref<48x128xi32, #tpu.memory_space<hbm>>
        tpu.wait_dma2 semaphore(%run_scoped3A_123 : memref<!tpu.dma_semaphore, #tpu.memory_space<semaphore_mem>>) src(%dma_wait3A_143 : memref<48x128xi32, #tpu.memory_space<hbm>>) dst(%dma_wait3A_141 : memref<48x128xi32, #tpu.memory_space<vmem>>)
        tpu.yield
      }) : () -> ()
      %dma_start3A_88 = arith.constant 0 : i32
      %dma_start3A_89 = arith.constant 0 : i32
      %dma_start3A_90 = tpu.memref_slice %arg7[%dma_start3A_88, %dma_start3A_89] : memref<48x128xi32, #tpu.memory_space<vmem>> -> memref<1x128xi32, #tpu.memory_space<vmem>>
      %dma_start3A_91 = tpu.memref_squeeze %dma_start3A_90 : memref<1x128xi32, #tpu.memory_space<vmem>> -> memref<128xi32, #tpu.memory_space<vmem>>
      %dma_start3A_92 = arith.constant 0 : i32
      %dma_start3A_93 = arith.constant 0 : i32
      %dma_start3A_94 = tpu.memref_slice %arg2[%dma_start3A_92, %dma_start3A_93] : memref<10240x128xf32, #tpu.memory_space<hbm>> -> memref<10240x128xf32, #tpu.memory_space<hbm>>
      tpu.enqueue_indirect_dma source(%dma_start3A_94 : memref<10240x128xf32, #tpu.memory_space<hbm>>) target(%arg9 : memref<128x128xf32, #tpu.memory_space<vmem>>) offsets(%dma_start3A_91 : memref<128xi32, #tpu.memory_space<vmem>>) semaphore(%arg12 : memref<!tpu.dma_semaphore, #tpu.memory_space<semaphore_mem>>)
      %scan3A_95 = arith.constant 0 : i32
      %scan3A_96 = arith.constant 23 : i32
      %scan3A_97 = arith.addi %scan3A_95, %scan3A_96 : i32
      %scan3A_98 = arith.constant 1 : i32
      scf.for %scan3A_123 = %scan3A_95 to %scan3A_97 step %scan3A_98  : i32 {
        %mul3A_124 = arith.constant 1 : i32
        %mul3A_125 = arith.muli %scan3A_123, %mul3A_124 : i32
        %add3A_126 = arith.constant 0 : i32
        %add3A_127 = arith.addi %add3A_126, %mul3A_125 : i32
        %mul3A_128 = arith.constant 2 : i32
        %mul3A_129 = arith.muli %mul3A_128, %add3A_127 : i32
        %dma_wait3A_130 = arith.constant 0 : i32
        %dma_wait3A_131 = tpu.memref_slice %arg7[%mul3A_129, %dma_wait3A_130] : memref<48x128xi32, #tpu.memory_space<vmem>> -> memref<1x128xi32, #tpu.memory_space<vmem>>
        %dma_wait3A_132 = tpu.memref_squeeze %dma_wait3A_131 : memref<1x128xi32, #tpu.memory_space<vmem>> -> memref<128xi32, #tpu.memory_space<vmem>>
        %dma_wait3A_133 = arith.constant 0 : i32
        %dma_wait3A_134 = arith.constant 0 : i32
        %dma_wait3A_135 = tpu.memref_slice %arg2[%dma_wait3A_133, %dma_wait3A_134] : memref<10240x128xf32, #tpu.memory_space<hbm>> -> memref<10240x128xf32, #tpu.memory_space<hbm>>
        tpu.wait_indirect_dma semaphore(%arg12 : memref<!tpu.dma_semaphore, #tpu.memory_space<semaphore_mem>>) src(%dma_wait3A_135 : memref<10240x128xf32, #tpu.memory_space<hbm>>) dst(%arg9 : memref<128x128xf32, #tpu.memory_space<vmem>>)
        %add3A_136 = arith.constant 1 : i32
        %add3A_137 = arith.addi %mul3A_129, %add3A_136 : i32
        %dma_start3A_138 = arith.constant 0 : i32
        %dma_start3A_139 = tpu.memref_slice %arg7[%add3A_137, %dma_start3A_138] : memref<48x128xi32, #tpu.memory_space<vmem>> -> memref<1x128xi32, #tpu.memory_space<vmem>>
        %dma_start3A_140 = tpu.memref_squeeze %dma_start3A_139 : memref<1x128xi32, #tpu.memory_space<vmem>> -> memref<128xi32, #tpu.memory_space<vmem>>
        %dma_start3A_141 = arith.constant 0 : i32
        %dma_start3A_142 = arith.constant 0 : i32
        %dma_start3A_143 = tpu.memref_slice %arg2[%dma_start3A_141, %dma_start3A_142] : memref<10240x128xf32, #tpu.memory_space<hbm>> -> memref<10240x128xf32, #tpu.memory_space<hbm>>
        tpu.enqueue_indirect_dma source(%dma_start3A_143 : memref<10240x128xf32, #tpu.memory_space<hbm>>) target(%arg10 : memref<128x128xf32, #tpu.memory_space<vmem>>) offsets(%dma_start3A_140 : memref<128xi32, #tpu.memory_space<vmem>>) semaphore(%arg13 : memref<!tpu.dma_semaphore, #tpu.memory_space<semaphore_mem>>)
        "tpu.region"() ({
          %run_scoped3A_162 = tpu.sem_alloc : memref<!tpu.dma_semaphore, #tpu.memory_space<semaphore_mem>>
          %dma_start3A_163 = arith.constant 0 : i32
          %dma_start3A_164 = tpu.memref_slice %arg8[%mul3A_129, %dma_start3A_163] : memref<48x128xi32, #tpu.memory_space<vmem>> -> memref<1x128xi32, #tpu.memory_space<vmem>>
          %dma_start3A_165 = tpu.memref_squeeze %dma_start3A_164 : memref<1x128xi32, #tpu.memory_space<vmem>> -> memref<128xi32, #tpu.memory_space<vmem>>
          %dma_start3A_166 = arith.constant 0 : i32
          %dma_start3A_167 = arith.constant 0 : i32
          %dma_start3A_168 = tpu.memref_slice %arg11[%dma_start3A_166, %dma_start3A_167] : memref<10240x128xf32, #tpu.memory_space<vmem_shared>> -> memref<10240x128xf32, #tpu.memory_space<vmem_shared>>
          tpu.enqueue_indirect_dma source(%arg9 : memref<128x128xf32, #tpu.memory_space<vmem>>) target(%dma_start3A_168 : memref<10240x128xf32, #tpu.memory_space<vmem_shared>>) offsets(%dma_start3A_165 : memref<128xi32, #tpu.memory_space<vmem>>) semaphore(%run_scoped3A_162 : memref<!tpu.dma_semaphore, #tpu.memory_space<semaphore_mem>>) {add = true}
          %dma_wait3A_169 = arith.constant 0 : i32
          %dma_wait3A_170 = tpu.memref_slice %arg8[%mul3A_129, %dma_wait3A_169] : memref<48x128xi32, #tpu.memory_space<vmem>> -> memref<1x128xi32, #tpu.memory_space<vmem>>
          %dma_wait3A_171 = tpu.memref_squeeze %dma_wait3A_170 : memref<1x128xi32, #tpu.memory_space<vmem>> -> memref<128xi32, #tpu.memory_space<vmem>>
          %dma_wait3A_172 = arith.constant 0 : i32
          %dma_wait3A_173 = arith.constant 0 : i32
          %dma_wait3A_174 = tpu.memref_slice %arg11[%dma_wait3A_172, %dma_wait3A_173] : memref<10240x128xf32, #tpu.memory_space<vmem_shared>> -> memref<10240x128xf32, #tpu.memory_space<vmem_shared>>
          tpu.wait_indirect_dma semaphore(%run_scoped3A_162 : memref<!tpu.dma_semaphore, #tpu.memory_space<semaphore_mem>>) src(%arg9 : memref<128x128xf32, #tpu.memory_space<vmem>>) dst(%dma_wait3A_174 : memref<10240x128xf32, #tpu.memory_space<vmem_shared>>)
          tpu.yield
        }) : () -> ()
        %add3A_144 = arith.constant 1 : i32
        %add3A_145 = arith.addi %mul3A_129, %add3A_144 : i32
        %dma_wait3A_146 = arith.constant 0 : i32
        %dma_wait3A_147 = tpu.memref_slice %arg7[%add3A_145, %dma_wait3A_146] : memref<48x128xi32, #tpu.memory_space<vmem>> -> memref<1x128xi32, #tpu.memory_space<vmem>>
        %dma_wait3A_148 = tpu.memref_squeeze %dma_wait3A_147 : memref<1x128xi32, #tpu.memory_space<vmem>> -> memref<128xi32, #tpu.memory_space<vmem>>
        %dma_wait3A_149 = arith.constant 0 : i32
        %dma_wait3A_150 = arith.constant 0 : i32
        %dma_wait3A_151 = tpu.memref_slice %arg2[%dma_wait3A_149, %dma_wait3A_150] : memref<10240x128xf32, #tpu.memory_space<hbm>> -> memref<10240x128xf32, #tpu.memory_space<hbm>>
        tpu.wait_indirect_dma semaphore(%arg13 : memref<!tpu.dma_semaphore, #tpu.memory_space<semaphore_mem>>) src(%dma_wait3A_151 : memref<10240x128xf32, #tpu.memory_space<hbm>>) dst(%arg10 : memref<128x128xf32, #tpu.memory_space<vmem>>)
        %add3A_152 = arith.constant 2 : i32
        %add3A_153 = arith.addi %mul3A_129, %add3A_152 : i32
        %dma_start3A_154 = arith.constant 0 : i32
        %dma_start3A_155 = tpu.memref_slice %arg7[%add3A_153, %dma_start3A_154] : memref<48x128xi32, #tpu.memory_space<vmem>> -> memref<1x128xi32, #tpu.memory_space<vmem>>
        %dma_start3A_156 = tpu.memref_squeeze %dma_start3A_155 : memref<1x128xi32, #tpu.memory_space<vmem>> -> memref<128xi32, #tpu.memory_space<vmem>>
        %dma_start3A_157 = arith.constant 0 : i32
        %dma_start3A_158 = arith.constant 0 : i32
        %dma_start3A_159 = tpu.memref_slice %arg2[%dma_start3A_157, %dma_start3A_158] : memref<10240x128xf32, #tpu.memory_space<hbm>> -> memref<10240x128xf32, #tpu.memory_space<hbm>>
        tpu.enqueue_indirect_dma source(%dma_start3A_159 : memref<10240x128xf32, #tpu.memory_space<hbm>>) target(%arg9 : memref<128x128xf32, #tpu.memory_space<vmem>>) offsets(%dma_start3A_156 : memref<128xi32, #tpu.memory_space<vmem>>) semaphore(%arg12 : memref<!tpu.dma_semaphore, #tpu.memory_space<semaphore_mem>>)
        %add3A_160 = arith.constant 1 : i32
        %add3A_161 = arith.addi %mul3A_129, %add3A_160 : i32
        "tpu.region"() ({
          %run_scoped3A_162 = tpu.sem_alloc : memref<!tpu.dma_semaphore, #tpu.memory_space<semaphore_mem>>
          %dma_start3A_163 = arith.constant 0 : i32
          %dma_start3A_164 = tpu.memref_slice %arg8[%add3A_161, %dma_start3A_163] : memref<48x128xi32, #tpu.memory_space<vmem>> -> memref<1x128xi32, #tpu.memory_space<vmem>>
          %dma_start3A_165 = tpu.memref_squeeze %dma_start3A_164 : memref<1x128xi32, #tpu.memory_space<vmem>> -> memref<128xi32, #tpu.memory_space<vmem>>
          %dma_start3A_166 = arith.constant 0 : i32
          %dma_start3A_167 = arith.constant 0 : i32
          %dma_start3A_168 = tpu.memref_slice %arg11[%dma_start3A_166, %dma_start3A_167] : memref<10240x128xf32, #tpu.memory_space<vmem_shared>> -> memref<10240x128xf32, #tpu.memory_space<vmem_shared>>
          tpu.enqueue_indirect_dma source(%arg10 : memref<128x128xf32, #tpu.memory_space<vmem>>) target(%dma_start3A_168 : memref<10240x128xf32, #tpu.memory_space<vmem_shared>>) offsets(%dma_start3A_165 : memref<128xi32, #tpu.memory_space<vmem>>) semaphore(%run_scoped3A_162 : memref<!tpu.dma_semaphore, #tpu.memory_space<semaphore_mem>>) {add = true}
          %dma_wait3A_169 = arith.constant 0 : i32
          %dma_wait3A_170 = tpu.memref_slice %arg8[%add3A_161, %dma_wait3A_169] : memref<48x128xi32, #tpu.memory_space<vmem>> -> memref<1x128xi32, #tpu.memory_space<vmem>>
          %dma_wait3A_171 = tpu.memref_squeeze %dma_wait3A_170 : memref<1x128xi32, #tpu.memory_space<vmem>> -> memref<128xi32, #tpu.memory_space<vmem>>
          %dma_wait3A_172 = arith.constant 0 : i32
          %dma_wait3A_173 = arith.constant 0 : i32
          %dma_wait3A_174 = tpu.memref_slice %arg11[%dma_wait3A_172, %dma_wait3A_173] : memref<10240x128xf32, #tpu.memory_space<vmem_shared>> -> memref<10240x128xf32, #tpu.memory_space<vmem_shared>>
          tpu.wait_indirect_dma semaphore(%run_scoped3A_162 : memref<!tpu.dma_semaphore, #tpu.memory_space<semaphore_mem>>) src(%arg10 : memref<128x128xf32, #tpu.memory_space<vmem>>) dst(%dma_wait3A_174 : memref<10240x128xf32, #tpu.memory_space<vmem_shared>>)
          tpu.yield
        }) : () -> ()
      }
      %scan3A_99 = arith.constant 23 : i32
      %dma_wait3A_100 = arith.constant 46 : i32
      %dma_wait3A_101 = arith.constant 0 : i32
      %dma_wait3A_102 = tpu.memref_slice %arg7[%dma_wait3A_100, %dma_wait3A_101] : memref<48x128xi32, #tpu.memory_space<vmem>> -> memref<1x128xi32, #tpu.memory_space<vmem>>
      %dma_wait3A_103 = tpu.memref_squeeze %dma_wait3A_102 : memref<1x128xi32, #tpu.memory_space<vmem>> -> memref<128xi32, #tpu.memory_space<vmem>>
      %dma_wait3A_104 = arith.constant 0 : i32
      %dma_wait3A_105 = arith.constant 0 : i32
      %dma_wait3A_106 = tpu.memref_slice %arg2[%dma_wait3A_104, %dma_wait3A_105] : memref<10240x128xf32, #tpu.memory_space<hbm>> -> memref<10240x128xf32, #tpu.memory_space<hbm>>
      tpu.wait_indirect_dma semaphore(%arg12 : memref<!tpu.dma_semaphore, #tpu.memory_space<semaphore_mem>>) src(%dma_wait3A_106 : memref<10240x128xf32, #tpu.memory_space<hbm>>) dst(%arg9 : memref<128x128xf32, #tpu.memory_space<vmem>>)
      %dma_start3A_107 = arith.constant 47 : i32
      %dma_start3A_108 = arith.constant 0 : i32
      %dma_start3A_109 = tpu.memref_slice %arg7[%dma_start3A_107, %dma_start3A_108] : memref<48x128xi32, #tpu.memory_space<vmem>> -> memref<1x128xi32, #tpu.memory_space<vmem>>
      %dma_start3A_110 = tpu.memref_squeeze %dma_start3A_109 : memref<1x128xi32, #tpu.memory_space<vmem>> -> memref<128xi32, #tpu.memory_space<vmem>>
      %dma_start3A_111 = arith.constant 0 : i32
      %dma_start3A_112 = arith.constant 0 : i32
      %dma_start3A_113 = tpu.memref_slice %arg2[%dma_start3A_111, %dma_start3A_112] : memref<10240x128xf32, #tpu.memory_space<hbm>> -> memref<10240x128xf32, #tpu.memory_space<hbm>>
      tpu.enqueue_indirect_dma source(%dma_start3A_113 : memref<10240x128xf32, #tpu.memory_space<hbm>>) target(%arg10 : memref<128x128xf32, #tpu.memory_space<vmem>>) offsets(%dma_start3A_110 : memref<128xi32, #tpu.memory_space<vmem>>) semaphore(%arg13 : memref<!tpu.dma_semaphore, #tpu.memory_space<semaphore_mem>>)
      %run_scoped3A_114 = arith.constant 46 : i32
      "tpu.region"() ({
        %run_scoped3A_123 = tpu.sem_alloc : memref<!tpu.dma_semaphore, #tpu.memory_space<semaphore_mem>>
        %dma_start3A_124 = arith.constant 0 : i32
        %dma_start3A_125 = tpu.memref_slice %arg8[%run_scoped3A_114, %dma_start3A_124] : memref<48x128xi32, #tpu.memory_space<vmem>> -> memref<1x128xi32, #tpu.memory_space<vmem>>
        %dma_start3A_126 = tpu.memref_squeeze %dma_start3A_125 : memref<1x128xi32, #tpu.memory_space<vmem>> -> memref<128xi32, #tpu.memory_space<vmem>>
        %dma_start3A_127 = arith.constant 0 : i32
        %dma_start3A_128 = arith.constant 0 : i32
        %dma_start3A_129 = tpu.memref_slice %arg11[%dma_start3A_127, %dma_start3A_128] : memref<10240x128xf32, #tpu.memory_space<vmem_shared>> -> memref<10240x128xf32, #tpu.memory_space<vmem_shared>>
        tpu.enqueue_indirect_dma source(%arg9 : memref<128x128xf32, #tpu.memory_space<vmem>>) target(%dma_start3A_129 : memref<10240x128xf32, #tpu.memory_space<vmem_shared>>) offsets(%dma_start3A_126 : memref<128xi32, #tpu.memory_space<vmem>>) semaphore(%run_scoped3A_123 : memref<!tpu.dma_semaphore, #tpu.memory_space<semaphore_mem>>) {add = true}
        %dma_wait3A_130 = arith.constant 0 : i32
        %dma_wait3A_131 = tpu.memref_slice %arg8[%run_scoped3A_114, %dma_wait3A_130] : memref<48x128xi32, #tpu.memory_space<vmem>> -> memref<1x128xi32, #tpu.memory_space<vmem>>
        %dma_wait3A_132 = tpu.memref_squeeze %dma_wait3A_131 : memref<1x128xi32, #tpu.memory_space<vmem>> -> memref<128xi32, #tpu.memory_space<vmem>>
        %dma_wait3A_133 = arith.constant 0 : i32
        %dma_wait3A_134 = arith.constant 0 : i32
        %dma_wait3A_135 = tpu.memref_slice %arg11[%dma_wait3A_133, %dma_wait3A_134] : memref<10240x128xf32, #tpu.memory_space<vmem_shared>> -> memref<10240x128xf32, #tpu.memory_space<vmem_shared>>
        tpu.wait_indirect_dma semaphore(%run_scoped3A_123 : memref<!tpu.dma_semaphore, #tpu.memory_space<semaphore_mem>>) src(%arg9 : memref<128x128xf32, #tpu.memory_space<vmem>>) dst(%dma_wait3A_135 : memref<10240x128xf32, #tpu.memory_space<vmem_shared>>)
        tpu.yield
      }) : () -> ()
      %dma_wait3A_115 = arith.constant 47 : i32
      %dma_wait3A_116 = arith.constant 0 : i32
      %dma_wait3A_117 = tpu.memref_slice %arg7[%dma_wait3A_115, %dma_wait3A_116] : memref<48x128xi32, #tpu.memory_space<vmem>> -> memref<1x128xi32, #tpu.memory_space<vmem>>
      %dma_wait3A_118 = tpu.memref_squeeze %dma_wait3A_117 : memref<1x128xi32, #tpu.memory_space<vmem>> -> memref<128xi32, #tpu.memory_space<vmem>>
      %dma_wait3A_119 = arith.constant 0 : i32
      %dma_wait3A_120 = arith.constant 0 : i32
      %dma_wait3A_121 = tpu.memref_slice %arg2[%dma_wait3A_119, %dma_wait3A_120] : memref<10240x128xf32, #tpu.memory_space<hbm>> -> memref<10240x128xf32, #tpu.memory_space<hbm>>
      tpu.wait_indirect_dma semaphore(%arg13 : memref<!tpu.dma_semaphore, #tpu.memory_space<semaphore_mem>>) src(%dma_wait3A_121 : memref<10240x128xf32, #tpu.memory_space<hbm>>) dst(%arg10 : memref<128x128xf32, #tpu.memory_space<vmem>>)
      %run_scoped3A_122 = arith.constant 47 : i32
      "tpu.region"() ({
        %run_scoped3A_123 = tpu.sem_alloc : memref<!tpu.dma_semaphore, #tpu.memory_space<semaphore_mem>>
        %dma_start3A_124 = arith.constant 0 : i32
        %dma_start3A_125 = tpu.memref_slice %arg8[%run_scoped3A_122, %dma_start3A_124] : memref<48x128xi32, #tpu.memory_space<vmem>> -> memref<1x128xi32, #tpu.memory_space<vmem>>
        %dma_start3A_126 = tpu.memref_squeeze %dma_start3A_125 : memref<1x128xi32, #tpu.memory_space<vmem>> -> memref<128xi32, #tpu.memory_space<vmem>>
        %dma_start3A_127 = arith.constant 0 : i32
        %dma_start3A_128 = arith.constant 0 : i32
        %dma_start3A_129 = tpu.memref_slice %arg11[%dma_start3A_127, %dma_start3A_128] : memref<10240x128xf32, #tpu.memory_space<vmem_shared>> -> memref<10240x128xf32, #tpu.memory_space<vmem_shared>>
        tpu.enqueue_indirect_dma source(%arg10 : memref<128x128xf32, #tpu.memory_space<vmem>>) target(%dma_start3A_129 : memref<10240x128xf32, #tpu.memory_space<vmem_shared>>) offsets(%dma_start3A_126 : memref<128xi32, #tpu.memory_space<vmem>>) semaphore(%run_scoped3A_123 : memref<!tpu.dma_semaphore, #tpu.memory_space<semaphore_mem>>) {add = true}
        %dma_wait3A_130 = arith.constant 0 : i32
        %dma_wait3A_131 = tpu.memref_slice %arg8[%run_scoped3A_122, %dma_wait3A_130] : memref<48x128xi32, #tpu.memory_space<vmem>> -> memref<1x128xi32, #tpu.memory_space<vmem>>
        %dma_wait3A_132 = tpu.memref_squeeze %dma_wait3A_131 : memref<1x128xi32, #tpu.memory_space<vmem>> -> memref<128xi32, #tpu.memory_space<vmem>>
        %dma_wait3A_133 = arith.constant 0 : i32
        %dma_wait3A_134 = arith.constant 0 : i32
        %dma_wait3A_135 = tpu.memref_slice %arg11[%dma_wait3A_133, %dma_wait3A_134] : memref<10240x128xf32, #tpu.memory_space<vmem_shared>> -> memref<10240x128xf32, #tpu.memory_space<vmem_shared>>
        tpu.wait_indirect_dma semaphore(%run_scoped3A_123 : memref<!tpu.dma_semaphore, #tpu.memory_space<semaphore_mem>>) src(%arg10 : memref<128x128xf32, #tpu.memory_space<vmem>>) dst(%dma_wait3A_135 : memref<10240x128xf32, #tpu.memory_space<vmem_shared>>)
        tpu.yield
      }) : () -> ()
    } else {
    }
    %eq3A_5 = arith.constant 1 : i32
    %eq3A_6 = arith.cmpi eq, %arg0, %eq3A_5 : i32
    %convert_element_type3A_7 = arith.extui %eq3A_6 : i1 to i32
    %cond3A_8 = arith.constant 0 : i32
    %cond3A_9 = arith.cmpi ne, %convert_element_type3A_7, %cond3A_8 : i32
    scf.if %cond3A_9 {
      %mul3A_14 = arith.constant 16 : i32
      %mul3A_15 = arith.muli %arg1, %mul3A_14 : i32
      %add3A = arith.constant 2304 : i32
      %add3A_16 = arith.addi %add3A, %mul3A_15 : i32
      %add3A_17 = arith.constant 0 : i32
      %add3A_18 = arith.addi %add3A_16, %add3A_17 : i32
      "tpu.region"() ({
        %run_scoped3A_51 = tpu.sem_alloc : memref<!tpu.dma_semaphore, #tpu.memory_space<semaphore_mem>>
        %dma_start3A_52 = arith.constant 0 : i32
        %dma_start3A_53 = arith.constant 0 : i32
        %dma_start3A_54 = tpu.memref_slice %arg7[%dma_start3A_52, %dma_start3A_53] : memref<48x128xi32, #tpu.memory_space<vmem>> -> memref<16x128xi32, #tpu.memory_space<vmem>>
        %dma_start3A_55 = arith.constant 0 : i32
        %dma_start3A_56 = tpu.memref_slice %arg3[%add3A_18, %dma_start3A_55] : memref<2560x128xi32, #tpu.memory_space<hbm>> -> memref<16x128xi32, #tpu.memory_space<hbm>>
        %dma_start3A_57 = arith.constant 0 : i32
        %dma_start3A_58 = arith.constant 0 : i32
        %dma_start3A_59 = tpu.memref_slice %arg7[%dma_start3A_57, %dma_start3A_58] : memref<48x128xi32, #tpu.memory_space<vmem>> -> memref<16x128xi32, #tpu.memory_space<vmem>>
        %dma_start3A_60 = arith.constant 0 : i32
        %dma_start3A_61 = tpu.memref_slice %arg3[%add3A_18, %dma_start3A_60] : memref<2560x128xi32, #tpu.memory_space<hbm>> -> memref<16x128xi32, #tpu.memory_space<hbm>>
        tpu.enqueue_dma source(%dma_start3A_61 : memref<16x128xi32, #tpu.memory_space<hbm>>) target(%dma_start3A_59 : memref<16x128xi32, #tpu.memory_space<vmem>>) target_semaphore(%run_scoped3A_51 : memref<!tpu.dma_semaphore, #tpu.memory_space<semaphore_mem>>)
        %dma_wait3A_62 = arith.constant 0 : i32
        %dma_wait3A_63 = arith.constant 0 : i32
        %dma_wait3A_64 = tpu.memref_slice %arg7[%dma_wait3A_62, %dma_wait3A_63] : memref<48x128xi32, #tpu.memory_space<vmem>> -> memref<16x128xi32, #tpu.memory_space<vmem>>
        %dma_wait3A_65 = arith.constant 0 : i32
        %dma_wait3A_66 = tpu.memref_slice %arg3[%add3A_18, %dma_wait3A_65] : memref<2560x128xi32, #tpu.memory_space<hbm>> -> memref<16x128xi32, #tpu.memory_space<hbm>>
        %dma_wait3A_67 = arith.constant 0 : i32
        %dma_wait3A_68 = arith.constant 0 : i32
        %dma_wait3A_69 = tpu.memref_slice %arg7[%dma_wait3A_67, %dma_wait3A_68] : memref<48x128xi32, #tpu.memory_space<vmem>> -> memref<16x128xi32, #tpu.memory_space<vmem>>
        %dma_wait3A_70 = arith.constant 0 : i32
        %dma_wait3A_71 = tpu.memref_slice %arg3[%add3A_18, %dma_wait3A_70] : memref<2560x128xi32, #tpu.memory_space<hbm>> -> memref<16x128xi32, #tpu.memory_space<hbm>>
        tpu.wait_dma2 semaphore(%run_scoped3A_51 : memref<!tpu.dma_semaphore, #tpu.memory_space<semaphore_mem>>) src(%dma_wait3A_71 : memref<16x128xi32, #tpu.memory_space<hbm>>) dst(%dma_wait3A_69 : memref<16x128xi32, #tpu.memory_space<vmem>>)
        tpu.yield
      }) : () -> ()
      "tpu.region"() ({
        %run_scoped3A_51 = tpu.sem_alloc : memref<!tpu.dma_semaphore, #tpu.memory_space<semaphore_mem>>
        %dma_start3A_52 = arith.constant 0 : i32
        %dma_start3A_53 = arith.constant 0 : i32
        %dma_start3A_54 = tpu.memref_slice %arg8[%dma_start3A_52, %dma_start3A_53] : memref<48x128xi32, #tpu.memory_space<vmem>> -> memref<16x128xi32, #tpu.memory_space<vmem>>
        %dma_start3A_55 = arith.constant 0 : i32
        %dma_start3A_56 = tpu.memref_slice %arg4[%add3A_18, %dma_start3A_55] : memref<2560x128xi32, #tpu.memory_space<hbm>> -> memref<16x128xi32, #tpu.memory_space<hbm>>
        %dma_start3A_57 = arith.constant 0 : i32
        %dma_start3A_58 = arith.constant 0 : i32
        %dma_start3A_59 = tpu.memref_slice %arg8[%dma_start3A_57, %dma_start3A_58] : memref<48x128xi32, #tpu.memory_space<vmem>> -> memref<16x128xi32, #tpu.memory_space<vmem>>
        %dma_start3A_60 = arith.constant 0 : i32
        %dma_start3A_61 = tpu.memref_slice %arg4[%add3A_18, %dma_start3A_60] : memref<2560x128xi32, #tpu.memory_space<hbm>> -> memref<16x128xi32, #tpu.memory_space<hbm>>
        tpu.enqueue_dma source(%dma_start3A_61 : memref<16x128xi32, #tpu.memory_space<hbm>>) target(%dma_start3A_59 : memref<16x128xi32, #tpu.memory_space<vmem>>) target_semaphore(%run_scoped3A_51 : memref<!tpu.dma_semaphore, #tpu.memory_space<semaphore_mem>>)
        %dma_wait3A_62 = arith.constant 0 : i32
        %dma_wait3A_63 = arith.constant 0 : i32
        %dma_wait3A_64 = tpu.memref_slice %arg8[%dma_wait3A_62, %dma_wait3A_63] : memref<48x128xi32, #tpu.memory_space<vmem>> -> memref<16x128xi32, #tpu.memory_space<vmem>>
        %dma_wait3A_65 = arith.constant 0 : i32
        %dma_wait3A_66 = tpu.memref_slice %arg4[%add3A_18, %dma_wait3A_65] : memref<2560x128xi32, #tpu.memory_space<hbm>> -> memref<16x128xi32, #tpu.memory_space<hbm>>
        %dma_wait3A_67 = arith.constant 0 : i32
        %dma_wait3A_68 = arith.constant 0 : i32
        %dma_wait3A_69 = tpu.memref_slice %arg8[%dma_wait3A_67, %dma_wait3A_68] : memref<48x128xi32, #tpu.memory_space<vmem>> -> memref<16x128xi32, #tpu.memory_space<vmem>>
        %dma_wait3A_70 = arith.constant 0 : i32
        %dma_wait3A_71 = tpu.memref_slice %arg4[%add3A_18, %dma_wait3A_70] : memref<2560x128xi32, #tpu.memory_space<hbm>> -> memref<16x128xi32, #tpu.memory_space<hbm>>
        tpu.wait_dma2 semaphore(%run_scoped3A_51 : memref<!tpu.dma_semaphore, #tpu.memory_space<semaphore_mem>>) src(%dma_wait3A_71 : memref<16x128xi32, #tpu.memory_space<hbm>>) dst(%dma_wait3A_69 : memref<16x128xi32, #tpu.memory_space<vmem>>)
        tpu.yield
      }) : () -> ()
      %barrier3A_19 = arith.constant 0 : index
      tpu.barrier barrier_id(%barrier3A_19)
      %dma_start3A = arith.constant 0 : i32
      %dma_start3A_20 = arith.constant 0 : i32
      %dma_start3A_21 = tpu.memref_slice %arg7[%dma_start3A, %dma_start3A_20] : memref<48x128xi32, #tpu.memory_space<vmem>> -> memref<1x128xi32, #tpu.memory_space<vmem>>
      %dma_start3A_22 = tpu.memref_squeeze %dma_start3A_21 : memref<1x128xi32, #tpu.memory_space<vmem>> -> memref<128xi32, #tpu.memory_space<vmem>>
      %dma_start3A_23 = arith.constant 0 : i32
      %dma_start3A_24 = arith.constant 0 : i32
      %dma_start3A_25 = tpu.memref_slice %arg2[%dma_start3A_23, %dma_start3A_24] : memref<10240x128xf32, #tpu.memory_space<hbm>> -> memref<10240x128xf32, #tpu.memory_space<hbm>>
      tpu.enqueue_indirect_dma source(%dma_start3A_25 : memref<10240x128xf32, #tpu.memory_space<hbm>>) target(%arg9 : memref<128x128xf32, #tpu.memory_space<vmem>>) offsets(%dma_start3A_22 : memref<128xi32, #tpu.memory_space<vmem>>) semaphore(%arg12 : memref<!tpu.dma_semaphore, #tpu.memory_space<semaphore_mem>>)
      %scan3A = arith.constant 0 : i32
      %scan3A_26 = arith.constant 7 : i32
      %scan3A_27 = arith.addi %scan3A, %scan3A_26 : i32
      %scan3A_28 = arith.constant 1 : i32
      scf.for %scan3A_51 = %scan3A to %scan3A_27 step %scan3A_28  : i32 {
        %mul3A_52 = arith.constant 1 : i32
        %mul3A_53 = arith.muli %scan3A_51, %mul3A_52 : i32
        %add3A_54 = arith.constant 0 : i32
        %add3A_55 = arith.addi %add3A_54, %mul3A_53 : i32
        %mul3A_56 = arith.constant 2 : i32
        %mul3A_57 = arith.muli %mul3A_56, %add3A_55 : i32
        %dma_wait3A_58 = arith.constant 0 : i32
        %dma_wait3A_59 = tpu.memref_slice %arg7[%mul3A_57, %dma_wait3A_58] : memref<48x128xi32, #tpu.memory_space<vmem>> -> memref<1x128xi32, #tpu.memory_space<vmem>>
        %dma_wait3A_60 = tpu.memref_squeeze %dma_wait3A_59 : memref<1x128xi32, #tpu.memory_space<vmem>> -> memref<128xi32, #tpu.memory_space<vmem>>
        %dma_wait3A_61 = arith.constant 0 : i32
        %dma_wait3A_62 = arith.constant 0 : i32
        %dma_wait3A_63 = tpu.memref_slice %arg2[%dma_wait3A_61, %dma_wait3A_62] : memref<10240x128xf32, #tpu.memory_space<hbm>> -> memref<10240x128xf32, #tpu.memory_space<hbm>>
        tpu.wait_indirect_dma semaphore(%arg12 : memref<!tpu.dma_semaphore, #tpu.memory_space<semaphore_mem>>) src(%dma_wait3A_63 : memref<10240x128xf32, #tpu.memory_space<hbm>>) dst(%arg9 : memref<128x128xf32, #tpu.memory_space<vmem>>)
        %add3A_64 = arith.constant 1 : i32
        %add3A_65 = arith.addi %mul3A_57, %add3A_64 : i32
        %dma_start3A_66 = arith.constant 0 : i32
        %dma_start3A_67 = tpu.memref_slice %arg7[%add3A_65, %dma_start3A_66] : memref<48x128xi32, #tpu.memory_space<vmem>> -> memref<1x128xi32, #tpu.memory_space<vmem>>
        %dma_start3A_68 = tpu.memref_squeeze %dma_start3A_67 : memref<1x128xi32, #tpu.memory_space<vmem>> -> memref<128xi32, #tpu.memory_space<vmem>>
        %dma_start3A_69 = arith.constant 0 : i32
        %dma_start3A_70 = arith.constant 0 : i32
        %dma_start3A_71 = tpu.memref_slice %arg2[%dma_start3A_69, %dma_start3A_70] : memref<10240x128xf32, #tpu.memory_space<hbm>> -> memref<10240x128xf32, #tpu.memory_space<hbm>>
        tpu.enqueue_indirect_dma source(%dma_start3A_71 : memref<10240x128xf32, #tpu.memory_space<hbm>>) target(%arg10 : memref<128x128xf32, #tpu.memory_space<vmem>>) offsets(%dma_start3A_68 : memref<128xi32, #tpu.memory_space<vmem>>) semaphore(%arg13 : memref<!tpu.dma_semaphore, #tpu.memory_space<semaphore_mem>>)
        "tpu.region"() ({
          %run_scoped3A_90 = tpu.sem_alloc : memref<!tpu.dma_semaphore, #tpu.memory_space<semaphore_mem>>
          %dma_start3A_91 = arith.constant 0 : i32
          %dma_start3A_92 = tpu.memref_slice %arg8[%mul3A_57, %dma_start3A_91] : memref<48x128xi32, #tpu.memory_space<vmem>> -> memref<1x128xi32, #tpu.memory_space<vmem>>
          %dma_start3A_93 = tpu.memref_squeeze %dma_start3A_92 : memref<1x128xi32, #tpu.memory_space<vmem>> -> memref<128xi32, #tpu.memory_space<vmem>>
          %dma_start3A_94 = arith.constant 0 : i32
          %dma_start3A_95 = arith.constant 0 : i32
          %dma_start3A_96 = tpu.memref_slice %arg11[%dma_start3A_94, %dma_start3A_95] : memref<10240x128xf32, #tpu.memory_space<vmem_shared>> -> memref<10240x128xf32, #tpu.memory_space<vmem_shared>>
          tpu.enqueue_indirect_dma source(%arg9 : memref<128x128xf32, #tpu.memory_space<vmem>>) target(%dma_start3A_96 : memref<10240x128xf32, #tpu.memory_space<vmem_shared>>) offsets(%dma_start3A_93 : memref<128xi32, #tpu.memory_space<vmem>>) semaphore(%run_scoped3A_90 : memref<!tpu.dma_semaphore, #tpu.memory_space<semaphore_mem>>) {add = true}
          %dma_wait3A_97 = arith.constant 0 : i32
          %dma_wait3A_98 = tpu.memref_slice %arg8[%mul3A_57, %dma_wait3A_97] : memref<48x128xi32, #tpu.memory_space<vmem>> -> memref<1x128xi32, #tpu.memory_space<vmem>>
          %dma_wait3A_99 = tpu.memref_squeeze %dma_wait3A_98 : memref<1x128xi32, #tpu.memory_space<vmem>> -> memref<128xi32, #tpu.memory_space<vmem>>
          %dma_wait3A_100 = arith.constant 0 : i32
          %dma_wait3A_101 = arith.constant 0 : i32
          %dma_wait3A_102 = tpu.memref_slice %arg11[%dma_wait3A_100, %dma_wait3A_101] : memref<10240x128xf32, #tpu.memory_space<vmem_shared>> -> memref<10240x128xf32, #tpu.memory_space<vmem_shared>>
          tpu.wait_indirect_dma semaphore(%run_scoped3A_90 : memref<!tpu.dma_semaphore, #tpu.memory_space<semaphore_mem>>) src(%arg9 : memref<128x128xf32, #tpu.memory_space<vmem>>) dst(%dma_wait3A_102 : memref<10240x128xf32, #tpu.memory_space<vmem_shared>>)
          tpu.yield
        }) : () -> ()
        %add3A_72 = arith.constant 1 : i32
        %add3A_73 = arith.addi %mul3A_57, %add3A_72 : i32
        %dma_wait3A_74 = arith.constant 0 : i32
        %dma_wait3A_75 = tpu.memref_slice %arg7[%add3A_73, %dma_wait3A_74] : memref<48x128xi32, #tpu.memory_space<vmem>> -> memref<1x128xi32, #tpu.memory_space<vmem>>
        %dma_wait3A_76 = tpu.memref_squeeze %dma_wait3A_75 : memref<1x128xi32, #tpu.memory_space<vmem>> -> memref<128xi32, #tpu.memory_space<vmem>>
        %dma_wait3A_77 = arith.constant 0 : i32
        %dma_wait3A_78 = arith.constant 0 : i32
        %dma_wait3A_79 = tpu.memref_slice %arg2[%dma_wait3A_77, %dma_wait3A_78] : memref<10240x128xf32, #tpu.memory_space<hbm>> -> memref<10240x128xf32, #tpu.memory_space<hbm>>
        tpu.wait_indirect_dma semaphore(%arg13 : memref<!tpu.dma_semaphore, #tpu.memory_space<semaphore_mem>>) src(%dma_wait3A_79 : memref<10240x128xf32, #tpu.memory_space<hbm>>) dst(%arg10 : memref<128x128xf32, #tpu.memory_space<vmem>>)
        %add3A_80 = arith.constant 2 : i32
        %add3A_81 = arith.addi %mul3A_57, %add3A_80 : i32
        %dma_start3A_82 = arith.constant 0 : i32
        %dma_start3A_83 = tpu.memref_slice %arg7[%add3A_81, %dma_start3A_82] : memref<48x128xi32, #tpu.memory_space<vmem>> -> memref<1x128xi32, #tpu.memory_space<vmem>>
        %dma_start3A_84 = tpu.memref_squeeze %dma_start3A_83 : memref<1x128xi32, #tpu.memory_space<vmem>> -> memref<128xi32, #tpu.memory_space<vmem>>
        %dma_start3A_85 = arith.constant 0 : i32
        %dma_start3A_86 = arith.constant 0 : i32
        %dma_start3A_87 = tpu.memref_slice %arg2[%dma_start3A_85, %dma_start3A_86] : memref<10240x128xf32, #tpu.memory_space<hbm>> -> memref<10240x128xf32, #tpu.memory_space<hbm>>
        tpu.enqueue_indirect_dma source(%dma_start3A_87 : memref<10240x128xf32, #tpu.memory_space<hbm>>) target(%arg9 : memref<128x128xf32, #tpu.memory_space<vmem>>) offsets(%dma_start3A_84 : memref<128xi32, #tpu.memory_space<vmem>>) semaphore(%arg12 : memref<!tpu.dma_semaphore, #tpu.memory_space<semaphore_mem>>)
        %add3A_88 = arith.constant 1 : i32
        %add3A_89 = arith.addi %mul3A_57, %add3A_88 : i32
        "tpu.region"() ({
          %run_scoped3A_90 = tpu.sem_alloc : memref<!tpu.dma_semaphore, #tpu.memory_space<semaphore_mem>>
          %dma_start3A_91 = arith.constant 0 : i32
          %dma_start3A_92 = tpu.memref_slice %arg8[%add3A_89, %dma_start3A_91] : memref<48x128xi32, #tpu.memory_space<vmem>> -> memref<1x128xi32, #tpu.memory_space<vmem>>
          %dma_start3A_93 = tpu.memref_squeeze %dma_start3A_92 : memref<1x128xi32, #tpu.memory_space<vmem>> -> memref<128xi32, #tpu.memory_space<vmem>>
          %dma_start3A_94 = arith.constant 0 : i32
          %dma_start3A_95 = arith.constant 0 : i32
          %dma_start3A_96 = tpu.memref_slice %arg11[%dma_start3A_94, %dma_start3A_95] : memref<10240x128xf32, #tpu.memory_space<vmem_shared>> -> memref<10240x128xf32, #tpu.memory_space<vmem_shared>>
          tpu.enqueue_indirect_dma source(%arg10 : memref<128x128xf32, #tpu.memory_space<vmem>>) target(%dma_start3A_96 : memref<10240x128xf32, #tpu.memory_space<vmem_shared>>) offsets(%dma_start3A_93 : memref<128xi32, #tpu.memory_space<vmem>>) semaphore(%run_scoped3A_90 : memref<!tpu.dma_semaphore, #tpu.memory_space<semaphore_mem>>) {add = true}
          %dma_wait3A_97 = arith.constant 0 : i32
          %dma_wait3A_98 = tpu.memref_slice %arg8[%add3A_89, %dma_wait3A_97] : memref<48x128xi32, #tpu.memory_space<vmem>> -> memref<1x128xi32, #tpu.memory_space<vmem>>
          %dma_wait3A_99 = tpu.memref_squeeze %dma_wait3A_98 : memref<1x128xi32, #tpu.memory_space<vmem>> -> memref<128xi32, #tpu.memory_space<vmem>>
          %dma_wait3A_100 = arith.constant 0 : i32
          %dma_wait3A_101 = arith.constant 0 : i32
          %dma_wait3A_102 = tpu.memref_slice %arg11[%dma_wait3A_100, %dma_wait3A_101] : memref<10240x128xf32, #tpu.memory_space<vmem_shared>> -> memref<10240x128xf32, #tpu.memory_space<vmem_shared>>
          tpu.wait_indirect_dma semaphore(%run_scoped3A_90 : memref<!tpu.dma_semaphore, #tpu.memory_space<semaphore_mem>>) src(%arg10 : memref<128x128xf32, #tpu.memory_space<vmem>>) dst(%dma_wait3A_102 : memref<10240x128xf32, #tpu.memory_space<vmem_shared>>)
          tpu.yield
        }) : () -> ()
      }
      %scan3A_29 = arith.constant 7 : i32
      %dma_wait3A = arith.constant 14 : i32
      %dma_wait3A_30 = arith.constant 0 : i32
      %dma_wait3A_31 = tpu.memref_slice %arg7[%dma_wait3A, %dma_wait3A_30] : memref<48x128xi32, #tpu.memory_space<vmem>> -> memref<1x128xi32, #tpu.memory_space<vmem>>
      %dma_wait3A_32 = tpu.memref_squeeze %dma_wait3A_31 : memref<1x128xi32, #tpu.memory_space<vmem>> -> memref<128xi32, #tpu.memory_space<vmem>>
      %dma_wait3A_33 = arith.constant 0 : i32
      %dma_wait3A_34 = arith.constant 0 : i32
      %dma_wait3A_35 = tpu.memref_slice %arg2[%dma_wait3A_33, %dma_wait3A_34] : memref<10240x128xf32, #tpu.memory_space<hbm>> -> memref<10240x128xf32, #tpu.memory_space<hbm>>
      tpu.wait_indirect_dma semaphore(%arg12 : memref<!tpu.dma_semaphore, #tpu.memory_space<semaphore_mem>>) src(%dma_wait3A_35 : memref<10240x128xf32, #tpu.memory_space<hbm>>) dst(%arg9 : memref<128x128xf32, #tpu.memory_space<vmem>>)
      %dma_start3A_36 = arith.constant 15 : i32
      %dma_start3A_37 = arith.constant 0 : i32
      %dma_start3A_38 = tpu.memref_slice %arg7[%dma_start3A_36, %dma_start3A_37] : memref<48x128xi32, #tpu.memory_space<vmem>> -> memref<1x128xi32, #tpu.memory_space<vmem>>
      %dma_start3A_39 = tpu.memref_squeeze %dma_start3A_38 : memref<1x128xi32, #tpu.memory_space<vmem>> -> memref<128xi32, #tpu.memory_space<vmem>>
      %dma_start3A_40 = arith.constant 0 : i32
      %dma_start3A_41 = arith.constant 0 : i32
      %dma_start3A_42 = tpu.memref_slice %arg2[%dma_start3A_40, %dma_start3A_41] : memref<10240x128xf32, #tpu.memory_space<hbm>> -> memref<10240x128xf32, #tpu.memory_space<hbm>>
      tpu.enqueue_indirect_dma source(%dma_start3A_42 : memref<10240x128xf32, #tpu.memory_space<hbm>>) target(%arg10 : memref<128x128xf32, #tpu.memory_space<vmem>>) offsets(%dma_start3A_39 : memref<128xi32, #tpu.memory_space<vmem>>) semaphore(%arg13 : memref<!tpu.dma_semaphore, #tpu.memory_space<semaphore_mem>>)
      %run_scoped3A = arith.constant 14 : i32
      "tpu.region"() ({
        %run_scoped3A_51 = tpu.sem_alloc : memref<!tpu.dma_semaphore, #tpu.memory_space<semaphore_mem>>
        %dma_start3A_52 = arith.constant 0 : i32
        %dma_start3A_53 = tpu.memref_slice %arg8[%run_scoped3A, %dma_start3A_52] : memref<48x128xi32, #tpu.memory_space<vmem>> -> memref<1x128xi32, #tpu.memory_space<vmem>>
        %dma_start3A_54 = tpu.memref_squeeze %dma_start3A_53 : memref<1x128xi32, #tpu.memory_space<vmem>> -> memref<128xi32, #tpu.memory_space<vmem>>
        %dma_start3A_55 = arith.constant 0 : i32
        %dma_start3A_56 = arith.constant 0 : i32
        %dma_start3A_57 = tpu.memref_slice %arg11[%dma_start3A_55, %dma_start3A_56] : memref<10240x128xf32, #tpu.memory_space<vmem_shared>> -> memref<10240x128xf32, #tpu.memory_space<vmem_shared>>
        tpu.enqueue_indirect_dma source(%arg9 : memref<128x128xf32, #tpu.memory_space<vmem>>) target(%dma_start3A_57 : memref<10240x128xf32, #tpu.memory_space<vmem_shared>>) offsets(%dma_start3A_54 : memref<128xi32, #tpu.memory_space<vmem>>) semaphore(%run_scoped3A_51 : memref<!tpu.dma_semaphore, #tpu.memory_space<semaphore_mem>>) {add = true}
        %dma_wait3A_58 = arith.constant 0 : i32
        %dma_wait3A_59 = tpu.memref_slice %arg8[%run_scoped3A, %dma_wait3A_58] : memref<48x128xi32, #tpu.memory_space<vmem>> -> memref<1x128xi32, #tpu.memory_space<vmem>>
        %dma_wait3A_60 = tpu.memref_squeeze %dma_wait3A_59 : memref<1x128xi32, #tpu.memory_space<vmem>> -> memref<128xi32, #tpu.memory_space<vmem>>
        %dma_wait3A_61 = arith.constant 0 : i32
        %dma_wait3A_62 = arith.constant 0 : i32
        %dma_wait3A_63 = tpu.memref_slice %arg11[%dma_wait3A_61, %dma_wait3A_62] : memref<10240x128xf32, #tpu.memory_space<vmem_shared>> -> memref<10240x128xf32, #tpu.memory_space<vmem_shared>>
        tpu.wait_indirect_dma semaphore(%run_scoped3A_51 : memref<!tpu.dma_semaphore, #tpu.memory_space<semaphore_mem>>) src(%arg9 : memref<128x128xf32, #tpu.memory_space<vmem>>) dst(%dma_wait3A_63 : memref<10240x128xf32, #tpu.memory_space<vmem_shared>>)
        tpu.yield
      }) : () -> ()
      %dma_wait3A_43 = arith.constant 15 : i32
      %dma_wait3A_44 = arith.constant 0 : i32
      %dma_wait3A_45 = tpu.memref_slice %arg7[%dma_wait3A_43, %dma_wait3A_44] : memref<48x128xi32, #tpu.memory_space<vmem>> -> memref<1x128xi32, #tpu.memory_space<vmem>>
      %dma_wait3A_46 = tpu.memref_squeeze %dma_wait3A_45 : memref<1x128xi32, #tpu.memory_space<vmem>> -> memref<128xi32, #tpu.memory_space<vmem>>
      %dma_wait3A_47 = arith.constant 0 : i32
      %dma_wait3A_48 = arith.constant 0 : i32
      %dma_wait3A_49 = tpu.memref_slice %arg2[%dma_wait3A_47, %dma_wait3A_48] : memref<10240x128xf32, #tpu.memory_space<hbm>> -> memref<10240x128xf32, #tpu.memory_space<hbm>>
      tpu.wait_indirect_dma semaphore(%arg13 : memref<!tpu.dma_semaphore, #tpu.memory_space<semaphore_mem>>) src(%dma_wait3A_49 : memref<10240x128xf32, #tpu.memory_space<hbm>>) dst(%arg10 : memref<128x128xf32, #tpu.memory_space<vmem>>)
      %run_scoped3A_50 = arith.constant 15 : i32
      "tpu.region"() ({
        %run_scoped3A_51 = tpu.sem_alloc : memref<!tpu.dma_semaphore, #tpu.memory_space<semaphore_mem>>
        %dma_start3A_52 = arith.constant 0 : i32
        %dma_start3A_53 = tpu.memref_slice %arg8[%run_scoped3A_50, %dma_start3A_52] : memref<48x128xi32, #tpu.memory_space<vmem>> -> memref<1x128xi32, #tpu.memory_space<vmem>>
        %dma_start3A_54 = tpu.memref_squeeze %dma_start3A_53 : memref<1x128xi32, #tpu.memory_space<vmem>> -> memref<128xi32, #tpu.memory_space<vmem>>
        %dma_start3A_55 = arith.constant 0 : i32
        %dma_start3A_56 = arith.constant 0 : i32
        %dma_start3A_57 = tpu.memref_slice %arg11[%dma_start3A_55, %dma_start3A_56] : memref<10240x128xf32, #tpu.memory_space<vmem_shared>> -> memref<10240x128xf32, #tpu.memory_space<vmem_shared>>
        tpu.enqueue_indirect_dma source(%arg10 : memref<128x128xf32, #tpu.memory_space<vmem>>) target(%dma_start3A_57 : memref<10240x128xf32, #tpu.memory_space<vmem_shared>>) offsets(%dma_start3A_54 : memref<128xi32, #tpu.memory_space<vmem>>) semaphore(%run_scoped3A_51 : memref<!tpu.dma_semaphore, #tpu.memory_space<semaphore_mem>>) {add = true}
        %dma_wait3A_58 = arith.constant 0 : i32
        %dma_wait3A_59 = tpu.memref_slice %arg8[%run_scoped3A_50, %dma_wait3A_58] : memref<48x128xi32, #tpu.memory_space<vmem>> -> memref<1x128xi32, #tpu.memory_space<vmem>>
        %dma_wait3A_60 = tpu.memref_squeeze %dma_wait3A_59 : memref<1x128xi32, #tpu.memory_space<vmem>> -> memref<128xi32, #tpu.memory_space<vmem>>
        %dma_wait3A_61 = arith.constant 0 : i32
        %dma_wait3A_62 = arith.constant 0 : i32
        %dma_wait3A_63 = tpu.memref_slice %arg11[%dma_wait3A_61, %dma_wait3A_62] : memref<10240x128xf32, #tpu.memory_space<vmem_shared>> -> memref<10240x128xf32, #tpu.memory_space<vmem_shared>>
        tpu.wait_indirect_dma semaphore(%run_scoped3A_51 : memref<!tpu.dma_semaphore, #tpu.memory_space<semaphore_mem>>) src(%arg10 : memref<128x128xf32, #tpu.memory_space<vmem>>) dst(%dma_wait3A_63 : memref<10240x128xf32, #tpu.memory_space<vmem_shared>>)
        tpu.yield
      }) : () -> ()
    } else {
    }
    %barrier3A = arith.constant 0 : index
    tpu.barrier barrier_id(%barrier3A)
    %mul3A_10 = arith.constant 640 : i32
    %mul3A_11 = arith.muli %arg1, %mul3A_10 : i32
    %mul3A_12 = arith.constant 640 : i32
    %mul3A_13 = arith.muli %arg1, %mul3A_12 : i32
    "tpu.region"() ({
      %run_scoped3A = tpu.sem_alloc : memref<!tpu.dma_semaphore, #tpu.memory_space<semaphore_mem>>
      %dma_start3A = arith.constant 0 : i32
      %dma_start3A_14 = arith.constant 0 : i32
      %dma_start3A_15 = tpu.memref_slice %arg6[%arg0, %dma_start3A, %dma_start3A_14] : memref<2x10240x128xf32, #tpu.memory_space<hbm>> -> memref<1x10240x128xf32, #tpu.memory_space<hbm>>
      %dma_start3A_16 = tpu.memref_squeeze %dma_start3A_15 : memref<1x10240x128xf32, #tpu.memory_space<hbm>> -> memref<10240x128xf32, #tpu.memory_space<hbm>>
      %dma_start3A_17 = arith.constant 0 : i32
      %dma_start3A_18 = tpu.memref_slice %dma_start3A_16[%mul3A_13, %dma_start3A_17] : memref<10240x128xf32, #tpu.memory_space<hbm>> -> memref<640x128xf32, #tpu.memory_space<hbm>>
      %dma_start3A_19 = arith.constant 0 : i32
      %dma_start3A_20 = tpu.memref_slice %arg11[%mul3A_11, %dma_start3A_19] : memref<10240x128xf32, #tpu.memory_space<vmem_shared>> -> memref<640x128xf32, #tpu.memory_space<vmem_shared>>
      tpu.enqueue_dma source(%dma_start3A_20 : memref<640x128xf32, #tpu.memory_space<vmem_shared>>) target(%dma_start3A_18 : memref<640x128xf32, #tpu.memory_space<hbm>>) target_semaphore(%run_scoped3A : memref<!tpu.dma_semaphore, #tpu.memory_space<semaphore_mem>>)
      %dma_wait3A = arith.constant 0 : i32
      %dma_wait3A_21 = arith.constant 0 : i32
      %dma_wait3A_22 = tpu.memref_slice %arg6[%arg0, %dma_wait3A, %dma_wait3A_21] : memref<2x10240x128xf32, #tpu.memory_space<hbm>> -> memref<1x10240x128xf32, #tpu.memory_space<hbm>>
      %dma_wait3A_23 = tpu.memref_squeeze %dma_wait3A_22 : memref<1x10240x128xf32, #tpu.memory_space<hbm>> -> memref<10240x128xf32, #tpu.memory_space<hbm>>
      %dma_wait3A_24 = arith.constant 0 : i32
      %dma_wait3A_25 = tpu.memref_slice %dma_wait3A_23[%mul3A_13, %dma_wait3A_24] : memref<10240x128xf32, #tpu.memory_space<hbm>> -> memref<640x128xf32, #tpu.memory_space<hbm>>
      %dma_wait3A_26 = arith.constant 0 : i32
      %dma_wait3A_27 = tpu.memref_slice %arg11[%mul3A_11, %dma_wait3A_26] : memref<10240x128xf32, #tpu.memory_space<vmem_shared>> -> memref<640x128xf32, #tpu.memory_space<vmem_shared>>
      tpu.wait_dma2 semaphore(%run_scoped3A : memref<!tpu.dma_semaphore, #tpu.memory_space<semaphore_mem>>) src(%dma_wait3A_27 : memref<640x128xf32, #tpu.memory_space<vmem_shared>>) dst(%dma_wait3A_25 : memref<640x128xf32, #tpu.memory_space<hbm>>)
      tpu.yield
    }) : () -> ()
    return
  }
}

#map = affine_map<(d0, d1) -> (0, 0)>
#map1 = affine_map<(d0, d1) -> (0, 0, 0)>
module attributes {stable_mosaic.version = 14 : i64} {
  func.func @k(%arg0: i32, %arg1: i32, %arg2: memref<2560x128xi32, #tpu.memory_space<hbm>>, %arg3: memref<10240x128xf32, #tpu.memory_space<hbm>>, %arg4: memref<128x128xf32, #tpu.memory_space<hbm>>, %arg5: memref<2x10240x128xf32, #tpu.memory_space<hbm>>, %arg6: memref<88x128xi32, #tpu.memory_space<vmem>>, %arg7: memref<128x128xf32, #tpu.memory_space<vmem>>, %arg8: memref<10240x128xf32, #tpu.memory_space<vmem_shared>>) attributes {dimension_semantics = [#tpu.dimension_semantics<core_parallel>, #tpu.dimension_semantics<subcore_parallel>], iteration_bounds = array<i64: 2, 16>, scalar_prefetch = 0 : i64, scratch_operands = 3 : i64, tpu.core_type = #tpu.core_type<sc_vector_subcore>, window_params = [{transform_indices = #map}, {transform_indices = #map}, {transform_indices = #map}, {transform_indices = #map1}]} {
    %mul3A = arith.constant 640 : i32
    %mul3A_0 = arith.muli %arg1, %mul3A : i32
    %mul3A_1 = arith.constant 640 : i32
    %mul3A_2 = arith.muli %arg1, %mul3A_1 : i32
    "tpu.region"() ({
      %run_scoped3A = tpu.sem_alloc : memref<!tpu.dma_semaphore, #tpu.memory_space<semaphore_mem>>
      %dma_start3A = arith.constant 0 : i32
      %dma_start3A_14 = tpu.memref_slice %arg8[%mul3A_2, %dma_start3A] : memref<10240x128xf32, #tpu.memory_space<vmem_shared>> -> memref<640x128xf32, #tpu.memory_space<vmem_shared>>
      %dma_start3A_15 = arith.constant 0 : i32
      %dma_start3A_16 = tpu.memref_slice %arg3[%mul3A_0, %dma_start3A_15] : memref<10240x128xf32, #tpu.memory_space<hbm>> -> memref<640x128xf32, #tpu.memory_space<hbm>>
      tpu.enqueue_dma source(%dma_start3A_16 : memref<640x128xf32, #tpu.memory_space<hbm>>) target(%dma_start3A_14 : memref<640x128xf32, #tpu.memory_space<vmem_shared>>) target_semaphore(%run_scoped3A : memref<!tpu.dma_semaphore, #tpu.memory_space<semaphore_mem>>)
      %dma_wait3A = arith.constant 0 : i32
      %dma_wait3A_17 = tpu.memref_slice %arg8[%mul3A_2, %dma_wait3A] : memref<10240x128xf32, #tpu.memory_space<vmem_shared>> -> memref<640x128xf32, #tpu.memory_space<vmem_shared>>
      %dma_wait3A_18 = arith.constant 0 : i32
      %dma_wait3A_19 = tpu.memref_slice %arg3[%mul3A_0, %dma_wait3A_18] : memref<10240x128xf32, #tpu.memory_space<hbm>> -> memref<640x128xf32, #tpu.memory_space<hbm>>
      tpu.wait_dma2 semaphore(%run_scoped3A : memref<!tpu.dma_semaphore, #tpu.memory_space<semaphore_mem>>) src(%dma_wait3A_19 : memref<640x128xf32, #tpu.memory_space<hbm>>) dst(%dma_wait3A_17 : memref<640x128xf32, #tpu.memory_space<vmem_shared>>)
      tpu.yield
    }) : () -> ()
    "tpu.region"() ({
      %run_scoped3A = tpu.sem_alloc : memref<!tpu.dma_semaphore, #tpu.memory_space<semaphore_mem>>
      tpu.enqueue_dma source(%arg4 : memref<128x128xf32, #tpu.memory_space<hbm>>) target(%arg7 : memref<128x128xf32, #tpu.memory_space<vmem>>) target_semaphore(%run_scoped3A : memref<!tpu.dma_semaphore, #tpu.memory_space<semaphore_mem>>)
      tpu.wait_dma2 semaphore(%run_scoped3A : memref<!tpu.dma_semaphore, #tpu.memory_space<semaphore_mem>>) src(%arg4 : memref<128x128xf32, #tpu.memory_space<hbm>>) dst(%arg7 : memref<128x128xf32, #tpu.memory_space<vmem>>)
      tpu.yield
    }) : () -> ()
    %eq3A = arith.constant 0 : i32
    %eq3A_3 = arith.cmpi eq, %arg0, %eq3A : i32
    %convert_element_type3A = arith.extui %eq3A_3 : i1 to i32
    %cond3A = arith.constant 0 : i32
    %cond3A_4 = arith.cmpi ne, %convert_element_type3A, %cond3A : i32
    scf.if %cond3A_4 {
      %mul3A_14 = arith.constant 88 : i32
      %mul3A_15 = arith.muli %arg1, %mul3A_14 : i32
      "tpu.region"() ({
        %run_scoped3A = tpu.sem_alloc : memref<!tpu.dma_semaphore, #tpu.memory_space<semaphore_mem>>
        %dma_start3A = arith.constant 0 : i32
        %dma_start3A_21 = arith.constant 0 : i32
        %dma_start3A_22 = tpu.memref_slice %arg6[%dma_start3A, %dma_start3A_21] : memref<88x128xi32, #tpu.memory_space<vmem>> -> memref<88x128xi32, #tpu.memory_space<vmem>>
        %dma_start3A_23 = arith.constant 0 : i32
        %dma_start3A_24 = tpu.memref_slice %arg2[%mul3A_15, %dma_start3A_23] : memref<2560x128xi32, #tpu.memory_space<hbm>> -> memref<88x128xi32, #tpu.memory_space<hbm>>
        %dma_start3A_25 = arith.constant 0 : i32
        %dma_start3A_26 = arith.constant 0 : i32
        %dma_start3A_27 = tpu.memref_slice %arg6[%dma_start3A_25, %dma_start3A_26] : memref<88x128xi32, #tpu.memory_space<vmem>> -> memref<88x128xi32, #tpu.memory_space<vmem>>
        %dma_start3A_28 = arith.constant 0 : i32
        %dma_start3A_29 = tpu.memref_slice %arg2[%mul3A_15, %dma_start3A_28] : memref<2560x128xi32, #tpu.memory_space<hbm>> -> memref<88x128xi32, #tpu.memory_space<hbm>>
        tpu.enqueue_dma source(%dma_start3A_29 : memref<88x128xi32, #tpu.memory_space<hbm>>) target(%dma_start3A_27 : memref<88x128xi32, #tpu.memory_space<vmem>>) target_semaphore(%run_scoped3A : memref<!tpu.dma_semaphore, #tpu.memory_space<semaphore_mem>>)
        %dma_wait3A = arith.constant 0 : i32
        %dma_wait3A_30 = arith.constant 0 : i32
        %dma_wait3A_31 = tpu.memref_slice %arg6[%dma_wait3A, %dma_wait3A_30] : memref<88x128xi32, #tpu.memory_space<vmem>> -> memref<88x128xi32, #tpu.memory_space<vmem>>
        %dma_wait3A_32 = arith.constant 0 : i32
        %dma_wait3A_33 = tpu.memref_slice %arg2[%mul3A_15, %dma_wait3A_32] : memref<2560x128xi32, #tpu.memory_space<hbm>> -> memref<88x128xi32, #tpu.memory_space<hbm>>
        %dma_wait3A_34 = arith.constant 0 : i32
        %dma_wait3A_35 = arith.constant 0 : i32
        %dma_wait3A_36 = tpu.memref_slice %arg6[%dma_wait3A_34, %dma_wait3A_35] : memref<88x128xi32, #tpu.memory_space<vmem>> -> memref<88x128xi32, #tpu.memory_space<vmem>>
        %dma_wait3A_37 = arith.constant 0 : i32
        %dma_wait3A_38 = tpu.memref_slice %arg2[%mul3A_15, %dma_wait3A_37] : memref<2560x128xi32, #tpu.memory_space<hbm>> -> memref<88x128xi32, #tpu.memory_space<hbm>>
        tpu.wait_dma2 semaphore(%run_scoped3A : memref<!tpu.dma_semaphore, #tpu.memory_space<semaphore_mem>>) src(%dma_wait3A_38 : memref<88x128xi32, #tpu.memory_space<hbm>>) dst(%dma_wait3A_36 : memref<88x128xi32, #tpu.memory_space<vmem>>)
        tpu.yield
      }) : () -> ()
      %barrier3A_16 = arith.constant 0 : index
      tpu.barrier barrier_id(%barrier3A_16)
      %scan3A = arith.constant 0 : i32
      %scan3A_17 = arith.constant 88 : i32
      %scan3A_18 = arith.addi %scan3A, %scan3A_17 : i32
      %scan3A_19 = arith.constant 1 : i32
      scf.for %scan3A_21 = %scan3A to %scan3A_18 step %scan3A_19  : i32 {
        %mul3A_22 = arith.constant 1 : i32
        %mul3A_23 = arith.muli %scan3A_21, %mul3A_22 : i32
        %add3A = arith.constant 0 : i32
        %add3A_24 = arith.addi %add3A, %mul3A_23 : i32
        "tpu.region"() ({
          %run_scoped3A = tpu.sem_alloc : memref<!tpu.dma_semaphore, #tpu.memory_space<semaphore_mem>>
          %dma_start3A = arith.constant 0 : i32
          %dma_start3A_25 = tpu.memref_slice %arg6[%add3A_24, %dma_start3A] : memref<88x128xi32, #tpu.memory_space<vmem>> -> memref<1x128xi32, #tpu.memory_space<vmem>>
          %dma_start3A_26 = tpu.memref_squeeze %dma_start3A_25 : memref<1x128xi32, #tpu.memory_space<vmem>> -> memref<128xi32, #tpu.memory_space<vmem>>
          %dma_start3A_27 = arith.constant 0 : i32
          %dma_start3A_28 = arith.constant 0 : i32
          %dma_start3A_29 = tpu.memref_slice %arg8[%dma_start3A_27, %dma_start3A_28] : memref<10240x128xf32, #tpu.memory_space<vmem_shared>> -> memref<10240x128xf32, #tpu.memory_space<vmem_shared>>
          tpu.enqueue_indirect_dma source(%arg7 : memref<128x128xf32, #tpu.memory_space<vmem>>) target(%dma_start3A_29 : memref<10240x128xf32, #tpu.memory_space<vmem_shared>>) offsets(%dma_start3A_26 : memref<128xi32, #tpu.memory_space<vmem>>) semaphore(%run_scoped3A : memref<!tpu.dma_semaphore, #tpu.memory_space<semaphore_mem>>) {add = true}
          %dma_wait3A = arith.constant 0 : i32
          %dma_wait3A_30 = tpu.memref_slice %arg6[%add3A_24, %dma_wait3A] : memref<88x128xi32, #tpu.memory_space<vmem>> -> memref<1x128xi32, #tpu.memory_space<vmem>>
          %dma_wait3A_31 = tpu.memref_squeeze %dma_wait3A_30 : memref<1x128xi32, #tpu.memory_space<vmem>> -> memref<128xi32, #tpu.memory_space<vmem>>
          %dma_wait3A_32 = arith.constant 0 : i32
          %dma_wait3A_33 = arith.constant 0 : i32
          %dma_wait3A_34 = tpu.memref_slice %arg8[%dma_wait3A_32, %dma_wait3A_33] : memref<10240x128xf32, #tpu.memory_space<vmem_shared>> -> memref<10240x128xf32, #tpu.memory_space<vmem_shared>>
          tpu.wait_indirect_dma semaphore(%run_scoped3A : memref<!tpu.dma_semaphore, #tpu.memory_space<semaphore_mem>>) src(%arg7 : memref<128x128xf32, #tpu.memory_space<vmem>>) dst(%dma_wait3A_34 : memref<10240x128xf32, #tpu.memory_space<vmem_shared>>)
          tpu.yield
        }) : () -> ()
      }
      %scan3A_20 = arith.constant 88 : i32
    } else {
    }
    %eq3A_5 = arith.constant 1 : i32
    %eq3A_6 = arith.cmpi eq, %arg0, %eq3A_5 : i32
    %convert_element_type3A_7 = arith.extui %eq3A_6 : i1 to i32
    %cond3A_8 = arith.constant 0 : i32
    %cond3A_9 = arith.cmpi ne, %convert_element_type3A_7, %cond3A_8 : i32
    scf.if %cond3A_9 {
      %mul3A_14 = arith.constant 72 : i32
      %mul3A_15 = arith.muli %arg1, %mul3A_14 : i32
      %add3A = arith.constant 1408 : i32
      %add3A_16 = arith.addi %add3A, %mul3A_15 : i32
      "tpu.region"() ({
        %run_scoped3A = tpu.sem_alloc : memref<!tpu.dma_semaphore, #tpu.memory_space<semaphore_mem>>
        %dma_start3A = arith.constant 0 : i32
        %dma_start3A_22 = arith.constant 0 : i32
        %dma_start3A_23 = tpu.memref_slice %arg6[%dma_start3A, %dma_start3A_22] : memref<88x128xi32, #tpu.memory_space<vmem>> -> memref<72x128xi32, #tpu.memory_space<vmem>>
        %dma_start3A_24 = arith.constant 0 : i32
        %dma_start3A_25 = tpu.memref_slice %arg2[%add3A_16, %dma_start3A_24] : memref<2560x128xi32, #tpu.memory_space<hbm>> -> memref<72x128xi32, #tpu.memory_space<hbm>>
        %dma_start3A_26 = arith.constant 0 : i32
        %dma_start3A_27 = arith.constant 0 : i32
        %dma_start3A_28 = tpu.memref_slice %arg6[%dma_start3A_26, %dma_start3A_27] : memref<88x128xi32, #tpu.memory_space<vmem>> -> memref<72x128xi32, #tpu.memory_space<vmem>>
        %dma_start3A_29 = arith.constant 0 : i32
        %dma_start3A_30 = tpu.memref_slice %arg2[%add3A_16, %dma_start3A_29] : memref<2560x128xi32, #tpu.memory_space<hbm>> -> memref<72x128xi32, #tpu.memory_space<hbm>>
        tpu.enqueue_dma source(%dma_start3A_30 : memref<72x128xi32, #tpu.memory_space<hbm>>) target(%dma_start3A_28 : memref<72x128xi32, #tpu.memory_space<vmem>>) target_semaphore(%run_scoped3A : memref<!tpu.dma_semaphore, #tpu.memory_space<semaphore_mem>>)
        %dma_wait3A = arith.constant 0 : i32
        %dma_wait3A_31 = arith.constant 0 : i32
        %dma_wait3A_32 = tpu.memref_slice %arg6[%dma_wait3A, %dma_wait3A_31] : memref<88x128xi32, #tpu.memory_space<vmem>> -> memref<72x128xi32, #tpu.memory_space<vmem>>
        %dma_wait3A_33 = arith.constant 0 : i32
        %dma_wait3A_34 = tpu.memref_slice %arg2[%add3A_16, %dma_wait3A_33] : memref<2560x128xi32, #tpu.memory_space<hbm>> -> memref<72x128xi32, #tpu.memory_space<hbm>>
        %dma_wait3A_35 = arith.constant 0 : i32
        %dma_wait3A_36 = arith.constant 0 : i32
        %dma_wait3A_37 = tpu.memref_slice %arg6[%dma_wait3A_35, %dma_wait3A_36] : memref<88x128xi32, #tpu.memory_space<vmem>> -> memref<72x128xi32, #tpu.memory_space<vmem>>
        %dma_wait3A_38 = arith.constant 0 : i32
        %dma_wait3A_39 = tpu.memref_slice %arg2[%add3A_16, %dma_wait3A_38] : memref<2560x128xi32, #tpu.memory_space<hbm>> -> memref<72x128xi32, #tpu.memory_space<hbm>>
        tpu.wait_dma2 semaphore(%run_scoped3A : memref<!tpu.dma_semaphore, #tpu.memory_space<semaphore_mem>>) src(%dma_wait3A_39 : memref<72x128xi32, #tpu.memory_space<hbm>>) dst(%dma_wait3A_37 : memref<72x128xi32, #tpu.memory_space<vmem>>)
        tpu.yield
      }) : () -> ()
      %barrier3A_17 = arith.constant 0 : index
      tpu.barrier barrier_id(%barrier3A_17)
      %scan3A = arith.constant 0 : i32
      %scan3A_18 = arith.constant 72 : i32
      %scan3A_19 = arith.addi %scan3A, %scan3A_18 : i32
      %scan3A_20 = arith.constant 1 : i32
      scf.for %scan3A_22 = %scan3A to %scan3A_19 step %scan3A_20  : i32 {
        %mul3A_23 = arith.constant 1 : i32
        %mul3A_24 = arith.muli %scan3A_22, %mul3A_23 : i32
        %add3A_25 = arith.constant 0 : i32
        %add3A_26 = arith.addi %add3A_25, %mul3A_24 : i32
        "tpu.region"() ({
          %run_scoped3A = tpu.sem_alloc : memref<!tpu.dma_semaphore, #tpu.memory_space<semaphore_mem>>
          %dma_start3A = arith.constant 0 : i32
          %dma_start3A_27 = tpu.memref_slice %arg6[%add3A_26, %dma_start3A] : memref<88x128xi32, #tpu.memory_space<vmem>> -> memref<1x128xi32, #tpu.memory_space<vmem>>
          %dma_start3A_28 = tpu.memref_squeeze %dma_start3A_27 : memref<1x128xi32, #tpu.memory_space<vmem>> -> memref<128xi32, #tpu.memory_space<vmem>>
          %dma_start3A_29 = arith.constant 0 : i32
          %dma_start3A_30 = arith.constant 0 : i32
          %dma_start3A_31 = tpu.memref_slice %arg8[%dma_start3A_29, %dma_start3A_30] : memref<10240x128xf32, #tpu.memory_space<vmem_shared>> -> memref<10240x128xf32, #tpu.memory_space<vmem_shared>>
          tpu.enqueue_indirect_dma source(%arg7 : memref<128x128xf32, #tpu.memory_space<vmem>>) target(%dma_start3A_31 : memref<10240x128xf32, #tpu.memory_space<vmem_shared>>) offsets(%dma_start3A_28 : memref<128xi32, #tpu.memory_space<vmem>>) semaphore(%run_scoped3A : memref<!tpu.dma_semaphore, #tpu.memory_space<semaphore_mem>>) {add = true}
          %dma_wait3A = arith.constant 0 : i32
          %dma_wait3A_32 = tpu.memref_slice %arg6[%add3A_26, %dma_wait3A] : memref<88x128xi32, #tpu.memory_space<vmem>> -> memref<1x128xi32, #tpu.memory_space<vmem>>
          %dma_wait3A_33 = tpu.memref_squeeze %dma_wait3A_32 : memref<1x128xi32, #tpu.memory_space<vmem>> -> memref<128xi32, #tpu.memory_space<vmem>>
          %dma_wait3A_34 = arith.constant 0 : i32
          %dma_wait3A_35 = arith.constant 0 : i32
          %dma_wait3A_36 = tpu.memref_slice %arg8[%dma_wait3A_34, %dma_wait3A_35] : memref<10240x128xf32, #tpu.memory_space<vmem_shared>> -> memref<10240x128xf32, #tpu.memory_space<vmem_shared>>
          tpu.wait_indirect_dma semaphore(%run_scoped3A : memref<!tpu.dma_semaphore, #tpu.memory_space<semaphore_mem>>) src(%arg7 : memref<128x128xf32, #tpu.memory_space<vmem>>) dst(%dma_wait3A_36 : memref<10240x128xf32, #tpu.memory_space<vmem_shared>>)
          tpu.yield
        }) : () -> ()
      }
      %scan3A_21 = arith.constant 72 : i32
    } else {
    }
    %barrier3A = arith.constant 0 : index
    tpu.barrier barrier_id(%barrier3A)
    %mul3A_10 = arith.constant 640 : i32
    %mul3A_11 = arith.muli %arg1, %mul3A_10 : i32
    %mul3A_12 = arith.constant 640 : i32
    %mul3A_13 = arith.muli %arg1, %mul3A_12 : i32
    "tpu.region"() ({
      %run_scoped3A = tpu.sem_alloc : memref<!tpu.dma_semaphore, #tpu.memory_space<semaphore_mem>>
      %dma_start3A = arith.constant 0 : i32
      %dma_start3A_14 = arith.constant 0 : i32
      %dma_start3A_15 = tpu.memref_slice %arg5[%arg0, %dma_start3A, %dma_start3A_14] : memref<2x10240x128xf32, #tpu.memory_space<hbm>> -> memref<1x10240x128xf32, #tpu.memory_space<hbm>>
      %dma_start3A_16 = tpu.memref_squeeze %dma_start3A_15 : memref<1x10240x128xf32, #tpu.memory_space<hbm>> -> memref<10240x128xf32, #tpu.memory_space<hbm>>
      %dma_start3A_17 = arith.constant 0 : i32
      %dma_start3A_18 = tpu.memref_slice %dma_start3A_16[%mul3A_13, %dma_start3A_17] : memref<10240x128xf32, #tpu.memory_space<hbm>> -> memref<640x128xf32, #tpu.memory_space<hbm>>
      %dma_start3A_19 = arith.constant 0 : i32
      %dma_start3A_20 = tpu.memref_slice %arg8[%mul3A_11, %dma_start3A_19] : memref<10240x128xf32, #tpu.memory_space<vmem_shared>> -> memref<640x128xf32, #tpu.memory_space<vmem_shared>>
      tpu.enqueue_dma source(%dma_start3A_20 : memref<640x128xf32, #tpu.memory_space<vmem_shared>>) target(%dma_start3A_18 : memref<640x128xf32, #tpu.memory_space<hbm>>) target_semaphore(%run_scoped3A : memref<!tpu.dma_semaphore, #tpu.memory_space<semaphore_mem>>)
      %dma_wait3A = arith.constant 0 : i32
      %dma_wait3A_21 = arith.constant 0 : i32
      %dma_wait3A_22 = tpu.memref_slice %arg5[%arg0, %dma_wait3A, %dma_wait3A_21] : memref<2x10240x128xf32, #tpu.memory_space<hbm>> -> memref<1x10240x128xf32, #tpu.memory_space<hbm>>
      %dma_wait3A_23 = tpu.memref_squeeze %dma_wait3A_22 : memref<1x10240x128xf32, #tpu.memory_space<hbm>> -> memref<10240x128xf32, #tpu.memory_space<hbm>>
      %dma_wait3A_24 = arith.constant 0 : i32
      %dma_wait3A_25 = tpu.memref_slice %dma_wait3A_23[%mul3A_13, %dma_wait3A_24] : memref<10240x128xf32, #tpu.memory_space<hbm>> -> memref<640x128xf32, #tpu.memory_space<hbm>>
      %dma_wait3A_26 = arith.constant 0 : i32
      %dma_wait3A_27 = tpu.memref_slice %arg8[%mul3A_11, %dma_wait3A_26] : memref<10240x128xf32, #tpu.memory_space<vmem_shared>> -> memref<640x128xf32, #tpu.memory_space<vmem_shared>>
      tpu.wait_dma2 semaphore(%run_scoped3A : memref<!tpu.dma_semaphore, #tpu.memory_space<semaphore_mem>>) src(%dma_wait3A_27 : memref<640x128xf32, #tpu.memory_space<vmem_shared>>) dst(%dma_wait3A_25 : memref<640x128xf32, #tpu.memory_space<hbm>>)
      tpu.yield
    }) : () -> ()
    return
  }
}

#map = affine_map<(d0, d1) -> (0, 0)>
#map1 = affine_map<(d0, d1) -> (0, 0, 0)>
module attributes {stable_mosaic.version = 14 : i64} {
  func.func @k(%arg0: i32, %arg1: i32, %arg2: memref<10240x128xf32, #tpu.memory_space<hbm>>, %arg3: memref<2560x128xi32, #tpu.memory_space<hbm>>, %arg4: memref<2560x128xi32, #tpu.memory_space<hbm>>, %arg5: memref<10240x128xf32, #tpu.memory_space<hbm>>, %arg6: memref<2x10240x128xf32, #tpu.memory_space<hbm>>, %arg7: memref<48x128xi32, #tpu.memory_space<vmem>>, %arg8: memref<48x128xi32, #tpu.memory_space<vmem>>, %arg9: memref<128x128xf32, #tpu.memory_space<vmem>>, %arg10: memref<128x128xf32, #tpu.memory_space<vmem>>, %arg11: memref<10240x128xf32, #tpu.memory_space<vmem_shared>>, %arg12: memref<!tpu.dma_semaphore, #tpu.memory_space<semaphore_mem>>, %arg13: memref<!tpu.dma_semaphore, #tpu.memory_space<semaphore_mem>>) attributes {dimension_semantics = [#tpu.dimension_semantics<core_parallel>, #tpu.dimension_semantics<subcore_parallel>], iteration_bounds = array<i64: 2, 16>, scalar_prefetch = 0 : i64, scratch_operands = 7 : i64, tpu.core_type = #tpu.core_type<sc_vector_subcore>, window_params = [{transform_indices = #map}, {transform_indices = #map}, {transform_indices = #map}, {transform_indices = #map}, {transform_indices = #map1}]} {
    %mul3A = arith.constant 640 : i32
    %mul3A_0 = arith.muli %arg1, %mul3A : i32
    %mul3A_1 = arith.constant 640 : i32
    %mul3A_2 = arith.muli %arg1, %mul3A_1 : i32
    "tpu.region"() ({
      %run_scoped3A = tpu.sem_alloc : memref<!tpu.dma_semaphore, #tpu.memory_space<semaphore_mem>>
      %dma_start3A = arith.constant 0 : i32
      %dma_start3A_14 = tpu.memref_slice %arg11[%mul3A_2, %dma_start3A] : memref<10240x128xf32, #tpu.memory_space<vmem_shared>> -> memref<640x128xf32, #tpu.memory_space<vmem_shared>>
      %dma_start3A_15 = arith.constant 0 : i32
      %dma_start3A_16 = tpu.memref_slice %arg5[%mul3A_0, %dma_start3A_15] : memref<10240x128xf32, #tpu.memory_space<hbm>> -> memref<640x128xf32, #tpu.memory_space<hbm>>
      tpu.enqueue_dma source(%dma_start3A_16 : memref<640x128xf32, #tpu.memory_space<hbm>>) target(%dma_start3A_14 : memref<640x128xf32, #tpu.memory_space<vmem_shared>>) target_semaphore(%run_scoped3A : memref<!tpu.dma_semaphore, #tpu.memory_space<semaphore_mem>>)
      %dma_wait3A = arith.constant 0 : i32
      %dma_wait3A_17 = tpu.memref_slice %arg11[%mul3A_2, %dma_wait3A] : memref<10240x128xf32, #tpu.memory_space<vmem_shared>> -> memref<640x128xf32, #tpu.memory_space<vmem_shared>>
      %dma_wait3A_18 = arith.constant 0 : i32
      %dma_wait3A_19 = tpu.memref_slice %arg5[%mul3A_0, %dma_wait3A_18] : memref<10240x128xf32, #tpu.memory_space<hbm>> -> memref<640x128xf32, #tpu.memory_space<hbm>>
      tpu.wait_dma2 semaphore(%run_scoped3A : memref<!tpu.dma_semaphore, #tpu.memory_space<semaphore_mem>>) src(%dma_wait3A_19 : memref<640x128xf32, #tpu.memory_space<hbm>>) dst(%dma_wait3A_17 : memref<640x128xf32, #tpu.memory_space<vmem_shared>>)
      tpu.yield
    }) : () -> ()
    %eq3A = arith.constant 0 : i32
    %eq3A_3 = arith.cmpi eq, %arg0, %eq3A : i32
    %convert_element_type3A = arith.extui %eq3A_3 : i1 to i32
    %cond3A = arith.constant 0 : i32
    %cond3A_4 = arith.cmpi ne, %convert_element_type3A, %cond3A : i32
    scf.if %cond3A_4 {
      %mul3A_14 = arith.constant 144 : i32
      %mul3A_15 = arith.muli %arg1, %mul3A_14 : i32
      %add3A = arith.constant 0 : i32
      %add3A_16 = arith.addi %mul3A_15, %add3A : i32
      "tpu.region"() ({
        %run_scoped3A_123 = tpu.sem_alloc : memref<!tpu.dma_semaphore, #tpu.memory_space<semaphore_mem>>
        %dma_start3A_124 = arith.constant 0 : i32
        %dma_start3A_125 = arith.constant 0 : i32
        %dma_start3A_126 = tpu.memref_slice %arg7[%dma_start3A_124, %dma_start3A_125] : memref<48x128xi32, #tpu.memory_space<vmem>> -> memref<48x128xi32, #tpu.memory_space<vmem>>
        %dma_start3A_127 = arith.constant 0 : i32
        %dma_start3A_128 = tpu.memref_slice %arg3[%add3A_16, %dma_start3A_127] : memref<2560x128xi32, #tpu.memory_space<hbm>> -> memref<48x128xi32, #tpu.memory_space<hbm>>
        %dma_start3A_129 = arith.constant 0 : i32
        %dma_start3A_130 = arith.constant 0 : i32
        %dma_start3A_131 = tpu.memref_slice %arg7[%dma_start3A_129, %dma_start3A_130] : memref<48x128xi32, #tpu.memory_space<vmem>> -> memref<48x128xi32, #tpu.memory_space<vmem>>
        %dma_start3A_132 = arith.constant 0 : i32
        %dma_start3A_133 = tpu.memref_slice %arg3[%add3A_16, %dma_start3A_132] : memref<2560x128xi32, #tpu.memory_space<hbm>> -> memref<48x128xi32, #tpu.memory_space<hbm>>
        tpu.enqueue_dma source(%dma_start3A_133 : memref<48x128xi32, #tpu.memory_space<hbm>>) target(%dma_start3A_131 : memref<48x128xi32, #tpu.memory_space<vmem>>) target_semaphore(%run_scoped3A_123 : memref<!tpu.dma_semaphore, #tpu.memory_space<semaphore_mem>>)
        %dma_wait3A_134 = arith.constant 0 : i32
        %dma_wait3A_135 = arith.constant 0 : i32
        %dma_wait3A_136 = tpu.memref_slice %arg7[%dma_wait3A_134, %dma_wait3A_135] : memref<48x128xi32, #tpu.memory_space<vmem>> -> memref<48x128xi32, #tpu.memory_space<vmem>>
        %dma_wait3A_137 = arith.constant 0 : i32
        %dma_wait3A_138 = tpu.memref_slice %arg3[%add3A_16, %dma_wait3A_137] : memref<2560x128xi32, #tpu.memory_space<hbm>> -> memref<48x128xi32, #tpu.memory_space<hbm>>
        %dma_wait3A_139 = arith.constant 0 : i32
        %dma_wait3A_140 = arith.constant 0 : i32
        %dma_wait3A_141 = tpu.memref_slice %arg7[%dma_wait3A_139, %dma_wait3A_140] : memref<48x128xi32, #tpu.memory_space<vmem>> -> memref<48x128xi32, #tpu.memory_space<vmem>>
        %dma_wait3A_142 = arith.constant 0 : i32
        %dma_wait3A_143 = tpu.memref_slice %arg3[%add3A_16, %dma_wait3A_142] : memref<2560x128xi32, #tpu.memory_space<hbm>> -> memref<48x128xi32, #tpu.memory_space<hbm>>
        tpu.wait_dma2 semaphore(%run_scoped3A_123 : memref<!tpu.dma_semaphore, #tpu.memory_space<semaphore_mem>>) src(%dma_wait3A_143 : memref<48x128xi32, #tpu.memory_space<hbm>>) dst(%dma_wait3A_141 : memref<48x128xi32, #tpu.memory_space<vmem>>)
        tpu.yield
      }) : () -> ()
      "tpu.region"() ({
        %run_scoped3A_123 = tpu.sem_alloc : memref<!tpu.dma_semaphore, #tpu.memory_space<semaphore_mem>>
        %dma_start3A_124 = arith.constant 0 : i32
        %dma_start3A_125 = arith.constant 0 : i32
        %dma_start3A_126 = tpu.memref_slice %arg8[%dma_start3A_124, %dma_start3A_125] : memref<48x128xi32, #tpu.memory_space<vmem>> -> memref<48x128xi32, #tpu.memory_space<vmem>>
        %dma_start3A_127 = arith.constant 0 : i32
        %dma_start3A_128 = tpu.memref_slice %arg4[%add3A_16, %dma_start3A_127] : memref<2560x128xi32, #tpu.memory_space<hbm>> -> memref<48x128xi32, #tpu.memory_space<hbm>>
        %dma_start3A_129 = arith.constant 0 : i32
        %dma_start3A_130 = arith.constant 0 : i32
        %dma_start3A_131 = tpu.memref_slice %arg8[%dma_start3A_129, %dma_start3A_130] : memref<48x128xi32, #tpu.memory_space<vmem>> -> memref<48x128xi32, #tpu.memory_space<vmem>>
        %dma_start3A_132 = arith.constant 0 : i32
        %dma_start3A_133 = tpu.memref_slice %arg4[%add3A_16, %dma_start3A_132] : memref<2560x128xi32, #tpu.memory_space<hbm>> -> memref<48x128xi32, #tpu.memory_space<hbm>>
        tpu.enqueue_dma source(%dma_start3A_133 : memref<48x128xi32, #tpu.memory_space<hbm>>) target(%dma_start3A_131 : memref<48x128xi32, #tpu.memory_space<vmem>>) target_semaphore(%run_scoped3A_123 : memref<!tpu.dma_semaphore, #tpu.memory_space<semaphore_mem>>)
        %dma_wait3A_134 = arith.constant 0 : i32
        %dma_wait3A_135 = arith.constant 0 : i32
        %dma_wait3A_136 = tpu.memref_slice %arg8[%dma_wait3A_134, %dma_wait3A_135] : memref<48x128xi32, #tpu.memory_space<vmem>> -> memref<48x128xi32, #tpu.memory_space<vmem>>
        %dma_wait3A_137 = arith.constant 0 : i32
        %dma_wait3A_138 = tpu.memref_slice %arg4[%add3A_16, %dma_wait3A_137] : memref<2560x128xi32, #tpu.memory_space<hbm>> -> memref<48x128xi32, #tpu.memory_space<hbm>>
        %dma_wait3A_139 = arith.constant 0 : i32
        %dma_wait3A_140 = arith.constant 0 : i32
        %dma_wait3A_141 = tpu.memref_slice %arg8[%dma_wait3A_139, %dma_wait3A_140] : memref<48x128xi32, #tpu.memory_space<vmem>> -> memref<48x128xi32, #tpu.memory_space<vmem>>
        %dma_wait3A_142 = arith.constant 0 : i32
        %dma_wait3A_143 = tpu.memref_slice %arg4[%add3A_16, %dma_wait3A_142] : memref<2560x128xi32, #tpu.memory_space<hbm>> -> memref<48x128xi32, #tpu.memory_space<hbm>>
        tpu.wait_dma2 semaphore(%run_scoped3A_123 : memref<!tpu.dma_semaphore, #tpu.memory_space<semaphore_mem>>) src(%dma_wait3A_143 : memref<48x128xi32, #tpu.memory_space<hbm>>) dst(%dma_wait3A_141 : memref<48x128xi32, #tpu.memory_space<vmem>>)
        tpu.yield
      }) : () -> ()
      %barrier3A_17 = arith.constant 0 : index
      tpu.barrier barrier_id(%barrier3A_17)
      %dma_start3A = arith.constant 0 : i32
      %dma_start3A_18 = arith.constant 0 : i32
      %dma_start3A_19 = tpu.memref_slice %arg7[%dma_start3A, %dma_start3A_18] : memref<48x128xi32, #tpu.memory_space<vmem>> -> memref<1x128xi32, #tpu.memory_space<vmem>>
      %dma_start3A_20 = tpu.memref_squeeze %dma_start3A_19 : memref<1x128xi32, #tpu.memory_space<vmem>> -> memref<128xi32, #tpu.memory_space<vmem>>
      %dma_start3A_21 = arith.constant 0 : i32
      %dma_start3A_22 = arith.constant 0 : i32
      %dma_start3A_23 = tpu.memref_slice %arg2[%dma_start3A_21, %dma_start3A_22] : memref<10240x128xf32, #tpu.memory_space<hbm>> -> memref<10240x128xf32, #tpu.memory_space<hbm>>
      tpu.enqueue_indirect_dma source(%dma_start3A_23 : memref<10240x128xf32, #tpu.memory_space<hbm>>) target(%arg9 : memref<128x128xf32, #tpu.memory_space<vmem>>) offsets(%dma_start3A_20 : memref<128xi32, #tpu.memory_space<vmem>>) semaphore(%arg12 : memref<!tpu.dma_semaphore, #tpu.memory_space<semaphore_mem>>)
      %scan3A = arith.constant 0 : i32
      %scan3A_24 = arith.constant 23 : i32
      %scan3A_25 = arith.addi %scan3A, %scan3A_24 : i32
      %scan3A_26 = arith.constant 1 : i32
      scf.for %scan3A_123 = %scan3A to %scan3A_25 step %scan3A_26  : i32 {
        %mul3A_124 = arith.constant 1 : i32
        %mul3A_125 = arith.muli %scan3A_123, %mul3A_124 : i32
        %add3A_126 = arith.constant 0 : i32
        %add3A_127 = arith.addi %add3A_126, %mul3A_125 : i32
        %mul3A_128 = arith.constant 2 : i32
        %mul3A_129 = arith.muli %mul3A_128, %add3A_127 : i32
        %dma_wait3A_130 = arith.constant 0 : i32
        %dma_wait3A_131 = tpu.memref_slice %arg7[%mul3A_129, %dma_wait3A_130] : memref<48x128xi32, #tpu.memory_space<vmem>> -> memref<1x128xi32, #tpu.memory_space<vmem>>
        %dma_wait3A_132 = tpu.memref_squeeze %dma_wait3A_131 : memref<1x128xi32, #tpu.memory_space<vmem>> -> memref<128xi32, #tpu.memory_space<vmem>>
        %dma_wait3A_133 = arith.constant 0 : i32
        %dma_wait3A_134 = arith.constant 0 : i32
        %dma_wait3A_135 = tpu.memref_slice %arg2[%dma_wait3A_133, %dma_wait3A_134] : memref<10240x128xf32, #tpu.memory_space<hbm>> -> memref<10240x128xf32, #tpu.memory_space<hbm>>
        tpu.wait_indirect_dma semaphore(%arg12 : memref<!tpu.dma_semaphore, #tpu.memory_space<semaphore_mem>>) src(%dma_wait3A_135 : memref<10240x128xf32, #tpu.memory_space<hbm>>) dst(%arg9 : memref<128x128xf32, #tpu.memory_space<vmem>>)
        %add3A_136 = arith.constant 1 : i32
        %add3A_137 = arith.addi %mul3A_129, %add3A_136 : i32
        %dma_start3A_138 = arith.constant 0 : i32
        %dma_start3A_139 = tpu.memref_slice %arg7[%add3A_137, %dma_start3A_138] : memref<48x128xi32, #tpu.memory_space<vmem>> -> memref<1x128xi32, #tpu.memory_space<vmem>>
        %dma_start3A_140 = tpu.memref_squeeze %dma_start3A_139 : memref<1x128xi32, #tpu.memory_space<vmem>> -> memref<128xi32, #tpu.memory_space<vmem>>
        %dma_start3A_141 = arith.constant 0 : i32
        %dma_start3A_142 = arith.constant 0 : i32
        %dma_start3A_143 = tpu.memref_slice %arg2[%dma_start3A_141, %dma_start3A_142] : memref<10240x128xf32, #tpu.memory_space<hbm>> -> memref<10240x128xf32, #tpu.memory_space<hbm>>
        tpu.enqueue_indirect_dma source(%dma_start3A_143 : memref<10240x128xf32, #tpu.memory_space<hbm>>) target(%arg10 : memref<128x128xf32, #tpu.memory_space<vmem>>) offsets(%dma_start3A_140 : memref<128xi32, #tpu.memory_space<vmem>>) semaphore(%arg13 : memref<!tpu.dma_semaphore, #tpu.memory_space<semaphore_mem>>)
        "tpu.region"() ({
          %run_scoped3A_162 = tpu.sem_alloc : memref<!tpu.dma_semaphore, #tpu.memory_space<semaphore_mem>>
          %dma_start3A_163 = arith.constant 0 : i32
          %dma_start3A_164 = tpu.memref_slice %arg8[%mul3A_129, %dma_start3A_163] : memref<48x128xi32, #tpu.memory_space<vmem>> -> memref<1x128xi32, #tpu.memory_space<vmem>>
          %dma_start3A_165 = tpu.memref_squeeze %dma_start3A_164 : memref<1x128xi32, #tpu.memory_space<vmem>> -> memref<128xi32, #tpu.memory_space<vmem>>
          %dma_start3A_166 = arith.constant 0 : i32
          %dma_start3A_167 = arith.constant 0 : i32
          %dma_start3A_168 = tpu.memref_slice %arg11[%dma_start3A_166, %dma_start3A_167] : memref<10240x128xf32, #tpu.memory_space<vmem_shared>> -> memref<10240x128xf32, #tpu.memory_space<vmem_shared>>
          tpu.enqueue_indirect_dma source(%arg9 : memref<128x128xf32, #tpu.memory_space<vmem>>) target(%dma_start3A_168 : memref<10240x128xf32, #tpu.memory_space<vmem_shared>>) offsets(%dma_start3A_165 : memref<128xi32, #tpu.memory_space<vmem>>) semaphore(%run_scoped3A_162 : memref<!tpu.dma_semaphore, #tpu.memory_space<semaphore_mem>>) {add = true}
          %dma_wait3A_169 = arith.constant 0 : i32
          %dma_wait3A_170 = tpu.memref_slice %arg8[%mul3A_129, %dma_wait3A_169] : memref<48x128xi32, #tpu.memory_space<vmem>> -> memref<1x128xi32, #tpu.memory_space<vmem>>
          %dma_wait3A_171 = tpu.memref_squeeze %dma_wait3A_170 : memref<1x128xi32, #tpu.memory_space<vmem>> -> memref<128xi32, #tpu.memory_space<vmem>>
          %dma_wait3A_172 = arith.constant 0 : i32
          %dma_wait3A_173 = arith.constant 0 : i32
          %dma_wait3A_174 = tpu.memref_slice %arg11[%dma_wait3A_172, %dma_wait3A_173] : memref<10240x128xf32, #tpu.memory_space<vmem_shared>> -> memref<10240x128xf32, #tpu.memory_space<vmem_shared>>
          tpu.wait_indirect_dma semaphore(%run_scoped3A_162 : memref<!tpu.dma_semaphore, #tpu.memory_space<semaphore_mem>>) src(%arg9 : memref<128x128xf32, #tpu.memory_space<vmem>>) dst(%dma_wait3A_174 : memref<10240x128xf32, #tpu.memory_space<vmem_shared>>)
          tpu.yield
        }) : () -> ()
        %add3A_144 = arith.constant 1 : i32
        %add3A_145 = arith.addi %mul3A_129, %add3A_144 : i32
        %dma_wait3A_146 = arith.constant 0 : i32
        %dma_wait3A_147 = tpu.memref_slice %arg7[%add3A_145, %dma_wait3A_146] : memref<48x128xi32, #tpu.memory_space<vmem>> -> memref<1x128xi32, #tpu.memory_space<vmem>>
        %dma_wait3A_148 = tpu.memref_squeeze %dma_wait3A_147 : memref<1x128xi32, #tpu.memory_space<vmem>> -> memref<128xi32, #tpu.memory_space<vmem>>
        %dma_wait3A_149 = arith.constant 0 : i32
        %dma_wait3A_150 = arith.constant 0 : i32
        %dma_wait3A_151 = tpu.memref_slice %arg2[%dma_wait3A_149, %dma_wait3A_150] : memref<10240x128xf32, #tpu.memory_space<hbm>> -> memref<10240x128xf32, #tpu.memory_space<hbm>>
        tpu.wait_indirect_dma semaphore(%arg13 : memref<!tpu.dma_semaphore, #tpu.memory_space<semaphore_mem>>) src(%dma_wait3A_151 : memref<10240x128xf32, #tpu.memory_space<hbm>>) dst(%arg10 : memref<128x128xf32, #tpu.memory_space<vmem>>)
        %add3A_152 = arith.constant 2 : i32
        %add3A_153 = arith.addi %mul3A_129, %add3A_152 : i32
        %dma_start3A_154 = arith.constant 0 : i32
        %dma_start3A_155 = tpu.memref_slice %arg7[%add3A_153, %dma_start3A_154] : memref<48x128xi32, #tpu.memory_space<vmem>> -> memref<1x128xi32, #tpu.memory_space<vmem>>
        %dma_start3A_156 = tpu.memref_squeeze %dma_start3A_155 : memref<1x128xi32, #tpu.memory_space<vmem>> -> memref<128xi32, #tpu.memory_space<vmem>>
        %dma_start3A_157 = arith.constant 0 : i32
        %dma_start3A_158 = arith.constant 0 : i32
        %dma_start3A_159 = tpu.memref_slice %arg2[%dma_start3A_157, %dma_start3A_158] : memref<10240x128xf32, #tpu.memory_space<hbm>> -> memref<10240x128xf32, #tpu.memory_space<hbm>>
        tpu.enqueue_indirect_dma source(%dma_start3A_159 : memref<10240x128xf32, #tpu.memory_space<hbm>>) target(%arg9 : memref<128x128xf32, #tpu.memory_space<vmem>>) offsets(%dma_start3A_156 : memref<128xi32, #tpu.memory_space<vmem>>) semaphore(%arg12 : memref<!tpu.dma_semaphore, #tpu.memory_space<semaphore_mem>>)
        %add3A_160 = arith.constant 1 : i32
        %add3A_161 = arith.addi %mul3A_129, %add3A_160 : i32
        "tpu.region"() ({
          %run_scoped3A_162 = tpu.sem_alloc : memref<!tpu.dma_semaphore, #tpu.memory_space<semaphore_mem>>
          %dma_start3A_163 = arith.constant 0 : i32
          %dma_start3A_164 = tpu.memref_slice %arg8[%add3A_161, %dma_start3A_163] : memref<48x128xi32, #tpu.memory_space<vmem>> -> memref<1x128xi32, #tpu.memory_space<vmem>>
          %dma_start3A_165 = tpu.memref_squeeze %dma_start3A_164 : memref<1x128xi32, #tpu.memory_space<vmem>> -> memref<128xi32, #tpu.memory_space<vmem>>
          %dma_start3A_166 = arith.constant 0 : i32
          %dma_start3A_167 = arith.constant 0 : i32
          %dma_start3A_168 = tpu.memref_slice %arg11[%dma_start3A_166, %dma_start3A_167] : memref<10240x128xf32, #tpu.memory_space<vmem_shared>> -> memref<10240x128xf32, #tpu.memory_space<vmem_shared>>
          tpu.enqueue_indirect_dma source(%arg10 : memref<128x128xf32, #tpu.memory_space<vmem>>) target(%dma_start3A_168 : memref<10240x128xf32, #tpu.memory_space<vmem_shared>>) offsets(%dma_start3A_165 : memref<128xi32, #tpu.memory_space<vmem>>) semaphore(%run_scoped3A_162 : memref<!tpu.dma_semaphore, #tpu.memory_space<semaphore_mem>>) {add = true}
          %dma_wait3A_169 = arith.constant 0 : i32
          %dma_wait3A_170 = tpu.memref_slice %arg8[%add3A_161, %dma_wait3A_169] : memref<48x128xi32, #tpu.memory_space<vmem>> -> memref<1x128xi32, #tpu.memory_space<vmem>>
          %dma_wait3A_171 = tpu.memref_squeeze %dma_wait3A_170 : memref<1x128xi32, #tpu.memory_space<vmem>> -> memref<128xi32, #tpu.memory_space<vmem>>
          %dma_wait3A_172 = arith.constant 0 : i32
          %dma_wait3A_173 = arith.constant 0 : i32
          %dma_wait3A_174 = tpu.memref_slice %arg11[%dma_wait3A_172, %dma_wait3A_173] : memref<10240x128xf32, #tpu.memory_space<vmem_shared>> -> memref<10240x128xf32, #tpu.memory_space<vmem_shared>>
          tpu.wait_indirect_dma semaphore(%run_scoped3A_162 : memref<!tpu.dma_semaphore, #tpu.memory_space<semaphore_mem>>) src(%arg10 : memref<128x128xf32, #tpu.memory_space<vmem>>) dst(%dma_wait3A_174 : memref<10240x128xf32, #tpu.memory_space<vmem_shared>>)
          tpu.yield
        }) : () -> ()
      }
      %scan3A_27 = arith.constant 23 : i32
      %dma_wait3A = arith.constant 46 : i32
      %dma_wait3A_28 = arith.constant 0 : i32
      %dma_wait3A_29 = tpu.memref_slice %arg7[%dma_wait3A, %dma_wait3A_28] : memref<48x128xi32, #tpu.memory_space<vmem>> -> memref<1x128xi32, #tpu.memory_space<vmem>>
      %dma_wait3A_30 = tpu.memref_squeeze %dma_wait3A_29 : memref<1x128xi32, #tpu.memory_space<vmem>> -> memref<128xi32, #tpu.memory_space<vmem>>
      %dma_wait3A_31 = arith.constant 0 : i32
      %dma_wait3A_32 = arith.constant 0 : i32
      %dma_wait3A_33 = tpu.memref_slice %arg2[%dma_wait3A_31, %dma_wait3A_32] : memref<10240x128xf32, #tpu.memory_space<hbm>> -> memref<10240x128xf32, #tpu.memory_space<hbm>>
      tpu.wait_indirect_dma semaphore(%arg12 : memref<!tpu.dma_semaphore, #tpu.memory_space<semaphore_mem>>) src(%dma_wait3A_33 : memref<10240x128xf32, #tpu.memory_space<hbm>>) dst(%arg9 : memref<128x128xf32, #tpu.memory_space<vmem>>)
      %dma_start3A_34 = arith.constant 47 : i32
      %dma_start3A_35 = arith.constant 0 : i32
      %dma_start3A_36 = tpu.memref_slice %arg7[%dma_start3A_34, %dma_start3A_35] : memref<48x128xi32, #tpu.memory_space<vmem>> -> memref<1x128xi32, #tpu.memory_space<vmem>>
      %dma_start3A_37 = tpu.memref_squeeze %dma_start3A_36 : memref<1x128xi32, #tpu.memory_space<vmem>> -> memref<128xi32, #tpu.memory_space<vmem>>
      %dma_start3A_38 = arith.constant 0 : i32
      %dma_start3A_39 = arith.constant 0 : i32
      %dma_start3A_40 = tpu.memref_slice %arg2[%dma_start3A_38, %dma_start3A_39] : memref<10240x128xf32, #tpu.memory_space<hbm>> -> memref<10240x128xf32, #tpu.memory_space<hbm>>
      tpu.enqueue_indirect_dma source(%dma_start3A_40 : memref<10240x128xf32, #tpu.memory_space<hbm>>) target(%arg10 : memref<128x128xf32, #tpu.memory_space<vmem>>) offsets(%dma_start3A_37 : memref<128xi32, #tpu.memory_space<vmem>>) semaphore(%arg13 : memref<!tpu.dma_semaphore, #tpu.memory_space<semaphore_mem>>)
      %run_scoped3A = arith.constant 46 : i32
      "tpu.region"() ({
        %run_scoped3A_123 = tpu.sem_alloc : memref<!tpu.dma_semaphore, #tpu.memory_space<semaphore_mem>>
        %dma_start3A_124 = arith.constant 0 : i32
        %dma_start3A_125 = tpu.memref_slice %arg8[%run_scoped3A, %dma_start3A_124] : memref<48x128xi32, #tpu.memory_space<vmem>> -> memref<1x128xi32, #tpu.memory_space<vmem>>
        %dma_start3A_126 = tpu.memref_squeeze %dma_start3A_125 : memref<1x128xi32, #tpu.memory_space<vmem>> -> memref<128xi32, #tpu.memory_space<vmem>>
        %dma_start3A_127 = arith.constant 0 : i32
        %dma_start3A_128 = arith.constant 0 : i32
        %dma_start3A_129 = tpu.memref_slice %arg11[%dma_start3A_127, %dma_start3A_128] : memref<10240x128xf32, #tpu.memory_space<vmem_shared>> -> memref<10240x128xf32, #tpu.memory_space<vmem_shared>>
        tpu.enqueue_indirect_dma source(%arg9 : memref<128x128xf32, #tpu.memory_space<vmem>>) target(%dma_start3A_129 : memref<10240x128xf32, #tpu.memory_space<vmem_shared>>) offsets(%dma_start3A_126 : memref<128xi32, #tpu.memory_space<vmem>>) semaphore(%run_scoped3A_123 : memref<!tpu.dma_semaphore, #tpu.memory_space<semaphore_mem>>) {add = true}
        %dma_wait3A_130 = arith.constant 0 : i32
        %dma_wait3A_131 = tpu.memref_slice %arg8[%run_scoped3A, %dma_wait3A_130] : memref<48x128xi32, #tpu.memory_space<vmem>> -> memref<1x128xi32, #tpu.memory_space<vmem>>
        %dma_wait3A_132 = tpu.memref_squeeze %dma_wait3A_131 : memref<1x128xi32, #tpu.memory_space<vmem>> -> memref<128xi32, #tpu.memory_space<vmem>>
        %dma_wait3A_133 = arith.constant 0 : i32
        %dma_wait3A_134 = arith.constant 0 : i32
        %dma_wait3A_135 = tpu.memref_slice %arg11[%dma_wait3A_133, %dma_wait3A_134] : memref<10240x128xf32, #tpu.memory_space<vmem_shared>> -> memref<10240x128xf32, #tpu.memory_space<vmem_shared>>
        tpu.wait_indirect_dma semaphore(%run_scoped3A_123 : memref<!tpu.dma_semaphore, #tpu.memory_space<semaphore_mem>>) src(%arg9 : memref<128x128xf32, #tpu.memory_space<vmem>>) dst(%dma_wait3A_135 : memref<10240x128xf32, #tpu.memory_space<vmem_shared>>)
        tpu.yield
      }) : () -> ()
      %dma_wait3A_41 = arith.constant 47 : i32
      %dma_wait3A_42 = arith.constant 0 : i32
      %dma_wait3A_43 = tpu.memref_slice %arg7[%dma_wait3A_41, %dma_wait3A_42] : memref<48x128xi32, #tpu.memory_space<vmem>> -> memref<1x128xi32, #tpu.memory_space<vmem>>
      %dma_wait3A_44 = tpu.memref_squeeze %dma_wait3A_43 : memref<1x128xi32, #tpu.memory_space<vmem>> -> memref<128xi32, #tpu.memory_space<vmem>>
      %dma_wait3A_45 = arith.constant 0 : i32
      %dma_wait3A_46 = arith.constant 0 : i32
      %dma_wait3A_47 = tpu.memref_slice %arg2[%dma_wait3A_45, %dma_wait3A_46] : memref<10240x128xf32, #tpu.memory_space<hbm>> -> memref<10240x128xf32, #tpu.memory_space<hbm>>
      tpu.wait_indirect_dma semaphore(%arg13 : memref<!tpu.dma_semaphore, #tpu.memory_space<semaphore_mem>>) src(%dma_wait3A_47 : memref<10240x128xf32, #tpu.memory_space<hbm>>) dst(%arg10 : memref<128x128xf32, #tpu.memory_space<vmem>>)
      %run_scoped3A_48 = arith.constant 47 : i32
      "tpu.region"() ({
        %run_scoped3A_123 = tpu.sem_alloc : memref<!tpu.dma_semaphore, #tpu.memory_space<semaphore_mem>>
        %dma_start3A_124 = arith.constant 0 : i32
        %dma_start3A_125 = tpu.memref_slice %arg8[%run_scoped3A_48, %dma_start3A_124] : memref<48x128xi32, #tpu.memory_space<vmem>> -> memref<1x128xi32, #tpu.memory_space<vmem>>
        %dma_start3A_126 = tpu.memref_squeeze %dma_start3A_125 : memref<1x128xi32, #tpu.memory_space<vmem>> -> memref<128xi32, #tpu.memory_space<vmem>>
        %dma_start3A_127 = arith.constant 0 : i32
        %dma_start3A_128 = arith.constant 0 : i32
        %dma_start3A_129 = tpu.memref_slice %arg11[%dma_start3A_127, %dma_start3A_128] : memref<10240x128xf32, #tpu.memory_space<vmem_shared>> -> memref<10240x128xf32, #tpu.memory_space<vmem_shared>>
        tpu.enqueue_indirect_dma source(%arg10 : memref<128x128xf32, #tpu.memory_space<vmem>>) target(%dma_start3A_129 : memref<10240x128xf32, #tpu.memory_space<vmem_shared>>) offsets(%dma_start3A_126 : memref<128xi32, #tpu.memory_space<vmem>>) semaphore(%run_scoped3A_123 : memref<!tpu.dma_semaphore, #tpu.memory_space<semaphore_mem>>) {add = true}
        %dma_wait3A_130 = arith.constant 0 : i32
        %dma_wait3A_131 = tpu.memref_slice %arg8[%run_scoped3A_48, %dma_wait3A_130] : memref<48x128xi32, #tpu.memory_space<vmem>> -> memref<1x128xi32, #tpu.memory_space<vmem>>
        %dma_wait3A_132 = tpu.memref_squeeze %dma_wait3A_131 : memref<1x128xi32, #tpu.memory_space<vmem>> -> memref<128xi32, #tpu.memory_space<vmem>>
        %dma_wait3A_133 = arith.constant 0 : i32
        %dma_wait3A_134 = arith.constant 0 : i32
        %dma_wait3A_135 = tpu.memref_slice %arg11[%dma_wait3A_133, %dma_wait3A_134] : memref<10240x128xf32, #tpu.memory_space<vmem_shared>> -> memref<10240x128xf32, #tpu.memory_space<vmem_shared>>
        tpu.wait_indirect_dma semaphore(%run_scoped3A_123 : memref<!tpu.dma_semaphore, #tpu.memory_space<semaphore_mem>>) src(%arg10 : memref<128x128xf32, #tpu.memory_space<vmem>>) dst(%dma_wait3A_135 : memref<10240x128xf32, #tpu.memory_space<vmem_shared>>)
        tpu.yield
      }) : () -> ()
      %add3A_49 = arith.constant 48 : i32
      %add3A_50 = arith.addi %mul3A_15, %add3A_49 : i32
      "tpu.region"() ({
        %run_scoped3A_123 = tpu.sem_alloc : memref<!tpu.dma_semaphore, #tpu.memory_space<semaphore_mem>>
        %dma_start3A_124 = arith.constant 0 : i32
        %dma_start3A_125 = arith.constant 0 : i32
        %dma_start3A_126 = tpu.memref_slice %arg7[%dma_start3A_124, %dma_start3A_125] : memref<48x128xi32, #tpu.memory_space<vmem>> -> memref<48x128xi32, #tpu.memory_space<vmem>>
        %dma_start3A_127 = arith.constant 0 : i32
        %dma_start3A_128 = tpu.memref_slice %arg3[%add3A_50, %dma_start3A_127] : memref<2560x128xi32, #tpu.memory_space<hbm>> -> memref<48x128xi32, #tpu.memory_space<hbm>>
        %dma_start3A_129 = arith.constant 0 : i32
        %dma_start3A_130 = arith.constant 0 : i32
        %dma_start3A_131 = tpu.memref_slice %arg7[%dma_start3A_129, %dma_start3A_130] : memref<48x128xi32, #tpu.memory_space<vmem>> -> memref<48x128xi32, #tpu.memory_space<vmem>>
        %dma_start3A_132 = arith.constant 0 : i32
        %dma_start3A_133 = tpu.memref_slice %arg3[%add3A_50, %dma_start3A_132] : memref<2560x128xi32, #tpu.memory_space<hbm>> -> memref<48x128xi32, #tpu.memory_space<hbm>>
        tpu.enqueue_dma source(%dma_start3A_133 : memref<48x128xi32, #tpu.memory_space<hbm>>) target(%dma_start3A_131 : memref<48x128xi32, #tpu.memory_space<vmem>>) target_semaphore(%run_scoped3A_123 : memref<!tpu.dma_semaphore, #tpu.memory_space<semaphore_mem>>)
        %dma_wait3A_134 = arith.constant 0 : i32
        %dma_wait3A_135 = arith.constant 0 : i32
        %dma_wait3A_136 = tpu.memref_slice %arg7[%dma_wait3A_134, %dma_wait3A_135] : memref<48x128xi32, #tpu.memory_space<vmem>> -> memref<48x128xi32, #tpu.memory_space<vmem>>
        %dma_wait3A_137 = arith.constant 0 : i32
        %dma_wait3A_138 = tpu.memref_slice %arg3[%add3A_50, %dma_wait3A_137] : memref<2560x128xi32, #tpu.memory_space<hbm>> -> memref<48x128xi32, #tpu.memory_space<hbm>>
        %dma_wait3A_139 = arith.constant 0 : i32
        %dma_wait3A_140 = arith.constant 0 : i32
        %dma_wait3A_141 = tpu.memref_slice %arg7[%dma_wait3A_139, %dma_wait3A_140] : memref<48x128xi32, #tpu.memory_space<vmem>> -> memref<48x128xi32, #tpu.memory_space<vmem>>
        %dma_wait3A_142 = arith.constant 0 : i32
        %dma_wait3A_143 = tpu.memref_slice %arg3[%add3A_50, %dma_wait3A_142] : memref<2560x128xi32, #tpu.memory_space<hbm>> -> memref<48x128xi32, #tpu.memory_space<hbm>>
        tpu.wait_dma2 semaphore(%run_scoped3A_123 : memref<!tpu.dma_semaphore, #tpu.memory_space<semaphore_mem>>) src(%dma_wait3A_143 : memref<48x128xi32, #tpu.memory_space<hbm>>) dst(%dma_wait3A_141 : memref<48x128xi32, #tpu.memory_space<vmem>>)
        tpu.yield
      }) : () -> ()
      "tpu.region"() ({
        %run_scoped3A_123 = tpu.sem_alloc : memref<!tpu.dma_semaphore, #tpu.memory_space<semaphore_mem>>
        %dma_start3A_124 = arith.constant 0 : i32
        %dma_start3A_125 = arith.constant 0 : i32
        %dma_start3A_126 = tpu.memref_slice %arg8[%dma_start3A_124, %dma_start3A_125] : memref<48x128xi32, #tpu.memory_space<vmem>> -> memref<48x128xi32, #tpu.memory_space<vmem>>
        %dma_start3A_127 = arith.constant 0 : i32
        %dma_start3A_128 = tpu.memref_slice %arg4[%add3A_50, %dma_start3A_127] : memref<2560x128xi32, #tpu.memory_space<hbm>> -> memref<48x128xi32, #tpu.memory_space<hbm>>
        %dma_start3A_129 = arith.constant 0 : i32
        %dma_start3A_130 = arith.constant 0 : i32
        %dma_start3A_131 = tpu.memref_slice %arg8[%dma_start3A_129, %dma_start3A_130] : memref<48x128xi32, #tpu.memory_space<vmem>> -> memref<48x128xi32, #tpu.memory_space<vmem>>
        %dma_start3A_132 = arith.constant 0 : i32
        %dma_start3A_133 = tpu.memref_slice %arg4[%add3A_50, %dma_start3A_132] : memref<2560x128xi32, #tpu.memory_space<hbm>> -> memref<48x128xi32, #tpu.memory_space<hbm>>
        tpu.enqueue_dma source(%dma_start3A_133 : memref<48x128xi32, #tpu.memory_space<hbm>>) target(%dma_start3A_131 : memref<48x128xi32, #tpu.memory_space<vmem>>) target_semaphore(%run_scoped3A_123 : memref<!tpu.dma_semaphore, #tpu.memory_space<semaphore_mem>>)
        %dma_wait3A_134 = arith.constant 0 : i32
        %dma_wait3A_135 = arith.constant 0 : i32
        %dma_wait3A_136 = tpu.memref_slice %arg8[%dma_wait3A_134, %dma_wait3A_135] : memref<48x128xi32, #tpu.memory_space<vmem>> -> memref<48x128xi32, #tpu.memory_space<vmem>>
        %dma_wait3A_137 = arith.constant 0 : i32
        %dma_wait3A_138 = tpu.memref_slice %arg4[%add3A_50, %dma_wait3A_137] : memref<2560x128xi32, #tpu.memory_space<hbm>> -> memref<48x128xi32, #tpu.memory_space<hbm>>
        %dma_wait3A_139 = arith.constant 0 : i32
        %dma_wait3A_140 = arith.constant 0 : i32
        %dma_wait3A_141 = tpu.memref_slice %arg8[%dma_wait3A_139, %dma_wait3A_140] : memref<48x128xi32, #tpu.memory_space<vmem>> -> memref<48x128xi32, #tpu.memory_space<vmem>>
        %dma_wait3A_142 = arith.constant 0 : i32
        %dma_wait3A_143 = tpu.memref_slice %arg4[%add3A_50, %dma_wait3A_142] : memref<2560x128xi32, #tpu.memory_space<hbm>> -> memref<48x128xi32, #tpu.memory_space<hbm>>
        tpu.wait_dma2 semaphore(%run_scoped3A_123 : memref<!tpu.dma_semaphore, #tpu.memory_space<semaphore_mem>>) src(%dma_wait3A_143 : memref<48x128xi32, #tpu.memory_space<hbm>>) dst(%dma_wait3A_141 : memref<48x128xi32, #tpu.memory_space<vmem>>)
        tpu.yield
      }) : () -> ()
      %dma_start3A_51 = arith.constant 0 : i32
      %dma_start3A_52 = arith.constant 0 : i32
      %dma_start3A_53 = tpu.memref_slice %arg7[%dma_start3A_51, %dma_start3A_52] : memref<48x128xi32, #tpu.memory_space<vmem>> -> memref<1x128xi32, #tpu.memory_space<vmem>>
      %dma_start3A_54 = tpu.memref_squeeze %dma_start3A_53 : memref<1x128xi32, #tpu.memory_space<vmem>> -> memref<128xi32, #tpu.memory_space<vmem>>
      %dma_start3A_55 = arith.constant 0 : i32
      %dma_start3A_56 = arith.constant 0 : i32
      %dma_start3A_57 = tpu.memref_slice %arg2[%dma_start3A_55, %dma_start3A_56] : memref<10240x128xf32, #tpu.memory_space<hbm>> -> memref<10240x128xf32, #tpu.memory_space<hbm>>
      tpu.enqueue_indirect_dma source(%dma_start3A_57 : memref<10240x128xf32, #tpu.memory_space<hbm>>) target(%arg9 : memref<128x128xf32, #tpu.memory_space<vmem>>) offsets(%dma_start3A_54 : memref<128xi32, #tpu.memory_space<vmem>>) semaphore(%arg12 : memref<!tpu.dma_semaphore, #tpu.memory_space<semaphore_mem>>)
      %scan3A_58 = arith.constant 0 : i32
      %scan3A_59 = arith.constant 23 : i32
      %scan3A_60 = arith.addi %scan3A_58, %scan3A_59 : i32
      %scan3A_61 = arith.constant 1 : i32
      scf.for %scan3A_123 = %scan3A_58 to %scan3A_60 step %scan3A_61  : i32 {
        %mul3A_124 = arith.constant 1 : i32
        %mul3A_125 = arith.muli %scan3A_123, %mul3A_124 : i32
        %add3A_126 = arith.constant 0 : i32
        %add3A_127 = arith.addi %add3A_126, %mul3A_125 : i32
        %mul3A_128 = arith.constant 2 : i32
        %mul3A_129 = arith.muli %mul3A_128, %add3A_127 : i32
        %dma_wait3A_130 = arith.constant 0 : i32
        %dma_wait3A_131 = tpu.memref_slice %arg7[%mul3A_129, %dma_wait3A_130] : memref<48x128xi32, #tpu.memory_space<vmem>> -> memref<1x128xi32, #tpu.memory_space<vmem>>
        %dma_wait3A_132 = tpu.memref_squeeze %dma_wait3A_131 : memref<1x128xi32, #tpu.memory_space<vmem>> -> memref<128xi32, #tpu.memory_space<vmem>>
        %dma_wait3A_133 = arith.constant 0 : i32
        %dma_wait3A_134 = arith.constant 0 : i32
        %dma_wait3A_135 = tpu.memref_slice %arg2[%dma_wait3A_133, %dma_wait3A_134] : memref<10240x128xf32, #tpu.memory_space<hbm>> -> memref<10240x128xf32, #tpu.memory_space<hbm>>
        tpu.wait_indirect_dma semaphore(%arg12 : memref<!tpu.dma_semaphore, #tpu.memory_space<semaphore_mem>>) src(%dma_wait3A_135 : memref<10240x128xf32, #tpu.memory_space<hbm>>) dst(%arg9 : memref<128x128xf32, #tpu.memory_space<vmem>>)
        %add3A_136 = arith.constant 1 : i32
        %add3A_137 = arith.addi %mul3A_129, %add3A_136 : i32
        %dma_start3A_138 = arith.constant 0 : i32
        %dma_start3A_139 = tpu.memref_slice %arg7[%add3A_137, %dma_start3A_138] : memref<48x128xi32, #tpu.memory_space<vmem>> -> memref<1x128xi32, #tpu.memory_space<vmem>>
        %dma_start3A_140 = tpu.memref_squeeze %dma_start3A_139 : memref<1x128xi32, #tpu.memory_space<vmem>> -> memref<128xi32, #tpu.memory_space<vmem>>
        %dma_start3A_141 = arith.constant 0 : i32
        %dma_start3A_142 = arith.constant 0 : i32
        %dma_start3A_143 = tpu.memref_slice %arg2[%dma_start3A_141, %dma_start3A_142] : memref<10240x128xf32, #tpu.memory_space<hbm>> -> memref<10240x128xf32, #tpu.memory_space<hbm>>
        tpu.enqueue_indirect_dma source(%dma_start3A_143 : memref<10240x128xf32, #tpu.memory_space<hbm>>) target(%arg10 : memref<128x128xf32, #tpu.memory_space<vmem>>) offsets(%dma_start3A_140 : memref<128xi32, #tpu.memory_space<vmem>>) semaphore(%arg13 : memref<!tpu.dma_semaphore, #tpu.memory_space<semaphore_mem>>)
        "tpu.region"() ({
          %run_scoped3A_162 = tpu.sem_alloc : memref<!tpu.dma_semaphore, #tpu.memory_space<semaphore_mem>>
          %dma_start3A_163 = arith.constant 0 : i32
          %dma_start3A_164 = tpu.memref_slice %arg8[%mul3A_129, %dma_start3A_163] : memref<48x128xi32, #tpu.memory_space<vmem>> -> memref<1x128xi32, #tpu.memory_space<vmem>>
          %dma_start3A_165 = tpu.memref_squeeze %dma_start3A_164 : memref<1x128xi32, #tpu.memory_space<vmem>> -> memref<128xi32, #tpu.memory_space<vmem>>
          %dma_start3A_166 = arith.constant 0 : i32
          %dma_start3A_167 = arith.constant 0 : i32
          %dma_start3A_168 = tpu.memref_slice %arg11[%dma_start3A_166, %dma_start3A_167] : memref<10240x128xf32, #tpu.memory_space<vmem_shared>> -> memref<10240x128xf32, #tpu.memory_space<vmem_shared>>
          tpu.enqueue_indirect_dma source(%arg9 : memref<128x128xf32, #tpu.memory_space<vmem>>) target(%dma_start3A_168 : memref<10240x128xf32, #tpu.memory_space<vmem_shared>>) offsets(%dma_start3A_165 : memref<128xi32, #tpu.memory_space<vmem>>) semaphore(%run_scoped3A_162 : memref<!tpu.dma_semaphore, #tpu.memory_space<semaphore_mem>>) {add = true}
          %dma_wait3A_169 = arith.constant 0 : i32
          %dma_wait3A_170 = tpu.memref_slice %arg8[%mul3A_129, %dma_wait3A_169] : memref<48x128xi32, #tpu.memory_space<vmem>> -> memref<1x128xi32, #tpu.memory_space<vmem>>
          %dma_wait3A_171 = tpu.memref_squeeze %dma_wait3A_170 : memref<1x128xi32, #tpu.memory_space<vmem>> -> memref<128xi32, #tpu.memory_space<vmem>>
          %dma_wait3A_172 = arith.constant 0 : i32
          %dma_wait3A_173 = arith.constant 0 : i32
          %dma_wait3A_174 = tpu.memref_slice %arg11[%dma_wait3A_172, %dma_wait3A_173] : memref<10240x128xf32, #tpu.memory_space<vmem_shared>> -> memref<10240x128xf32, #tpu.memory_space<vmem_shared>>
          tpu.wait_indirect_dma semaphore(%run_scoped3A_162 : memref<!tpu.dma_semaphore, #tpu.memory_space<semaphore_mem>>) src(%arg9 : memref<128x128xf32, #tpu.memory_space<vmem>>) dst(%dma_wait3A_174 : memref<10240x128xf32, #tpu.memory_space<vmem_shared>>)
          tpu.yield
        }) : () -> ()
        %add3A_144 = arith.constant 1 : i32
        %add3A_145 = arith.addi %mul3A_129, %add3A_144 : i32
        %dma_wait3A_146 = arith.constant 0 : i32
        %dma_wait3A_147 = tpu.memref_slice %arg7[%add3A_145, %dma_wait3A_146] : memref<48x128xi32, #tpu.memory_space<vmem>> -> memref<1x128xi32, #tpu.memory_space<vmem>>
        %dma_wait3A_148 = tpu.memref_squeeze %dma_wait3A_147 : memref<1x128xi32, #tpu.memory_space<vmem>> -> memref<128xi32, #tpu.memory_space<vmem>>
        %dma_wait3A_149 = arith.constant 0 : i32
        %dma_wait3A_150 = arith.constant 0 : i32
        %dma_wait3A_151 = tpu.memref_slice %arg2[%dma_wait3A_149, %dma_wait3A_150] : memref<10240x128xf32, #tpu.memory_space<hbm>> -> memref<10240x128xf32, #tpu.memory_space<hbm>>
        tpu.wait_indirect_dma semaphore(%arg13 : memref<!tpu.dma_semaphore, #tpu.memory_space<semaphore_mem>>) src(%dma_wait3A_151 : memref<10240x128xf32, #tpu.memory_space<hbm>>) dst(%arg10 : memref<128x128xf32, #tpu.memory_space<vmem>>)
        %add3A_152 = arith.constant 2 : i32
        %add3A_153 = arith.addi %mul3A_129, %add3A_152 : i32
        %dma_start3A_154 = arith.constant 0 : i32
        %dma_start3A_155 = tpu.memref_slice %arg7[%add3A_153, %dma_start3A_154] : memref<48x128xi32, #tpu.memory_space<vmem>> -> memref<1x128xi32, #tpu.memory_space<vmem>>
        %dma_start3A_156 = tpu.memref_squeeze %dma_start3A_155 : memref<1x128xi32, #tpu.memory_space<vmem>> -> memref<128xi32, #tpu.memory_space<vmem>>
        %dma_start3A_157 = arith.constant 0 : i32
        %dma_start3A_158 = arith.constant 0 : i32
        %dma_start3A_159 = tpu.memref_slice %arg2[%dma_start3A_157, %dma_start3A_158] : memref<10240x128xf32, #tpu.memory_space<hbm>> -> memref<10240x128xf32, #tpu.memory_space<hbm>>
        tpu.enqueue_indirect_dma source(%dma_start3A_159 : memref<10240x128xf32, #tpu.memory_space<hbm>>) target(%arg9 : memref<128x128xf32, #tpu.memory_space<vmem>>) offsets(%dma_start3A_156 : memref<128xi32, #tpu.memory_space<vmem>>) semaphore(%arg12 : memref<!tpu.dma_semaphore, #tpu.memory_space<semaphore_mem>>)
        %add3A_160 = arith.constant 1 : i32
        %add3A_161 = arith.addi %mul3A_129, %add3A_160 : i32
        "tpu.region"() ({
          %run_scoped3A_162 = tpu.sem_alloc : memref<!tpu.dma_semaphore, #tpu.memory_space<semaphore_mem>>
          %dma_start3A_163 = arith.constant 0 : i32
          %dma_start3A_164 = tpu.memref_slice %arg8[%add3A_161, %dma_start3A_163] : memref<48x128xi32, #tpu.memory_space<vmem>> -> memref<1x128xi32, #tpu.memory_space<vmem>>
          %dma_start3A_165 = tpu.memref_squeeze %dma_start3A_164 : memref<1x128xi32, #tpu.memory_space<vmem>> -> memref<128xi32, #tpu.memory_space<vmem>>
          %dma_start3A_166 = arith.constant 0 : i32
          %dma_start3A_167 = arith.constant 0 : i32
          %dma_start3A_168 = tpu.memref_slice %arg11[%dma_start3A_166, %dma_start3A_167] : memref<10240x128xf32, #tpu.memory_space<vmem_shared>> -> memref<10240x128xf32, #tpu.memory_space<vmem_shared>>
          tpu.enqueue_indirect_dma source(%arg10 : memref<128x128xf32, #tpu.memory_space<vmem>>) target(%dma_start3A_168 : memref<10240x128xf32, #tpu.memory_space<vmem_shared>>) offsets(%dma_start3A_165 : memref<128xi32, #tpu.memory_space<vmem>>) semaphore(%run_scoped3A_162 : memref<!tpu.dma_semaphore, #tpu.memory_space<semaphore_mem>>) {add = true}
          %dma_wait3A_169 = arith.constant 0 : i32
          %dma_wait3A_170 = tpu.memref_slice %arg8[%add3A_161, %dma_wait3A_169] : memref<48x128xi32, #tpu.memory_space<vmem>> -> memref<1x128xi32, #tpu.memory_space<vmem>>
          %dma_wait3A_171 = tpu.memref_squeeze %dma_wait3A_170 : memref<1x128xi32, #tpu.memory_space<vmem>> -> memref<128xi32, #tpu.memory_space<vmem>>
          %dma_wait3A_172 = arith.constant 0 : i32
          %dma_wait3A_173 = arith.constant 0 : i32
          %dma_wait3A_174 = tpu.memref_slice %arg11[%dma_wait3A_172, %dma_wait3A_173] : memref<10240x128xf32, #tpu.memory_space<vmem_shared>> -> memref<10240x128xf32, #tpu.memory_space<vmem_shared>>
          tpu.wait_indirect_dma semaphore(%run_scoped3A_162 : memref<!tpu.dma_semaphore, #tpu.memory_space<semaphore_mem>>) src(%arg10 : memref<128x128xf32, #tpu.memory_space<vmem>>) dst(%dma_wait3A_174 : memref<10240x128xf32, #tpu.memory_space<vmem_shared>>)
          tpu.yield
        }) : () -> ()
      }
      %scan3A_62 = arith.constant 23 : i32
      %dma_wait3A_63 = arith.constant 46 : i32
      %dma_wait3A_64 = arith.constant 0 : i32
      %dma_wait3A_65 = tpu.memref_slice %arg7[%dma_wait3A_63, %dma_wait3A_64] : memref<48x128xi32, #tpu.memory_space<vmem>> -> memref<1x128xi32, #tpu.memory_space<vmem>>
      %dma_wait3A_66 = tpu.memref_squeeze %dma_wait3A_65 : memref<1x128xi32, #tpu.memory_space<vmem>> -> memref<128xi32, #tpu.memory_space<vmem>>
      %dma_wait3A_67 = arith.constant 0 : i32
      %dma_wait3A_68 = arith.constant 0 : i32
      %dma_wait3A_69 = tpu.memref_slice %arg2[%dma_wait3A_67, %dma_wait3A_68] : memref<10240x128xf32, #tpu.memory_space<hbm>> -> memref<10240x128xf32, #tpu.memory_space<hbm>>
      tpu.wait_indirect_dma semaphore(%arg12 : memref<!tpu.dma_semaphore, #tpu.memory_space<semaphore_mem>>) src(%dma_wait3A_69 : memref<10240x128xf32, #tpu.memory_space<hbm>>) dst(%arg9 : memref<128x128xf32, #tpu.memory_space<vmem>>)
      %dma_start3A_70 = arith.constant 47 : i32
      %dma_start3A_71 = arith.constant 0 : i32
      %dma_start3A_72 = tpu.memref_slice %arg7[%dma_start3A_70, %dma_start3A_71] : memref<48x128xi32, #tpu.memory_space<vmem>> -> memref<1x128xi32, #tpu.memory_space<vmem>>
      %dma_start3A_73 = tpu.memref_squeeze %dma_start3A_72 : memref<1x128xi32, #tpu.memory_space<vmem>> -> memref<128xi32, #tpu.memory_space<vmem>>
      %dma_start3A_74 = arith.constant 0 : i32
      %dma_start3A_75 = arith.constant 0 : i32
      %dma_start3A_76 = tpu.memref_slice %arg2[%dma_start3A_74, %dma_start3A_75] : memref<10240x128xf32, #tpu.memory_space<hbm>> -> memref<10240x128xf32, #tpu.memory_space<hbm>>
      tpu.enqueue_indirect_dma source(%dma_start3A_76 : memref<10240x128xf32, #tpu.memory_space<hbm>>) target(%arg10 : memref<128x128xf32, #tpu.memory_space<vmem>>) offsets(%dma_start3A_73 : memref<128xi32, #tpu.memory_space<vmem>>) semaphore(%arg13 : memref<!tpu.dma_semaphore, #tpu.memory_space<semaphore_mem>>)
      %run_scoped3A_77 = arith.constant 46 : i32
      "tpu.region"() ({
        %run_scoped3A_123 = tpu.sem_alloc : memref<!tpu.dma_semaphore, #tpu.memory_space<semaphore_mem>>
        %dma_start3A_124 = arith.constant 0 : i32
        %dma_start3A_125 = tpu.memref_slice %arg8[%run_scoped3A_77, %dma_start3A_124] : memref<48x128xi32, #tpu.memory_space<vmem>> -> memref<1x128xi32, #tpu.memory_space<vmem>>
        %dma_start3A_126 = tpu.memref_squeeze %dma_start3A_125 : memref<1x128xi32, #tpu.memory_space<vmem>> -> memref<128xi32, #tpu.memory_space<vmem>>
        %dma_start3A_127 = arith.constant 0 : i32
        %dma_start3A_128 = arith.constant 0 : i32
        %dma_start3A_129 = tpu.memref_slice %arg11[%dma_start3A_127, %dma_start3A_128] : memref<10240x128xf32, #tpu.memory_space<vmem_shared>> -> memref<10240x128xf32, #tpu.memory_space<vmem_shared>>
        tpu.enqueue_indirect_dma source(%arg9 : memref<128x128xf32, #tpu.memory_space<vmem>>) target(%dma_start3A_129 : memref<10240x128xf32, #tpu.memory_space<vmem_shared>>) offsets(%dma_start3A_126 : memref<128xi32, #tpu.memory_space<vmem>>) semaphore(%run_scoped3A_123 : memref<!tpu.dma_semaphore, #tpu.memory_space<semaphore_mem>>) {add = true}
        %dma_wait3A_130 = arith.constant 0 : i32
        %dma_wait3A_131 = tpu.memref_slice %arg8[%run_scoped3A_77, %dma_wait3A_130] : memref<48x128xi32, #tpu.memory_space<vmem>> -> memref<1x128xi32, #tpu.memory_space<vmem>>
        %dma_wait3A_132 = tpu.memref_squeeze %dma_wait3A_131 : memref<1x128xi32, #tpu.memory_space<vmem>> -> memref<128xi32, #tpu.memory_space<vmem>>
        %dma_wait3A_133 = arith.constant 0 : i32
        %dma_wait3A_134 = arith.constant 0 : i32
        %dma_wait3A_135 = tpu.memref_slice %arg11[%dma_wait3A_133, %dma_wait3A_134] : memref<10240x128xf32, #tpu.memory_space<vmem_shared>> -> memref<10240x128xf32, #tpu.memory_space<vmem_shared>>
        tpu.wait_indirect_dma semaphore(%run_scoped3A_123 : memref<!tpu.dma_semaphore, #tpu.memory_space<semaphore_mem>>) src(%arg9 : memref<128x128xf32, #tpu.memory_space<vmem>>) dst(%dma_wait3A_135 : memref<10240x128xf32, #tpu.memory_space<vmem_shared>>)
        tpu.yield
      }) : () -> ()
      %dma_wait3A_78 = arith.constant 47 : i32
      %dma_wait3A_79 = arith.constant 0 : i32
      %dma_wait3A_80 = tpu.memref_slice %arg7[%dma_wait3A_78, %dma_wait3A_79] : memref<48x128xi32, #tpu.memory_space<vmem>> -> memref<1x128xi32, #tpu.memory_space<vmem>>
      %dma_wait3A_81 = tpu.memref_squeeze %dma_wait3A_80 : memref<1x128xi32, #tpu.memory_space<vmem>> -> memref<128xi32, #tpu.memory_space<vmem>>
      %dma_wait3A_82 = arith.constant 0 : i32
      %dma_wait3A_83 = arith.constant 0 : i32
      %dma_wait3A_84 = tpu.memref_slice %arg2[%dma_wait3A_82, %dma_wait3A_83] : memref<10240x128xf32, #tpu.memory_space<hbm>> -> memref<10240x128xf32, #tpu.memory_space<hbm>>
      tpu.wait_indirect_dma semaphore(%arg13 : memref<!tpu.dma_semaphore, #tpu.memory_space<semaphore_mem>>) src(%dma_wait3A_84 : memref<10240x128xf32, #tpu.memory_space<hbm>>) dst(%arg10 : memref<128x128xf32, #tpu.memory_space<vmem>>)
      %run_scoped3A_85 = arith.constant 47 : i32
      "tpu.region"() ({
        %run_scoped3A_123 = tpu.sem_alloc : memref<!tpu.dma_semaphore, #tpu.memory_space<semaphore_mem>>
        %dma_start3A_124 = arith.constant 0 : i32
        %dma_start3A_125 = tpu.memref_slice %arg8[%run_scoped3A_85, %dma_start3A_124] : memref<48x128xi32, #tpu.memory_space<vmem>> -> memref<1x128xi32, #tpu.memory_space<vmem>>
        %dma_start3A_126 = tpu.memref_squeeze %dma_start3A_125 : memref<1x128xi32, #tpu.memory_space<vmem>> -> memref<128xi32, #tpu.memory_space<vmem>>
        %dma_start3A_127 = arith.constant 0 : i32
        %dma_start3A_128 = arith.constant 0 : i32
        %dma_start3A_129 = tpu.memref_slice %arg11[%dma_start3A_127, %dma_start3A_128] : memref<10240x128xf32, #tpu.memory_space<vmem_shared>> -> memref<10240x128xf32, #tpu.memory_space<vmem_shared>>
        tpu.enqueue_indirect_dma source(%arg10 : memref<128x128xf32, #tpu.memory_space<vmem>>) target(%dma_start3A_129 : memref<10240x128xf32, #tpu.memory_space<vmem_shared>>) offsets(%dma_start3A_126 : memref<128xi32, #tpu.memory_space<vmem>>) semaphore(%run_scoped3A_123 : memref<!tpu.dma_semaphore, #tpu.memory_space<semaphore_mem>>) {add = true}
        %dma_wait3A_130 = arith.constant 0 : i32
        %dma_wait3A_131 = tpu.memref_slice %arg8[%run_scoped3A_85, %dma_wait3A_130] : memref<48x128xi32, #tpu.memory_space<vmem>> -> memref<1x128xi32, #tpu.memory_space<vmem>>
        %dma_wait3A_132 = tpu.memref_squeeze %dma_wait3A_131 : memref<1x128xi32, #tpu.memory_space<vmem>> -> memref<128xi32, #tpu.memory_space<vmem>>
        %dma_wait3A_133 = arith.constant 0 : i32
        %dma_wait3A_134 = arith.constant 0 : i32
        %dma_wait3A_135 = tpu.memref_slice %arg11[%dma_wait3A_133, %dma_wait3A_134] : memref<10240x128xf32, #tpu.memory_space<vmem_shared>> -> memref<10240x128xf32, #tpu.memory_space<vmem_shared>>
        tpu.wait_indirect_dma semaphore(%run_scoped3A_123 : memref<!tpu.dma_semaphore, #tpu.memory_space<semaphore_mem>>) src(%arg10 : memref<128x128xf32, #tpu.memory_space<vmem>>) dst(%dma_wait3A_135 : memref<10240x128xf32, #tpu.memory_space<vmem_shared>>)
        tpu.yield
      }) : () -> ()
      %add3A_86 = arith.constant 96 : i32
      %add3A_87 = arith.addi %mul3A_15, %add3A_86 : i32
      "tpu.region"() ({
        %run_scoped3A_123 = tpu.sem_alloc : memref<!tpu.dma_semaphore, #tpu.memory_space<semaphore_mem>>
        %dma_start3A_124 = arith.constant 0 : i32
        %dma_start3A_125 = arith.constant 0 : i32
        %dma_start3A_126 = tpu.memref_slice %arg7[%dma_start3A_124, %dma_start3A_125] : memref<48x128xi32, #tpu.memory_space<vmem>> -> memref<48x128xi32, #tpu.memory_space<vmem>>
        %dma_start3A_127 = arith.constant 0 : i32
        %dma_start3A_128 = tpu.memref_slice %arg3[%add3A_87, %dma_start3A_127] : memref<2560x128xi32, #tpu.memory_space<hbm>> -> memref<48x128xi32, #tpu.memory_space<hbm>>
        %dma_start3A_129 = arith.constant 0 : i32
        %dma_start3A_130 = arith.constant 0 : i32
        %dma_start3A_131 = tpu.memref_slice %arg7[%dma_start3A_129, %dma_start3A_130] : memref<48x128xi32, #tpu.memory_space<vmem>> -> memref<48x128xi32, #tpu.memory_space<vmem>>
        %dma_start3A_132 = arith.constant 0 : i32
        %dma_start3A_133 = tpu.memref_slice %arg3[%add3A_87, %dma_start3A_132] : memref<2560x128xi32, #tpu.memory_space<hbm>> -> memref<48x128xi32, #tpu.memory_space<hbm>>
        tpu.enqueue_dma source(%dma_start3A_133 : memref<48x128xi32, #tpu.memory_space<hbm>>) target(%dma_start3A_131 : memref<48x128xi32, #tpu.memory_space<vmem>>) target_semaphore(%run_scoped3A_123 : memref<!tpu.dma_semaphore, #tpu.memory_space<semaphore_mem>>)
        %dma_wait3A_134 = arith.constant 0 : i32
        %dma_wait3A_135 = arith.constant 0 : i32
        %dma_wait3A_136 = tpu.memref_slice %arg7[%dma_wait3A_134, %dma_wait3A_135] : memref<48x128xi32, #tpu.memory_space<vmem>> -> memref<48x128xi32, #tpu.memory_space<vmem>>
        %dma_wait3A_137 = arith.constant 0 : i32
        %dma_wait3A_138 = tpu.memref_slice %arg3[%add3A_87, %dma_wait3A_137] : memref<2560x128xi32, #tpu.memory_space<hbm>> -> memref<48x128xi32, #tpu.memory_space<hbm>>
        %dma_wait3A_139 = arith.constant 0 : i32
        %dma_wait3A_140 = arith.constant 0 : i32
        %dma_wait3A_141 = tpu.memref_slice %arg7[%dma_wait3A_139, %dma_wait3A_140] : memref<48x128xi32, #tpu.memory_space<vmem>> -> memref<48x128xi32, #tpu.memory_space<vmem>>
        %dma_wait3A_142 = arith.constant 0 : i32
        %dma_wait3A_143 = tpu.memref_slice %arg3[%add3A_87, %dma_wait3A_142] : memref<2560x128xi32, #tpu.memory_space<hbm>> -> memref<48x128xi32, #tpu.memory_space<hbm>>
        tpu.wait_dma2 semaphore(%run_scoped3A_123 : memref<!tpu.dma_semaphore, #tpu.memory_space<semaphore_mem>>) src(%dma_wait3A_143 : memref<48x128xi32, #tpu.memory_space<hbm>>) dst(%dma_wait3A_141 : memref<48x128xi32, #tpu.memory_space<vmem>>)
        tpu.yield
      }) : () -> ()
      "tpu.region"() ({
        %run_scoped3A_123 = tpu.sem_alloc : memref<!tpu.dma_semaphore, #tpu.memory_space<semaphore_mem>>
        %dma_start3A_124 = arith.constant 0 : i32
        %dma_start3A_125 = arith.constant 0 : i32
        %dma_start3A_126 = tpu.memref_slice %arg8[%dma_start3A_124, %dma_start3A_125] : memref<48x128xi32, #tpu.memory_space<vmem>> -> memref<48x128xi32, #tpu.memory_space<vmem>>
        %dma_start3A_127 = arith.constant 0 : i32
        %dma_start3A_128 = tpu.memref_slice %arg4[%add3A_87, %dma_start3A_127] : memref<2560x128xi32, #tpu.memory_space<hbm>> -> memref<48x128xi32, #tpu.memory_space<hbm>>
        %dma_start3A_129 = arith.constant 0 : i32
        %dma_start3A_130 = arith.constant 0 : i32
        %dma_start3A_131 = tpu.memref_slice %arg8[%dma_start3A_129, %dma_start3A_130] : memref<48x128xi32, #tpu.memory_space<vmem>> -> memref<48x128xi32, #tpu.memory_space<vmem>>
        %dma_start3A_132 = arith.constant 0 : i32
        %dma_start3A_133 = tpu.memref_slice %arg4[%add3A_87, %dma_start3A_132] : memref<2560x128xi32, #tpu.memory_space<hbm>> -> memref<48x128xi32, #tpu.memory_space<hbm>>
        tpu.enqueue_dma source(%dma_start3A_133 : memref<48x128xi32, #tpu.memory_space<hbm>>) target(%dma_start3A_131 : memref<48x128xi32, #tpu.memory_space<vmem>>) target_semaphore(%run_scoped3A_123 : memref<!tpu.dma_semaphore, #tpu.memory_space<semaphore_mem>>)
        %dma_wait3A_134 = arith.constant 0 : i32
        %dma_wait3A_135 = arith.constant 0 : i32
        %dma_wait3A_136 = tpu.memref_slice %arg8[%dma_wait3A_134, %dma_wait3A_135] : memref<48x128xi32, #tpu.memory_space<vmem>> -> memref<48x128xi32, #tpu.memory_space<vmem>>
        %dma_wait3A_137 = arith.constant 0 : i32
        %dma_wait3A_138 = tpu.memref_slice %arg4[%add3A_87, %dma_wait3A_137] : memref<2560x128xi32, #tpu.memory_space<hbm>> -> memref<48x128xi32, #tpu.memory_space<hbm>>
        %dma_wait3A_139 = arith.constant 0 : i32
        %dma_wait3A_140 = arith.constant 0 : i32
        %dma_wait3A_141 = tpu.memref_slice %arg8[%dma_wait3A_139, %dma_wait3A_140] : memref<48x128xi32, #tpu.memory_space<vmem>> -> memref<48x128xi32, #tpu.memory_space<vmem>>
        %dma_wait3A_142 = arith.constant 0 : i32
        %dma_wait3A_143 = tpu.memref_slice %arg4[%add3A_87, %dma_wait3A_142] : memref<2560x128xi32, #tpu.memory_space<hbm>> -> memref<48x128xi32, #tpu.memory_space<hbm>>
        tpu.wait_dma2 semaphore(%run_scoped3A_123 : memref<!tpu.dma_semaphore, #tpu.memory_space<semaphore_mem>>) src(%dma_wait3A_143 : memref<48x128xi32, #tpu.memory_space<hbm>>) dst(%dma_wait3A_141 : memref<48x128xi32, #tpu.memory_space<vmem>>)
        tpu.yield
      }) : () -> ()
      %dma_start3A_88 = arith.constant 0 : i32
      %dma_start3A_89 = arith.constant 0 : i32
      %dma_start3A_90 = tpu.memref_slice %arg7[%dma_start3A_88, %dma_start3A_89] : memref<48x128xi32, #tpu.memory_space<vmem>> -> memref<1x128xi32, #tpu.memory_space<vmem>>
      %dma_start3A_91 = tpu.memref_squeeze %dma_start3A_90 : memref<1x128xi32, #tpu.memory_space<vmem>> -> memref<128xi32, #tpu.memory_space<vmem>>
      %dma_start3A_92 = arith.constant 0 : i32
      %dma_start3A_93 = arith.constant 0 : i32
      %dma_start3A_94 = tpu.memref_slice %arg2[%dma_start3A_92, %dma_start3A_93] : memref<10240x128xf32, #tpu.memory_space<hbm>> -> memref<10240x128xf32, #tpu.memory_space<hbm>>
      tpu.enqueue_indirect_dma source(%dma_start3A_94 : memref<10240x128xf32, #tpu.memory_space<hbm>>) target(%arg9 : memref<128x128xf32, #tpu.memory_space<vmem>>) offsets(%dma_start3A_91 : memref<128xi32, #tpu.memory_space<vmem>>) semaphore(%arg12 : memref<!tpu.dma_semaphore, #tpu.memory_space<semaphore_mem>>)
      %scan3A_95 = arith.constant 0 : i32
      %scan3A_96 = arith.constant 23 : i32
      %scan3A_97 = arith.addi %scan3A_95, %scan3A_96 : i32
      %scan3A_98 = arith.constant 1 : i32
      scf.for %scan3A_123 = %scan3A_95 to %scan3A_97 step %scan3A_98  : i32 {
        %mul3A_124 = arith.constant 1 : i32
        %mul3A_125 = arith.muli %scan3A_123, %mul3A_124 : i32
        %add3A_126 = arith.constant 0 : i32
        %add3A_127 = arith.addi %add3A_126, %mul3A_125 : i32
        %mul3A_128 = arith.constant 2 : i32
        %mul3A_129 = arith.muli %mul3A_128, %add3A_127 : i32
        %dma_wait3A_130 = arith.constant 0 : i32
        %dma_wait3A_131 = tpu.memref_slice %arg7[%mul3A_129, %dma_wait3A_130] : memref<48x128xi32, #tpu.memory_space<vmem>> -> memref<1x128xi32, #tpu.memory_space<vmem>>
        %dma_wait3A_132 = tpu.memref_squeeze %dma_wait3A_131 : memref<1x128xi32, #tpu.memory_space<vmem>> -> memref<128xi32, #tpu.memory_space<vmem>>
        %dma_wait3A_133 = arith.constant 0 : i32
        %dma_wait3A_134 = arith.constant 0 : i32
        %dma_wait3A_135 = tpu.memref_slice %arg2[%dma_wait3A_133, %dma_wait3A_134] : memref<10240x128xf32, #tpu.memory_space<hbm>> -> memref<10240x128xf32, #tpu.memory_space<hbm>>
        tpu.wait_indirect_dma semaphore(%arg12 : memref<!tpu.dma_semaphore, #tpu.memory_space<semaphore_mem>>) src(%dma_wait3A_135 : memref<10240x128xf32, #tpu.memory_space<hbm>>) dst(%arg9 : memref<128x128xf32, #tpu.memory_space<vmem>>)
        %add3A_136 = arith.constant 1 : i32
        %add3A_137 = arith.addi %mul3A_129, %add3A_136 : i32
        %dma_start3A_138 = arith.constant 0 : i32
        %dma_start3A_139 = tpu.memref_slice %arg7[%add3A_137, %dma_start3A_138] : memref<48x128xi32, #tpu.memory_space<vmem>> -> memref<1x128xi32, #tpu.memory_space<vmem>>
        %dma_start3A_140 = tpu.memref_squeeze %dma_start3A_139 : memref<1x128xi32, #tpu.memory_space<vmem>> -> memref<128xi32, #tpu.memory_space<vmem>>
        %dma_start3A_141 = arith.constant 0 : i32
        %dma_start3A_142 = arith.constant 0 : i32
        %dma_start3A_143 = tpu.memref_slice %arg2[%dma_start3A_141, %dma_start3A_142] : memref<10240x128xf32, #tpu.memory_space<hbm>> -> memref<10240x128xf32, #tpu.memory_space<hbm>>
        tpu.enqueue_indirect_dma source(%dma_start3A_143 : memref<10240x128xf32, #tpu.memory_space<hbm>>) target(%arg10 : memref<128x128xf32, #tpu.memory_space<vmem>>) offsets(%dma_start3A_140 : memref<128xi32, #tpu.memory_space<vmem>>) semaphore(%arg13 : memref<!tpu.dma_semaphore, #tpu.memory_space<semaphore_mem>>)
        "tpu.region"() ({
          %run_scoped3A_162 = tpu.sem_alloc : memref<!tpu.dma_semaphore, #tpu.memory_space<semaphore_mem>>
          %dma_start3A_163 = arith.constant 0 : i32
          %dma_start3A_164 = tpu.memref_slice %arg8[%mul3A_129, %dma_start3A_163] : memref<48x128xi32, #tpu.memory_space<vmem>> -> memref<1x128xi32, #tpu.memory_space<vmem>>
          %dma_start3A_165 = tpu.memref_squeeze %dma_start3A_164 : memref<1x128xi32, #tpu.memory_space<vmem>> -> memref<128xi32, #tpu.memory_space<vmem>>
          %dma_start3A_166 = arith.constant 0 : i32
          %dma_start3A_167 = arith.constant 0 : i32
          %dma_start3A_168 = tpu.memref_slice %arg11[%dma_start3A_166, %dma_start3A_167] : memref<10240x128xf32, #tpu.memory_space<vmem_shared>> -> memref<10240x128xf32, #tpu.memory_space<vmem_shared>>
          tpu.enqueue_indirect_dma source(%arg9 : memref<128x128xf32, #tpu.memory_space<vmem>>) target(%dma_start3A_168 : memref<10240x128xf32, #tpu.memory_space<vmem_shared>>) offsets(%dma_start3A_165 : memref<128xi32, #tpu.memory_space<vmem>>) semaphore(%run_scoped3A_162 : memref<!tpu.dma_semaphore, #tpu.memory_space<semaphore_mem>>) {add = true}
          %dma_wait3A_169 = arith.constant 0 : i32
          %dma_wait3A_170 = tpu.memref_slice %arg8[%mul3A_129, %dma_wait3A_169] : memref<48x128xi32, #tpu.memory_space<vmem>> -> memref<1x128xi32, #tpu.memory_space<vmem>>
          %dma_wait3A_171 = tpu.memref_squeeze %dma_wait3A_170 : memref<1x128xi32, #tpu.memory_space<vmem>> -> memref<128xi32, #tpu.memory_space<vmem>>
          %dma_wait3A_172 = arith.constant 0 : i32
          %dma_wait3A_173 = arith.constant 0 : i32
          %dma_wait3A_174 = tpu.memref_slice %arg11[%dma_wait3A_172, %dma_wait3A_173] : memref<10240x128xf32, #tpu.memory_space<vmem_shared>> -> memref<10240x128xf32, #tpu.memory_space<vmem_shared>>
          tpu.wait_indirect_dma semaphore(%run_scoped3A_162 : memref<!tpu.dma_semaphore, #tpu.memory_space<semaphore_mem>>) src(%arg9 : memref<128x128xf32, #tpu.memory_space<vmem>>) dst(%dma_wait3A_174 : memref<10240x128xf32, #tpu.memory_space<vmem_shared>>)
          tpu.yield
        }) : () -> ()
        %add3A_144 = arith.constant 1 : i32
        %add3A_145 = arith.addi %mul3A_129, %add3A_144 : i32
        %dma_wait3A_146 = arith.constant 0 : i32
        %dma_wait3A_147 = tpu.memref_slice %arg7[%add3A_145, %dma_wait3A_146] : memref<48x128xi32, #tpu.memory_space<vmem>> -> memref<1x128xi32, #tpu.memory_space<vmem>>
        %dma_wait3A_148 = tpu.memref_squeeze %dma_wait3A_147 : memref<1x128xi32, #tpu.memory_space<vmem>> -> memref<128xi32, #tpu.memory_space<vmem>>
        %dma_wait3A_149 = arith.constant 0 : i32
        %dma_wait3A_150 = arith.constant 0 : i32
        %dma_wait3A_151 = tpu.memref_slice %arg2[%dma_wait3A_149, %dma_wait3A_150] : memref<10240x128xf32, #tpu.memory_space<hbm>> -> memref<10240x128xf32, #tpu.memory_space<hbm>>
        tpu.wait_indirect_dma semaphore(%arg13 : memref<!tpu.dma_semaphore, #tpu.memory_space<semaphore_mem>>) src(%dma_wait3A_151 : memref<10240x128xf32, #tpu.memory_space<hbm>>) dst(%arg10 : memref<128x128xf32, #tpu.memory_space<vmem>>)
        %add3A_152 = arith.constant 2 : i32
        %add3A_153 = arith.addi %mul3A_129, %add3A_152 : i32
        %dma_start3A_154 = arith.constant 0 : i32
        %dma_start3A_155 = tpu.memref_slice %arg7[%add3A_153, %dma_start3A_154] : memref<48x128xi32, #tpu.memory_space<vmem>> -> memref<1x128xi32, #tpu.memory_space<vmem>>
        %dma_start3A_156 = tpu.memref_squeeze %dma_start3A_155 : memref<1x128xi32, #tpu.memory_space<vmem>> -> memref<128xi32, #tpu.memory_space<vmem>>
        %dma_start3A_157 = arith.constant 0 : i32
        %dma_start3A_158 = arith.constant 0 : i32
        %dma_start3A_159 = tpu.memref_slice %arg2[%dma_start3A_157, %dma_start3A_158] : memref<10240x128xf32, #tpu.memory_space<hbm>> -> memref<10240x128xf32, #tpu.memory_space<hbm>>
        tpu.enqueue_indirect_dma source(%dma_start3A_159 : memref<10240x128xf32, #tpu.memory_space<hbm>>) target(%arg9 : memref<128x128xf32, #tpu.memory_space<vmem>>) offsets(%dma_start3A_156 : memref<128xi32, #tpu.memory_space<vmem>>) semaphore(%arg12 : memref<!tpu.dma_semaphore, #tpu.memory_space<semaphore_mem>>)
        %add3A_160 = arith.constant 1 : i32
        %add3A_161 = arith.addi %mul3A_129, %add3A_160 : i32
        "tpu.region"() ({
          %run_scoped3A_162 = tpu.sem_alloc : memref<!tpu.dma_semaphore, #tpu.memory_space<semaphore_mem>>
          %dma_start3A_163 = arith.constant 0 : i32
          %dma_start3A_164 = tpu.memref_slice %arg8[%add3A_161, %dma_start3A_163] : memref<48x128xi32, #tpu.memory_space<vmem>> -> memref<1x128xi32, #tpu.memory_space<vmem>>
          %dma_start3A_165 = tpu.memref_squeeze %dma_start3A_164 : memref<1x128xi32, #tpu.memory_space<vmem>> -> memref<128xi32, #tpu.memory_space<vmem>>
          %dma_start3A_166 = arith.constant 0 : i32
          %dma_start3A_167 = arith.constant 0 : i32
          %dma_start3A_168 = tpu.memref_slice %arg11[%dma_start3A_166, %dma_start3A_167] : memref<10240x128xf32, #tpu.memory_space<vmem_shared>> -> memref<10240x128xf32, #tpu.memory_space<vmem_shared>>
          tpu.enqueue_indirect_dma source(%arg10 : memref<128x128xf32, #tpu.memory_space<vmem>>) target(%dma_start3A_168 : memref<10240x128xf32, #tpu.memory_space<vmem_shared>>) offsets(%dma_start3A_165 : memref<128xi32, #tpu.memory_space<vmem>>) semaphore(%run_scoped3A_162 : memref<!tpu.dma_semaphore, #tpu.memory_space<semaphore_mem>>) {add = true}
          %dma_wait3A_169 = arith.constant 0 : i32
          %dma_wait3A_170 = tpu.memref_slice %arg8[%add3A_161, %dma_wait3A_169] : memref<48x128xi32, #tpu.memory_space<vmem>> -> memref<1x128xi32, #tpu.memory_space<vmem>>
          %dma_wait3A_171 = tpu.memref_squeeze %dma_wait3A_170 : memref<1x128xi32, #tpu.memory_space<vmem>> -> memref<128xi32, #tpu.memory_space<vmem>>
          %dma_wait3A_172 = arith.constant 0 : i32
          %dma_wait3A_173 = arith.constant 0 : i32
          %dma_wait3A_174 = tpu.memref_slice %arg11[%dma_wait3A_172, %dma_wait3A_173] : memref<10240x128xf32, #tpu.memory_space<vmem_shared>> -> memref<10240x128xf32, #tpu.memory_space<vmem_shared>>
          tpu.wait_indirect_dma semaphore(%run_scoped3A_162 : memref<!tpu.dma_semaphore, #tpu.memory_space<semaphore_mem>>) src(%arg10 : memref<128x128xf32, #tpu.memory_space<vmem>>) dst(%dma_wait3A_174 : memref<10240x128xf32, #tpu.memory_space<vmem_shared>>)
          tpu.yield
        }) : () -> ()
      }
      %scan3A_99 = arith.constant 23 : i32
      %dma_wait3A_100 = arith.constant 46 : i32
      %dma_wait3A_101 = arith.constant 0 : i32
      %dma_wait3A_102 = tpu.memref_slice %arg7[%dma_wait3A_100, %dma_wait3A_101] : memref<48x128xi32, #tpu.memory_space<vmem>> -> memref<1x128xi32, #tpu.memory_space<vmem>>
      %dma_wait3A_103 = tpu.memref_squeeze %dma_wait3A_102 : memref<1x128xi32, #tpu.memory_space<vmem>> -> memref<128xi32, #tpu.memory_space<vmem>>
      %dma_wait3A_104 = arith.constant 0 : i32
      %dma_wait3A_105 = arith.constant 0 : i32
      %dma_wait3A_106 = tpu.memref_slice %arg2[%dma_wait3A_104, %dma_wait3A_105] : memref<10240x128xf32, #tpu.memory_space<hbm>> -> memref<10240x128xf32, #tpu.memory_space<hbm>>
      tpu.wait_indirect_dma semaphore(%arg12 : memref<!tpu.dma_semaphore, #tpu.memory_space<semaphore_mem>>) src(%dma_wait3A_106 : memref<10240x128xf32, #tpu.memory_space<hbm>>) dst(%arg9 : memref<128x128xf32, #tpu.memory_space<vmem>>)
      %dma_start3A_107 = arith.constant 47 : i32
      %dma_start3A_108 = arith.constant 0 : i32
      %dma_start3A_109 = tpu.memref_slice %arg7[%dma_start3A_107, %dma_start3A_108] : memref<48x128xi32, #tpu.memory_space<vmem>> -> memref<1x128xi32, #tpu.memory_space<vmem>>
      %dma_start3A_110 = tpu.memref_squeeze %dma_start3A_109 : memref<1x128xi32, #tpu.memory_space<vmem>> -> memref<128xi32, #tpu.memory_space<vmem>>
      %dma_start3A_111 = arith.constant 0 : i32
      %dma_start3A_112 = arith.constant 0 : i32
      %dma_start3A_113 = tpu.memref_slice %arg2[%dma_start3A_111, %dma_start3A_112] : memref<10240x128xf32, #tpu.memory_space<hbm>> -> memref<10240x128xf32, #tpu.memory_space<hbm>>
      tpu.enqueue_indirect_dma source(%dma_start3A_113 : memref<10240x128xf32, #tpu.memory_space<hbm>>) target(%arg10 : memref<128x128xf32, #tpu.memory_space<vmem>>) offsets(%dma_start3A_110 : memref<128xi32, #tpu.memory_space<vmem>>) semaphore(%arg13 : memref<!tpu.dma_semaphore, #tpu.memory_space<semaphore_mem>>)
      %run_scoped3A_114 = arith.constant 46 : i32
      "tpu.region"() ({
        %run_scoped3A_123 = tpu.sem_alloc : memref<!tpu.dma_semaphore, #tpu.memory_space<semaphore_mem>>
        %dma_start3A_124 = arith.constant 0 : i32
        %dma_start3A_125 = tpu.memref_slice %arg8[%run_scoped3A_114, %dma_start3A_124] : memref<48x128xi32, #tpu.memory_space<vmem>> -> memref<1x128xi32, #tpu.memory_space<vmem>>
        %dma_start3A_126 = tpu.memref_squeeze %dma_start3A_125 : memref<1x128xi32, #tpu.memory_space<vmem>> -> memref<128xi32, #tpu.memory_space<vmem>>
        %dma_start3A_127 = arith.constant 0 : i32
        %dma_start3A_128 = arith.constant 0 : i32
        %dma_start3A_129 = tpu.memref_slice %arg11[%dma_start3A_127, %dma_start3A_128] : memref<10240x128xf32, #tpu.memory_space<vmem_shared>> -> memref<10240x128xf32, #tpu.memory_space<vmem_shared>>
        tpu.enqueue_indirect_dma source(%arg9 : memref<128x128xf32, #tpu.memory_space<vmem>>) target(%dma_start3A_129 : memref<10240x128xf32, #tpu.memory_space<vmem_shared>>) offsets(%dma_start3A_126 : memref<128xi32, #tpu.memory_space<vmem>>) semaphore(%run_scoped3A_123 : memref<!tpu.dma_semaphore, #tpu.memory_space<semaphore_mem>>) {add = true}
        %dma_wait3A_130 = arith.constant 0 : i32
        %dma_wait3A_131 = tpu.memref_slice %arg8[%run_scoped3A_114, %dma_wait3A_130] : memref<48x128xi32, #tpu.memory_space<vmem>> -> memref<1x128xi32, #tpu.memory_space<vmem>>
        %dma_wait3A_132 = tpu.memref_squeeze %dma_wait3A_131 : memref<1x128xi32, #tpu.memory_space<vmem>> -> memref<128xi32, #tpu.memory_space<vmem>>
        %dma_wait3A_133 = arith.constant 0 : i32
        %dma_wait3A_134 = arith.constant 0 : i32
        %dma_wait3A_135 = tpu.memref_slice %arg11[%dma_wait3A_133, %dma_wait3A_134] : memref<10240x128xf32, #tpu.memory_space<vmem_shared>> -> memref<10240x128xf32, #tpu.memory_space<vmem_shared>>
        tpu.wait_indirect_dma semaphore(%run_scoped3A_123 : memref<!tpu.dma_semaphore, #tpu.memory_space<semaphore_mem>>) src(%arg9 : memref<128x128xf32, #tpu.memory_space<vmem>>) dst(%dma_wait3A_135 : memref<10240x128xf32, #tpu.memory_space<vmem_shared>>)
        tpu.yield
      }) : () -> ()
      %dma_wait3A_115 = arith.constant 47 : i32
      %dma_wait3A_116 = arith.constant 0 : i32
      %dma_wait3A_117 = tpu.memref_slice %arg7[%dma_wait3A_115, %dma_wait3A_116] : memref<48x128xi32, #tpu.memory_space<vmem>> -> memref<1x128xi32, #tpu.memory_space<vmem>>
      %dma_wait3A_118 = tpu.memref_squeeze %dma_wait3A_117 : memref<1x128xi32, #tpu.memory_space<vmem>> -> memref<128xi32, #tpu.memory_space<vmem>>
      %dma_wait3A_119 = arith.constant 0 : i32
      %dma_wait3A_120 = arith.constant 0 : i32
      %dma_wait3A_121 = tpu.memref_slice %arg2[%dma_wait3A_119, %dma_wait3A_120] : memref<10240x128xf32, #tpu.memory_space<hbm>> -> memref<10240x128xf32, #tpu.memory_space<hbm>>
      tpu.wait_indirect_dma semaphore(%arg13 : memref<!tpu.dma_semaphore, #tpu.memory_space<semaphore_mem>>) src(%dma_wait3A_121 : memref<10240x128xf32, #tpu.memory_space<hbm>>) dst(%arg10 : memref<128x128xf32, #tpu.memory_space<vmem>>)
      %run_scoped3A_122 = arith.constant 47 : i32
      "tpu.region"() ({
        %run_scoped3A_123 = tpu.sem_alloc : memref<!tpu.dma_semaphore, #tpu.memory_space<semaphore_mem>>
        %dma_start3A_124 = arith.constant 0 : i32
        %dma_start3A_125 = tpu.memref_slice %arg8[%run_scoped3A_122, %dma_start3A_124] : memref<48x128xi32, #tpu.memory_space<vmem>> -> memref<1x128xi32, #tpu.memory_space<vmem>>
        %dma_start3A_126 = tpu.memref_squeeze %dma_start3A_125 : memref<1x128xi32, #tpu.memory_space<vmem>> -> memref<128xi32, #tpu.memory_space<vmem>>
        %dma_start3A_127 = arith.constant 0 : i32
        %dma_start3A_128 = arith.constant 0 : i32
        %dma_start3A_129 = tpu.memref_slice %arg11[%dma_start3A_127, %dma_start3A_128] : memref<10240x128xf32, #tpu.memory_space<vmem_shared>> -> memref<10240x128xf32, #tpu.memory_space<vmem_shared>>
        tpu.enqueue_indirect_dma source(%arg10 : memref<128x128xf32, #tpu.memory_space<vmem>>) target(%dma_start3A_129 : memref<10240x128xf32, #tpu.memory_space<vmem_shared>>) offsets(%dma_start3A_126 : memref<128xi32, #tpu.memory_space<vmem>>) semaphore(%run_scoped3A_123 : memref<!tpu.dma_semaphore, #tpu.memory_space<semaphore_mem>>) {add = true}
        %dma_wait3A_130 = arith.constant 0 : i32
        %dma_wait3A_131 = tpu.memref_slice %arg8[%run_scoped3A_122, %dma_wait3A_130] : memref<48x128xi32, #tpu.memory_space<vmem>> -> memref<1x128xi32, #tpu.memory_space<vmem>>
        %dma_wait3A_132 = tpu.memref_squeeze %dma_wait3A_131 : memref<1x128xi32, #tpu.memory_space<vmem>> -> memref<128xi32, #tpu.memory_space<vmem>>
        %dma_wait3A_133 = arith.constant 0 : i32
        %dma_wait3A_134 = arith.constant 0 : i32
        %dma_wait3A_135 = tpu.memref_slice %arg11[%dma_wait3A_133, %dma_wait3A_134] : memref<10240x128xf32, #tpu.memory_space<vmem_shared>> -> memref<10240x128xf32, #tpu.memory_space<vmem_shared>>
        tpu.wait_indirect_dma semaphore(%run_scoped3A_123 : memref<!tpu.dma_semaphore, #tpu.memory_space<semaphore_mem>>) src(%arg10 : memref<128x128xf32, #tpu.memory_space<vmem>>) dst(%dma_wait3A_135 : memref<10240x128xf32, #tpu.memory_space<vmem_shared>>)
        tpu.yield
      }) : () -> ()
    } else {
    }
    %eq3A_5 = arith.constant 1 : i32
    %eq3A_6 = arith.cmpi eq, %arg0, %eq3A_5 : i32
    %convert_element_type3A_7 = arith.extui %eq3A_6 : i1 to i32
    %cond3A_8 = arith.constant 0 : i32
    %cond3A_9 = arith.cmpi ne, %convert_element_type3A_7, %cond3A_8 : i32
    scf.if %cond3A_9 {
      %mul3A_14 = arith.constant 16 : i32
      %mul3A_15 = arith.muli %arg1, %mul3A_14 : i32
      %add3A = arith.constant 2304 : i32
      %add3A_16 = arith.addi %add3A, %mul3A_15 : i32
      %add3A_17 = arith.constant 0 : i32
      %add3A_18 = arith.addi %add3A_16, %add3A_17 : i32
      "tpu.region"() ({
        %run_scoped3A_51 = tpu.sem_alloc : memref<!tpu.dma_semaphore, #tpu.memory_space<semaphore_mem>>
        %dma_start3A_52 = arith.constant 0 : i32
        %dma_start3A_53 = arith.constant 0 : i32
        %dma_start3A_54 = tpu.memref_slice %arg7[%dma_start3A_52, %dma_start3A_53] : memref<48x128xi32, #tpu.memory_space<vmem>> -> memref<16x128xi32, #tpu.memory_space<vmem>>
        %dma_start3A_55 = arith.constant 0 : i32
        %dma_start3A_56 = tpu.memref_slice %arg3[%add3A_18, %dma_start3A_55] : memref<2560x128xi32, #tpu.memory_space<hbm>> -> memref<16x128xi32, #tpu.memory_space<hbm>>
        %dma_start3A_57 = arith.constant 0 : i32
        %dma_start3A_58 = arith.constant 0 : i32
        %dma_start3A_59 = tpu.memref_slice %arg7[%dma_start3A_57, %dma_start3A_58] : memref<48x128xi32, #tpu.memory_space<vmem>> -> memref<16x128xi32, #tpu.memory_space<vmem>>
        %dma_start3A_60 = arith.constant 0 : i32
        %dma_start3A_61 = tpu.memref_slice %arg3[%add3A_18, %dma_start3A_60] : memref<2560x128xi32, #tpu.memory_space<hbm>> -> memref<16x128xi32, #tpu.memory_space<hbm>>
        tpu.enqueue_dma source(%dma_start3A_61 : memref<16x128xi32, #tpu.memory_space<hbm>>) target(%dma_start3A_59 : memref<16x128xi32, #tpu.memory_space<vmem>>) target_semaphore(%run_scoped3A_51 : memref<!tpu.dma_semaphore, #tpu.memory_space<semaphore_mem>>)
        %dma_wait3A_62 = arith.constant 0 : i32
        %dma_wait3A_63 = arith.constant 0 : i32
        %dma_wait3A_64 = tpu.memref_slice %arg7[%dma_wait3A_62, %dma_wait3A_63] : memref<48x128xi32, #tpu.memory_space<vmem>> -> memref<16x128xi32, #tpu.memory_space<vmem>>
        %dma_wait3A_65 = arith.constant 0 : i32
        %dma_wait3A_66 = tpu.memref_slice %arg3[%add3A_18, %dma_wait3A_65] : memref<2560x128xi32, #tpu.memory_space<hbm>> -> memref<16x128xi32, #tpu.memory_space<hbm>>
        %dma_wait3A_67 = arith.constant 0 : i32
        %dma_wait3A_68 = arith.constant 0 : i32
        %dma_wait3A_69 = tpu.memref_slice %arg7[%dma_wait3A_67, %dma_wait3A_68] : memref<48x128xi32, #tpu.memory_space<vmem>> -> memref<16x128xi32, #tpu.memory_space<vmem>>
        %dma_wait3A_70 = arith.constant 0 : i32
        %dma_wait3A_71 = tpu.memref_slice %arg3[%add3A_18, %dma_wait3A_70] : memref<2560x128xi32, #tpu.memory_space<hbm>> -> memref<16x128xi32, #tpu.memory_space<hbm>>
        tpu.wait_dma2 semaphore(%run_scoped3A_51 : memref<!tpu.dma_semaphore, #tpu.memory_space<semaphore_mem>>) src(%dma_wait3A_71 : memref<16x128xi32, #tpu.memory_space<hbm>>) dst(%dma_wait3A_69 : memref<16x128xi32, #tpu.memory_space<vmem>>)
        tpu.yield
      }) : () -> ()
      "tpu.region"() ({
        %run_scoped3A_51 = tpu.sem_alloc : memref<!tpu.dma_semaphore, #tpu.memory_space<semaphore_mem>>
        %dma_start3A_52 = arith.constant 0 : i32
        %dma_start3A_53 = arith.constant 0 : i32
        %dma_start3A_54 = tpu.memref_slice %arg8[%dma_start3A_52, %dma_start3A_53] : memref<48x128xi32, #tpu.memory_space<vmem>> -> memref<16x128xi32, #tpu.memory_space<vmem>>
        %dma_start3A_55 = arith.constant 0 : i32
        %dma_start3A_56 = tpu.memref_slice %arg4[%add3A_18, %dma_start3A_55] : memref<2560x128xi32, #tpu.memory_space<hbm>> -> memref<16x128xi32, #tpu.memory_space<hbm>>
        %dma_start3A_57 = arith.constant 0 : i32
        %dma_start3A_58 = arith.constant 0 : i32
        %dma_start3A_59 = tpu.memref_slice %arg8[%dma_start3A_57, %dma_start3A_58] : memref<48x128xi32, #tpu.memory_space<vmem>> -> memref<16x128xi32, #tpu.memory_space<vmem>>
        %dma_start3A_60 = arith.constant 0 : i32
        %dma_start3A_61 = tpu.memref_slice %arg4[%add3A_18, %dma_start3A_60] : memref<2560x128xi32, #tpu.memory_space<hbm>> -> memref<16x128xi32, #tpu.memory_space<hbm>>
        tpu.enqueue_dma source(%dma_start3A_61 : memref<16x128xi32, #tpu.memory_space<hbm>>) target(%dma_start3A_59 : memref<16x128xi32, #tpu.memory_space<vmem>>) target_semaphore(%run_scoped3A_51 : memref<!tpu.dma_semaphore, #tpu.memory_space<semaphore_mem>>)
        %dma_wait3A_62 = arith.constant 0 : i32
        %dma_wait3A_63 = arith.constant 0 : i32
        %dma_wait3A_64 = tpu.memref_slice %arg8[%dma_wait3A_62, %dma_wait3A_63] : memref<48x128xi32, #tpu.memory_space<vmem>> -> memref<16x128xi32, #tpu.memory_space<vmem>>
        %dma_wait3A_65 = arith.constant 0 : i32
        %dma_wait3A_66 = tpu.memref_slice %arg4[%add3A_18, %dma_wait3A_65] : memref<2560x128xi32, #tpu.memory_space<hbm>> -> memref<16x128xi32, #tpu.memory_space<hbm>>
        %dma_wait3A_67 = arith.constant 0 : i32
        %dma_wait3A_68 = arith.constant 0 : i32
        %dma_wait3A_69 = tpu.memref_slice %arg8[%dma_wait3A_67, %dma_wait3A_68] : memref<48x128xi32, #tpu.memory_space<vmem>> -> memref<16x128xi32, #tpu.memory_space<vmem>>
        %dma_wait3A_70 = arith.constant 0 : i32
        %dma_wait3A_71 = tpu.memref_slice %arg4[%add3A_18, %dma_wait3A_70] : memref<2560x128xi32, #tpu.memory_space<hbm>> -> memref<16x128xi32, #tpu.memory_space<hbm>>
        tpu.wait_dma2 semaphore(%run_scoped3A_51 : memref<!tpu.dma_semaphore, #tpu.memory_space<semaphore_mem>>) src(%dma_wait3A_71 : memref<16x128xi32, #tpu.memory_space<hbm>>) dst(%dma_wait3A_69 : memref<16x128xi32, #tpu.memory_space<vmem>>)
        tpu.yield
      }) : () -> ()
      %barrier3A_19 = arith.constant 0 : index
      tpu.barrier barrier_id(%barrier3A_19)
      %dma_start3A = arith.constant 0 : i32
      %dma_start3A_20 = arith.constant 0 : i32
      %dma_start3A_21 = tpu.memref_slice %arg7[%dma_start3A, %dma_start3A_20] : memref<48x128xi32, #tpu.memory_space<vmem>> -> memref<1x128xi32, #tpu.memory_space<vmem>>
      %dma_start3A_22 = tpu.memref_squeeze %dma_start3A_21 : memref<1x128xi32, #tpu.memory_space<vmem>> -> memref<128xi32, #tpu.memory_space<vmem>>
      %dma_start3A_23 = arith.constant 0 : i32
      %dma_start3A_24 = arith.constant 0 : i32
      %dma_start3A_25 = tpu.memref_slice %arg2[%dma_start3A_23, %dma_start3A_24] : memref<10240x128xf32, #tpu.memory_space<hbm>> -> memref<10240x128xf32, #tpu.memory_space<hbm>>
      tpu.enqueue_indirect_dma source(%dma_start3A_25 : memref<10240x128xf32, #tpu.memory_space<hbm>>) target(%arg9 : memref<128x128xf32, #tpu.memory_space<vmem>>) offsets(%dma_start3A_22 : memref<128xi32, #tpu.memory_space<vmem>>) semaphore(%arg12 : memref<!tpu.dma_semaphore, #tpu.memory_space<semaphore_mem>>)
      %scan3A = arith.constant 0 : i32
      %scan3A_26 = arith.constant 7 : i32
      %scan3A_27 = arith.addi %scan3A, %scan3A_26 : i32
      %scan3A_28 = arith.constant 1 : i32
      scf.for %scan3A_51 = %scan3A to %scan3A_27 step %scan3A_28  : i32 {
        %mul3A_52 = arith.constant 1 : i32
        %mul3A_53 = arith.muli %scan3A_51, %mul3A_52 : i32
        %add3A_54 = arith.constant 0 : i32
        %add3A_55 = arith.addi %add3A_54, %mul3A_53 : i32
        %mul3A_56 = arith.constant 2 : i32
        %mul3A_57 = arith.muli %mul3A_56, %add3A_55 : i32
        %dma_wait3A_58 = arith.constant 0 : i32
        %dma_wait3A_59 = tpu.memref_slice %arg7[%mul3A_57, %dma_wait3A_58] : memref<48x128xi32, #tpu.memory_space<vmem>> -> memref<1x128xi32, #tpu.memory_space<vmem>>
        %dma_wait3A_60 = tpu.memref_squeeze %dma_wait3A_59 : memref<1x128xi32, #tpu.memory_space<vmem>> -> memref<128xi32, #tpu.memory_space<vmem>>
        %dma_wait3A_61 = arith.constant 0 : i32
        %dma_wait3A_62 = arith.constant 0 : i32
        %dma_wait3A_63 = tpu.memref_slice %arg2[%dma_wait3A_61, %dma_wait3A_62] : memref<10240x128xf32, #tpu.memory_space<hbm>> -> memref<10240x128xf32, #tpu.memory_space<hbm>>
        tpu.wait_indirect_dma semaphore(%arg12 : memref<!tpu.dma_semaphore, #tpu.memory_space<semaphore_mem>>) src(%dma_wait3A_63 : memref<10240x128xf32, #tpu.memory_space<hbm>>) dst(%arg9 : memref<128x128xf32, #tpu.memory_space<vmem>>)
        %add3A_64 = arith.constant 1 : i32
        %add3A_65 = arith.addi %mul3A_57, %add3A_64 : i32
        %dma_start3A_66 = arith.constant 0 : i32
        %dma_start3A_67 = tpu.memref_slice %arg7[%add3A_65, %dma_start3A_66] : memref<48x128xi32, #tpu.memory_space<vmem>> -> memref<1x128xi32, #tpu.memory_space<vmem>>
        %dma_start3A_68 = tpu.memref_squeeze %dma_start3A_67 : memref<1x128xi32, #tpu.memory_space<vmem>> -> memref<128xi32, #tpu.memory_space<vmem>>
        %dma_start3A_69 = arith.constant 0 : i32
        %dma_start3A_70 = arith.constant 0 : i32
        %dma_start3A_71 = tpu.memref_slice %arg2[%dma_start3A_69, %dma_start3A_70] : memref<10240x128xf32, #tpu.memory_space<hbm>> -> memref<10240x128xf32, #tpu.memory_space<hbm>>
        tpu.enqueue_indirect_dma source(%dma_start3A_71 : memref<10240x128xf32, #tpu.memory_space<hbm>>) target(%arg10 : memref<128x128xf32, #tpu.memory_space<vmem>>) offsets(%dma_start3A_68 : memref<128xi32, #tpu.memory_space<vmem>>) semaphore(%arg13 : memref<!tpu.dma_semaphore, #tpu.memory_space<semaphore_mem>>)
        "tpu.region"() ({
          %run_scoped3A_90 = tpu.sem_alloc : memref<!tpu.dma_semaphore, #tpu.memory_space<semaphore_mem>>
          %dma_start3A_91 = arith.constant 0 : i32
          %dma_start3A_92 = tpu.memref_slice %arg8[%mul3A_57, %dma_start3A_91] : memref<48x128xi32, #tpu.memory_space<vmem>> -> memref<1x128xi32, #tpu.memory_space<vmem>>
          %dma_start3A_93 = tpu.memref_squeeze %dma_start3A_92 : memref<1x128xi32, #tpu.memory_space<vmem>> -> memref<128xi32, #tpu.memory_space<vmem>>
          %dma_start3A_94 = arith.constant 0 : i32
          %dma_start3A_95 = arith.constant 0 : i32
          %dma_start3A_96 = tpu.memref_slice %arg11[%dma_start3A_94, %dma_start3A_95] : memref<10240x128xf32, #tpu.memory_space<vmem_shared>> -> memref<10240x128xf32, #tpu.memory_space<vmem_shared>>
          tpu.enqueue_indirect_dma source(%arg9 : memref<128x128xf32, #tpu.memory_space<vmem>>) target(%dma_start3A_96 : memref<10240x128xf32, #tpu.memory_space<vmem_shared>>) offsets(%dma_start3A_93 : memref<128xi32, #tpu.memory_space<vmem>>) semaphore(%run_scoped3A_90 : memref<!tpu.dma_semaphore, #tpu.memory_space<semaphore_mem>>) {add = true}
          %dma_wait3A_97 = arith.constant 0 : i32
          %dma_wait3A_98 = tpu.memref_slice %arg8[%mul3A_57, %dma_wait3A_97] : memref<48x128xi32, #tpu.memory_space<vmem>> -> memref<1x128xi32, #tpu.memory_space<vmem>>
          %dma_wait3A_99 = tpu.memref_squeeze %dma_wait3A_98 : memref<1x128xi32, #tpu.memory_space<vmem>> -> memref<128xi32, #tpu.memory_space<vmem>>
          %dma_wait3A_100 = arith.constant 0 : i32
          %dma_wait3A_101 = arith.constant 0 : i32
          %dma_wait3A_102 = tpu.memref_slice %arg11[%dma_wait3A_100, %dma_wait3A_101] : memref<10240x128xf32, #tpu.memory_space<vmem_shared>> -> memref<10240x128xf32, #tpu.memory_space<vmem_shared>>
          tpu.wait_indirect_dma semaphore(%run_scoped3A_90 : memref<!tpu.dma_semaphore, #tpu.memory_space<semaphore_mem>>) src(%arg9 : memref<128x128xf32, #tpu.memory_space<vmem>>) dst(%dma_wait3A_102 : memref<10240x128xf32, #tpu.memory_space<vmem_shared>>)
          tpu.yield
        }) : () -> ()
        %add3A_72 = arith.constant 1 : i32
        %add3A_73 = arith.addi %mul3A_57, %add3A_72 : i32
        %dma_wait3A_74 = arith.constant 0 : i32
        %dma_wait3A_75 = tpu.memref_slice %arg7[%add3A_73, %dma_wait3A_74] : memref<48x128xi32, #tpu.memory_space<vmem>> -> memref<1x128xi32, #tpu.memory_space<vmem>>
        %dma_wait3A_76 = tpu.memref_squeeze %dma_wait3A_75 : memref<1x128xi32, #tpu.memory_space<vmem>> -> memref<128xi32, #tpu.memory_space<vmem>>
        %dma_wait3A_77 = arith.constant 0 : i32
        %dma_wait3A_78 = arith.constant 0 : i32
        %dma_wait3A_79 = tpu.memref_slice %arg2[%dma_wait3A_77, %dma_wait3A_78] : memref<10240x128xf32, #tpu.memory_space<hbm>> -> memref<10240x128xf32, #tpu.memory_space<hbm>>
        tpu.wait_indirect_dma semaphore(%arg13 : memref<!tpu.dma_semaphore, #tpu.memory_space<semaphore_mem>>) src(%dma_wait3A_79 : memref<10240x128xf32, #tpu.memory_space<hbm>>) dst(%arg10 : memref<128x128xf32, #tpu.memory_space<vmem>>)
        %add3A_80 = arith.constant 2 : i32
        %add3A_81 = arith.addi %mul3A_57, %add3A_80 : i32
        %dma_start3A_82 = arith.constant 0 : i32
        %dma_start3A_83 = tpu.memref_slice %arg7[%add3A_81, %dma_start3A_82] : memref<48x128xi32, #tpu.memory_space<vmem>> -> memref<1x128xi32, #tpu.memory_space<vmem>>
        %dma_start3A_84 = tpu.memref_squeeze %dma_start3A_83 : memref<1x128xi32, #tpu.memory_space<vmem>> -> memref<128xi32, #tpu.memory_space<vmem>>
        %dma_start3A_85 = arith.constant 0 : i32
        %dma_start3A_86 = arith.constant 0 : i32
        %dma_start3A_87 = tpu.memref_slice %arg2[%dma_start3A_85, %dma_start3A_86] : memref<10240x128xf32, #tpu.memory_space<hbm>> -> memref<10240x128xf32, #tpu.memory_space<hbm>>
        tpu.enqueue_indirect_dma source(%dma_start3A_87 : memref<10240x128xf32, #tpu.memory_space<hbm>>) target(%arg9 : memref<128x128xf32, #tpu.memory_space<vmem>>) offsets(%dma_start3A_84 : memref<128xi32, #tpu.memory_space<vmem>>) semaphore(%arg12 : memref<!tpu.dma_semaphore, #tpu.memory_space<semaphore_mem>>)
        %add3A_88 = arith.constant 1 : i32
        %add3A_89 = arith.addi %mul3A_57, %add3A_88 : i32
        "tpu.region"() ({
          %run_scoped3A_90 = tpu.sem_alloc : memref<!tpu.dma_semaphore, #tpu.memory_space<semaphore_mem>>
          %dma_start3A_91 = arith.constant 0 : i32
          %dma_start3A_92 = tpu.memref_slice %arg8[%add3A_89, %dma_start3A_91] : memref<48x128xi32, #tpu.memory_space<vmem>> -> memref<1x128xi32, #tpu.memory_space<vmem>>
          %dma_start3A_93 = tpu.memref_squeeze %dma_start3A_92 : memref<1x128xi32, #tpu.memory_space<vmem>> -> memref<128xi32, #tpu.memory_space<vmem>>
          %dma_start3A_94 = arith.constant 0 : i32
          %dma_start3A_95 = arith.constant 0 : i32
          %dma_start3A_96 = tpu.memref_slice %arg11[%dma_start3A_94, %dma_start3A_95] : memref<10240x128xf32, #tpu.memory_space<vmem_shared>> -> memref<10240x128xf32, #tpu.memory_space<vmem_shared>>
          tpu.enqueue_indirect_dma source(%arg10 : memref<128x128xf32, #tpu.memory_space<vmem>>) target(%dma_start3A_96 : memref<10240x128xf32, #tpu.memory_space<vmem_shared>>) offsets(%dma_start3A_93 : memref<128xi32, #tpu.memory_space<vmem>>) semaphore(%run_scoped3A_90 : memref<!tpu.dma_semaphore, #tpu.memory_space<semaphore_mem>>) {add = true}
          %dma_wait3A_97 = arith.constant 0 : i32
          %dma_wait3A_98 = tpu.memref_slice %arg8[%add3A_89, %dma_wait3A_97] : memref<48x128xi32, #tpu.memory_space<vmem>> -> memref<1x128xi32, #tpu.memory_space<vmem>>
          %dma_wait3A_99 = tpu.memref_squeeze %dma_wait3A_98 : memref<1x128xi32, #tpu.memory_space<vmem>> -> memref<128xi32, #tpu.memory_space<vmem>>
          %dma_wait3A_100 = arith.constant 0 : i32
          %dma_wait3A_101 = arith.constant 0 : i32
          %dma_wait3A_102 = tpu.memref_slice %arg11[%dma_wait3A_100, %dma_wait3A_101] : memref<10240x128xf32, #tpu.memory_space<vmem_shared>> -> memref<10240x128xf32, #tpu.memory_space<vmem_shared>>
          tpu.wait_indirect_dma semaphore(%run_scoped3A_90 : memref<!tpu.dma_semaphore, #tpu.memory_space<semaphore_mem>>) src(%arg10 : memref<128x128xf32, #tpu.memory_space<vmem>>) dst(%dma_wait3A_102 : memref<10240x128xf32, #tpu.memory_space<vmem_shared>>)
          tpu.yield
        }) : () -> ()
      }
      %scan3A_29 = arith.constant 7 : i32
      %dma_wait3A = arith.constant 14 : i32
      %dma_wait3A_30 = arith.constant 0 : i32
      %dma_wait3A_31 = tpu.memref_slice %arg7[%dma_wait3A, %dma_wait3A_30] : memref<48x128xi32, #tpu.memory_space<vmem>> -> memref<1x128xi32, #tpu.memory_space<vmem>>
      %dma_wait3A_32 = tpu.memref_squeeze %dma_wait3A_31 : memref<1x128xi32, #tpu.memory_space<vmem>> -> memref<128xi32, #tpu.memory_space<vmem>>
      %dma_wait3A_33 = arith.constant 0 : i32
      %dma_wait3A_34 = arith.constant 0 : i32
      %dma_wait3A_35 = tpu.memref_slice %arg2[%dma_wait3A_33, %dma_wait3A_34] : memref<10240x128xf32, #tpu.memory_space<hbm>> -> memref<10240x128xf32, #tpu.memory_space<hbm>>
      tpu.wait_indirect_dma semaphore(%arg12 : memref<!tpu.dma_semaphore, #tpu.memory_space<semaphore_mem>>) src(%dma_wait3A_35 : memref<10240x128xf32, #tpu.memory_space<hbm>>) dst(%arg9 : memref<128x128xf32, #tpu.memory_space<vmem>>)
      %dma_start3A_36 = arith.constant 15 : i32
      %dma_start3A_37 = arith.constant 0 : i32
      %dma_start3A_38 = tpu.memref_slice %arg7[%dma_start3A_36, %dma_start3A_37] : memref<48x128xi32, #tpu.memory_space<vmem>> -> memref<1x128xi32, #tpu.memory_space<vmem>>
      %dma_start3A_39 = tpu.memref_squeeze %dma_start3A_38 : memref<1x128xi32, #tpu.memory_space<vmem>> -> memref<128xi32, #tpu.memory_space<vmem>>
      %dma_start3A_40 = arith.constant 0 : i32
      %dma_start3A_41 = arith.constant 0 : i32
      %dma_start3A_42 = tpu.memref_slice %arg2[%dma_start3A_40, %dma_start3A_41] : memref<10240x128xf32, #tpu.memory_space<hbm>> -> memref<10240x128xf32, #tpu.memory_space<hbm>>
      tpu.enqueue_indirect_dma source(%dma_start3A_42 : memref<10240x128xf32, #tpu.memory_space<hbm>>) target(%arg10 : memref<128x128xf32, #tpu.memory_space<vmem>>) offsets(%dma_start3A_39 : memref<128xi32, #tpu.memory_space<vmem>>) semaphore(%arg13 : memref<!tpu.dma_semaphore, #tpu.memory_space<semaphore_mem>>)
      %run_scoped3A = arith.constant 14 : i32
      "tpu.region"() ({
        %run_scoped3A_51 = tpu.sem_alloc : memref<!tpu.dma_semaphore, #tpu.memory_space<semaphore_mem>>
        %dma_start3A_52 = arith.constant 0 : i32
        %dma_start3A_53 = tpu.memref_slice %arg8[%run_scoped3A, %dma_start3A_52] : memref<48x128xi32, #tpu.memory_space<vmem>> -> memref<1x128xi32, #tpu.memory_space<vmem>>
        %dma_start3A_54 = tpu.memref_squeeze %dma_start3A_53 : memref<1x128xi32, #tpu.memory_space<vmem>> -> memref<128xi32, #tpu.memory_space<vmem>>
        %dma_start3A_55 = arith.constant 0 : i32
        %dma_start3A_56 = arith.constant 0 : i32
        %dma_start3A_57 = tpu.memref_slice %arg11[%dma_start3A_55, %dma_start3A_56] : memref<10240x128xf32, #tpu.memory_space<vmem_shared>> -> memref<10240x128xf32, #tpu.memory_space<vmem_shared>>
        tpu.enqueue_indirect_dma source(%arg9 : memref<128x128xf32, #tpu.memory_space<vmem>>) target(%dma_start3A_57 : memref<10240x128xf32, #tpu.memory_space<vmem_shared>>) offsets(%dma_start3A_54 : memref<128xi32, #tpu.memory_space<vmem>>) semaphore(%run_scoped3A_51 : memref<!tpu.dma_semaphore, #tpu.memory_space<semaphore_mem>>) {add = true}
        %dma_wait3A_58 = arith.constant 0 : i32
        %dma_wait3A_59 = tpu.memref_slice %arg8[%run_scoped3A, %dma_wait3A_58] : memref<48x128xi32, #tpu.memory_space<vmem>> -> memref<1x128xi32, #tpu.memory_space<vmem>>
        %dma_wait3A_60 = tpu.memref_squeeze %dma_wait3A_59 : memref<1x128xi32, #tpu.memory_space<vmem>> -> memref<128xi32, #tpu.memory_space<vmem>>
        %dma_wait3A_61 = arith.constant 0 : i32
        %dma_wait3A_62 = arith.constant 0 : i32
        %dma_wait3A_63 = tpu.memref_slice %arg11[%dma_wait3A_61, %dma_wait3A_62] : memref<10240x128xf32, #tpu.memory_space<vmem_shared>> -> memref<10240x128xf32, #tpu.memory_space<vmem_shared>>
        tpu.wait_indirect_dma semaphore(%run_scoped3A_51 : memref<!tpu.dma_semaphore, #tpu.memory_space<semaphore_mem>>) src(%arg9 : memref<128x128xf32, #tpu.memory_space<vmem>>) dst(%dma_wait3A_63 : memref<10240x128xf32, #tpu.memory_space<vmem_shared>>)
        tpu.yield
      }) : () -> ()
      %dma_wait3A_43 = arith.constant 15 : i32
      %dma_wait3A_44 = arith.constant 0 : i32
      %dma_wait3A_45 = tpu.memref_slice %arg7[%dma_wait3A_43, %dma_wait3A_44] : memref<48x128xi32, #tpu.memory_space<vmem>> -> memref<1x128xi32, #tpu.memory_space<vmem>>
      %dma_wait3A_46 = tpu.memref_squeeze %dma_wait3A_45 : memref<1x128xi32, #tpu.memory_space<vmem>> -> memref<128xi32, #tpu.memory_space<vmem>>
      %dma_wait3A_47 = arith.constant 0 : i32
      %dma_wait3A_48 = arith.constant 0 : i32
      %dma_wait3A_49 = tpu.memref_slice %arg2[%dma_wait3A_47, %dma_wait3A_48] : memref<10240x128xf32, #tpu.memory_space<hbm>> -> memref<10240x128xf32, #tpu.memory_space<hbm>>
      tpu.wait_indirect_dma semaphore(%arg13 : memref<!tpu.dma_semaphore, #tpu.memory_space<semaphore_mem>>) src(%dma_wait3A_49 : memref<10240x128xf32, #tpu.memory_space<hbm>>) dst(%arg10 : memref<128x128xf32, #tpu.memory_space<vmem>>)
      %run_scoped3A_50 = arith.constant 15 : i32
      "tpu.region"() ({
        %run_scoped3A_51 = tpu.sem_alloc : memref<!tpu.dma_semaphore, #tpu.memory_space<semaphore_mem>>
        %dma_start3A_52 = arith.constant 0 : i32
        %dma_start3A_53 = tpu.memref_slice %arg8[%run_scoped3A_50, %dma_start3A_52] : memref<48x128xi32, #tpu.memory_space<vmem>> -> memref<1x128xi32, #tpu.memory_space<vmem>>
        %dma_start3A_54 = tpu.memref_squeeze %dma_start3A_53 : memref<1x128xi32, #tpu.memory_space<vmem>> -> memref<128xi32, #tpu.memory_space<vmem>>
        %dma_start3A_55 = arith.constant 0 : i32
        %dma_start3A_56 = arith.constant 0 : i32
        %dma_start3A_57 = tpu.memref_slice %arg11[%dma_start3A_55, %dma_start3A_56] : memref<10240x128xf32, #tpu.memory_space<vmem_shared>> -> memref<10240x128xf32, #tpu.memory_space<vmem_shared>>
        tpu.enqueue_indirect_dma source(%arg10 : memref<128x128xf32, #tpu.memory_space<vmem>>) target(%dma_start3A_57 : memref<10240x128xf32, #tpu.memory_space<vmem_shared>>) offsets(%dma_start3A_54 : memref<128xi32, #tpu.memory_space<vmem>>) semaphore(%run_scoped3A_51 : memref<!tpu.dma_semaphore, #tpu.memory_space<semaphore_mem>>) {add = true}
        %dma_wait3A_58 = arith.constant 0 : i32
        %dma_wait3A_59 = tpu.memref_slice %arg8[%run_scoped3A_50, %dma_wait3A_58] : memref<48x128xi32, #tpu.memory_space<vmem>> -> memref<1x128xi32, #tpu.memory_space<vmem>>
        %dma_wait3A_60 = tpu.memref_squeeze %dma_wait3A_59 : memref<1x128xi32, #tpu.memory_space<vmem>> -> memref<128xi32, #tpu.memory_space<vmem>>
        %dma_wait3A_61 = arith.constant 0 : i32
        %dma_wait3A_62 = arith.constant 0 : i32
        %dma_wait3A_63 = tpu.memref_slice %arg11[%dma_wait3A_61, %dma_wait3A_62] : memref<10240x128xf32, #tpu.memory_space<vmem_shared>> -> memref<10240x128xf32, #tpu.memory_space<vmem_shared>>
        tpu.wait_indirect_dma semaphore(%run_scoped3A_51 : memref<!tpu.dma_semaphore, #tpu.memory_space<semaphore_mem>>) src(%arg10 : memref<128x128xf32, #tpu.memory_space<vmem>>) dst(%dma_wait3A_63 : memref<10240x128xf32, #tpu.memory_space<vmem_shared>>)
        tpu.yield
      }) : () -> ()
    } else {
    }
    %barrier3A = arith.constant 0 : index
    tpu.barrier barrier_id(%barrier3A)
    %mul3A_10 = arith.constant 640 : i32
    %mul3A_11 = arith.muli %arg1, %mul3A_10 : i32
    %mul3A_12 = arith.constant 640 : i32
    %mul3A_13 = arith.muli %arg1, %mul3A_12 : i32
    "tpu.region"() ({
      %run_scoped3A = tpu.sem_alloc : memref<!tpu.dma_semaphore, #tpu.memory_space<semaphore_mem>>
      %dma_start3A = arith.constant 0 : i32
      %dma_start3A_14 = arith.constant 0 : i32
      %dma_start3A_15 = tpu.memref_slice %arg6[%arg0, %dma_start3A, %dma_start3A_14] : memref<2x10240x128xf32, #tpu.memory_space<hbm>> -> memref<1x10240x128xf32, #tpu.memory_space<hbm>>
      %dma_start3A_16 = tpu.memref_squeeze %dma_start3A_15 : memref<1x10240x128xf32, #tpu.memory_space<hbm>> -> memref<10240x128xf32, #tpu.memory_space<hbm>>
      %dma_start3A_17 = arith.constant 0 : i32
      %dma_start3A_18 = tpu.memref_slice %dma_start3A_16[%mul3A_13, %dma_start3A_17] : memref<10240x128xf32, #tpu.memory_space<hbm>> -> memref<640x128xf32, #tpu.memory_space<hbm>>
      %dma_start3A_19 = arith.constant 0 : i32
      %dma_start3A_20 = tpu.memref_slice %arg11[%mul3A_11, %dma_start3A_19] : memref<10240x128xf32, #tpu.memory_space<vmem_shared>> -> memref<640x128xf32, #tpu.memory_space<vmem_shared>>
      tpu.enqueue_dma source(%dma_start3A_20 : memref<640x128xf32, #tpu.memory_space<vmem_shared>>) target(%dma_start3A_18 : memref<640x128xf32, #tpu.memory_space<hbm>>) target_semaphore(%run_scoped3A : memref<!tpu.dma_semaphore, #tpu.memory_space<semaphore_mem>>)
      %dma_wait3A = arith.constant 0 : i32
      %dma_wait3A_21 = arith.constant 0 : i32
      %dma_wait3A_22 = tpu.memref_slice %arg6[%arg0, %dma_wait3A, %dma_wait3A_21] : memref<2x10240x128xf32, #tpu.memory_space<hbm>> -> memref<1x10240x128xf32, #tpu.memory_space<hbm>>
      %dma_wait3A_23 = tpu.memref_squeeze %dma_wait3A_22 : memref<1x10240x128xf32, #tpu.memory_space<hbm>> -> memref<10240x128xf32, #tpu.memory_space<hbm>>
      %dma_wait3A_24 = arith.constant 0 : i32
      %dma_wait3A_25 = tpu.memref_slice %dma_wait3A_23[%mul3A_13, %dma_wait3A_24] : memref<10240x128xf32, #tpu.memory_space<hbm>> -> memref<640x128xf32, #tpu.memory_space<hbm>>
      %dma_wait3A_26 = arith.constant 0 : i32
      %dma_wait3A_27 = tpu.memref_slice %arg11[%mul3A_11, %dma_wait3A_26] : memref<10240x128xf32, #tpu.memory_space<vmem_shared>> -> memref<640x128xf32, #tpu.memory_space<vmem_shared>>
      tpu.wait_dma2 semaphore(%run_scoped3A : memref<!tpu.dma_semaphore, #tpu.memory_space<semaphore_mem>>) src(%dma_wait3A_27 : memref<640x128xf32, #tpu.memory_space<vmem_shared>>) dst(%dma_wait3A_25 : memref<640x128xf32, #tpu.memory_space<hbm>>)
      tpu.yield
    }) : () -> ()
    return
  }
}

module attributes {stable_mosaic.version = 14 : i64} {
  func.func @body(%arg0: i32, %arg1: memref<640x128xf32, #tpu.memory_space<vmem>>, %arg2: memref<128x128xf32, #tpu.memory_space<vmem>>, %arg3: memref<2x640x128xf32, #tpu.memory_space<vmem>>, %arg4: memref<640x128xf32, #tpu.memory_space<vmem>>) attributes {dimension_semantics = [#tpu.dimension_semantics<arbitrary>], iteration_bounds = array<i64: 16>, scalar_prefetch = 0 : i64, scratch_operands = 0 : i64, tpu.core_type = #tpu.core_type<tc>, window_params = [{transform_indices = @transform_0, window_bounds = array<i64: 640, 128>}, {pipeline_mode = #tpu.pipeline_mode<synchronous>, transform_indices = @transform_1, window_bounds = array<i64: 128, 128>}, {transform_indices = @transform_2, window_bounds = array<i64: 2, 640, 128>}, {transform_indices = @transform_3, window_bounds = array<i64: 640, 128>}]} {
    %get3A = arith.constant 0 : index
    %get3A_0 = arith.constant 0 : index
    %get3A_1 = vector.load %arg1[%get3A, %get3A_0] : memref<640x128xf32, #tpu.memory_space<vmem>>, vector<640x128xf32>
    %get3A_2 = arith.constant 0 : index
    %get3A_3 = arith.constant 0 : index
    %get3A_4 = vector.load %arg2[%get3A_2, %get3A_3] : memref<128x128xf32, #tpu.memory_space<vmem>>, vector<128x128xf32>
    %dot_general3A = arith.constant dense<0.000000e+00> : vector<640x128xf32>
    %dot_general3A_5 = tpu.matmul %get3A_1, %get3A_4, %dot_general3A {dimension_numbers = #tpu.dot_dimension_numbers<[1], [0], [0], [1], [0, 0, 1, 1], [], []>, precision = #tpu.contract_precision<fp32>, transpose_lhs_hint = false} : vector<640x128xf32>, vector<128x128xf32>, vector<640x128xf32> -> vector<640x128xf32>
    %get3A_6 = arith.constant 0 : index
    %get3A_7 = arith.constant 0 : index
    %get3A_8 = arith.constant 0 : index
    %get3A_9 = vector.load %arg3[%get3A_6, %get3A_7, %get3A_8] : memref<2x640x128xf32, #tpu.memory_space<vmem>>, vector<1x640x1xf32>
    %get3A_10 = vector.shape_cast %get3A_9 : vector<1x640x1xf32> to vector<640x1xf32>
    %get3A_11 = arith.constant 1 : index
    %get3A_12 = arith.constant 0 : index
    %get3A_13 = arith.constant 0 : index
    %get3A_14 = vector.load %arg3[%get3A_11, %get3A_12, %get3A_13] : memref<2x640x128xf32, #tpu.memory_space<vmem>>, vector<1x640x1xf32>
    %get3A_15 = vector.shape_cast %get3A_14 : vector<1x640x1xf32> to vector<640x1xf32>
    %add3A = arith.addf %get3A_10, %get3A_15 : vector<640x1xf32>
    %add3A_16 = arith.constant 1.000000e+00 : f32
    %add3A_17 = vector.broadcast %add3A_16 : f32 to vector<640x1xf32>
    %add3A_18 = arith.addf %add3A, %add3A_17 : vector<640x1xf32>
    %rsqrt3A = math.rsqrt %add3A_18 : vector<640x1xf32>
    %mul3A = vector.broadcast %rsqrt3A : vector<640x1xf32> to vector<640x128xf32>
    %mul3A_19 = arith.mulf %dot_general3A_5, %mul3A : vector<640x128xf32>
    %swap3A = arith.constant 0 : index
    %swap3A_20 = arith.constant 0 : index
    %swap3A_21 = vector.load %arg4[%swap3A, %swap3A_20] : memref<640x128xf32, #tpu.memory_space<vmem>>, vector<640x128xf32>
    tpu.vector_store %arg4[%swap3A, %swap3A_20], %mul3A_19 {strides = array<i32>} : memref<640x128xf32, #tpu.memory_space<vmem>>, vector<640x128xf32>,
    return
  }
  func.func @transform_0(%arg0: i32) -> (i32, i32) {
    %c0_i32 = arith.constant 0 : i32
    %c0_i32_0 = arith.constant 0 : i32
    return %arg0, %c0_i32 : i32, i32
  }
  func.func @transform_1(%arg0: i32) -> (i32, i32) {
    %c0_i32 = arith.constant 0 : i32
    %c0_i32_0 = arith.constant 0 : i32
    %c0_i32_1 = arith.constant 0 : i32
    return %c0_i32, %c0_i32_0 : i32, i32
  }
  func.func @transform_2(%arg0: i32) -> (i32, i32, i32) {
    %c0_i32 = arith.constant 0 : i32
    %c0_i32_0 = arith.constant 0 : i32
    %c0_i32_1 = arith.constant 0 : i32
    return %c0_i32, %arg0, %c0_i32_0 : i32, i32, i32
  }
  func.func @transform_3(%arg0: i32) -> (i32, i32) {
    %c0_i32 = arith.constant 0 : i32
    %c0_i32_0 = arith.constant 0 : i32
    return %arg0, %c0_i32 : i32, i32
  }
}

module attributes {stable_mosaic.version = 14 : i64} {
  func.func @body(%arg0: i32, %arg1: memref<2x640x128xf32, #tpu.memory_space<vmem>>, %arg2: memref<640x128xf32, #tpu.memory_space<vmem>>, %arg3: memref<2x640x128xf32, #tpu.memory_space<vmem>>, %arg4: memref<1x128xf32, #tpu.memory_space<vmem>>, %arg5: memref<128x128xf32, #tpu.memory_space<vmem>>, %arg6: memref<640x128xf32, #tpu.memory_space<vmem>>) attributes {dimension_semantics = [#tpu.dimension_semantics<arbitrary>], iteration_bounds = array<i64: 16>, scalar_prefetch = 0 : i64, scratch_operands = 0 : i64, tpu.core_type = #tpu.core_type<tc>, window_params = [{transform_indices = @transform_0, window_bounds = array<i64: 2, 640, 128>}, {transform_indices = @transform_1, window_bounds = array<i64: 640, 128>}, {transform_indices = @transform_2, window_bounds = array<i64: 2, 640, 128>}, {pipeline_mode = #tpu.pipeline_mode<synchronous>, transform_indices = @transform_3, window_bounds = array<i64: 1, 128>}, {pipeline_mode = #tpu.pipeline_mode<synchronous>, transform_indices = @transform_4, window_bounds = array<i64: 128, 128>}, {transform_indices = @transform_5, window_bounds = array<i64: 640, 128>}]} {
    %get3A = arith.constant 0 : index
    %get3A_0 = arith.constant 0 : index
    %get3A_1 = arith.constant 0 : index
    %get3A_2 = vector.load %arg3[%get3A, %get3A_0, %get3A_1] : memref<2x640x128xf32, #tpu.memory_space<vmem>>, vector<1x640x1xf32>
    %get3A_3 = vector.shape_cast %get3A_2 : vector<1x640x1xf32> to vector<640x1xf32>
    %get3A_4 = arith.constant 1 : index
    %get3A_5 = arith.constant 0 : index
    %get3A_6 = arith.constant 0 : index
    %get3A_7 = vector.load %arg3[%get3A_4, %get3A_5, %get3A_6] : memref<2x640x128xf32, #tpu.memory_space<vmem>>, vector<1x640x1xf32>
    %get3A_8 = vector.shape_cast %get3A_7 : vector<1x640x1xf32> to vector<640x1xf32>
    %add3A = arith.addf %get3A_3, %get3A_8 : vector<640x1xf32>
    %add3A_9 = arith.constant 1.000000e+00 : f32
    %add3A_10 = vector.broadcast %add3A_9 : f32 to vector<640x1xf32>
    %add3A_11 = arith.addf %add3A, %add3A_10 : vector<640x1xf32>
    %rsqrt3A = math.rsqrt %add3A_11 : vector<640x1xf32>
    %get3A_12 = arith.constant 0 : index
    %get3A_13 = arith.constant 0 : index
    %get3A_14 = arith.constant 0 : index
    %get3A_15 = vector.load %arg1[%get3A_12, %get3A_13, %get3A_14] : memref<2x640x128xf32, #tpu.memory_space<vmem>>, vector<1x640x128xf32>
    %get3A_16 = vector.shape_cast %get3A_15 : vector<1x640x128xf32> to vector<640x128xf32>
    %get3A_17 = arith.constant 1 : index
    %get3A_18 = arith.constant 0 : index
    %get3A_19 = arith.constant 0 : index
    %get3A_20 = vector.load %arg1[%get3A_17, %get3A_18, %get3A_19] : memref<2x640x128xf32, #tpu.memory_space<vmem>>, vector<1x640x128xf32>
    %get3A_21 = vector.shape_cast %get3A_20 : vector<1x640x128xf32> to vector<640x128xf32>
    %add3A_22 = arith.addf %get3A_16, %get3A_21 : vector<640x128xf32>
    %get3A_23 = arith.constant 0 : index
    %get3A_24 = arith.constant 0 : index
    %get3A_25 = vector.load %arg2[%get3A_23, %get3A_24] : memref<640x128xf32, #tpu.memory_space<vmem>>, vector<640x128xf32>
    %add3A_26 = arith.addf %add3A_22, %get3A_25 : vector<640x128xf32>
    %mul3A = vector.broadcast %rsqrt3A : vector<640x1xf32> to vector<640x128xf32>
    %mul3A_27 = arith.mulf %add3A_26, %mul3A : vector<640x128xf32>
    %get3A_28 = arith.constant 0 : index
    %get3A_29 = arith.constant 0 : index
    %get3A_30 = vector.load %arg4[%get3A_28, %get3A_29] : memref<1x128xf32, #tpu.memory_space<vmem>>, vector<1x128xf32>
    %add3A_31 = vector.broadcast %get3A_30 : vector<1x128xf32> to vector<640x128xf32>
    %add3A_32 = arith.addf %mul3A_27, %add3A_31 : vector<640x128xf32>
    %max3A = arith.constant 0.000000e+00 : f32
    %max3A_33 = vector.broadcast %max3A : f32 to vector<640x128xf32>
    %max3A_34 = arith.maximumf %add3A_32, %max3A_33 : vector<640x128xf32>
    %get3A_35 = arith.constant 0 : index
    %get3A_36 = arith.constant 0 : index
    %get3A_37 = vector.load %arg5[%get3A_35, %get3A_36] : memref<128x128xf32, #tpu.memory_space<vmem>>, vector<128x128xf32>
    %dot_general3A = arith.constant dense<0.000000e+00> : vector<640x128xf32>
    %dot_general3A_38 = tpu.matmul %max3A_34, %get3A_37, %dot_general3A {dimension_numbers = #tpu.dot_dimension_numbers<[1], [0], [0], [1], [0, 0, 1, 1], [], []>, precision = #tpu.contract_precision<fp32>, transpose_lhs_hint = false} : vector<640x128xf32>, vector<128x128xf32>, vector<640x128xf32> -> vector<640x128xf32>
    %mul3A_39 = vector.broadcast %rsqrt3A : vector<640x1xf32> to vector<640x128xf32>
    %mul3A_40 = arith.mulf %dot_general3A_38, %mul3A_39 : vector<640x128xf32>
    %swap3A = arith.constant 0 : index
    %swap3A_41 = arith.constant 0 : index
    %swap3A_42 = vector.load %arg6[%swap3A, %swap3A_41] : memref<640x128xf32, #tpu.memory_space<vmem>>, vector<640x128xf32>
    tpu.vector_store %arg6[%swap3A, %swap3A_41], %mul3A_40 {strides = array<i32>} : memref<640x128xf32, #tpu.memory_space<vmem>>, vector<640x128xf32>,
    return
  }
  func.func @transform_0(%arg0: i32) -> (i32, i32, i32) {
    %c0_i32 = arith.constant 0 : i32
    %c0_i32_0 = arith.constant 0 : i32
    %c0_i32_1 = arith.constant 0 : i32
    return %c0_i32, %arg0, %c0_i32_0 : i32, i32, i32
  }
  func.func @transform_1(%arg0: i32) -> (i32, i32) {
    %c0_i32 = arith.constant 0 : i32
    %c0_i32_0 = arith.constant 0 : i32
    return %arg0, %c0_i32 : i32, i32
  }
  func.func @transform_2(%arg0: i32) -> (i32, i32, i32) {
    %c0_i32 = arith.constant 0 : i32
    %c0_i32_0 = arith.constant 0 : i32
    %c0_i32_1 = arith.constant 0 : i32
    return %c0_i32, %arg0, %c0_i32_0 : i32, i32, i32
  }
  func.func @transform_3(%arg0: i32) -> (i32, i32) {
    %c0_i32 = arith.constant 0 : i32
    %c0_i32_0 = arith.constant 0 : i32
    %c0_i32_1 = arith.constant 0 : i32
    return %c0_i32, %c0_i32_0 : i32, i32
  }
  func.func @transform_4(%arg0: i32) -> (i32, i32) {
    %c0_i32 = arith.constant 0 : i32
    %c0_i32_0 = arith.constant 0 : i32
    %c0_i32_1 = arith.constant 0 : i32
    return %c0_i32, %c0_i32_0 : i32, i32
  }
  func.func @transform_5(%arg0: i32) -> (i32, i32) {
    %c0_i32 = arith.constant 0 : i32
    %c0_i32_0 = arith.constant 0 : i32
    return %arg0, %c0_i32 : i32, i32
  }
}

module attributes {stable_mosaic.version = 14 : i64} {
  func.func @body(%arg0: i32, %arg1: memref<2x640x128xf32, #tpu.memory_space<vmem>>, %arg2: memref<640x128xf32, #tpu.memory_space<vmem>>, %arg3: memref<2x640x128xf32, #tpu.memory_space<vmem>>, %arg4: memref<1x128xf32, #tpu.memory_space<vmem>>, %arg5: memref<640x128xf32, #tpu.memory_space<vmem>>) attributes {dimension_semantics = [#tpu.dimension_semantics<arbitrary>], iteration_bounds = array<i64: 16>, scalar_prefetch = 0 : i64, scratch_operands = 0 : i64, tpu.core_type = #tpu.core_type<tc>, window_params = [{transform_indices = @transform_0, window_bounds = array<i64: 2, 640, 128>}, {transform_indices = @transform_1, window_bounds = array<i64: 640, 128>}, {transform_indices = @transform_2, window_bounds = array<i64: 2, 640, 128>}, {pipeline_mode = #tpu.pipeline_mode<synchronous>, transform_indices = @transform_3, window_bounds = array<i64: 1, 128>}, {transform_indices = @transform_4, window_bounds = array<i64: 640, 128>}]} {
    %get3A = arith.constant 0 : index
    %get3A_0 = arith.constant 0 : index
    %get3A_1 = arith.constant 0 : index
    %get3A_2 = vector.load %arg1[%get3A, %get3A_0, %get3A_1] : memref<2x640x128xf32, #tpu.memory_space<vmem>>, vector<1x640x128xf32>
    %get3A_3 = vector.shape_cast %get3A_2 : vector<1x640x128xf32> to vector<640x128xf32>
    %get3A_4 = arith.constant 1 : index
    %get3A_5 = arith.constant 0 : index
    %get3A_6 = arith.constant 0 : index
    %get3A_7 = vector.load %arg1[%get3A_4, %get3A_5, %get3A_6] : memref<2x640x128xf32, #tpu.memory_space<vmem>>, vector<1x640x128xf32>
    %get3A_8 = vector.shape_cast %get3A_7 : vector<1x640x128xf32> to vector<640x128xf32>
    %add3A = arith.addf %get3A_3, %get3A_8 : vector<640x128xf32>
    %get3A_9 = arith.constant 0 : index
    %get3A_10 = arith.constant 0 : index
    %get3A_11 = vector.load %arg2[%get3A_9, %get3A_10] : memref<640x128xf32, #tpu.memory_space<vmem>>, vector<640x128xf32>
    %add3A_12 = arith.addf %add3A, %get3A_11 : vector<640x128xf32>
    %get3A_13 = arith.constant 0 : index
    %get3A_14 = arith.constant 0 : index
    %get3A_15 = arith.constant 0 : index
    %get3A_16 = vector.load %arg3[%get3A_13, %get3A_14, %get3A_15] : memref<2x640x128xf32, #tpu.memory_space<vmem>>, vector<1x640x1xf32>
    %get3A_17 = vector.shape_cast %get3A_16 : vector<1x640x1xf32> to vector<640x1xf32>
    %get3A_18 = arith.constant 1 : index
    %get3A_19 = arith.constant 0 : index
    %get3A_20 = arith.constant 0 : index
    %get3A_21 = vector.load %arg3[%get3A_18, %get3A_19, %get3A_20] : memref<2x640x128xf32, #tpu.memory_space<vmem>>, vector<1x640x1xf32>
    %get3A_22 = vector.shape_cast %get3A_21 : vector<1x640x1xf32> to vector<640x1xf32>
    %add3A_23 = arith.addf %get3A_17, %get3A_22 : vector<640x1xf32>
    %add3A_24 = arith.constant 1.000000e+00 : f32
    %add3A_25 = vector.broadcast %add3A_24 : f32 to vector<640x1xf32>
    %add3A_26 = arith.addf %add3A_23, %add3A_25 : vector<640x1xf32>
    %rsqrt3A = math.rsqrt %add3A_26 : vector<640x1xf32>
    %mul3A = vector.broadcast %rsqrt3A : vector<640x1xf32> to vector<640x128xf32>
    %mul3A_27 = arith.mulf %add3A_12, %mul3A : vector<640x128xf32>
    %get3A_28 = arith.constant 0 : index
    %get3A_29 = arith.constant 0 : index
    %get3A_30 = vector.load %arg4[%get3A_28, %get3A_29] : memref<1x128xf32, #tpu.memory_space<vmem>>, vector<1x128xf32>
    %add3A_31 = vector.broadcast %get3A_30 : vector<1x128xf32> to vector<640x128xf32>
    %add3A_32 = arith.addf %mul3A_27, %add3A_31 : vector<640x128xf32>
    %swap3A = arith.constant 0 : index
    %swap3A_33 = arith.constant 0 : index
    %swap3A_34 = vector.load %arg5[%swap3A, %swap3A_33] : memref<640x128xf32, #tpu.memory_space<vmem>>, vector<640x128xf32>
    tpu.vector_store %arg5[%swap3A, %swap3A_33], %add3A_32 {strides = array<i32>} : memref<640x128xf32, #tpu.memory_space<vmem>>, vector<640x128xf32>,
    return
  }
  func.func @transform_0(%arg0: i32) -> (i32, i32, i32) {
    %c0_i32 = arith.constant 0 : i32
    %c0_i32_0 = arith.constant 0 : i32
    %c0_i32_1 = arith.constant 0 : i32
    return %c0_i32, %arg0, %c0_i32_0 : i32, i32, i32
  }
  func.func @transform_1(%arg0: i32) -> (i32, i32) {
    %c0_i32 = arith.constant 0 : i32
    %c0_i32_0 = arith.constant 0 : i32
    return %arg0, %c0_i32 : i32, i32
  }
  func.func @transform_2(%arg0: i32) -> (i32, i32, i32) {
    %c0_i32 = arith.constant 0 : i32
    %c0_i32_0 = arith.constant 0 : i32
    %c0_i32_1 = arith.constant 0 : i32
    return %c0_i32, %arg0, %c0_i32_0 : i32, i32, i32
  }
  func.func @transform_3(%arg0: i32) -> (i32, i32) {
    %c0_i32 = arith.constant 0 : i32
    %c0_i32_0 = arith.constant 0 : i32
    %c0_i32_1 = arith.constant 0 : i32
    return %c0_i32, %c0_i32_0 : i32, i32
  }
  func.func @transform_4(%arg0: i32) -> (i32, i32) {
    %c0_i32 = arith.constant 0 : i32
    %c0_i32_0 = arith.constant 0 : i32
    return %arg0, %c0_i32 : i32, i32
  }
}

</mosaic_0001>

<sc_bundles>
// kernel: kernel.11.cloned.1.call-start
scs
__scs_entry_jumppad:
0x0: {  	(pc) =	sbr.rel $0x88, $3  }
0x1: {  	(tag) =	ssettag $0x0;
	lr =	simm.s32 $0x1  }
0x2: {  	[smem:$0x3F9B] =	sst lr;
	_ =	strace $0xD0000000  }
0x3: {  	_ = 	snop  }
0x4: {  	_ = 	snop  }
0x5: {  	_ = 	snop  }
0x6: {  	_ = 	snop  }
0x7: {  	_ = 	snop  }
__scs_overlays_trampoline_lowered:
0x8: {  	[smem:$0x3FAA] =	sst s0  }
0x9: {  	[smem:$0x3FAB] =	sst s1  }
0xa: {  	[smem:$0x3FAC] =	sst s2  }
0xb: {  	[smem:$0x3FAD] =	sst s3  }
0xc: {  	[smem:$0x3FAE] =	sst s4  }
0xd: {  	[smem:$0x3FAF] =	sst s5  }
0xe: {  	[smem:$0x3FB0] =	sst s6  }
0xf: {  	[smem:$0x3FB1] =	sst s7  }
0x10: {  	[smem:$0x3FB2] =	sst s8  }
0x11: {  	[smem:$0x3FB3] =	sst s9;
	s0 =	simm.s32 @!p0 $0x0  }
0x12: {  	s1 =	sld [smem:$0x3F99];
	s0 =	simm.s32 @p0 $0x1  }
0x13: {  	[smem:$0x3FB4] =	sst s0;
	s0 =	simm.s32 @!p1 $0x0  }
0x14: {  	s2 =	sld [smem:$0x3F98];
	s0 =	simm.s32 @p1 $0x1  }
0x15: {  	[smem:$0x3FB5] =	sst s0;
	s0 =	simm.s32 @!p2 $0x0  }
0x16: {  	s3 =	sld [smem:$0x3FDB];
	s0 =	simm.s32 @p2 $0x1  }
0x17: {  	s4 =	simm.s32 $0x1BF5;
	[smem:$0x3FB7] =	sst s0  }
0x18: {  	s0 =	sld [smem:$0x3F9A];
	_ =	swait.ge [sflag:s4], $0x0  }
0x19: {  	s7 =	sld [smem:$0x3F9B]  }
0x1a: {  	s8 =	sadd.s32 $0xFFFFE003, lr  }
0x1b: {  	s9 =	sadd.s32 $0xFFFFFEF7, lr;
	s5 =	simm.s32 $0xFFFFFFFF;
	p2 =	slt.u32 s8, $0xFFFFF086  }
0x1c: {  	p1 =	slt.u32 s9, $0xF7A;
	s5 =	simm.s32 @!p2 $0x0  }
0x1d: {  	s5 =	simm.s32 @p1 $0x1;
	p0 =	seq.s32 s7, s2  }
0x1e: {  	s7 =	smul.u32 @!p0 $0xF7A, s2;
	p2 =	seq.s32 @!p0 s5, $0x0  }
0x1f: {  	s9 =	smul.u32 $0xF7A, s1;
	s8 =	simm.s32 @!p0 $0x1BF5;
	p2 =	por !p2, p0  }
0x20: {  	[sflag:s8] =	ssyncset.s32 @!p0 $0xFFFFF086;
	s6 =	sadd.s32 @!p0 s3, s7;
	s7 =	simm.s32 @!p0 $0x108  }
0x21: {  	s3 =	sadd.s32 s3, s9;
	s6 =	sadd.s32 @!p0 $0x88, s6;
	s7 =	simm.s32 @p2 $0x1082  }
0x22: {  	[simem:s7], [sflag:s8] =	dma.local @!p0 [hbm:s6], $0xF7A  }
0x23: {  	s9 =	sor.u32 $0xD0000000, s2;
	s6 =	simm.s32 $0x108;
	_ =	swait.ge @!p0 [sflag:s8], $0x0  }
0x24: {  	s3 =	sadd.s32 $0x88, s3;
	s6 =	simm.s32 @!p1 $0x1082;
	[sflag:s4] =	ssyncset.s32 $0xFFFFF086  }
0x25: {  	[simem:s6], [sflag:s4] =	dma.local [hbm:s3], $0xF7A  }
0x26: {  	[smem:$0x3F9B] =	sst s1;
	(tag) =	ssettag s2;
	_ =	strace s9  }
0x27: {  	s1 =	sld [smem:$0x3FAB]  }
0x28: {  	s2 =	sld [smem:$0x3FAC]  }
0x29: {  	s4 =	sld [smem:$0x3FAE]  }
0x2a: {  	p0 =	seq.s32 s5, $0x0;
	s5 =	sld [smem:$0x3FAF]  }
0x2b: {  	s6 =	sld [smem:$0x3FB0]  }
0x2c: {  	s7 =	sld [smem:$0x3FB1]  }
0x2d: {  	s3 =	simm.s32 $0x108;
	s8 =	sld [smem:$0x3FB2]  }
0x2e: {  	s3 =	simm.s32 @!p0 $0x1082;
	s9 =	sld [smem:$0x3FB3]  }
0x2f: {  	lr =	sadd.s32 s0, s3;
	s0 =	sld [smem:$0x3FAA]  }
0x30: {  	s3 =	sld [smem:$0x3FAD]  }
0x31: {  	[smem:$0x3FB6] =	sst s10  }
0x32: {  	s10 =	sld [smem:$0x3FB4];
	_ =	sdelay $0x3  }
0x33: {  	p0 =	seq.s32 s10, $0x1;
	s10 =	sld [smem:$0x3FB6];
	_ =	sdelay $0x3  }
0x34: {  	[smem:$0x3FB6] =	sst s10  }
0x35: {  	s10 =	sld [smem:$0x3FB5];
	_ =	sdelay $0x3  }
0x36: {  	p1 =	seq.s32 s10, $0x1;
	s10 =	sld [smem:$0x3FB6];
	_ =	sdelay $0x3  }
0x37: {  	[smem:$0x3FB6] =	sst s10  }
0x38: {  	s10 =	sld [smem:$0x3FB7]  }
0x39: {  	_ = 	snop;
	(pc) =	sbr.ind lr, $3  }
0x3a: {  	_ = 	snop  }
0x3b: {  	_ = 	snop  }
0x3c: {  	p2 =	seq.s32 s10, $0x1;
	s10 =	sld [smem:$0x3FB6]  }
0x3d: {  	_ =	shalt  }
0x3e: {  	_ =	shalt  }
0x3f: {  	_ =	shalt  }
0x40: {  	_ =	shalt  }
0x41: {  	_ =	shalt  }
0x42: {  	_ =	shalt  }
0x43: {  	_ =	shalt  }
0x44: {  	_ =	shalt  }
0x45: {  	_ =	shalt  }
0x46: {  	_ =	shalt  }
0x47: {  	_ =	shalt  }
0x48: {  	_ =	shalt  }
0x49: {  	_ =	shalt  }
0x4a: {  	_ =	shalt  }
0x4b: {  	_ =	shalt  }
0x4c: {  	_ =	shalt  }
0x4d: {  	_ =	shalt  }
0x4e: {  	_ =	shalt  }
0x4f: {  	_ =	shalt  }
0x50: {  	_ =	shalt  }
0x51: {  	_ =	shalt  }
0x52: {  	_ =	shalt  }
0x53: {  	_ =	shalt  }
0x54: {  	_ =	shalt  }
0x55: {  	_ =	shalt  }
0x56: {  	_ =	shalt  }
0x57: {  	_ =	shalt  }
0x58: {  	_ =	shalt  }
0x59: {  	_ =	shalt  }
0x5a: {  	_ =	shalt  }
0x5b: {  	_ =	shalt  }
0x5c: {  	_ =	shalt  }
0x5d: {  	_ =	shalt  }
0x5e: {  	_ =	shalt  }
0x5f: {  	_ =	shalt  }
0x60: {  	_ =	shalt  }
0x61: {  	_ =	shalt  }
0x62: {  	_ =	shalt  }
0x63: {  	_ =	shalt  }
0x64: {  	_ =	shalt  }
0x65: {  	_ =	shalt  }
0x66: {  	_ =	shalt  }
0x67: {  	_ =	shalt  }
0x68: {  	_ =	shalt  }
0x69: {  	_ =	shalt  }
0x6a: {  	_ =	shalt  }
0x6b: {  	_ =	shalt  }
0x6c: {  	_ =	shalt  }
0x6d: {  	_ =	shalt  }
0x6e: {  	_ =	shalt  }
0x6f: {  	_ =	shalt  }
0x70: {  	_ =	shalt  }
0x71: {  	_ =	shalt  }
0x72: {  	_ =	shalt  }
0x73: {  	_ =	shalt  }
0x74: {  	_ =	shalt  }
0x75: {  	_ =	shalt  }
0x76: {  	_ =	shalt  }
0x77: {  	_ =	shalt  }
0x78: {  	_ =	shalt  }
0x79: {  	_ =	shalt  }
0x7a: {  	_ =	shalt  }
0x7b: {  	_ =	shalt  }
0x7c: {  	_ =	shalt  }
0x7d: {  	_ =	shalt  }
0x7e: {  	_ =	shalt  }
0x7f: {  	_ =	shalt  }
0x80: {  	_ =	shalt  }
0x81: {  	_ =	shalt  }
0x82: {  	_ =	shalt  }
0x83: {  	_ =	shalt  }
0x84: {  	_ =	shalt  }
0x85: {  	_ =	shalt  }
0x86: {  	_ =	shalt  }
0x87: {  	_ =	shalt  }
.Lfunc_end0:
.L_simem_size_0:
called_computation.1_lowered:
.L_overlay_start_0:
0x88: {  	s2 =	sld [smem:$0x3FD9]  }
0x89: {  	s3 =	sld [smem:$0x3FFE];
	_ =	sdelay $0x1  }
0x8a: {  	s1 =	srdreg.scid  }
0x8b: {  	s0 =	sand.u32 $0x1, s1  }
0x8c: {  	s17 =	sshll.u32 s0, $0xA;
	s2 =	sadd.s32 s3, s2  }
0x8d: {  	s2 =	sadd.s32 s2, s17  }
0x8e: {  	[smem:$0x3FC2] =	sst s2  }
0x8f: {  	_ = 	snop  }
0x90: {  	s2 =	sld [smem:$0x3FD0];
	(tm) =	ssettm $0x1  }
0x91: {  	s18 =	sld [smem:$0x3FFB];
	_ =	sdelay $0x3  }
0x92: {  	_ =	strace s18  }
0x93: {  	s3 =	sld [smem:$0x3FFC];
	_ =	sdelay $0x3  }
0x94: {  	_ =	strace s3  }
0x95: {  	s3 =	sld [smem:$0x3FFD];
	_ =	sdelay $0x3  }
0x96: {  	_ =	strace s3  }
0x97: {  	_ =	strace $0x8FFFFFFF  }
0x98: {  	s19 =	sld [smem:$0x3FDB];
	_ =	sdelay $0x1  }
0x99: {  	s4 =	simm.s32 $_scs_section_size  }
0x9a: {  	s5 =	simm.s32 $_size__tile_overlayer_lowered;
	s6 =	simm.s32 $_tile_overlayer_lowered  }
0x9b: {  	s22 =	simm.s32 $0x1BFF;
	s21 =	sshll.u32 s6, $0x1;
	s3 =	sadd.s32 s4, s19  }
0x9c: {  	s7 =	simm.s32 $0x0;
	s20 =	sshll.u32 s5, $0x1;
	s5 =	sadd.s32 s21, s3  }
0x9d: {  	[timem:s7], [sflag:s22] =	dma.local [hbm:s5], s20  }
0x9e: {  	_ =	swait.ge [sflag:s22], s20  }
0x9f: {  	s4 =	ssub.s32 $0x0, s20;
	[sflag:s22] =	ssyncset.done $0x0  }
0xa0: {  	[sflag:s22] =	ssyncadd.s32 s4;
	_ =	sdelay $0x1  }
0xa1: {  	s23 =	simm.s32 $0x1B8B  }
0xa2: {  	_ =	swait.ge [sflag:s23], $0x1  }
0xa3: {  	[sflag:s23] =	ssyncset.done $0x0  }
0xa4: {  	s25 =	simm.s32 $0x1B8E;
	s24 =	sld [smem:$0x3FFE];
	[sflag:s23] =	ssyncadd.s32 $0xFFFFFFFF  }
0xa5: {  	s26 =	simm.s32 $execute0_lowered;
	[smem:$0x3FD2] =	sst s25  }
0xa6: {  	s5 =	sshll.u32 s26, $0x1;
	_ =	strace $0x80000049;
	[dreg:$0x1] =	wrdreg $0xFFFFFFFF  }
0xa7: {  	s28 =	simm.s32 $_size_execute0_lowered;
	s3 =	sadd.s32 s3, s5;
	[dreg:$0x0] =	wrdreg $0x0  }
0xa8: {  	s5 =	sshll.u32 s28, $0x1;
	[dreg:$0x2] =	wrdreg s3  }
0xa9: {  	[dreg:$0x3] =	wrdreg s5  }
0xaa: {  	[dreg:$0x4] =	wrdreg $0xC0  }
0xab: {  	_ =	task [dreg:s7], $0x5FFFF  }
0xac: {  	[dreg:$0x1] =	wrdreg $0xFFFFFFFF  }
0xad: {  	[dreg:$0x0] =	wrdreg $0x60  }
0xae: {  	[dreg:$0x2] =	wrdreg s24  }
0xaf: {  	[dreg:$0x3] =	wrdreg s2  }
0xb0: {  	[dreg:$0x4] =	wrdreg $0xB0000  }
0xb1: {  	[dreg:$0x5] =	wrdreg $0x9  }
0xb2: {  	_ =	task.clear_ibuf [dreg:s7], $0x6FFFF;
	_ =	strace $0x90000049  }
0xb3: {  	s29 =	simm.s32 $0x9;
	_ =	strace $0x8000004B  }
0xb4: {  	_ =	swait.ge [sflag:s29], $0x1  }
0xb5: {  	[sflag:s29] =	ssyncadd.s32 $0xFFFFFFFF  }
0xb6: {  	_ =	strace $0x9000004B  }
0xb7: {  	_ =	sfence  }
0xb8: {  	s30 =	sld [smem:$0x0];
	_ =	sdelay $0x2  }
0xb9: {  	s31 =	sshll.u32 s1, $0xD;
	s1 =	sshrl.u32 s1, $0x2  }
0xba: {  	s3 =	sand.u32 $0x4000, s31;
	s1 =	sadd.s32 s1, s30  }
0xbb: {  	s0 =	sor.u32 s3, s0;
	s1 =	sshll.u32 s1, $0x11  }
0xbc: {  	s0 =	sor.u32 s1, s0  }
0xbd: {  	s0 =	sadd.s32 $0x8F2B, s0  }
0xbe: {  	[sflag:s0] =	ssyncadd.remote.s32 $0x1  }
0xbf: {  	_ =	sfence.sel $0xFFFF  }
0xc0: {  	[dreg:$0x0] =	wrdreg $0xFFFFFFFF;
	(pc) =	sbr.abs _section_cstart, $3  }
0xc1: {  	[dreg:$0x1] =	wrdreg $0xFFFFFFFF  }
0xc2: {  	_ =	task.clear_ibuf [dreg:s7], $0x2FFFF;
	_ =	strace $0x9FFFFFFF  }
0xc3: {  	(tm) =	ssettm $0x7FFFFFFF  }
tec
execute0_lowered:
.L_overlay_start_1:
0x0: {  	(tag) =	ssettag $0x1  }
0x1: {  	s0 =	rddreg [dreg:$0x0]  }
0x2: {  	s1 =	rddreg [dreg:$0x1]  }
0x3: {  	s2 =	rddreg [dreg:$0x2]  }
0x4: {  	s3 =	simm.s32 $0x0;
	s13 =	stileid.u32;
	s4 =	srdreg.scid  }
0x5: {  	s18 =	simm.s32 $0x1800;
	s19 =	simm.s32 $0x80;
	s20 =	simm.s32 $0x3000  }
0x6: {  	s28 =	simm.s32 $0x1780;
	s29 =	simm.s32 $0x2F00;
	s30 =	simm.s32 $0x2F80  }
0x7: {  	s31 =	simm.s32 $0x0;
	[smem:$0x7FF] =	sst s3;
	s24 =	smul.u32 $0x2800, s13  }
0x8: {  	s7 =	sand.u32 $0x1, s4;
	s4 =	sadd.s32 $0x85200, s0;
	s8 =	smul.u32 $0x50000, s13  }
0x9: {  	s14 =	sadd.s32 $0x2A00, s0;
	s23 =	smul.u32 $0x4800, s13;
	s25 =	sshll.u32 s13, $0x6  }
0xa: {  	s10 =	smul.u32 $0x900, s13;
	s13 =	sshll.u32 s13, $0x8;
	_ =	strace $0x8000004A  }
0xb: {  	s5 =	smul.u32 $0x28000, s7;
	s6 =	ssub.s32 $0x2, s7;
	p0 =	seq.s32 s7, $0x1  }
0xc: {  	s17 =	sor.u32 $0x9000, s13;
	s9 =	sadd.s32 s24, s0;
	s21 =	sshrl.u32 s6, $0x1  }
0xd: {  	s22 =	sshrl.u32 s8, $0x2;
	s11 =	sshrl.u32 s23, $0x3;
	s7 =	sadd.s32 s1, s10  }
0xe: {  	s8 =	sadd.s32 s14, s10;
	s13 =	sadd.s32 s1, s17;
	s23 =	simm.s32 $0x2  }
0xf: {  	s0 =	sadd.s32 s5, s0;
	s15 =	ssub.s32 s6, s21;
	s16 =	sadd.s32 s22, s2  }
0x10: {  	s5 =	sadd.s32 $0xD200, s9;
	s6 =	sor.u32 $0x1C03, s25;
	s12 =	sadd.s32 $0x300, s11  }
.Ltmp0:
0x11: {  	s26 =	sadd.s32 $0x600, s11;
	s21 =	simm.s32 $0x1;
	(pc) =	sbr.rel .LBB2_1-.Ltmp0, $4  }
0x12: {  	s22 =	simm.s32 $0x7000;
	s9 =	sadd.s32 s1, s12;
	s10 =	sadd.s32 s14, s12  }
0x13: {  	s11 =	sadd.s32 s1, s26;
	s12 =	sadd.s32 s14, s26;
	s14 =	sadd.s32 s14, s17  }
0x14: {  	s0 =	sadd.s32 $0xAD200, s0;
	s15 =	smax.u32 s15, $0x1;
	s16 =	sshrl.u32 s16, $0x3  }
0x15: {  	s17 =	simm.s32 $0x3;
	s26 =	simm.s32 $0x1E80;
	s24 =	sadd.s32 s24, s0  }
.LBB2_9:
0x16: {  	[tilespmem:s3], [sflag:$0x3] =	stream.linear.gather [hbm4b:s13+s3], $0x800, $0x38;
	[tilespmem:$0x1F000] =	vst v63  }
0x17: {  	_ =	swait.ge [sflag:s17], $0x800  }
0x18: {  	[sflag:s17] =	ssyncset.done $0x0  }
0x19: {  	[sflag:s17] =	ssyncadd.s32 $0xFFFFF800  }
0x1a: {  	[tilespmem:s18], [sflag:$0x3] =	stream.linear.gather [hbm4b:s14+s3], $0x800, $0x38;
	[tilespmem:$0x1F000] =	vst v63  }
0x1b: {  	_ =	swait.ge [sflag:s17], $0x800  }
0x1c: {  	[sflag:s17] =	ssyncset.done $0x0  }
0x1d: {  	[sflag:s17] =	ssyncadd.s32 $0xFFFFF800  }
0x1e: {  	[bflag:$0x0] =	sbarrier.arrive $0xFFFF  }
0x1f: {  	[tilespmem:s20], [sflag:$0x1] =	stream.indirect.gather [hbm4b:s4+s19], $0x80, s3, s19, $0xb8;
	[tilespmem:$0x1F000] =	vst v63  }
0x20: {  	_ =	swait.ge [sflag:s21], $0x4000  }
0x21: {  	[sflag:s21] =	ssyncset.done $0x0  }
0x22: {  	[sflag:s21] =	ssyncadd.s32 $0xFFFFC000  }
0x23: {  	[tilespmem:s22], [sflag:$0x2] =	stream.indirect.gather [hbm4b:s4+s19], $0x80, s19, s19, $0xb8;
	[tilespmem:$0x1F000] =	vst v63  }
0x24: {  	_ = 	snop  }
0x25: {  	[spmem:s2] =	stream.indirect.scatter.add.f32 [tilespmem:s20], [sflag:$0x3], $0x80, s18, s19, $0xb8;
	[tilespmem:$0x1F000] =	vst v63  }
0x26: {  	_ =	swait.ge [sflag:s17], $0x4000  }
0x27: {  	[sflag:s17] =	ssyncset.done $0x0  }
0x28: {  	[sflag:s17] =	ssyncadd.s32 $0xFFFFC000  }
0x29: {  	_ =	swait.ge [sflag:s23], $0x4000  }
0x2a: {  	[sflag:s23] =	ssyncset.done $0x0  }
0x2b: {  	s0 =	simm.s32 $0x100;
	[sflag:s23] =	ssyncadd.s32 $0xFFFFC000  }
0x2c: {  	[tilespmem:s20], [sflag:$0x1] =	stream.indirect.gather [hbm4b:s4+s19], $0x80, s0, s19, $0xb8;
	[tilespmem:$0x1F000] =	vst v63  }
0x2d: {  	s1 =	simm.s32 $0x1880  }
0x2e: {  	[spmem:s2] =	stream.indirect.scatter.add.f32 [tilespmem:s22], [sflag:$0x3], $0x80, s1, s19, $0xb8;
	[tilespmem:$0x1F000] =	vst v63  }
0x2f: {  	_ =	swait.ge [sflag:s17], $0x4000  }
0x30: {  	[sflag:s17] =	ssyncset.done $0x0  }
0x31: {  	[sflag:s17] =	ssyncadd.s32 $0xFFFFC000  }
0x32: {  	_ =	swait.ge [sflag:s21], $0x4000  }
0x33: {  	[sflag:s21] =	ssyncset.done $0x0  }
0x34: {  	s25 =	simm.s32 $0x180;
	[sflag:s21] =	ssyncadd.s32 $0xFFFFC000  }
0x35: {  	[tilespmem:s22], [sflag:$0x2] =	stream.indirect.gather [hbm4b:s4+s19], $0x80, s25, s19, $0xb8;
	[tilespmem:$0x1F000] =	vst v63  }
0x36: {  	s1 =	simm.s32 $0x1900  }
0x37: {  	[spmem:s2] =	stream.indirect.scatter.add.f32 [tilespmem:s20], [sflag:$0x3], $0x80, s1, s19, $0xb8;
	[tilespmem:$0x1F000] =	vst v63  }
0x38: {  	_ =	swait.ge [sflag:s17], $0x4000  }
0x39: {  	[sflag:s17] =	ssyncset.done $0x0  }
0x3a: {  	[sflag:s17] =	ssyncadd.s32 $0xFFFFC000  }
0x3b: {  	_ =	swait.ge [sflag:s23], $0x4000  }
0x3c: {  	[sflag:s23] =	ssyncset.done $0x0  }
0x3d: {  	s25 =	simm.s32 $0x200;
	[sflag:s23] =	ssyncadd.s32 $0xFFFFC000  }
0x3e: {  	[tilespmem:s20], [sflag:$0x1] =	stream.indirect.gather [hbm4b:s4+s19], $0x80, s25, s19, $0xb8;
	[tilespmem:$0x1F000] =	vst v63  }
0x3f: {  	s1 =	simm.s32 $0x1980  }
0x40: {  	[spmem:s2] =	stream.indirect.scatter.add.f32 [tilespmem:s22], [sflag:$0x3], $0x80, s1, s19, $0xb8;
	[tilespmem:$0x1F000] =	vst v63  }
0x41: {  	_ =	swait.ge [sflag:s17], $0x4000  }
0x42: {  	[sflag:s17] =	ssyncset.done $0x0  }
0x43: {  	[sflag:s17] =	ssyncadd.s32 $0xFFFFC000  }
0x44: {  	_ =	swait.ge [sflag:s21], $0x4000  }
0x45: {  	[sflag:s21] =	ssyncset.done $0x0  }
0x46: {  	s25 =	simm.s32 $0x280;
	[sflag:s21] =	ssyncadd.s32 $0xFFFFC000  }
0x47: {  	[tilespmem:s22], [sflag:$0x2] =	stream.indirect.gather [hbm4b:s4+s19], $0x80, s25, s19, $0xb8;
	[tilespmem:$0x1F000] =	vst v63  }
0x48: {  	s1 =	simm.s32 $0x1A00  }
0x49: {  	[spmem:s2] =	stream.indirect.scatter.add.f32 [tilespmem:s20], [sflag:$0x3], $0x80, s1, s19, $0xb8;
	[tilespmem:$0x1F000] =	vst v63  }
0x4a: {  	_ =	swait.ge [sflag:s17], $0x4000  }
0x4b: {  	[sflag:s17] =	ssyncset.done $0x0  }
0x4c: {  	[sflag:s17] =	ssyncadd.s32 $0xFFFFC000  }
0x4d: {  	_ =	swait.ge [sflag:s23], $0x4000  }
0x4e: {  	[sflag:s23] =	ssyncset.done $0x0  }
0x4f: {  	s25 =	simm.s32 $0x300;
	[sflag:s23] =	ssyncadd.s32 $0xFFFFC000  }
0x50: {  	[tilespmem:s20], [sflag:$0x1] =	stream.indirect.gather [hbm4b:s4+s19], $0x80, s25, s19, $0xb8;
	[tilespmem:$0x1F000] =	vst v63  }
0x51: {  	s1 =	simm.s32 $0x1A80  }
0x52: {  	[spmem:s2] =	stream.indirect.scatter.add.f32 [tilespmem:s22], [sflag:$0x3], $0x80, s1, s19, $0xb8;
	[tilespmem:$0x1F000] =	vst v63  }
0x53: {  	_ =	swait.ge [sflag:s17], $0x4000  }
0x54: {  	[sflag:s17] =	ssyncset.done $0x0  }
0x55: {  	[sflag:s17] =	ssyncadd.s32 $0xFFFFC000  }
0x56: {  	_ =	swait.ge [sflag:s21], $0x4000  }
0x57: {  	[sflag:s21] =	ssyncset.done $0x0  }
0x58: {  	s25 =	simm.s32 $0x380;
	[sflag:s21] =	ssyncadd.s32 $0xFFFFC000  }
0x59: {  	[tilespmem:s22], [sflag:$0x2] =	stream.indirect.gather [hbm4b:s4+s19], $0x80, s25, s19, $0xb8;
	[tilespmem:$0x1F000] =	vst v63  }
0x5a: {  	s1 =	simm.s32 $0x1B00  }
0x5b: {  	[spmem:s2] =	stream.indirect.scatter.add.f32 [tilespmem:s20], [sflag:$0x3], $0x80, s1, s19, $0xb8;
	[tilespmem:$0x1F000] =	vst v63  }
0x5c: {  	_ =	swait.ge [sflag:s17], $0x4000  }
0x5d: {  	[sflag:s17] =	ssyncset.done $0x0  }
0x5e: {  	[sflag:s17] =	ssyncadd.s32 $0xFFFFC000  }
0x5f: {  	_ =	swait.ge [sflag:s23], $0x4000  }
0x60: {  	[sflag:s23] =	ssyncset.done $0x0  }
0x61: {  	s25 =	simm.s32 $0x400;
	[sflag:s23] =	ssyncadd.s32 $0xFFFFC000  }
0x62: {  	[tilespmem:s20], [sflag:$0x1] =	stream.indirect.gather [hbm4b:s4+s19], $0x80, s25, s19, $0xb8;
	[tilespmem:$0x1F000] =	vst v63  }
0x63: {  	s1 =	simm.s32 $0x1B80  }
0x64: {  	[spmem:s2] =	stream.indirect.scatter.add.f32 [tilespmem:s22], [sflag:$0x3], $0x80, s1, s19, $0xb8;
	[tilespmem:$0x1F000] =	vst v63  }
0x65: {  	_ =	swait.ge [sflag:s17], $0x4000  }
0x66: {  	[sflag:s17] =	ssyncset.done $0x0  }
0x67: {  	[sflag:s17] =	ssyncadd.s32 $0xFFFFC000  }
0x68: {  	_ =	swait.ge [sflag:s21], $0x4000  }
0x69: {  	[sflag:s21] =	ssyncset.done $0x0  }
0x6a: {  	s25 =	simm.s32 $0x480;
	[sflag:s21] =	ssyncadd.s32 $0xFFFFC000  }
0x6b: {  	[tilespmem:s22], [sflag:$0x2] =	stream.indirect.gather [hbm4b:s4+s19], $0x80, s25, s19, $0xb8;
	[tilespmem:$0x1F000] =	vst v63  }
0x6c: {  	s1 =	simm.s32 $0x1C00  }
0x6d: {  	[spmem:s2] =	stream.indirect.scatter.add.f32 [tilespmem:s20], [sflag:$0x3], $0x80, s1, s19, $0xb8;
	[tilespmem:$0x1F000] =	vst v63  }
0x6e: {  	_ =	swait.ge [sflag:s17], $0x4000  }
0x6f: {  	[sflag:s17] =	ssyncset.done $0x0  }
0x70: {  	[sflag:s17] =	ssyncadd.s32 $0xFFFFC000  }
0x71: {  	_ =	swait.ge [sflag:s23], $0x4000  }
0x72: {  	[sflag:s23] =	ssyncset.done $0x0  }
0x73: {  	s25 =	simm.s32 $0x500;
	[sflag:s23] =	ssyncadd.s32 $0xFFFFC000  }
0x74: {  	[tilespmem:s20], [sflag:$0x1] =	stream.indirect.gather [hbm4b:s4+s19], $0x80, s25, s19, $0xb8;
	[tilespmem:$0x1F000] =	vst v63  }
0x75: {  	s1 =	simm.s32 $0x1C80  }
0x76: {  	[spmem:s2] =	stream.indirect.scatter.add.f32 [tilespmem:s22], [sflag:$0x3], $0x80, s1, s19, $0xb8;
	[tilespmem:$0x1F000] =	vst v63  }
0x77: {  	_ =	swait.ge [sflag:s17], $0x4000  }
0x78: {  	[sflag:s17] =	ssyncset.done $0x0  }
0x79: {  	[sflag:s17] =	ssyncadd.s32 $0xFFFFC000  }
0x7a: {  	_ =	swait.ge [sflag:s21], $0x4000  }
0x7b: {  	[sflag:s21] =	ssyncset.done $0x0  }
0x7c: {  	s25 =	simm.s32 $0x580;
	[sflag:s21] =	ssyncadd.s32 $0xFFFFC000  }
0x7d: {  	[tilespmem:s22], [sflag:$0x2] =	stream.indirect.gather [hbm4b:s4+s19], $0x80, s25, s19, $0xb8;
	[tilespmem:$0x1F000] =	vst v63  }
0x7e: {  	s1 =	simm.s32 $0x1D00  }
0x7f: {  	[spmem:s2] =	stream.indirect.scatter.add.f32 [tilespmem:s20], [sflag:$0x3], $0x80, s1, s19, $0xb8;
	[tilespmem:$0x1F000] =	vst v63  }
0x80: {  	_ =	swait.ge [sflag:s17], $0x4000  }
0x81: {  	[sflag:s17] =	ssyncset.done $0x0  }
0x82: {  	[sflag:s17] =	ssyncadd.s32 $0xFFFFC000  }
0x83: {  	_ =	swait.ge [sflag:s23], $0x4000  }
0x84: {  	[sflag:s23] =	ssyncset.done $0x0  }
0x85: {  	s25 =	simm.s32 $0x600;
	[sflag:s23] =	ssyncadd.s32 $0xFFFFC000  }
0x86: {  	[tilespmem:s20], [sflag:$0x1] =	stream.indirect.gather [hbm4b:s4+s19], $0x80, s25, s19, $0xb8;
	[tilespmem:$0x1F000] =	vst v63  }
0x87: {  	s1 =	simm.s32 $0x1D80  }
0x88: {  	[spmem:s2] =	stream.indirect.scatter.add.f32 [tilespmem:s22], [sflag:$0x3], $0x80, s1, s19, $0xb8;
	[tilespmem:$0x1F000] =	vst v63  }
0x89: {  	_ =	swait.ge [sflag:s17], $0x4000  }
0x8a: {  	[sflag:s17] =	ssyncset.done $0x0  }
0x8b: {  	[sflag:s17] =	ssyncadd.s32 $0xFFFFC000  }
0x8c: {  	_ =	swait.ge [sflag:s21], $0x4000  }
0x8d: {  	[sflag:s21] =	ssyncset.done $0x0  }
0x8e: {  	s25 =	simm.s32 $0x680;
	[sflag:s21] =	ssyncadd.s32 $0xFFFFC000  }
0x8f: {  	[tilespmem:s22], [sflag:$0x2] =	stream.indirect.gather [hbm4b:s4+s19], $0x80, s25, s19, $0xb8;
	[tilespmem:$0x1F000] =	vst v63  }
0x90: {  	s1 =	simm.s32 $0x1E00  }
0x91: {  	[spmem:s2] =	stream.indirect.scatter.add.f32 [tilespmem:s20], [sflag:$0x3], $0x80, s1, s19, $0xb8;
	[tilespmem:$0x1F000] =	vst v63  }
0x92: {  	_ =	swait.ge [sflag:s17], $0x4000  }
0x93: {  	[sflag:s17] =	ssyncset.done $0x0  }
0x94: {  	[sflag:s17] =	ssyncadd.s32 $0xFFFFC000  }
0x95: {  	_ =	swait.ge [sflag:s23], $0x4000  }
0x96: {  	[sflag:s23] =	ssyncset.done $0x0  }
0x97: {  	s25 =	simm.s32 $0x700;
	[sflag:s23] =	ssyncadd.s32 $0xFFFFC000  }
0x98: {  	[tilespmem:s20], [sflag:$0x1] =	stream.indirect.gather [hbm4b:s4+s19], $0x80, s25, s19, $0xb8;
	[tilespmem:$0x1F000] =	vst v63  }
0x99: {  	_ = 	snop  }
0x9a: {  	[spmem:s2] =	stream.indirect.scatter.add.f32 [tilespmem:s22], [sflag:$0x3], $0x80, s26, s19, $0xb8;
	[tilespmem:$0x1F000] =	vst v63  }
0x9b: {  	_ =	swait.ge [sflag:s17], $0x4000  }
0x9c: {  	s0 =	simm.s32 $0x1F80;
	[sflag:s17] =	ssyncset.done $0x0  }
0x9d: {  	s1 =	simm.s32 $0x1F00;
	s25 =	simm.s32 $0x780;
	[sflag:s17] =	ssyncadd.s32 $0xFFFFC000  }
.LBB2_10:
0x9e: {  	_ =	swait.ge [sflag:s21], $0x4000  }
0x9f: {  	[sflag:s21] =	ssyncset.done $0x0  }
0xa0: {  	[sflag:s21] =	ssyncadd.s32 $0xFFFFC000  }
0xa1: {  	[tilespmem:s22], [sflag:$0x2] =	stream.indirect.gather [hbm4b:s4+s19], $0x80, s25, s19, $0xb8;
	[tilespmem:$0x1F000] =	vst v63  }
0xa2: {  	_ = 	snop  }
0xa3: {  	[spmem:s2] =	stream.indirect.scatter.add.f32 [tilespmem:s20], [sflag:$0x3], $0x80, s1, s19, $0xb8;
	[tilespmem:$0x1F000] =	vst v63  }
0xa4: {  	_ =	swait.ge [sflag:s17], $0x4000  }
0xa5: {  	[sflag:s17] =	ssyncset.done $0x0  }
0xa6: {  	[sflag:s17] =	ssyncadd.s32 $0xFFFFC000  }
0xa7: {  	_ =	swait.ge [sflag:s23], $0x4000  }
0xa8: {  	[sflag:s23] =	ssyncset.done $0x0  }
0xa9: {  	[sflag:s23] =	ssyncadd.s32 $0xFFFFC000  }
0xaa: {  	[spmem:s2] =	stream.indirect.scatter.add.f32 [tilespmem:s22], [sflag:$0x3], $0x80, s0, s19, $0xb8;
	[tilespmem:$0x1F000] =	vst v63  }
0xab: {  	_ =	swait.ge [sflag:s17], $0x4000  }
0xac: {  	s31 =	sadd.s32 $0x1, s31;
	[sflag:s17] =	ssyncset.done $0x0  }
0xad: {  	p1 =	sne.s32 s31, s15;
	[sflag:s17] =	ssyncadd.s32 $0xFFFFC000  }
.Ltmp1:
0xae: {  	[bflag:$0x0] =	sbarrier.arrive $0xFFFF;
	(pc) =	sbr.rel @!p1 .LBB2_11-.Ltmp1, $4  }
0xaf: {  	[hbm:s24], [sflag:s6] =	dma.local [spmem:s16], $0x2800  }
0xb0: {  	_ =	swait.ge [sflag:s17], $0x2800  }
0xb1: {  	[sflag:s17] =	ssyncset.done $0x0  }
0xb2: {  	[sflag:s17] =	ssyncadd.s32 $0xFFFFD800  }
.LBB2_1:
.Ltmp2:
0xb3: {  	(pc) =	sbr.rel @p0 .LBB2_9-.Ltmp2, $4  }
0xb4: {  	[spmem:s16], [sflag:s6] =	dma.local [hbm:s5], $0x2800  }
0xb5: {  	_ =	swait.ge [sflag:s17], $0x2800  }
0xb6: {  	[sflag:s17] =	ssyncset.done $0x0  }
0xb7: {  	[sflag:s17] =	ssyncadd.s32 $0xFFFFD800  }
0xb8: {  	s0 =	simm.s32 $0x0  }
0xb9: {  	[tilespmem:s0], [sflag:$0x3] =	stream.linear.gather [hbm4b:s7+s0], $0x1800, $0x38;
	[tilespmem:$0x1F000] =	vst v63  }
0xba: {  	_ =	swait.ge [sflag:s17], $0x1800  }
0xbb: {  	[sflag:s17] =	ssyncset.done $0x0  }
0xbc: {  	[sflag:s17] =	ssyncadd.s32 $0xFFFFE800  }
0xbd: {  	[tilespmem:s18], [sflag:$0x3] =	stream.linear.gather [hbm4b:s8+s0], $0x1800, $0x38;
	[tilespmem:$0x1F000] =	vst v63  }
0xbe: {  	_ =	swait.ge [sflag:s17], $0x1800  }
0xbf: {  	[sflag:s17] =	ssyncset.done $0x0  }
0xc0: {  	[sflag:s17] =	ssyncadd.s32 $0xFFFFE800  }
0xc1: {  	[bflag:$0x0] =	sbarrier.arrive $0xFFFF  }
0xc2: {  	[tilespmem:s20], [sflag:$0x1] =	stream.indirect.gather [hbm4b:s4+s19], $0x80, s0, s19, $0xb8;
	[tilespmem:$0x1F000] =	vst v63  }
0xc3: {  	_ =	swait.ge [sflag:s21], $0x4000  }
0xc4: {  	[sflag:s21] =	ssyncset.done $0x0  }
0xc5: {  	s1 =	simm.s32 $0x80;
	[sflag:s21] =	ssyncadd.s32 $0xFFFFC000  }
0xc6: {  	[tilespmem:s22], [sflag:$0x2] =	stream.indirect.gather [hbm4b:s4+s19], $0x80, s1, s19, $0xb8;
	[tilespmem:$0x1F000] =	vst v63  }
0xc7: {  	s25 =	simm.s32 $0x1800  }
0xc8: {  	[spmem:s2] =	stream.indirect.scatter.add.f32 [tilespmem:s20], [sflag:$0x3], $0x80, s25, s19, $0xb8;
	[tilespmem:$0x1F000] =	vst v63  }
0xc9: {  	_ =	swait.ge [sflag:s17], $0x4000  }
0xca: {  	[sflag:s17] =	ssyncset.done $0x0  }
0xcb: {  	[sflag:s17] =	ssyncadd.s32 $0xFFFFC000  }
0xcc: {  	_ =	swait.ge [sflag:s23], $0x4000  }
0xcd: {  	[sflag:s23] =	ssyncset.done $0x0  }
0xce: {  	s1 =	simm.s32 $0x100;
	[sflag:s23] =	ssyncadd.s32 $0xFFFFC000  }
0xcf: {  	[tilespmem:s20], [sflag:$0x1] =	stream.indirect.gather [hbm4b:s4+s19], $0x80, s1, s19, $0xb8;
	[tilespmem:$0x1F000] =	vst v63  }
0xd0: {  	s25 =	simm.s32 $0x1880  }
0xd1: {  	[spmem:s2] =	stream.indirect.scatter.add.f32 [tilespmem:s22], [sflag:$0x3], $0x80, s25, s19, $0xb8;
	[tilespmem:$0x1F000] =	vst v63  }
0xd2: {  	_ =	swait.ge [sflag:s17], $0x4000  }
0xd3: {  	s0 =	simm.s32 $0x400;
	[sflag:s17] =	ssyncset.done $0x0  }
.LBB2_3:
0xd4: {  	p1 =	sne.s32 s0, $0x5800  }
0xd5: {  	[sflag:s17] =	ssyncadd.s32 $0xFFFFC000;
	s1 =	smov.u32 s0;
	s0 =	sadd.s32 $0x400, s0  }
0xd6: {  	_ = 	snop  }
0xd7: {  	_ =	swait.ge [sflag:s21], $0x4000  }
0xd8: {  	s1 =	sshra.s32 s1, $0x2;
	[sflag:s21] =	ssyncset.done $0x0  }
0xd9: {  	s25 =	sadd.s32 $0x80, s1;
	[sflag:s21] =	ssyncadd.s32 $0xFFFFC000  }
0xda: {  	[tilespmem:s22], [sflag:$0x2] =	stream.indirect.gather [hbm4b:s4+s19], $0x80, s25, s19, $0xb8;
	[tilespmem:$0x1F000] =	vst v63  }
0xdb: {  	s25 =	sadd.s32 $0x1800, s1  }
0xdc: {  	[spmem:s2] =	stream.indirect.scatter.add.f32 [tilespmem:s20], [sflag:$0x3], $0x80, s25, s19, $0xb8;
	[tilespmem:$0x1F000] =	vst v63  }
0xdd: {  	_ =	swait.ge [sflag:s17], $0x4000  }
0xde: {  	[sflag:s17] =	ssyncset.done $0x0  }
0xdf: {  	[sflag:s17] =	ssyncadd.s32 $0xFFFFC000  }
0xe0: {  	_ =	swait.ge [sflag:s23], $0x4000  }
0xe1: {  	[sflag:s23] =	ssyncset.done $0x0  }
0xe2: {  	s25 =	sadd.s32 $0x100, s1;
	[sflag:s23] =	ssyncadd.s32 $0xFFFFC000  }
0xe3: {  	[tilespmem:s20], [sflag:$0x1] =	stream.indirect.gather [hbm4b:s4+s19], $0x80, s25, s19, $0xb8;
	[tilespmem:$0x1F000] =	vst v63  }
.Ltmp3:
0xe4: {  	_ = 	snop;
	(pc) =	sbr.rel @p1 .LBB2_3-.Ltmp3, $4  }
0xe5: {  	s1 =	sadd.s32 $0x1880, s1  }
0xe6: {  	[spmem:s2] =	stream.indirect.scatter.add.f32 [tilespmem:s22], [sflag:$0x3], $0x80, s1, s19, $0xb8;
	[tilespmem:$0x1F000] =	vst v63  }
0xe7: {  	_ =	swait.ge [sflag:s17], $0x4000  }
0xe8: {  	[sflag:s17] =	ssyncset.done $0x0  }
0xe9: {  	[sflag:s17] =	ssyncadd.s32 $0xFFFFC000  }
0xea: {  	_ =	swait.ge [sflag:s21], $0x4000  }
0xeb: {  	[sflag:s21] =	ssyncset.done $0x0  }
0xec: {  	[sflag:s21] =	ssyncadd.s32 $0xFFFFC000  }
0xed: {  	[tilespmem:s22], [sflag:$0x2] =	stream.indirect.gather [hbm4b:s4+s19], $0x80, s28, s19, $0xb8;
	[tilespmem:$0x1F000] =	vst v63  }
0xee: {  	_ = 	snop  }
0xef: {  	[spmem:s2] =	stream.indirect.scatter.add.f32 [tilespmem:s20], [sflag:$0x3], $0x80, s29, s19, $0xb8;
	[tilespmem:$0x1F000] =	vst v63  }
0xf0: {  	_ =	swait.ge [sflag:s17], $0x4000  }
0xf1: {  	[sflag:s17] =	ssyncset.done $0x0  }
0xf2: {  	[sflag:s17] =	ssyncadd.s32 $0xFFFFC000  }
0xf3: {  	_ =	swait.ge [sflag:s23], $0x4000  }
0xf4: {  	[sflag:s23] =	ssyncset.done $0x0  }
0xf5: {  	[sflag:s23] =	ssyncadd.s32 $0xFFFFC000  }
0xf6: {  	[spmem:s2] =	stream.indirect.scatter.add.f32 [tilespmem:s22], [sflag:$0x3], $0x80, s30, s19, $0xb8;
	[tilespmem:$0x1F000] =	vst v63  }
0xf7: {  	_ =	swait.ge [sflag:s17], $0x4000  }
0xf8: {  	[sflag:s17] =	ssyncset.done $0x0  }
0xf9: {  	s0 =	simm.s32 $0x0;
	[sflag:s17] =	ssyncadd.s32 $0xFFFFC000  }
0xfa: {  	[tilespmem:s0], [sflag:$0x3] =	stream.linear.gather [hbm4b:s9+s0], $0x1800, $0x38;
	[tilespmem:$0x1F000] =	vst v63  }
0xfb: {  	_ =	swait.ge [sflag:s17], $0x1800  }
0xfc: {  	[sflag:s17] =	ssyncset.done $0x0  }
0xfd: {  	[sflag:s17] =	ssyncadd.s32 $0xFFFFE800  }
0xfe: {  	[tilespmem:s18], [sflag:$0x3] =	stream.linear.gather [hbm4b:s10+s0], $0x1800, $0x38;
	[tilespmem:$0x1F000] =	vst v63  }
0xff: {  	_ =	swait.ge [sflag:s17], $0x1800  }
0x100: {  	[sflag:s17] =	ssyncset.done $0x0  }
0x101: {  	[sflag:s17] =	ssyncadd.s32 $0xFFFFE800  }
0x102: {  	[tilespmem:s20], [sflag:$0x1] =	stream.indirect.gather [hbm4b:s4+s19], $0x80, s0, s19, $0xb8;
	[tilespmem:$0x1F000] =	vst v63  }
0x103: {  	_ =	swait.ge [sflag:s21], $0x4000  }
0x104: {  	[sflag:s21] =	ssyncset.done $0x0  }
0x105: {  	s1 =	simm.s32 $0x80;
	[sflag:s21] =	ssyncadd.s32 $0xFFFFC000  }
0x106: {  	[tilespmem:s22], [sflag:$0x2] =	stream.indirect.gather [hbm4b:s4+s19], $0x80, s1, s19, $0xb8;
	[tilespmem:$0x1F000] =	vst v63  }
0x107: {  	s25 =	simm.s32 $0x1800  }
0x108: {  	[spmem:s2] =	stream.indirect.scatter.add.f32 [tilespmem:s20], [sflag:$0x3], $0x80, s25, s19, $0xb8;
	[tilespmem:$0x1F000] =	vst v63  }
0x109: {  	_ =	swait.ge [sflag:s17], $0x4000  }
0x10a: {  	[sflag:s17] =	ssyncset.done $0x0  }
0x10b: {  	[sflag:s17] =	ssyncadd.s32 $0xFFFFC000  }
0x10c: {  	_ =	swait.ge [sflag:s23], $0x4000  }
0x10d: {  	[sflag:s23] =	ssyncset.done $0x0  }
0x10e: {  	s1 =	simm.s32 $0x100;
	[sflag:s23] =	ssyncadd.s32 $0xFFFFC000  }
0x10f: {  	[tilespmem:s20], [sflag:$0x1] =	stream.indirect.gather [hbm4b:s4+s19], $0x80, s1, s19, $0xb8;
	[tilespmem:$0x1F000] =	vst v63  }
0x110: {  	s25 =	simm.s32 $0x1880  }
0x111: {  	[spmem:s2] =	stream.indirect.scatter.add.f32 [tilespmem:s22], [sflag:$0x3], $0x80, s25, s19, $0xb8;
	[tilespmem:$0x1F000] =	vst v63  }
0x112: {  	_ =	swait.ge [sflag:s17], $0x4000  }
0x113: {  	s0 =	simm.s32 $0x400;
	[sflag:s17] =	ssyncset.done $0x0  }
.LBB2_5:
0x114: {  	p1 =	sne.s32 s0, $0x5800  }
0x115: {  	[sflag:s17] =	ssyncadd.s32 $0xFFFFC000;
	s1 =	smov.u32 s0;
	s0 =	sadd.s32 $0x400, s0  }
0x116: {  	_ = 	snop  }
0x117: {  	_ =	swait.ge [sflag:s21], $0x4000  }
0x118: {  	s1 =	sshra.s32 s1, $0x2;
	[sflag:s21] =	ssyncset.done $0x0  }
0x119: {  	s25 =	sadd.s32 $0x80, s1;
	[sflag:s21] =	ssyncadd.s32 $0xFFFFC000  }
0x11a: {  	[tilespmem:s22], [sflag:$0x2] =	stream.indirect.gather [hbm4b:s4+s19], $0x80, s25, s19, $0xb8;
	[tilespmem:$0x1F000] =	vst v63  }
0x11b: {  	s25 =	sadd.s32 $0x1800, s1  }
0x11c: {  	[spmem:s2] =	stream.indirect.scatter.add.f32 [tilespmem:s20], [sflag:$0x3], $0x80, s25, s19, $0xb8;
	[tilespmem:$0x1F000] =	vst v63  }
0x11d: {  	_ =	swait.ge [sflag:s17], $0x4000  }
0x11e: {  	[sflag:s17] =	ssyncset.done $0x0  }
0x11f: {  	[sflag:s17] =	ssyncadd.s32 $0xFFFFC000  }
0x120: {  	_ =	swait.ge [sflag:s23], $0x4000  }
0x121: {  	[sflag:s23] =	ssyncset.done $0x0  }
0x122: {  	s25 =	sadd.s32 $0x100, s1;
	[sflag:s23] =	ssyncadd.s32 $0xFFFFC000  }
0x123: {  	[tilespmem:s20], [sflag:$0x1] =	stream.indirect.gather [hbm4b:s4+s19], $0x80, s25, s19, $0xb8;
	[tilespmem:$0x1F000] =	vst v63  }
.Ltmp4:
0x124: {  	_ = 	snop;
	(pc) =	sbr.rel @p1 .LBB2_5-.Ltmp4, $4  }
0x125: {  	s1 =	sadd.s32 $0x1880, s1  }
0x126: {  	[spmem:s2] =	stream.indirect.scatter.add.f32 [tilespmem:s22], [sflag:$0x3], $0x80, s1, s19, $0xb8;
	[tilespmem:$0x1F000] =	vst v63  }
0x127: {  	_ =	swait.ge [sflag:s17], $0x4000  }
0x128: {  	[sflag:s17] =	ssyncset.done $0x0  }
0x129: {  	[sflag:s17] =	ssyncadd.s32 $0xFFFFC000  }
0x12a: {  	_ =	swait.ge [sflag:s21], $0x4000  }
0x12b: {  	[sflag:s21] =	ssyncset.done $0x0  }
0x12c: {  	[sflag:s21] =	ssyncadd.s32 $0xFFFFC000  }
0x12d: {  	[tilespmem:s22], [sflag:$0x2] =	stream.indirect.gather [hbm4b:s4+s19], $0x80, s28, s19, $0xb8;
	[tilespmem:$0x1F000] =	vst v63  }
0x12e: {  	_ = 	snop  }
0x12f: {  	[spmem:s2] =	stream.indirect.scatter.add.f32 [tilespmem:s20], [sflag:$0x3], $0x80, s29, s19, $0xb8;
	[tilespmem:$0x1F000] =	vst v63  }
0x130: {  	_ =	swait.ge [sflag:s17], $0x4000  }
0x131: {  	[sflag:s17] =	ssyncset.done $0x0  }
0x132: {  	[sflag:s17] =	ssyncadd.s32 $0xFFFFC000  }
0x133: {  	_ =	swait.ge [sflag:s23], $0x4000  }
0x134: {  	[sflag:s23] =	ssyncset.done $0x0  }
0x135: {  	[sflag:s23] =	ssyncadd.s32 $0xFFFFC000  }
0x136: {  	[spmem:s2] =	stream.indirect.scatter.add.f32 [tilespmem:s22], [sflag:$0x3], $0x80, s30, s19, $0xb8;
	[tilespmem:$0x1F000] =	vst v63  }
0x137: {  	_ =	swait.ge [sflag:s17], $0x4000  }
0x138: {  	[sflag:s17] =	ssyncset.done $0x0  }
0x139: {  	s0 =	simm.s32 $0x0;
	[sflag:s17] =	ssyncadd.s32 $0xFFFFC000  }
0x13a: {  	[tilespmem:s0], [sflag:$0x3] =	stream.linear.gather [hbm4b:s11+s0], $0x1800, $0x38;
	[tilespmem:$0x1F000] =	vst v63  }
0x13b: {  	_ =	swait.ge [sflag:s17], $0x1800  }
0x13c: {  	[sflag:s17] =	ssyncset.done $0x0  }
0x13d: {  	[sflag:s17] =	ssyncadd.s32 $0xFFFFE800  }
0x13e: {  	[tilespmem:s18], [sflag:$0x3] =	stream.linear.gather [hbm4b:s12+s0], $0x1800, $0x38;
	[tilespmem:$0x1F000] =	vst v63  }
0x13f: {  	_ =	swait.ge [sflag:s17], $0x1800  }
0x140: {  	[sflag:s17] =	ssyncset.done $0x0  }
0x141: {  	[sflag:s17] =	ssyncadd.s32 $0xFFFFE800  }
0x142: {  	[tilespmem:s20], [sflag:$0x1] =	stream.indirect.gather [hbm4b:s4+s19], $0x80, s0, s19, $0xb8;
	[tilespmem:$0x1F000] =	vst v63  }
.LBB2_7:
0x143: {  	_ =	swait.ge [sflag:s21], $0x4000  }
0x144: {  	s1 =	sshra.s32 s0, $0x2;
	[sflag:s21] =	ssyncset.done $0x0  }
0x145: {  	s25 =	sadd.s32 $0x80, s1;
	[sflag:s21] =	ssyncadd.s32 $0xFFFFC000  }
0x146: {  	[tilespmem:s22], [sflag:$0x2] =	stream.indirect.gather [hbm4b:s4+s19], $0x80, s25, s19, $0xb8;
	[tilespmem:$0x1F000] =	vst v63  }
0x147: {  	s25 =	sadd.s32 $0x1800, s1  }
0x148: {  	[spmem:s2] =	stream.indirect.scatter.add.f32 [tilespmem:s20], [sflag:$0x3], $0x80, s25, s19, $0xb8;
	[tilespmem:$0x1F000] =	vst v63  }
0x149: {  	_ =	swait.ge [sflag:s17], $0x4000  }
0x14a: {  	[sflag:s17] =	ssyncset.done $0x0  }
0x14b: {  	[sflag:s17] =	ssyncadd.s32 $0xFFFFC000  }
0x14c: {  	_ =	swait.ge [sflag:s23], $0x4000  }
0x14d: {  	[sflag:s23] =	ssyncset.done $0x0  }
0x14e: {  	p1 =	seq.s32 s0, $0x5800;
	s25 =	sadd.s32 $0x100, s1;
	[sflag:s23] =	ssyncadd.s32 $0xFFFFC000  }
0x14f: {  	[tilespmem:s20], [sflag:$0x1] =	stream.indirect.gather [hbm4b:s4+s19], $0x80, s25, s19, $0xb8;
	[tilespmem:$0x1F000] =	vst v63  }
.Ltmp5:
0x150: {  	s1 =	sadd.s32 $0x1880, s1;
	(pc) =	sbr.rel @!p1 .LBB2_7-.Ltmp5, $4  }
0x151: {  	[spmem:s2] =	stream.indirect.scatter.add.f32 [tilespmem:s22], [sflag:$0x3], $0x80, s1, s19, $0xb8;
	[tilespmem:$0x1F000] =	vst v63  }
0x152: {  	_ =	swait.ge [sflag:s17], $0x4000  }
0x153: {  	[sflag:s17] =	ssyncset.done $0x0  }
0x154: {  	s0 =	sadd.s32 $0x400, s0;
	[sflag:s17] =	ssyncadd.s32 $0xFFFFC000  }
.Ltmp6:
0x155: {  	(pc) =	sbr.rel .LBB2_10-.Ltmp6, $2  }
0x156: {  	_ =	sdelay $0x2  }
0x157: {  	s0 =	simm.s32 $0x2F80;
	s1 =	simm.s32 $0x2F00;
	s25 =	simm.s32 $0x1780  }
.LBB2_11:
0x158: {  	_ =	sfence.sel $0x180000  }
0x159: {  	[bflag:$0x0] =	sbarrier.arrive $0xFFFF  }
0x15a: {  	_ =	strace $0x9000004A  }
0x15b: {  	s0 =	stileid.u32;
	[bflag:$0x2] =	sbarrier.arrive $0xFFFF  }
0x15c: {  	p0 =	sne.s32 s0, $0x0;
	s0 =	rddreg [dreg:$0x3]  }
0x15d: {  	s0 =	sadd.s32 @!p0 $0x100000, s0  }
0x15e: {  	[sflag:s0] =	ssyncadd.tile.s32 @!p0 $0x1;
	_ =	shalt  }
.Lfunc_end2:
_tile_overlayer_lowered:
.L_overlay_start_2:
0x15f: {  	(tag) =	ssettag $0x2  }
0x160: {  	s0 =	rddreg [dreg:$0x0];
	s2 =	stileid.u32  }
0x161: {  	s1 =	rddreg [dreg:$0x1];
	p0 =	sne.s32 s2, $0x0  }
0x162: {  	s3 =	rddreg [dreg:$0x2];
	[bflag:$0x3] =	sbarrier.arrive $0xFFFF;
	s2 =	simm.s32 @!p0 $0x1C03  }
0x163: {  	[timem:s3], [sflag:s2] =	dma.local @!p0 [hbm:s0], s1  }
0x164: {  	s0 =	simm.s32 @!p0 $0x3  }
0x165: {  	_ =	swait.ge @!p0 [sflag:s0], s1  }
0x166: {  	s1 =	ssub.s32 @!p0 $0x0, s1;
	[sflag:s0] =	ssyncset.done @!p0 $0x0  }
0x167: {  	[sflag:s0] =	ssyncadd.s32 @!p0 s1  }
0x168: {  	[bflag:$0x3] =	sbarrier.arrive $0xFFFF  }
0x169: {  	_ =	shalt  }

// kernel: kernel.14.cloned.1.call-start
scs
__scs_entry_jumppad:
0x0: {  	(pc) =	sbr.rel $0x88, $3  }
0x1: {  	(tag) =	ssettag $0x0;
	lr =	simm.s32 $0x1  }
0x2: {  	[smem:$0x3F9B] =	sst lr;
	_ =	strace $0xD0000000  }
0x3: {  	_ = 	snop  }
0x4: {  	_ = 	snop  }
0x5: {  	_ = 	snop  }
0x6: {  	_ = 	snop  }
0x7: {  	_ = 	snop  }
__scs_overlays_trampoline_lowered:
0x8: {  	[smem:$0x3FAA] =	sst s0  }
0x9: {  	[smem:$0x3FAB] =	sst s1  }
0xa: {  	[smem:$0x3FAC] =	sst s2  }
0xb: {  	[smem:$0x3FAD] =	sst s3  }
0xc: {  	[smem:$0x3FAE] =	sst s4  }
0xd: {  	[smem:$0x3FAF] =	sst s5  }
0xe: {  	[smem:$0x3FB0] =	sst s6  }
0xf: {  	[smem:$0x3FB1] =	sst s7  }
0x10: {  	[smem:$0x3FB2] =	sst s8  }
0x11: {  	[smem:$0x3FB3] =	sst s9;
	s0 =	simm.s32 @!p0 $0x0  }
0x12: {  	s1 =	sld [smem:$0x3F99];
	s0 =	simm.s32 @p0 $0x1  }
0x13: {  	[smem:$0x3FB4] =	sst s0;
	s0 =	simm.s32 @!p1 $0x0  }
0x14: {  	s2 =	sld [smem:$0x3F98];
	s0 =	simm.s32 @p1 $0x1  }
0x15: {  	[smem:$0x3FB5] =	sst s0;
	s0 =	simm.s32 @!p2 $0x0  }
0x16: {  	s3 =	sld [smem:$0x3FDB];
	s0 =	simm.s32 @p2 $0x1  }
0x17: {  	s4 =	simm.s32 $0x1BF5;
	[smem:$0x3FB7] =	sst s0  }
0x18: {  	s0 =	sld [smem:$0x3F9A];
	_ =	swait.ge [sflag:s4], $0x0  }
0x19: {  	s7 =	sld [smem:$0x3F9B]  }
0x1a: {  	s8 =	sadd.s32 $0xFFFFE003, lr  }
0x1b: {  	s9 =	sadd.s32 $0xFFFFFEF7, lr;
	s5 =	simm.s32 $0xFFFFFFFF;
	p2 =	slt.u32 s8, $0xFFFFF086  }
0x1c: {  	p1 =	slt.u32 s9, $0xF7A;
	s5 =	simm.s32 @!p2 $0x0  }
0x1d: {  	s5 =	simm.s32 @p1 $0x1;
	p0 =	seq.s32 s7, s2  }
0x1e: {  	s7 =	smul.u32 @!p0 $0xF7A, s2;
	p2 =	seq.s32 @!p0 s5, $0x0  }
0x1f: {  	s9 =	smul.u32 $0xF7A, s1;
	s8 =	simm.s32 @!p0 $0x1BF5;
	p2 =	por !p2, p0  }
0x20: {  	[sflag:s8] =	ssyncset.s32 @!p0 $0xFFFFF086;
	s6 =	sadd.s32 @!p0 s3, s7;
	s7 =	simm.s32 @!p0 $0x108  }
0x21: {  	s3 =	sadd.s32 s3, s9;
	s6 =	sadd.s32 @!p0 $0x88, s6;
	s7 =	simm.s32 @p2 $0x1082  }
0x22: {  	[simem:s7], [sflag:s8] =	dma.local @!p0 [hbm:s6], $0xF7A  }
0x23: {  	s9 =	sor.u32 $0xD0000000, s2;
	s6 =	simm.s32 $0x108;
	_ =	swait.ge @!p0 [sflag:s8], $0x0  }
0x24: {  	s3 =	sadd.s32 $0x88, s3;
	s6 =	simm.s32 @!p1 $0x1082;
	[sflag:s4] =	ssyncset.s32 $0xFFFFF086  }
0x25: {  	[simem:s6], [sflag:s4] =	dma.local [hbm:s3], $0xF7A  }
0x26: {  	[smem:$0x3F9B] =	sst s1;
	(tag) =	ssettag s2;
	_ =	strace s9  }
0x27: {  	s1 =	sld [smem:$0x3FAB]  }
0x28: {  	s2 =	sld [smem:$0x3FAC]  }
0x29: {  	s4 =	sld [smem:$0x3FAE]  }
0x2a: {  	p0 =	seq.s32 s5, $0x0;
	s5 =	sld [smem:$0x3FAF]  }
0x2b: {  	s6 =	sld [smem:$0x3FB0]  }
0x2c: {  	s7 =	sld [smem:$0x3FB1]  }
0x2d: {  	s3 =	simm.s32 $0x108;
	s8 =	sld [smem:$0x3FB2]  }
0x2e: {  	s3 =	simm.s32 @!p0 $0x1082;
	s9 =	sld [smem:$0x3FB3]  }
0x2f: {  	lr =	sadd.s32 s0, s3;
	s0 =	sld [smem:$0x3FAA]  }
0x30: {  	s3 =	sld [smem:$0x3FAD]  }
0x31: {  	[smem:$0x3FB6] =	sst s10  }
0x32: {  	s10 =	sld [smem:$0x3FB4];
	_ =	sdelay $0x3  }
0x33: {  	p0 =	seq.s32 s10, $0x1;
	s10 =	sld [smem:$0x3FB6];
	_ =	sdelay $0x3  }
0x34: {  	[smem:$0x3FB6] =	sst s10  }
0x35: {  	s10 =	sld [smem:$0x3FB5];
	_ =	sdelay $0x3  }
0x36: {  	p1 =	seq.s32 s10, $0x1;
	s10 =	sld [smem:$0x3FB6];
	_ =	sdelay $0x3  }
0x37: {  	[smem:$0x3FB6] =	sst s10  }
0x38: {  	s10 =	sld [smem:$0x3FB7]  }
0x39: {  	_ = 	snop;
	(pc) =	sbr.ind lr, $3  }
0x3a: {  	_ = 	snop  }
0x3b: {  	_ = 	snop  }
0x3c: {  	p2 =	seq.s32 s10, $0x1;
	s10 =	sld [smem:$0x3FB6]  }
0x3d: {  	_ =	shalt  }
0x3e: {  	_ =	shalt  }
0x3f: {  	_ =	shalt  }
0x40: {  	_ =	shalt  }
0x41: {  	_ =	shalt  }
0x42: {  	_ =	shalt  }
0x43: {  	_ =	shalt  }
0x44: {  	_ =	shalt  }
0x45: {  	_ =	shalt  }
0x46: {  	_ =	shalt  }
0x47: {  	_ =	shalt  }
0x48: {  	_ =	shalt  }
0x49: {  	_ =	shalt  }
0x4a: {  	_ =	shalt  }
0x4b: {  	_ =	shalt  }
0x4c: {  	_ =	shalt  }
0x4d: {  	_ =	shalt  }
0x4e: {  	_ =	shalt  }
0x4f: {  	_ =	shalt  }
0x50: {  	_ =	shalt  }
0x51: {  	_ =	shalt  }
0x52: {  	_ =	shalt  }
0x53: {  	_ =	shalt  }
0x54: {  	_ =	shalt  }
0x55: {  	_ =	shalt  }
0x56: {  	_ =	shalt  }
0x57: {  	_ =	shalt  }
0x58: {  	_ =	shalt  }
0x59: {  	_ =	shalt  }
0x5a: {  	_ =	shalt  }
0x5b: {  	_ =	shalt  }
0x5c: {  	_ =	shalt  }
0x5d: {  	_ =	shalt  }
0x5e: {  	_ =	shalt  }
0x5f: {  	_ =	shalt  }
0x60: {  	_ =	shalt  }
0x61: {  	_ =	shalt  }
0x62: {  	_ =	shalt  }
0x63: {  	_ =	shalt  }
0x64: {  	_ =	shalt  }
0x65: {  	_ =	shalt  }
0x66: {  	_ =	shalt  }
0x67: {  	_ =	shalt  }
0x68: {  	_ =	shalt  }
0x69: {  	_ =	shalt  }
0x6a: {  	_ =	shalt  }
0x6b: {  	_ =	shalt  }
0x6c: {  	_ =	shalt  }
0x6d: {  	_ =	shalt  }
0x6e: {  	_ =	shalt  }
0x6f: {  	_ =	shalt  }
0x70: {  	_ =	shalt  }
0x71: {  	_ =	shalt  }
0x72: {  	_ =	shalt  }
0x73: {  	_ =	shalt  }
0x74: {  	_ =	shalt  }
0x75: {  	_ =	shalt  }
0x76: {  	_ =	shalt  }
0x77: {  	_ =	shalt  }
0x78: {  	_ =	shalt  }
0x79: {  	_ =	shalt  }
0x7a: {  	_ =	shalt  }
0x7b: {  	_ =	shalt  }
0x7c: {  	_ =	shalt  }
0x7d: {  	_ =	shalt  }
0x7e: {  	_ =	shalt  }
0x7f: {  	_ =	shalt  }
0x80: {  	_ =	shalt  }
0x81: {  	_ =	shalt  }
0x82: {  	_ =	shalt  }
0x83: {  	_ =	shalt  }
0x84: {  	_ =	shalt  }
0x85: {  	_ =	shalt  }
0x86: {  	_ =	shalt  }
0x87: {  	_ =	shalt  }
.Lfunc_end0:
.L_simem_size_0:
called_computation.2_lowered:
.L_overlay_start_0:
0x88: {  	s2 =	sld [smem:$0x3FD9]  }
0x89: {  	s3 =	sld [smem:$0x3FFE];
	_ =	sdelay $0x1  }
0x8a: {  	s1 =	srdreg.scid  }
0x8b: {  	s0 =	sand.u32 $0x1, s1  }
0x8c: {  	s17 =	sshll.u32 s0, $0xA;
	s2 =	sadd.s32 s3, s2  }
0x8d: {  	s2 =	sadd.s32 s2, s17  }
0x8e: {  	[smem:$0x3FC2] =	sst s2  }
0x8f: {  	_ = 	snop  }
0x90: {  	s2 =	sld [smem:$0x3FD0];
	(tm) =	ssettm $0x1  }
0x91: {  	s18 =	sld [smem:$0x3FFB];
	_ =	sdelay $0x3  }
0x92: {  	_ =	strace s18  }
0x93: {  	s3 =	sld [smem:$0x3FFC];
	_ =	sdelay $0x3  }
0x94: {  	_ =	strace s3  }
0x95: {  	s3 =	sld [smem:$0x3FFD];
	_ =	sdelay $0x3  }
0x96: {  	_ =	strace s3  }
0x97: {  	_ =	strace $0x8FFFFFFF  }
0x98: {  	s19 =	sld [smem:$0x3FDB];
	_ =	sdelay $0x1  }
0x99: {  	s4 =	simm.s32 $_scs_section_size  }
0x9a: {  	s5 =	simm.s32 $_size__tile_overlayer_lowered;
	s6 =	simm.s32 $_tile_overlayer_lowered  }
0x9b: {  	s22 =	simm.s32 $0x1BFF;
	s21 =	sshll.u32 s6, $0x1;
	s3 =	sadd.s32 s4, s19  }
0x9c: {  	s7 =	simm.s32 $0x0;
	s20 =	sshll.u32 s5, $0x1;
	s5 =	sadd.s32 s21, s3  }
0x9d: {  	[timem:s7], [sflag:s22] =	dma.local [hbm:s5], s20  }
0x9e: {  	_ =	swait.ge [sflag:s22], s20  }
0x9f: {  	s4 =	ssub.s32 $0x0, s20;
	[sflag:s22] =	ssyncset.done $0x0  }
0xa0: {  	[sflag:s22] =	ssyncadd.s32 s4;
	_ =	sdelay $0x1  }
0xa1: {  	s23 =	simm.s32 $0x1B8B  }
0xa2: {  	_ =	swait.ge [sflag:s23], $0x1  }
0xa3: {  	[sflag:s23] =	ssyncset.done $0x0  }
0xa4: {  	s25 =	simm.s32 $0x1B8E;
	s24 =	sld [smem:$0x3FFE];
	[sflag:s23] =	ssyncadd.s32 $0xFFFFFFFF  }
0xa5: {  	s26 =	simm.s32 $execute0_lowered;
	[smem:$0x3FD2] =	sst s25  }
0xa6: {  	s5 =	sshll.u32 s26, $0x1;
	_ =	strace $0x8000004C;
	[dreg:$0x1] =	wrdreg $0xFFFFFFFF  }
0xa7: {  	s28 =	simm.s32 $_size_execute0_lowered;
	s3 =	sadd.s32 s3, s5;
	[dreg:$0x0] =	wrdreg $0x0  }
0xa8: {  	s5 =	sshll.u32 s28, $0x1;
	[dreg:$0x2] =	wrdreg s3  }
0xa9: {  	[dreg:$0x3] =	wrdreg s5  }
0xaa: {  	[dreg:$0x4] =	wrdreg $0xC0  }
0xab: {  	_ =	task [dreg:s7], $0x5FFFF  }
0xac: {  	[dreg:$0x1] =	wrdreg $0xFFFFFFFF  }
0xad: {  	[dreg:$0x0] =	wrdreg $0x60  }
0xae: {  	[dreg:$0x2] =	wrdreg s24  }
0xaf: {  	[dreg:$0x3] =	wrdreg s2  }
0xb0: {  	[dreg:$0x4] =	wrdreg $0xB0000  }
0xb1: {  	[dreg:$0x5] =	wrdreg $0x9  }
0xb2: {  	_ =	task.clear_ibuf [dreg:s7], $0x6FFFF;
	_ =	strace $0x9000004C  }
0xb3: {  	s29 =	simm.s32 $0x9;
	_ =	strace $0x8000004E  }
0xb4: {  	_ =	swait.ge [sflag:s29], $0x1  }
0xb5: {  	[sflag:s29] =	ssyncadd.s32 $0xFFFFFFFF  }
0xb6: {  	_ =	strace $0x9000004E  }
0xb7: {  	_ =	sfence  }
0xb8: {  	s30 =	sld [smem:$0x0];
	_ =	sdelay $0x2  }
0xb9: {  	s31 =	sshll.u32 s1, $0xD;
	s1 =	sshrl.u32 s1, $0x2  }
0xba: {  	s3 =	sand.u32 $0x4000, s31;
	s1 =	sadd.s32 s1, s30  }
0xbb: {  	s0 =	sor.u32 s3, s0;
	s1 =	sshll.u32 s1, $0x11  }
0xbc: {  	s0 =	sor.u32 s1, s0  }
0xbd: {  	s0 =	sadd.s32 $0x8F2B, s0  }
0xbe: {  	[sflag:s0] =	ssyncadd.remote.s32 $0x1  }
0xbf: {  	_ =	sfence.sel $0xFFFF  }
0xc0: {  	[dreg:$0x0] =	wrdreg $0xFFFFFFFF;
	(pc) =	sbr.abs _section_cstart, $3  }
0xc1: {  	[dreg:$0x1] =	wrdreg $0xFFFFFFFF  }
0xc2: {  	_ =	task.clear_ibuf [dreg:s7], $0x2FFFF;
	_ =	strace $0x9FFFFFFF  }
0xc3: {  	(tm) =	ssettm $0x7FFFFFFF  }
tec
execute0_lowered:
.L_overlay_start_1:
0x0: {  	(tag) =	ssettag $0x1  }
0x1: {  	s0 =	rddreg [dreg:$0x0]  }
0x2: {  	s1 =	rddreg [dreg:$0x1]  }
0x3: {  	s2 =	rddreg [dreg:$0x2]  }
0x4: {  	s3 =	simm.s32 $0x0;
	s13 =	stileid.u32;
	s4 =	srdreg.scid  }
0x5: {  	s18 =	simm.s32 $0x1800;
	s19 =	simm.s32 $0x80;
	s20 =	simm.s32 $0x3000  }
0x6: {  	s28 =	simm.s32 $0x1780;
	s29 =	simm.s32 $0x2F00;
	s30 =	simm.s32 $0x2F80  }
0x7: {  	s31 =	simm.s32 $0x0;
	[smem:$0x7FF] =	sst s3;
	s24 =	smul.u32 $0x2800, s13  }
0x8: {  	s7 =	sand.u32 $0x1, s4;
	s4 =	sadd.s32 $0x85200, s0;
	s8 =	smul.u32 $0x50000, s13  }
0x9: {  	s14 =	sadd.s32 $0x2A00, s0;
	s23 =	smul.u32 $0x4800, s13;
	s25 =	sshll.u32 s13, $0x6  }
0xa: {  	s10 =	smul.u32 $0x900, s13;
	s13 =	sshll.u32 s13, $0x8;
	_ =	strace $0x8000004D  }
0xb: {  	s5 =	smul.u32 $0x28000, s7;
	s6 =	ssub.s32 $0x2, s7;
	p0 =	seq.s32 s7, $0x1  }
0xc: {  	s17 =	sor.u32 $0x9000, s13;
	s9 =	sadd.s32 s24, s0;
	s21 =	sshrl.u32 s6, $0x1  }
0xd: {  	s22 =	sshrl.u32 s8, $0x2;
	s11 =	sshrl.u32 s23, $0x3;
	s7 =	sadd.s32 s1, s10  }
0xe: {  	s8 =	sadd.s32 s14, s10;
	s13 =	sadd.s32 s1, s17;
	s23 =	simm.s32 $0x2  }
0xf: {  	s0 =	sadd.s32 s5, s0;
	s15 =	ssub.s32 s6, s21;
	s16 =	sadd.s32 s22, s2  }
0x10: {  	s5 =	sadd.s32 $0xD200, s9;
	s6 =	sor.u32 $0x1C03, s25;
	s12 =	sadd.s32 $0x300, s11  }
.Ltmp0:
0x11: {  	s26 =	sadd.s32 $0x600, s11;
	s21 =	simm.s32 $0x1;
	(pc) =	sbr.rel .LBB2_1-.Ltmp0, $4  }
0x12: {  	s22 =	simm.s32 $0x7000;
	s9 =	sadd.s32 s1, s12;
	s10 =	sadd.s32 s14, s12  }
0x13: {  	s11 =	sadd.s32 s1, s26;
	s12 =	sadd.s32 s14, s26;
	s14 =	sadd.s32 s14, s17  }
0x14: {  	s0 =	sadd.s32 $0xAD200, s0;
	s15 =	smax.u32 s15, $0x1;
	s16 =	sshrl.u32 s16, $0x3  }
0x15: {  	s17 =	simm.s32 $0x3;
	s26 =	simm.s32 $0x1E80;
	s24 =	sadd.s32 s24, s0  }
.LBB2_9:
0x16: {  	[tilespmem:s3], [sflag:$0x3] =	stream.linear.gather [hbm4b:s13+s3], $0x800, $0x38;
	[tilespmem:$0x1F000] =	vst v63  }
0x17: {  	_ =	swait.ge [sflag:s17], $0x800  }
0x18: {  	[sflag:s17] =	ssyncset.done $0x0  }
0x19: {  	[sflag:s17] =	ssyncadd.s32 $0xFFFFF800  }
0x1a: {  	[tilespmem:s18], [sflag:$0x3] =	stream.linear.gather [hbm4b:s14+s3], $0x800, $0x38;
	[tilespmem:$0x1F000] =	vst v63  }
0x1b: {  	_ =	swait.ge [sflag:s17], $0x800  }
0x1c: {  	[sflag:s17] =	ssyncset.done $0x0  }
0x1d: {  	[sflag:s17] =	ssyncadd.s32 $0xFFFFF800  }
0x1e: {  	[bflag:$0x0] =	sbarrier.arrive $0xFFFF  }
0x1f: {  	[tilespmem:s20], [sflag:$0x1] =	stream.indirect.gather [hbm4b:s4+s19], $0x80, s3, s19, $0xb8;
	[tilespmem:$0x1F000] =	vst v63  }
0x20: {  	_ =	swait.ge [sflag:s21], $0x4000  }
0x21: {  	[sflag:s21] =	ssyncset.done $0x0  }
0x22: {  	[sflag:s21] =	ssyncadd.s32 $0xFFFFC000  }
0x23: {  	[tilespmem:s22], [sflag:$0x2] =	stream.indirect.gather [hbm4b:s4+s19], $0x80, s19, s19, $0xb8;
	[tilespmem:$0x1F000] =	vst v63  }
0x24: {  	_ = 	snop  }
0x25: {  	[spmem:s2] =	stream.indirect.scatter.add.f32 [tilespmem:s20], [sflag:$0x3], $0x80, s18, s19, $0xb8;
	[tilespmem:$0x1F000] =	vst v63  }
0x26: {  	_ =	swait.ge [sflag:s17], $0x4000  }
0x27: {  	[sflag:s17] =	ssyncset.done $0x0  }
0x28: {  	[sflag:s17] =	ssyncadd.s32 $0xFFFFC000  }
0x29: {  	_ =	swait.ge [sflag:s23], $0x4000  }
0x2a: {  	[sflag:s23] =	ssyncset.done $0x0  }
0x2b: {  	s0 =	simm.s32 $0x100;
	[sflag:s23] =	ssyncadd.s32 $0xFFFFC000  }
0x2c: {  	[tilespmem:s20], [sflag:$0x1] =	stream.indirect.gather [hbm4b:s4+s19], $0x80, s0, s19, $0xb8;
	[tilespmem:$0x1F000] =	vst v63  }
0x2d: {  	s1 =	simm.s32 $0x1880  }
0x2e: {  	[spmem:s2] =	stream.indirect.scatter.add.f32 [tilespmem:s22], [sflag:$0x3], $0x80, s1, s19, $0xb8;
	[tilespmem:$0x1F000] =	vst v63  }
0x2f: {  	_ =	swait.ge [sflag:s17], $0x4000  }
0x30: {  	[sflag:s17] =	ssyncset.done $0x0  }
0x31: {  	[sflag:s17] =	ssyncadd.s32 $0xFFFFC000  }
0x32: {  	_ =	swait.ge [sflag:s21], $0x4000  }
0x33: {  	[sflag:s21] =	ssyncset.done $0x0  }
0x34: {  	s25 =	simm.s32 $0x180;
	[sflag:s21] =	ssyncadd.s32 $0xFFFFC000  }
0x35: {  	[tilespmem:s22], [sflag:$0x2] =	stream.indirect.gather [hbm4b:s4+s19], $0x80, s25, s19, $0xb8;
	[tilespmem:$0x1F000] =	vst v63  }
0x36: {  	s1 =	simm.s32 $0x1900  }
0x37: {  	[spmem:s2] =	stream.indirect.scatter.add.f32 [tilespmem:s20], [sflag:$0x3], $0x80, s1, s19, $0xb8;
	[tilespmem:$0x1F000] =	vst v63  }
0x38: {  	_ =	swait.ge [sflag:s17], $0x4000  }
0x39: {  	[sflag:s17] =	ssyncset.done $0x0  }
0x3a: {  	[sflag:s17] =	ssyncadd.s32 $0xFFFFC000  }
0x3b: {  	_ =	swait.ge [sflag:s23], $0x4000  }
0x3c: {  	[sflag:s23] =	ssyncset.done $0x0  }
0x3d: {  	s25 =	simm.s32 $0x200;
	[sflag:s23] =	ssyncadd.s32 $0xFFFFC000  }
0x3e: {  	[tilespmem:s20], [sflag:$0x1] =	stream.indirect.gather [hbm4b:s4+s19], $0x80, s25, s19, $0xb8;
	[tilespmem:$0x1F000] =	vst v63  }
0x3f: {  	s1 =	simm.s32 $0x1980  }
0x40: {  	[spmem:s2] =	stream.indirect.scatter.add.f32 [tilespmem:s22], [sflag:$0x3], $0x80, s1, s19, $0xb8;
	[tilespmem:$0x1F000] =	vst v63  }
0x41: {  	_ =	swait.ge [sflag:s17], $0x4000  }
0x42: {  	[sflag:s17] =	ssyncset.done $0x0  }
0x43: {  	[sflag:s17] =	ssyncadd.s32 $0xFFFFC000  }
0x44: {  	_ =	swait.ge [sflag:s21], $0x4000  }
0x45: {  	[sflag:s21] =	ssyncset.done $0x0  }
0x46: {  	s25 =	simm.s32 $0x280;
	[sflag:s21] =	ssyncadd.s32 $0xFFFFC000  }
0x47: {  	[tilespmem:s22], [sflag:$0x2] =	stream.indirect.gather [hbm4b:s4+s19], $0x80, s25, s19, $0xb8;
	[tilespmem:$0x1F000] =	vst v63  }
0x48: {  	s1 =	simm.s32 $0x1A00  }
0x49: {  	[spmem:s2] =	stream.indirect.scatter.add.f32 [tilespmem:s20], [sflag:$0x3], $0x80, s1, s19, $0xb8;
	[tilespmem:$0x1F000] =	vst v63  }
0x4a: {  	_ =	swait.ge [sflag:s17], $0x4000  }
0x4b: {  	[sflag:s17] =	ssyncset.done $0x0  }
0x4c: {  	[sflag:s17] =	ssyncadd.s32 $0xFFFFC000  }
0x4d: {  	_ =	swait.ge [sflag:s23], $0x4000  }
0x4e: {  	[sflag:s23] =	ssyncset.done $0x0  }
0x4f: {  	s25 =	simm.s32 $0x300;
	[sflag:s23] =	ssyncadd.s32 $0xFFFFC000  }
0x50: {  	[tilespmem:s20], [sflag:$0x1] =	stream.indirect.gather [hbm4b:s4+s19], $0x80, s25, s19, $0xb8;
	[tilespmem:$0x1F000] =	vst v63  }
0x51: {  	s1 =	simm.s32 $0x1A80  }
0x52: {  	[spmem:s2] =	stream.indirect.scatter.add.f32 [tilespmem:s22], [sflag:$0x3], $0x80, s1, s19, $0xb8;
	[tilespmem:$0x1F000] =	vst v63  }
0x53: {  	_ =	swait.ge [sflag:s17], $0x4000  }
0x54: {  	[sflag:s17] =	ssyncset.done $0x0  }
0x55: {  	[sflag:s17] =	ssyncadd.s32 $0xFFFFC000  }
0x56: {  	_ =	swait.ge [sflag:s21], $0x4000  }
0x57: {  	[sflag:s21] =	ssyncset.done $0x0  }
0x58: {  	s25 =	simm.s32 $0x380;
	[sflag:s21] =	ssyncadd.s32 $0xFFFFC000  }
0x59: {  	[tilespmem:s22], [sflag:$0x2] =	stream.indirect.gather [hbm4b:s4+s19], $0x80, s25, s19, $0xb8;
	[tilespmem:$0x1F000] =	vst v63  }
0x5a: {  	s1 =	simm.s32 $0x1B00  }
0x5b: {  	[spmem:s2] =	stream.indirect.scatter.add.f32 [tilespmem:s20], [sflag:$0x3], $0x80, s1, s19, $0xb8;
	[tilespmem:$0x1F000] =	vst v63  }
0x5c: {  	_ =	swait.ge [sflag:s17], $0x4000  }
0x5d: {  	[sflag:s17] =	ssyncset.done $0x0  }
0x5e: {  	[sflag:s17] =	ssyncadd.s32 $0xFFFFC000  }
0x5f: {  	_ =	swait.ge [sflag:s23], $0x4000  }
0x60: {  	[sflag:s23] =	ssyncset.done $0x0  }
0x61: {  	s25 =	simm.s32 $0x400;
	[sflag:s23] =	ssyncadd.s32 $0xFFFFC000  }
0x62: {  	[tilespmem:s20], [sflag:$0x1] =	stream.indirect.gather [hbm4b:s4+s19], $0x80, s25, s19, $0xb8;
	[tilespmem:$0x1F000] =	vst v63  }
0x63: {  	s1 =	simm.s32 $0x1B80  }
0x64: {  	[spmem:s2] =	stream.indirect.scatter.add.f32 [tilespmem:s22], [sflag:$0x3], $0x80, s1, s19, $0xb8;
	[tilespmem:$0x1F000] =	vst v63  }
0x65: {  	_ =	swait.ge [sflag:s17], $0x4000  }
0x66: {  	[sflag:s17] =	ssyncset.done $0x0  }
0x67: {  	[sflag:s17] =	ssyncadd.s32 $0xFFFFC000  }
0x68: {  	_ =	swait.ge [sflag:s21], $0x4000  }
0x69: {  	[sflag:s21] =	ssyncset.done $0x0  }
0x6a: {  	s25 =	simm.s32 $0x480;
	[sflag:s21] =	ssyncadd.s32 $0xFFFFC000  }
0x6b: {  	[tilespmem:s22], [sflag:$0x2] =	stream.indirect.gather [hbm4b:s4+s19], $0x80, s25, s19, $0xb8;
	[tilespmem:$0x1F000] =	vst v63  }
0x6c: {  	s1 =	simm.s32 $0x1C00  }
0x6d: {  	[spmem:s2] =	stream.indirect.scatter.add.f32 [tilespmem:s20], [sflag:$0x3], $0x80, s1, s19, $0xb8;
	[tilespmem:$0x1F000] =	vst v63  }
0x6e: {  	_ =	swait.ge [sflag:s17], $0x4000  }
0x6f: {  	[sflag:s17] =	ssyncset.done $0x0  }
0x70: {  	[sflag:s17] =	ssyncadd.s32 $0xFFFFC000  }
0x71: {  	_ =	swait.ge [sflag:s23], $0x4000  }
0x72: {  	[sflag:s23] =	ssyncset.done $0x0  }
0x73: {  	s25 =	simm.s32 $0x500;
	[sflag:s23] =	ssyncadd.s32 $0xFFFFC000  }
0x74: {  	[tilespmem:s20], [sflag:$0x1] =	stream.indirect.gather [hbm4b:s4+s19], $0x80, s25, s19, $0xb8;
	[tilespmem:$0x1F000] =	vst v63  }
0x75: {  	s1 =	simm.s32 $0x1C80  }
0x76: {  	[spmem:s2] =	stream.indirect.scatter.add.f32 [tilespmem:s22], [sflag:$0x3], $0x80, s1, s19, $0xb8;
	[tilespmem:$0x1F000] =	vst v63  }
0x77: {  	_ =	swait.ge [sflag:s17], $0x4000  }
0x78: {  	[sflag:s17] =	ssyncset.done $0x0  }
0x79: {  	[sflag:s17] =	ssyncadd.s32 $0xFFFFC000  }
0x7a: {  	_ =	swait.ge [sflag:s21], $0x4000  }
0x7b: {  	[sflag:s21] =	ssyncset.done $0x0  }
0x7c: {  	s25 =	simm.s32 $0x580;
	[sflag:s21] =	ssyncadd.s32 $0xFFFFC000  }
0x7d: {  	[tilespmem:s22], [sflag:$0x2] =	stream.indirect.gather [hbm4b:s4+s19], $0x80, s25, s19, $0xb8;
	[tilespmem:$0x1F000] =	vst v63  }
0x7e: {  	s1 =	simm.s32 $0x1D00  }
0x7f: {  	[spmem:s2] =	stream.indirect.scatter.add.f32 [tilespmem:s20], [sflag:$0x3], $0x80, s1, s19, $0xb8;
	[tilespmem:$0x1F000] =	vst v63  }
0x80: {  	_ =	swait.ge [sflag:s17], $0x4000  }
0x81: {  	[sflag:s17] =	ssyncset.done $0x0  }
0x82: {  	[sflag:s17] =	ssyncadd.s32 $0xFFFFC000  }
0x83: {  	_ =	swait.ge [sflag:s23], $0x4000  }
0x84: {  	[sflag:s23] =	ssyncset.done $0x0  }
0x85: {  	s25 =	simm.s32 $0x600;
	[sflag:s23] =	ssyncadd.s32 $0xFFFFC000  }
0x86: {  	[tilespmem:s20], [sflag:$0x1] =	stream.indirect.gather [hbm4b:s4+s19], $0x80, s25, s19, $0xb8;
	[tilespmem:$0x1F000] =	vst v63  }
0x87: {  	s1 =	simm.s32 $0x1D80  }
0x88: {  	[spmem:s2] =	stream.indirect.scatter.add.f32 [tilespmem:s22], [sflag:$0x3], $0x80, s1, s19, $0xb8;
	[tilespmem:$0x1F000] =	vst v63  }
0x89: {  	_ =	swait.ge [sflag:s17], $0x4000  }
0x8a: {  	[sflag:s17] =	ssyncset.done $0x0  }
0x8b: {  	[sflag:s17] =	ssyncadd.s32 $0xFFFFC000  }
0x8c: {  	_ =	swait.ge [sflag:s21], $0x4000  }
0x8d: {  	[sflag:s21] =	ssyncset.done $0x0  }
0x8e: {  	s25 =	simm.s32 $0x680;
	[sflag:s21] =	ssyncadd.s32 $0xFFFFC000  }
0x8f: {  	[tilespmem:s22], [sflag:$0x2] =	stream.indirect.gather [hbm4b:s4+s19], $0x80, s25, s19, $0xb8;
	[tilespmem:$0x1F000] =	vst v63  }
0x90: {  	s1 =	simm.s32 $0x1E00  }
0x91: {  	[spmem:s2] =	stream.indirect.scatter.add.f32 [tilespmem:s20], [sflag:$0x3], $0x80, s1, s19, $0xb8;
	[tilespmem:$0x1F000] =	vst v63  }
0x92: {  	_ =	swait.ge [sflag:s17], $0x4000  }
0x93: {  	[sflag:s17] =	ssyncset.done $0x0  }
0x94: {  	[sflag:s17] =	ssyncadd.s32 $0xFFFFC000  }
0x95: {  	_ =	swait.ge [sflag:s23], $0x4000  }
0x96: {  	[sflag:s23] =	ssyncset.done $0x0  }
0x97: {  	s25 =	simm.s32 $0x700;
	[sflag:s23] =	ssyncadd.s32 $0xFFFFC000  }
0x98: {  	[tilespmem:s20], [sflag:$0x1] =	stream.indirect.gather [hbm4b:s4+s19], $0x80, s25, s19, $0xb8;
	[tilespmem:$0x1F000] =	vst v63  }
0x99: {  	_ = 	snop  }
0x9a: {  	[spmem:s2] =	stream.indirect.scatter.add.f32 [tilespmem:s22], [sflag:$0x3], $0x80, s26, s19, $0xb8;
	[tilespmem:$0x1F000] =	vst v63  }
0x9b: {  	_ =	swait.ge [sflag:s17], $0x4000  }
0x9c: {  	s0 =	simm.s32 $0x1F80;
	[sflag:s17] =	ssyncset.done $0x0  }
0x9d: {  	s1 =	simm.s32 $0x1F00;
	s25 =	simm.s32 $0x780;
	[sflag:s17] =	ssyncadd.s32 $0xFFFFC000  }
.LBB2_10:
0x9e: {  	_ =	swait.ge [sflag:s21], $0x4000  }
0x9f: {  	[sflag:s21] =	ssyncset.done $0x0  }
0xa0: {  	[sflag:s21] =	ssyncadd.s32 $0xFFFFC000  }
0xa1: {  	[tilespmem:s22], [sflag:$0x2] =	stream.indirect.gather [hbm4b:s4+s19], $0x80, s25, s19, $0xb8;
	[tilespmem:$0x1F000] =	vst v63  }
0xa2: {  	_ = 	snop  }
0xa3: {  	[spmem:s2] =	stream.indirect.scatter.add.f32 [tilespmem:s20], [sflag:$0x3], $0x80, s1, s19, $0xb8;
	[tilespmem:$0x1F000] =	vst v63  }
0xa4: {  	_ =	swait.ge [sflag:s17], $0x4000  }
0xa5: {  	[sflag:s17] =	ssyncset.done $0x0  }
0xa6: {  	[sflag:s17] =	ssyncadd.s32 $0xFFFFC000  }
0xa7: {  	_ =	swait.ge [sflag:s23], $0x4000  }
0xa8: {  	[sflag:s23] =	ssyncset.done $0x0  }
0xa9: {  	[sflag:s23] =	ssyncadd.s32 $0xFFFFC000  }
0xaa: {  	[spmem:s2] =	stream.indirect.scatter.add.f32 [tilespmem:s22], [sflag:$0x3], $0x80, s0, s19, $0xb8;
	[tilespmem:$0x1F000] =	vst v63  }
0xab: {  	_ =	swait.ge [sflag:s17], $0x4000  }
0xac: {  	s31 =	sadd.s32 $0x1, s31;
	[sflag:s17] =	ssyncset.done $0x0  }
0xad: {  	p1 =	sne.s32 s31, s15;
	[sflag:s17] =	ssyncadd.s32 $0xFFFFC000  }
.Ltmp1:
0xae: {  	[bflag:$0x0] =	sbarrier.arrive $0xFFFF;
	(pc) =	sbr.rel @!p1 .LBB2_11-.Ltmp1, $4  }
0xaf: {  	[hbm:s24], [sflag:s6] =	dma.local [spmem:s16], $0x2800  }
0xb0: {  	_ =	swait.ge [sflag:s17], $0x2800  }
0xb1: {  	[sflag:s17] =	ssyncset.done $0x0  }
0xb2: {  	[sflag:s17] =	ssyncadd.s32 $0xFFFFD800  }
.LBB2_1:
.Ltmp2:
0xb3: {  	(pc) =	sbr.rel @p0 .LBB2_9-.Ltmp2, $4  }
0xb4: {  	[spmem:s16], [sflag:s6] =	dma.local [hbm:s5], $0x2800  }
0xb5: {  	_ =	swait.ge [sflag:s17], $0x2800  }
0xb6: {  	[sflag:s17] =	ssyncset.done $0x0  }
0xb7: {  	[sflag:s17] =	ssyncadd.s32 $0xFFFFD800  }
0xb8: {  	s0 =	simm.s32 $0x0  }
0xb9: {  	[tilespmem:s0], [sflag:$0x3] =	stream.linear.gather [hbm4b:s7+s0], $0x1800, $0x38;
	[tilespmem:$0x1F000] =	vst v63  }
0xba: {  	_ =	swait.ge [sflag:s17], $0x1800  }
0xbb: {  	[sflag:s17] =	ssyncset.done $0x0  }
0xbc: {  	[sflag:s17] =	ssyncadd.s32 $0xFFFFE800  }
0xbd: {  	[tilespmem:s18], [sflag:$0x3] =	stream.linear.gather [hbm4b:s8+s0], $0x1800, $0x38;
	[tilespmem:$0x1F000] =	vst v63  }
0xbe: {  	_ =	swait.ge [sflag:s17], $0x1800  }
0xbf: {  	[sflag:s17] =	ssyncset.done $0x0  }
0xc0: {  	[sflag:s17] =	ssyncadd.s32 $0xFFFFE800  }
0xc1: {  	[bflag:$0x0] =	sbarrier.arrive $0xFFFF  }
0xc2: {  	[tilespmem:s20], [sflag:$0x1] =	stream.indirect.gather [hbm4b:s4+s19], $0x80, s0, s19, $0xb8;
	[tilespmem:$0x1F000] =	vst v63  }
0xc3: {  	_ =	swait.ge [sflag:s21], $0x4000  }
0xc4: {  	[sflag:s21] =	ssyncset.done $0x0  }
0xc5: {  	s1 =	simm.s32 $0x80;
	[sflag:s21] =	ssyncadd.s32 $0xFFFFC000  }
0xc6: {  	[tilespmem:s22], [sflag:$0x2] =	stream.indirect.gather [hbm4b:s4+s19], $0x80, s1, s19, $0xb8;
	[tilespmem:$0x1F000] =	vst v63  }
0xc7: {  	s25 =	simm.s32 $0x1800  }
0xc8: {  	[spmem:s2] =	stream.indirect.scatter.add.f32 [tilespmem:s20], [sflag:$0x3], $0x80, s25, s19, $0xb8;
	[tilespmem:$0x1F000] =	vst v63  }
0xc9: {  	_ =	swait.ge [sflag:s17], $0x4000  }
0xca: {  	[sflag:s17] =	ssyncset.done $0x0  }
0xcb: {  	[sflag:s17] =	ssyncadd.s32 $0xFFFFC000  }
0xcc: {  	_ =	swait.ge [sflag:s23], $0x4000  }
0xcd: {  	[sflag:s23] =	ssyncset.done $0x0  }
0xce: {  	s1 =	simm.s32 $0x100;
	[sflag:s23] =	ssyncadd.s32 $0xFFFFC000  }
0xcf: {  	[tilespmem:s20], [sflag:$0x1] =	stream.indirect.gather [hbm4b:s4+s19], $0x80, s1, s19, $0xb8;
	[tilespmem:$0x1F000] =	vst v63  }
0xd0: {  	s25 =	simm.s32 $0x1880  }
0xd1: {  	[spmem:s2] =	stream.indirect.scatter.add.f32 [tilespmem:s22], [sflag:$0x3], $0x80, s25, s19, $0xb8;
	[tilespmem:$0x1F000] =	vst v63  }
0xd2: {  	_ =	swait.ge [sflag:s17], $0x4000  }
0xd3: {  	s0 =	simm.s32 $0x400;
	[sflag:s17] =	ssyncset.done $0x0  }
.LBB2_3:
0xd4: {  	p1 =	sne.s32 s0, $0x5800  }
0xd5: {  	[sflag:s17] =	ssyncadd.s32 $0xFFFFC000;
	s1 =	smov.u32 s0;
	s0 =	sadd.s32 $0x400, s0  }
0xd6: {  	_ = 	snop  }
0xd7: {  	_ =	swait.ge [sflag:s21], $0x4000  }
0xd8: {  	s1 =	sshra.s32 s1, $0x2;
	[sflag:s21] =	ssyncset.done $0x0  }
0xd9: {  	s25 =	sadd.s32 $0x80, s1;
	[sflag:s21] =	ssyncadd.s32 $0xFFFFC000  }
0xda: {  	[tilespmem:s22], [sflag:$0x2] =	stream.indirect.gather [hbm4b:s4+s19], $0x80, s25, s19, $0xb8;
	[tilespmem:$0x1F000] =	vst v63  }
0xdb: {  	s25 =	sadd.s32 $0x1800, s1  }
0xdc: {  	[spmem:s2] =	stream.indirect.scatter.add.f32 [tilespmem:s20], [sflag:$0x3], $0x80, s25, s19, $0xb8;
	[tilespmem:$0x1F000] =	vst v63  }
0xdd: {  	_ =	swait.ge [sflag:s17], $0x4000  }
0xde: {  	[sflag:s17] =	ssyncset.done $0x0  }
0xdf: {  	[sflag:s17] =	ssyncadd.s32 $0xFFFFC000  }
0xe0: {  	_ =	swait.ge [sflag:s23], $0x4000  }
0xe1: {  	[sflag:s23] =	ssyncset.done $0x0  }
0xe2: {  	s25 =	sadd.s32 $0x100, s1;
	[sflag:s23] =	ssyncadd.s32 $0xFFFFC000  }
0xe3: {  	[tilespmem:s20], [sflag:$0x1] =	stream.indirect.gather [hbm4b:s4+s19], $0x80, s25, s19, $0xb8;
	[tilespmem:$0x1F000] =	vst v63  }
.Ltmp3:
0xe4: {  	_ = 	snop;
	(pc) =	sbr.rel @p1 .LBB2_3-.Ltmp3, $4  }
0xe5: {  	s1 =	sadd.s32 $0x1880, s1  }
0xe6: {  	[spmem:s2] =	stream.indirect.scatter.add.f32 [tilespmem:s22], [sflag:$0x3], $0x80, s1, s19, $0xb8;
	[tilespmem:$0x1F000] =	vst v63  }
0xe7: {  	_ =	swait.ge [sflag:s17], $0x4000  }
0xe8: {  	[sflag:s17] =	ssyncset.done $0x0  }
0xe9: {  	[sflag:s17] =	ssyncadd.s32 $0xFFFFC000  }
0xea: {  	_ =	swait.ge [sflag:s21], $0x4000  }
0xeb: {  	[sflag:s21] =	ssyncset.done $0x0  }
0xec: {  	[sflag:s21] =	ssyncadd.s32 $0xFFFFC000  }
0xed: {  	[tilespmem:s22], [sflag:$0x2] =	stream.indirect.gather [hbm4b:s4+s19], $0x80, s28, s19, $0xb8;
	[tilespmem:$0x1F000] =	vst v63  }
0xee: {  	_ = 	snop  }
0xef: {  	[spmem:s2] =	stream.indirect.scatter.add.f32 [tilespmem:s20], [sflag:$0x3], $0x80, s29, s19, $0xb8;
	[tilespmem:$0x1F000] =	vst v63  }
0xf0: {  	_ =	swait.ge [sflag:s17], $0x4000  }
0xf1: {  	[sflag:s17] =	ssyncset.done $0x0  }
0xf2: {  	[sflag:s17] =	ssyncadd.s32 $0xFFFFC000  }
0xf3: {  	_ =	swait.ge [sflag:s23], $0x4000  }
0xf4: {  	[sflag:s23] =	ssyncset.done $0x0  }
0xf5: {  	[sflag:s23] =	ssyncadd.s32 $0xFFFFC000  }
0xf6: {  	[spmem:s2] =	stream.indirect.scatter.add.f32 [tilespmem:s22], [sflag:$0x3], $0x80, s30, s19, $0xb8;
	[tilespmem:$0x1F000] =	vst v63  }
0xf7: {  	_ =	swait.ge [sflag:s17], $0x4000  }
0xf8: {  	[sflag:s17] =	ssyncset.done $0x0  }
0xf9: {  	s0 =	simm.s32 $0x0;
	[sflag:s17] =	ssyncadd.s32 $0xFFFFC000  }
0xfa: {  	[tilespmem:s0], [sflag:$0x3] =	stream.linear.gather [hbm4b:s9+s0], $0x1800, $0x38;
	[tilespmem:$0x1F000] =	vst v63  }
0xfb: {  	_ =	swait.ge [sflag:s17], $0x1800  }
0xfc: {  	[sflag:s17] =	ssyncset.done $0x0  }
0xfd: {  	[sflag:s17] =	ssyncadd.s32 $0xFFFFE800  }
0xfe: {  	[tilespmem:s18], [sflag:$0x3] =	stream.linear.gather [hbm4b:s10+s0], $0x1800, $0x38;
	[tilespmem:$0x1F000] =	vst v63  }
0xff: {  	_ =	swait.ge [sflag:s17], $0x1800  }
0x100: {  	[sflag:s17] =	ssyncset.done $0x0  }
0x101: {  	[sflag:s17] =	ssyncadd.s32 $0xFFFFE800  }
0x102: {  	[tilespmem:s20], [sflag:$0x1] =	stream.indirect.gather [hbm4b:s4+s19], $0x80, s0, s19, $0xb8;
	[tilespmem:$0x1F000] =	vst v63  }
0x103: {  	_ =	swait.ge [sflag:s21], $0x4000  }
0x104: {  	[sflag:s21] =	ssyncset.done $0x0  }
0x105: {  	s1 =	simm.s32 $0x80;
	[sflag:s21] =	ssyncadd.s32 $0xFFFFC000  }
0x106: {  	[tilespmem:s22], [sflag:$0x2] =	stream.indirect.gather [hbm4b:s4+s19], $0x80, s1, s19, $0xb8;
	[tilespmem:$0x1F000] =	vst v63  }
0x107: {  	s25 =	simm.s32 $0x1800  }
0x108: {  	[spmem:s2] =	stream.indirect.scatter.add.f32 [tilespmem:s20], [sflag:$0x3], $0x80, s25, s19, $0xb8;
	[tilespmem:$0x1F000] =	vst v63  }
0x109: {  	_ =	swait.ge [sflag:s17], $0x4000  }
0x10a: {  	[sflag:s17] =	ssyncset.done $0x0  }
0x10b: {  	[sflag:s17] =	ssyncadd.s32 $0xFFFFC000  }
0x10c: {  	_ =	swait.ge [sflag:s23], $0x4000  }
0x10d: {  	[sflag:s23] =	ssyncset.done $0x0  }
0x10e: {  	s1 =	simm.s32 $0x100;
	[sflag:s23] =	ssyncadd.s32 $0xFFFFC000  }
0x10f: {  	[tilespmem:s20], [sflag:$0x1] =	stream.indirect.gather [hbm4b:s4+s19], $0x80, s1, s19, $0xb8;
	[tilespmem:$0x1F000] =	vst v63  }
0x110: {  	s25 =	simm.s32 $0x1880  }
0x111: {  	[spmem:s2] =	stream.indirect.scatter.add.f32 [tilespmem:s22], [sflag:$0x3], $0x80, s25, s19, $0xb8;
	[tilespmem:$0x1F000] =	vst v63  }
0x112: {  	_ =	swait.ge [sflag:s17], $0x4000  }
0x113: {  	s0 =	simm.s32 $0x400;
	[sflag:s17] =	ssyncset.done $0x0  }
.LBB2_5:
0x114: {  	p1 =	sne.s32 s0, $0x5800  }
0x115: {  	[sflag:s17] =	ssyncadd.s32 $0xFFFFC000;
	s1 =	smov.u32 s0;
	s0 =	sadd.s32 $0x400, s0  }
0x116: {  	_ = 	snop  }
0x117: {  	_ =	swait.ge [sflag:s21], $0x4000  }
0x118: {  	s1 =	sshra.s32 s1, $0x2;
	[sflag:s21] =	ssyncset.done $0x0  }
0x119: {  	s25 =	sadd.s32 $0x80, s1;
	[sflag:s21] =	ssyncadd.s32 $0xFFFFC000  }
0x11a: {  	[tilespmem:s22], [sflag:$0x2] =	stream.indirect.gather [hbm4b:s4+s19], $0x80, s25, s19, $0xb8;
	[tilespmem:$0x1F000] =	vst v63  }
0x11b: {  	s25 =	sadd.s32 $0x1800, s1  }
0x11c: {  	[spmem:s2] =	stream.indirect.scatter.add.f32 [tilespmem:s20], [sflag:$0x3], $0x80, s25, s19, $0xb8;
	[tilespmem:$0x1F000] =	vst v63  }
0x11d: {  	_ =	swait.ge [sflag:s17], $0x4000  }
0x11e: {  	[sflag:s17] =	ssyncset.done $0x0  }
0x11f: {  	[sflag:s17] =	ssyncadd.s32 $0xFFFFC000  }
0x120: {  	_ =	swait.ge [sflag:s23], $0x4000  }
0x121: {  	[sflag:s23] =	ssyncset.done $0x0  }
0x122: {  	s25 =	sadd.s32 $0x100, s1;
	[sflag:s23] =	ssyncadd.s32 $0xFFFFC000  }
0x123: {  	[tilespmem:s20], [sflag:$0x1] =	stream.indirect.gather [hbm4b:s4+s19], $0x80, s25, s19, $0xb8;
	[tilespmem:$0x1F000] =	vst v63  }
.Ltmp4:
0x124: {  	_ = 	snop;
	(pc) =	sbr.rel @p1 .LBB2_5-.Ltmp4, $4  }
0x125: {  	s1 =	sadd.s32 $0x1880, s1  }
0x126: {  	[spmem:s2] =	stream.indirect.scatter.add.f32 [tilespmem:s22], [sflag:$0x3], $0x80, s1, s19, $0xb8;
	[tilespmem:$0x1F000] =	vst v63  }
0x127: {  	_ =	swait.ge [sflag:s17], $0x4000  }
0x128: {  	[sflag:s17] =	ssyncset.done $0x0  }
0x129: {  	[sflag:s17] =	ssyncadd.s32 $0xFFFFC000  }
0x12a: {  	_ =	swait.ge [sflag:s21], $0x4000  }
0x12b: {  	[sflag:s21] =	ssyncset.done $0x0  }
0x12c: {  	[sflag:s21] =	ssyncadd.s32 $0xFFFFC000  }
0x12d: {  	[tilespmem:s22], [sflag:$0x2] =	stream.indirect.gather [hbm4b:s4+s19], $0x80, s28, s19, $0xb8;
	[tilespmem:$0x1F000] =	vst v63  }
0x12e: {  	_ = 	snop  }
0x12f: {  	[spmem:s2] =	stream.indirect.scatter.add.f32 [tilespmem:s20], [sflag:$0x3], $0x80, s29, s19, $0xb8;
	[tilespmem:$0x1F000] =	vst v63  }
0x130: {  	_ =	swait.ge [sflag:s17], $0x4000  }
0x131: {  	[sflag:s17] =	ssyncset.done $0x0  }
0x132: {  	[sflag:s17] =	ssyncadd.s32 $0xFFFFC000  }
0x133: {  	_ =	swait.ge [sflag:s23], $0x4000  }
0x134: {  	[sflag:s23] =	ssyncset.done $0x0  }
0x135: {  	[sflag:s23] =	ssyncadd.s32 $0xFFFFC000  }
0x136: {  	[spmem:s2] =	stream.indirect.scatter.add.f32 [tilespmem:s22], [sflag:$0x3], $0x80, s30, s19, $0xb8;
	[tilespmem:$0x1F000] =	vst v63  }
0x137: {  	_ =	swait.ge [sflag:s17], $0x4000  }
0x138: {  	[sflag:s17] =	ssyncset.done $0x0  }
0x139: {  	s0 =	simm.s32 $0x0;
	[sflag:s17] =	ssyncadd.s32 $0xFFFFC000  }
0x13a: {  	[tilespmem:s0], [sflag:$0x3] =	stream.linear.gather [hbm4b:s11+s0], $0x1800, $0x38;
	[tilespmem:$0x1F000] =	vst v63  }
0x13b: {  	_ =	swait.ge [sflag:s17], $0x1800  }
0x13c: {  	[sflag:s17] =	ssyncset.done $0x0  }
0x13d: {  	[sflag:s17] =	ssyncadd.s32 $0xFFFFE800  }
0x13e: {  	[tilespmem:s18], [sflag:$0x3] =	stream.linear.gather [hbm4b:s12+s0], $0x1800, $0x38;
	[tilespmem:$0x1F000] =	vst v63  }
0x13f: {  	_ =	swait.ge [sflag:s17], $0x1800  }
0x140: {  	[sflag:s17] =	ssyncset.done $0x0  }
0x141: {  	[sflag:s17] =	ssyncadd.s32 $0xFFFFE800  }
0x142: {  	[tilespmem:s20], [sflag:$0x1] =	stream.indirect.gather [hbm4b:s4+s19], $0x80, s0, s19, $0xb8;
	[tilespmem:$0x1F000] =	vst v63  }
.LBB2_7:
0x143: {  	_ =	swait.ge [sflag:s21], $0x4000  }
0x144: {  	s1 =	sshra.s32 s0, $0x2;
	[sflag:s21] =	ssyncset.done $0x0  }
0x145: {  	s25 =	sadd.s32 $0x80, s1;
	[sflag:s21] =	ssyncadd.s32 $0xFFFFC000  }
0x146: {  	[tilespmem:s22], [sflag:$0x2] =	stream.indirect.gather [hbm4b:s4+s19], $0x80, s25, s19, $0xb8;
	[tilespmem:$0x1F000] =	vst v63  }
0x147: {  	s25 =	sadd.s32 $0x1800, s1  }
0x148: {  	[spmem:s2] =	stream.indirect.scatter.add.f32 [tilespmem:s20], [sflag:$0x3], $0x80, s25, s19, $0xb8;
	[tilespmem:$0x1F000] =	vst v63  }
0x149: {  	_ =	swait.ge [sflag:s17], $0x4000  }
0x14a: {  	[sflag:s17] =	ssyncset.done $0x0  }
0x14b: {  	[sflag:s17] =	ssyncadd.s32 $0xFFFFC000  }
0x14c: {  	_ =	swait.ge [sflag:s23], $0x4000  }
0x14d: {  	[sflag:s23] =	ssyncset.done $0x0  }
0x14e: {  	p1 =	seq.s32 s0, $0x5800;
	s25 =	sadd.s32 $0x100, s1;
	[sflag:s23] =	ssyncadd.s32 $0xFFFFC000  }
0x14f: {  	[tilespmem:s20], [sflag:$0x1] =	stream.indirect.gather [hbm4b:s4+s19], $0x80, s25, s19, $0xb8;
	[tilespmem:$0x1F000] =	vst v63  }
.Ltmp5:
0x150: {  	s1 =	sadd.s32 $0x1880, s1;
	(pc) =	sbr.rel @!p1 .LBB2_7-.Ltmp5, $4  }
0x151: {  	[spmem:s2] =	stream.indirect.scatter.add.f32 [tilespmem:s22], [sflag:$0x3], $0x80, s1, s19, $0xb8;
	[tilespmem:$0x1F000] =	vst v63  }
0x152: {  	_ =	swait.ge [sflag:s17], $0x4000  }
0x153: {  	[sflag:s17] =	ssyncset.done $0x0  }
0x154: {  	s0 =	sadd.s32 $0x400, s0;
	[sflag:s17] =	ssyncadd.s32 $0xFFFFC000  }
.Ltmp6:
0x155: {  	(pc) =	sbr.rel .LBB2_10-.Ltmp6, $2  }
0x156: {  	_ =	sdelay $0x2  }
0x157: {  	s0 =	simm.s32 $0x2F80;
	s1 =	simm.s32 $0x2F00;
	s25 =	simm.s32 $0x1780  }
.LBB2_11:
0x158: {  	_ =	sfence.sel $0x180000  }
0x159: {  	[bflag:$0x0] =	sbarrier.arrive $0xFFFF  }
0x15a: {  	_ =	strace $0x9000004D  }
0x15b: {  	s0 =	stileid.u32;
	[bflag:$0x2] =	sbarrier.arrive $0xFFFF  }
0x15c: {  	p0 =	sne.s32 s0, $0x0;
	s0 =	rddreg [dreg:$0x3]  }
0x15d: {  	s0 =	sadd.s32 @!p0 $0x100000, s0  }
0x15e: {  	[sflag:s0] =	ssyncadd.tile.s32 @!p0 $0x1;
	_ =	shalt  }
.Lfunc_end2:
_tile_overlayer_lowered:
.L_overlay_start_2:
0x15f: {  	(tag) =	ssettag $0x2  }
0x160: {  	s0 =	rddreg [dreg:$0x0];
	s2 =	stileid.u32  }
0x161: {  	s1 =	rddreg [dreg:$0x1];
	p0 =	sne.s32 s2, $0x0  }
0x162: {  	s3 =	rddreg [dreg:$0x2];
	[bflag:$0x3] =	sbarrier.arrive $0xFFFF;
	s2 =	simm.s32 @!p0 $0x1C03  }
0x163: {  	[timem:s3], [sflag:s2] =	dma.local @!p0 [hbm:s0], s1  }
0x164: {  	s0 =	simm.s32 @!p0 $0x3  }
0x165: {  	_ =	swait.ge @!p0 [sflag:s0], s1  }
0x166: {  	s1 =	ssub.s32 @!p0 $0x0, s1;
	[sflag:s0] =	ssyncset.done @!p0 $0x0  }
0x167: {  	[sflag:s0] =	ssyncadd.s32 @!p0 s1  }
0x168: {  	[bflag:$0x3] =	sbarrier.arrive $0xFFFF  }
0x169: {  	_ =	shalt  }

// kernel: kernel.8.cloned.1.call-start
scs
__scs_entry_jumppad:
0x0: {  	(pc) =	sbr.rel $0x88, $3  }
0x1: {  	(tag) =	ssettag $0x0;
	lr =	simm.s32 $0x1  }
0x2: {  	[smem:$0x3F9B] =	sst lr;
	_ =	strace $0xD0000000  }
0x3: {  	_ = 	snop  }
0x4: {  	_ = 	snop  }
0x5: {  	_ = 	snop  }
0x6: {  	_ = 	snop  }
0x7: {  	_ = 	snop  }
__scs_overlays_trampoline_lowered:
0x8: {  	[smem:$0x3FAA] =	sst s0  }
0x9: {  	[smem:$0x3FAB] =	sst s1  }
0xa: {  	[smem:$0x3FAC] =	sst s2  }
0xb: {  	[smem:$0x3FAD] =	sst s3  }
0xc: {  	[smem:$0x3FAE] =	sst s4  }
0xd: {  	[smem:$0x3FAF] =	sst s5  }
0xe: {  	[smem:$0x3FB0] =	sst s6  }
0xf: {  	[smem:$0x3FB1] =	sst s7  }
0x10: {  	[smem:$0x3FB2] =	sst s8  }
0x11: {  	[smem:$0x3FB3] =	sst s9;
	s0 =	simm.s32 @!p0 $0x0  }
0x12: {  	s1 =	sld [smem:$0x3F99];
	s0 =	simm.s32 @p0 $0x1  }
0x13: {  	[smem:$0x3FB4] =	sst s0;
	s0 =	simm.s32 @!p1 $0x0  }
0x14: {  	s2 =	sld [smem:$0x3F98];
	s0 =	simm.s32 @p1 $0x1  }
0x15: {  	[smem:$0x3FB5] =	sst s0;
	s0 =	simm.s32 @!p2 $0x0  }
0x16: {  	s3 =	sld [smem:$0x3FDB];
	s0 =	simm.s32 @p2 $0x1  }
0x17: {  	s4 =	simm.s32 $0x1BF5;
	[smem:$0x3FB7] =	sst s0  }
0x18: {  	s0 =	sld [smem:$0x3F9A];
	_ =	swait.ge [sflag:s4], $0x0  }
0x19: {  	s7 =	sld [smem:$0x3F9B]  }
0x1a: {  	s8 =	sadd.s32 $0xFFFFE003, lr  }
0x1b: {  	s9 =	sadd.s32 $0xFFFFFEF7, lr;
	s5 =	simm.s32 $0xFFFFFFFF;
	p2 =	slt.u32 s8, $0xFFFFF086  }
0x1c: {  	p1 =	slt.u32 s9, $0xF7A;
	s5 =	simm.s32 @!p2 $0x0  }
0x1d: {  	s5 =	simm.s32 @p1 $0x1;
	p0 =	seq.s32 s7, s2  }
0x1e: {  	s7 =	smul.u32 @!p0 $0xF7A, s2;
	p2 =	seq.s32 @!p0 s5, $0x0  }
0x1f: {  	s9 =	smul.u32 $0xF7A, s1;
	s8 =	simm.s32 @!p0 $0x1BF5;
	p2 =	por !p2, p0  }
0x20: {  	[sflag:s8] =	ssyncset.s32 @!p0 $0xFFFFF086;
	s6 =	sadd.s32 @!p0 s3, s7;
	s7 =	simm.s32 @!p0 $0x108  }
0x21: {  	s3 =	sadd.s32 s3, s9;
	s6 =	sadd.s32 @!p0 $0x88, s6;
	s7 =	simm.s32 @p2 $0x1082  }
0x22: {  	[simem:s7], [sflag:s8] =	dma.local @!p0 [hbm:s6], $0xF7A  }
0x23: {  	s9 =	sor.u32 $0xD0000000, s2;
	s6 =	simm.s32 $0x108;
	_ =	swait.ge @!p0 [sflag:s8], $0x0  }
0x24: {  	s3 =	sadd.s32 $0x88, s3;
	s6 =	simm.s32 @!p1 $0x1082;
	[sflag:s4] =	ssyncset.s32 $0xFFFFF086  }
0x25: {  	[simem:s6], [sflag:s4] =	dma.local [hbm:s3], $0xF7A  }
0x26: {  	[smem:$0x3F9B] =	sst s1;
	(tag) =	ssettag s2;
	_ =	strace s9  }
0x27: {  	s1 =	sld [smem:$0x3FAB]  }
0x28: {  	s2 =	sld [smem:$0x3FAC]  }
0x29: {  	s4 =	sld [smem:$0x3FAE]  }
0x2a: {  	p0 =	seq.s32 s5, $0x0;
	s5 =	sld [smem:$0x3FAF]  }
0x2b: {  	s6 =	sld [smem:$0x3FB0]  }
0x2c: {  	s7 =	sld [smem:$0x3FB1]  }
0x2d: {  	s3 =	simm.s32 $0x108;
	s8 =	sld [smem:$0x3FB2]  }
0x2e: {  	s3 =	simm.s32 @!p0 $0x1082;
	s9 =	sld [smem:$0x3FB3]  }
0x2f: {  	lr =	sadd.s32 s0, s3;
	s0 =	sld [smem:$0x3FAA]  }
0x30: {  	s3 =	sld [smem:$0x3FAD]  }
0x31: {  	[smem:$0x3FB6] =	sst s10  }
0x32: {  	s10 =	sld [smem:$0x3FB4];
	_ =	sdelay $0x3  }
0x33: {  	p0 =	seq.s32 s10, $0x1;
	s10 =	sld [smem:$0x3FB6];
	_ =	sdelay $0x3  }
0x34: {  	[smem:$0x3FB6] =	sst s10  }
0x35: {  	s10 =	sld [smem:$0x3FB5];
	_ =	sdelay $0x3  }
0x36: {  	p1 =	seq.s32 s10, $0x1;
	s10 =	sld [smem:$0x3FB6];
	_ =	sdelay $0x3  }
0x37: {  	[smem:$0x3FB6] =	sst s10  }
0x38: {  	s10 =	sld [smem:$0x3FB7]  }
0x39: {  	_ = 	snop;
	(pc) =	sbr.ind lr, $3  }
0x3a: {  	_ = 	snop  }
0x3b: {  	_ = 	snop  }
0x3c: {  	p2 =	seq.s32 s10, $0x1;
	s10 =	sld [smem:$0x3FB6]  }
0x3d: {  	_ =	shalt  }
0x3e: {  	_ =	shalt  }
0x3f: {  	_ =	shalt  }
0x40: {  	_ =	shalt  }
0x41: {  	_ =	shalt  }
0x42: {  	_ =	shalt  }
0x43: {  	_ =	shalt  }
0x44: {  	_ =	shalt  }
0x45: {  	_ =	shalt  }
0x46: {  	_ =	shalt  }
0x47: {  	_ =	shalt  }
0x48: {  	_ =	shalt  }
0x49: {  	_ =	shalt  }
0x4a: {  	_ =	shalt  }
0x4b: {  	_ =	shalt  }
0x4c: {  	_ =	shalt  }
0x4d: {  	_ =	shalt  }
0x4e: {  	_ =	shalt  }
0x4f: {  	_ =	shalt  }
0x50: {  	_ =	shalt  }
0x51: {  	_ =	shalt  }
0x52: {  	_ =	shalt  }
0x53: {  	_ =	shalt  }
0x54: {  	_ =	shalt  }
0x55: {  	_ =	shalt  }
0x56: {  	_ =	shalt  }
0x57: {  	_ =	shalt  }
0x58: {  	_ =	shalt  }
0x59: {  	_ =	shalt  }
0x5a: {  	_ =	shalt  }
0x5b: {  	_ =	shalt  }
0x5c: {  	_ =	shalt  }
0x5d: {  	_ =	shalt  }
0x5e: {  	_ =	shalt  }
0x5f: {  	_ =	shalt  }
0x60: {  	_ =	shalt  }
0x61: {  	_ =	shalt  }
0x62: {  	_ =	shalt  }
0x63: {  	_ =	shalt  }
0x64: {  	_ =	shalt  }
0x65: {  	_ =	shalt  }
0x66: {  	_ =	shalt  }
0x67: {  	_ =	shalt  }
0x68: {  	_ =	shalt  }
0x69: {  	_ =	shalt  }
0x6a: {  	_ =	shalt  }
0x6b: {  	_ =	shalt  }
0x6c: {  	_ =	shalt  }
0x6d: {  	_ =	shalt  }
0x6e: {  	_ =	shalt  }
0x6f: {  	_ =	shalt  }
0x70: {  	_ =	shalt  }
0x71: {  	_ =	shalt  }
0x72: {  	_ =	shalt  }
0x73: {  	_ =	shalt  }
0x74: {  	_ =	shalt  }
0x75: {  	_ =	shalt  }
0x76: {  	_ =	shalt  }
0x77: {  	_ =	shalt  }
0x78: {  	_ =	shalt  }
0x79: {  	_ =	shalt  }
0x7a: {  	_ =	shalt  }
0x7b: {  	_ =	shalt  }
0x7c: {  	_ =	shalt  }
0x7d: {  	_ =	shalt  }
0x7e: {  	_ =	shalt  }
0x7f: {  	_ =	shalt  }
0x80: {  	_ =	shalt  }
0x81: {  	_ =	shalt  }
0x82: {  	_ =	shalt  }
0x83: {  	_ =	shalt  }
0x84: {  	_ =	shalt  }
0x85: {  	_ =	shalt  }
0x86: {  	_ =	shalt  }
0x87: {  	_ =	shalt  }
.Lfunc_end0:
.L_simem_size_0:
called_computation_lowered:
.L_overlay_start_0:
0x88: {  	s2 =	sld [smem:$0x3FD9]  }
0x89: {  	s3 =	sld [smem:$0x3FFE];
	_ =	sdelay $0x1  }
0x8a: {  	s1 =	srdreg.scid  }
0x8b: {  	s0 =	sand.u32 $0x1, s1  }
0x8c: {  	s16 =	sshll.u32 s0, $0xA;
	s2 =	sadd.s32 s3, s2  }
0x8d: {  	s2 =	sadd.s32 s2, s16  }
0x8e: {  	[smem:$0x3FC2] =	sst s2  }
0x8f: {  	_ = 	snop  }
0x90: {  	(tm) =	ssettm $0x1  }
0x91: {  	s17 =	sld [smem:$0x3FFB];
	_ =	sdelay $0x3  }
0x92: {  	_ =	strace s17  }
0x93: {  	s2 =	sld [smem:$0x3FFC];
	_ =	sdelay $0x3  }
0x94: {  	_ =	strace s2  }
0x95: {  	s2 =	sld [smem:$0x3FFD];
	_ =	sdelay $0x3  }
0x96: {  	_ =	strace s2  }
0x97: {  	_ =	strace $0x8FFFFFFF  }
0x98: {  	s18 =	sld [smem:$0x3FDB];
	_ =	sdelay $0x1  }
0x99: {  	s19 =	simm.s32 $_scs_section_size  }
0x9a: {  	s4 =	simm.s32 $_size__tile_overlayer_lowered;
	s5 =	simm.s32 $_tile_overlayer_lowered  }
0x9b: {  	s22 =	simm.s32 $0x1BFF;
	s21 =	sshll.u32 s5, $0x1;
	s2 =	sadd.s32 s19, s18  }
0x9c: {  	s6 =	simm.s32 $0x0;
	s20 =	sshll.u32 s4, $0x1;
	s4 =	sadd.s32 s21, s2  }
0x9d: {  	[timem:s6], [sflag:s22] =	dma.local [hbm:s4], s20  }
0x9e: {  	_ =	swait.ge [sflag:s22], s20  }
0x9f: {  	s3 =	ssub.s32 $0x0, s20;
	[sflag:s22] =	ssyncset.done $0x0  }
0xa0: {  	[sflag:s22] =	ssyncadd.s32 s3;
	_ =	sdelay $0x1  }
0xa1: {  	s23 =	simm.s32 $0x1B8B  }
0xa2: {  	_ =	swait.ge [sflag:s23], $0x1  }
0xa3: {  	[sflag:s23] =	ssyncset.done $0x0  }
0xa4: {  	s25 =	simm.s32 $0x1B8E;
	s24 =	sld [smem:$0x3FFE];
	[sflag:s23] =	ssyncadd.s32 $0xFFFFFFFF  }
0xa5: {  	s26 =	simm.s32 $execute0_lowered;
	[smem:$0x3FD2] =	sst s25  }
0xa6: {  	s4 =	sshll.u32 s26, $0x1;
	_ =	strace $0x80000046;
	[dreg:$0x1] =	wrdreg $0xFFFFFFFF  }
0xa7: {  	s28 =	simm.s32 $_size_execute0_lowered;
	s2 =	sadd.s32 s2, s4;
	[dreg:$0x0] =	wrdreg $0x0  }
0xa8: {  	s4 =	sshll.u32 s28, $0x1;
	[dreg:$0x2] =	wrdreg s2  }
0xa9: {  	[dreg:$0x3] =	wrdreg s4  }
0xaa: {  	[dreg:$0x4] =	wrdreg $0xC0  }
0xab: {  	_ =	task [dreg:s6], $0x5FFFF  }
0xac: {  	[dreg:$0x1] =	wrdreg $0xFFFFFFFF  }
0xad: {  	[dreg:$0x0] =	wrdreg $0x60  }
0xae: {  	[dreg:$0x2] =	wrdreg s24  }
0xaf: {  	[dreg:$0x3] =	wrdreg $0x6C000  }
0xb0: {  	[dreg:$0x4] =	wrdreg $0x9  }
0xb1: {  	_ =	task.clear_ibuf [dreg:s6], $0x5FFFF;
	_ =	strace $0x90000046  }
0xb2: {  	s29 =	simm.s32 $0x9;
	_ =	strace $0x80000048  }
0xb3: {  	_ =	swait.ge [sflag:s29], $0x1  }
0xb4: {  	[sflag:s29] =	ssyncadd.s32 $0xFFFFFFFF  }
0xb5: {  	_ =	strace $0x90000048  }
0xb6: {  	_ =	sfence  }
0xb7: {  	s30 =	sld [smem:$0x0];
	_ =	sdelay $0x2  }
0xb8: {  	s31 =	sshll.u32 s1, $0xD;
	s1 =	sshrl.u32 s1, $0x2  }
0xb9: {  	s3 =	sand.u32 $0x4000, s31;
	s1 =	sadd.s32 s1, s30  }
0xba: {  	s0 =	sor.u32 s3, s0;
	s1 =	sshll.u32 s1, $0x11  }
0xbb: {  	s0 =	sor.u32 s1, s0  }
0xbc: {  	s0 =	sadd.s32 $0x8F2B, s0  }
0xbd: {  	[sflag:s0] =	ssyncadd.remote.s32 $0x1  }
0xbe: {  	_ =	sfence.sel $0xFFFF  }
0xbf: {  	[dreg:$0x0] =	wrdreg $0xFFFFFFFF;
	(pc) =	sbr.abs _section_cstart, $3  }
0xc0: {  	[dreg:$0x1] =	wrdreg $0xFFFFFFFF  }
0xc1: {  	_ =	task.clear_ibuf [dreg:s6], $0x2FFFF;
	_ =	strace $0x9FFFFFFF  }
0xc2: {  	(tm) =	ssettm $0x7FFFFFFF  }
0xc3: {  	_ =	shalt  }
tec
execute0_lowered:
.L_overlay_start_1:
0x0: {  	(tag) =	ssettag $0x1  }
0x1: {  	s5 =	rddreg [dreg:$0x0]  }
0x2: {  	s2 =	rddreg [dreg:$0x1]  }
0x3: {  	s0 =	rddreg [dreg:$0x2];
	s1 =	stileid.u32  }
0x4: {  	s3 =	simm.s32 $0x0;
	s4 =	srdreg.scid;
	s14 =	smul.u32 $0x2800, s1  }
0x5: {  	[smem:$0x7FF] =	sst s3;
	s7 =	sand.u32 $0x1, s4;
	s11 =	smul.u32 $0x50000, s1  }
0x6: {  	s8 =	sadd.s32 $0x2A00, s5;
	s4 =	sadd.s32 $0xCA00, s5;
	s28 =	smul.u32 $0x2400, s1  }
0x7: {  	s29 =	sshll.u32 s1, $0x6;
	s15 =	smul.u32 $0x580, s1;
	_ =	strace $0x80000047  }
0x8: {  	s6 =	smul.u32 $0x28000, s7;
	s10 =	ssub.s32 $0x2, s7;
	p0 =	seq.s32 s7, $0x1  }
0x9: {  	s9 =	sadd.s32 s14, s5;
	s25 =	sshrl.u32 s10, $0x1;
	s26 =	sshrl.u32 s11, $0x2  }
0xa: {  	s30 =	sshrl.u32 s28, $0x3;
	s7 =	sadd.s32 s8, s15;
	s11 =	simm.s32 $0x1  }
.Ltmp0:
0xb: {  	s15 =	simm.s32 $0x0;
	s12 =	sadd.s32 s6, s5;
	(pc) =	sbr.rel .LBB2_1-.Ltmp0, $4  }
0xc: {  	s10 =	ssub.s32 s10, s25;
	s13 =	sadd.s32 s26, s2;
	s8 =	sadd.s32 s8, s30  }
0xd: {  	s5 =	sadd.s32 $0xD200, s9;
	s6 =	sor.u32 $0x1C01, s29;
	s8 =	sadd.s32 $0x5800, s8  }
0xe: {  	s31 =	sadd.s32 $0x35200, s12;
	s9 =	smax.u32 s10, $0x1;
	s10 =	sshrl.u32 s13, $0x3  }
0xf: {  	s12 =	simm.s32 $0x2C00;
	s13 =	simm.s32 $0x80;
	s14 =	sadd.s32 s14, s31  }
.LBB2_7:
0x10: {  	[sflag:s11] =	ssyncadd.s32 $0xFFFFC000  }
.LBB2_8:
0x11: {  	s15 =	sadd.s32 $0x1, s15  }
0x12: {  	p1 =	sne.s32 s15, s9  }
.Ltmp1:
0x13: {  	[bflag:$0x0] =	sbarrier.arrive $0xFFFF;
	(pc) =	sbr.rel @!p1 .LBB2_9-.Ltmp1, $4  }
0x14: {  	[hbm:s14], [sflag:s6] =	dma.local [spmem:s10], $0x2800  }
0x15: {  	_ =	swait.ge [sflag:s11], $0x2800  }
0x16: {  	[sflag:s11] =	ssyncset.done $0x0  }
0x17: {  	[sflag:s11] =	ssyncadd.s32 $0xFFFFD800  }
.LBB2_1:
0x18: {  	[spmem:s10], [sflag:s6] =	dma.local [hbm:s5], $0x2800  }
0x19: {  	_ =	swait.ge [sflag:s11], $0x2800  }
0x1a: {  	[sflag:s11] =	ssyncset.done $0x0  }
.Ltmp2:
0x1b: {  	[sflag:s11] =	ssyncadd.s32 $0xFFFFD800;
	(pc) =	sbr.rel @!p0 .LBB2_2-.Ltmp2, $4  }
0x1c: {  	[tilespmem:s12], [sflag:$0x1] =	stream.linear.gather [hbm4b:s4+s3], $0x4000, $0x38;
	[tilespmem:$0x1AC00] =	vst v63  }
0x1d: {  	_ =	swait.ge [sflag:s11], $0x4000  }
0x1e: {  	[sflag:s11] =	ssyncset.done $0x0  }
0x1f: {  	s16 =	simm.s32 $0x0;
	[sflag:s11] =	ssyncadd.s32 $0xFFFFC000  }
0x20: {  	[tilespmem:s16], [sflag:$0x1] =	stream.linear.gather [hbm4b:s8+s16], $0x2400, $0x38;
	[tilespmem:$0x1AC00] =	vst v63  }
0x21: {  	_ =	swait.ge [sflag:s11], $0x2400  }
0x22: {  	[sflag:s11] =	ssyncset.done $0x0  }
0x23: {  	[sflag:s11] =	ssyncadd.s32 $0xFFFFDC00  }
0x24: {  	s31 =	simm.s32 $0x0;
	[bflag:$0x0] =	sbarrier.arrive $0xFFFF  }
0x25: {  	[spmem:s2] =	stream.indirect.scatter.add.f32 [tilespmem:s12], [sflag:$0x1], $0x80, s31, s13, $0xb8;
	[tilespmem:$0x1AC00] =	vst v63  }
0x26: {  	_ =	swait.ge [sflag:s11], $0x4000  }
0x27: {  	s16 =	simm.s32 $0x200;
	[sflag:s11] =	ssyncset.done $0x0  }
.LBB2_6:
0x28: {  	s17 =	sshra.s32 s16, $0x2;
	[sflag:s11] =	ssyncadd.s32 $0xFFFFC000;
	p1 =	sne.s32 s16, $0x8E00  }
0x29: {  	[spmem:s2] =	stream.indirect.scatter.add.f32 [tilespmem:s12], [sflag:$0x1], $0x80, s17, s13, $0xb8;
	[tilespmem:$0x1AC00] =	vst v63  }
.Ltmp3:
0x2a: {  	_ = 	snop;
	(pc) =	sbr.rel @p1 .LBB2_6-.Ltmp3, $4  }
0x2b: {  	_ = 	snop  }
0x2c: {  	s16 =	sadd.s32 $0x200, s16  }
0x2d: {  	_ =	swait.ge [sflag:s11], $0x4000  }
0x2e: {  	[sflag:s11] =	ssyncset.done $0x0  }
.Ltmp4:
0x2f: {  	_ = 	snop;
	(pc) =	sbr.rel .LBB2_7-.Ltmp4, $1  }
0x30: {  	_ =	sdelay $0x3  }
.LBB2_2:
0x31: {  	[tilespmem:s16], [sflag:$0x1] =	stream.linear.gather [hbm4b:s7+s16], $0x2C00, $0x38;
	[tilespmem:$0x1AC00] =	vst v63  }
0x32: {  	_ =	swait.ge [sflag:s11], $0x2C00  }
0x33: {  	[sflag:s11] =	ssyncset.done $0x0  }
0x34: {  	[sflag:s11] =	ssyncadd.s32 $0xFFFFD400  }
0x35: {  	s31 =	simm.s32 $0x0;
	[bflag:$0x0] =	sbarrier.arrive $0xFFFF  }
0x36: {  	[spmem:s2] =	stream.indirect.scatter.add.f32 [tilespmem:s12], [sflag:$0x1], $0x80, s31, s13, $0xb8;
	[tilespmem:$0x1AC00] =	vst v63  }
0x37: {  	_ =	swait.ge [sflag:s11], $0x4000  }
0x38: {  	s16 =	simm.s32 $0x200;
	[sflag:s11] =	ssyncset.done $0x0  }
.LBB2_3:
0x39: {  	s17 =	sshra.s32 s16, $0x2;
	[sflag:s11] =	ssyncadd.s32 $0xFFFFC000;
	p1 =	seq.s32 s16, $0xAE00  }
0x3a: {  	[spmem:s2] =	stream.indirect.scatter.add.f32 [tilespmem:s12], [sflag:$0x1], $0x80, s17, s13, $0xb8;
	[tilespmem:$0x1AC00] =	vst v63  }
.Ltmp5:
0x3b: {  	_ = 	snop;
	(pc) =	sbr.rel @!p1 .LBB2_3-.Ltmp5, $4  }
0x3c: {  	_ = 	snop  }
0x3d: {  	s16 =	sadd.s32 $0x200, s16  }
0x3e: {  	_ =	swait.ge [sflag:s11], $0x4000  }
0x3f: {  	[sflag:s11] =	ssyncset.done $0x0  }
.Ltmp6:
0x40: {  	(pc) =	sbr.rel .LBB2_8-.Ltmp6, $2  }
0x41: {  	_ =	sdelay $0x2  }
0x42: {  	[sflag:s11] =	ssyncadd.s32 $0xFFFFC000  }
.LBB2_9:
0x43: {  	_ =	sfence.sel $0x180000  }
0x44: {  	[bflag:$0x0] =	sbarrier.arrive $0xFFFF  }
0x45: {  	p0 =	sne.s32 s1, $0x0;
	_ =	strace $0x90000047  }
0x46: {  	s0 =	sadd.s32 @!p0 $0x100000, s0;
	[bflag:$0x2] =	sbarrier.arrive $0xFFFF  }
0x47: {  	[sflag:s0] =	ssyncadd.tile.s32 @!p0 $0x1;
	_ =	shalt  }
.Lfunc_end2:
_tile_overlayer_lowered:
.L_overlay_start_2:
0x48: {  	(tag) =	ssettag $0x2  }
0x49: {  	s0 =	rddreg [dreg:$0x0];
	s2 =	stileid.u32  }
0x4a: {  	s1 =	rddreg [dreg:$0x1];
	p0 =	sne.s32 s2, $0x0  }
0x4b: {  	s3 =	rddreg [dreg:$0x2];
	[bflag:$0x3] =	sbarrier.arrive $0xFFFF;
	s2 =	simm.s32 @!p0 $0x1C01  }
0x4c: {  	[timem:s3], [sflag:s2] =	dma.local @!p0 [hbm:s0], s1  }
0x4d: {  	s0 =	simm.s32 @!p0 $0x1  }
0x4e: {  	_ =	swait.ge @!p0 [sflag:s0], s1  }
0x4f: {  	s1 =	ssub.s32 @!p0 $0x0, s1;
	[sflag:s0] =	ssyncset.done @!p0 $0x0  }
0x50: {  	[sflag:s0] =	ssyncadd.s32 @!p0 s1  }
0x51: {  	[bflag:$0x3] =	sbarrier.arrive $0xFFFF  }
0x52: {  	_ =	shalt  }

</sc_bundles>
